<compile_context>
chip_gen: v7x
topology: tpu7x:2x2x1
jax: 0.10.2.dev20260603
libtpu: 0.0.44.dev20260713+nightly
codegen_flags: <defaults>
</compile_context>

<pallas_src>
import functools

import jax
import jax.numpy as jnp
from jax import lax
from jax.experimental import pallas as pl
from jax.experimental.pallas import tpu as pltpu
from jax.experimental.pallas import tpu_sc as plsc

_CHUNK = 128
_NBUF = 8
_NC = 2
_NS = 16
_NW = _NC * _NS



@functools.lru_cache(maxsize=None)
def _deg_kernel(iters, npad, npt):
    mesh = plsc.VectorSubcoreMesh(core_axis_name="c", subcore_axis_name="s")

    @functools.partial(
        pl.kernel,
        out_type=jax.ShapeDtypeStruct((_NC * npad,), jnp.float32),
        mesh=mesh,
        compiler_params=pltpu.CompilerParams(use_tc_tiling_on_sc=False),
        scratch_types=[
            pltpu.VMEM((iters, _CHUNK), jnp.int32),
            pltpu.VMEM((_CHUNK,), jnp.float32),
            pltpu.VMEM_SHARED((npad,), jnp.float32),
        ],
    )
    def deg_kernel(dst_hbm, zeros_hbm, out_hbm, dst_i2, ones_v, acc_sh):
        c = lax.axis_index("c")
        s = lax.axis_index("s")
        wid = c * _NS + s
        for j in range(_CHUNK // 16):
            ones_v[pl.ds(j * 16, 16)] = jnp.ones((16,), jnp.float32)
        pltpu.sync_copy(zeros_hbm, acc_sh.at[pl.ds(s * npt, npt)])
        pltpu.sync_copy(dst_hbm.at[pl.ds(wid * iters, iters)], dst_i2)
        plsc.subcore_barrier()

        def body(i, carry):
            pltpu.sync_copy(ones_v, acc_sh.at[dst_i2.at[i]], add=True)
            return carry

        lax.fori_loop(0, iters, body, 0)
        plsc.subcore_barrier()
        pltpu.sync_copy(acc_sh.at[pl.ds(s * npt, npt)],
                        out_hbm.at[pl.ds(c * npad + s * npt, npt)])

    return deg_kernel


@functools.lru_cache(maxsize=None)
def _agg_kernel(npad, iters, d):
    npt = npad // _NS
    dh = d // _NC
    mesh = plsc.VectorSubcoreMesh(core_axis_name="c", subcore_axis_name="s")

    @functools.partial(
        pl.kernel,
        out_type=jax.ShapeDtypeStruct((_NC, npad, dh), jnp.float32),
        mesh=mesh,
        compiler_params=pltpu.CompilerParams(use_tc_tiling_on_sc=False),
        scratch_types=[
            pltpu.VMEM((iters, _CHUNK), jnp.int32),
            pltpu.VMEM((iters, _CHUNK), jnp.int32),
            [pltpu.VMEM((_CHUNK, dh), jnp.float32)] * _NBUF,
            [pltpu.SemaphoreType.DMA] * _NBUF,
            [pltpu.SemaphoreType.DMA] * _NBUF,
            pltpu.VMEM_SHARED((npad, dh), jnp.float32),
            pltpu.VMEM_SHARED((npad, dh), jnp.float32),
        ],
    )
    def agg_kernel(y_hbm, src_hbm, dst_hbm, zeros_hbm, out_hbm,
                   src_i2, dst_i2, rows, gsem, ssem, acc_sh, ybuf_sh):
        c = lax.axis_index("c")
        s = lax.axis_index("s")
        pltpu.sync_copy(y_hbm.at[pl.ds(s * npt, npt), pl.ds(c * dh, dh)],
                        ybuf_sh.at[pl.ds(s * npt, npt)])
        pltpu.sync_copy(zeros_hbm, acc_sh.at[pl.ds(s * npt, npt)])
        pltpu.sync_copy(src_hbm.at[pl.ds(s * iters, iters)], src_i2)
        pltpu.sync_copy(dst_hbm.at[pl.ds(s * iters, iters)], dst_i2)
        plsc.subcore_barrier()

        def gwait(b):
            pltpu.make_async_copy(
                ybuf_sh.at[src_i2.at[0]], rows[b], gsem[b]).wait()

        def swait(b):
            pltpu.make_async_copy(
                rows[b], acc_sh.at[dst_i2.at[0]], ssem[b]).wait()

        def body(k, carry):
            base = k * _NBUF
            for b in range(_NBUF):
                @pl.when(k > 0)
                def _():
                    swait(b)
                pltpu.async_copy(
                    ybuf_sh.at[src_i2.at[base + b]], rows[b], gsem[b])
            for b in range(_NBUF):
                gwait(b)
                pltpu.async_copy(
                    rows[b], acc_sh.at[dst_i2.at[base + b]], ssem[b],
                    add=True)
            return carry

        lax.fori_loop(0, iters // _NBUF, body, 0)
        for b in range(_NBUF):
            swait(b)

        plsc.subcore_barrier()
        pltpu.sync_copy(acc_sh.at[pl.ds(s * npt, npt)],
                        out_hbm.at[c, pl.ds(s * npt, npt)])

    return agg_kernel


_NPAD = 10240



def _full(shape):
    return pl.BlockSpec(shape, lambda i: (0,) * len(shape))


def _pre_call(xn, xsp, w1, b1, w2, b2, wa, wb, degt, n, bs):
    nn = xn.shape[1]
    k = xsp.shape[1]
    hid = w1.shape[1]

    def body(xn_ref, xsp_ref, w1_ref, b1_ref, w2_ref, b2_ref, wa_ref, wb_ref,
             deg_ref, y_ref, dis_ref):
        xs = xsp_ref[...]

        def mlp(v):
            a = jnp.maximum(
                jnp.dot(v, w1_ref[...], preferred_element_type=jnp.float32)
                + b1_ref[...], 0.0)
            return jnp.maximum(
                jnp.dot(a, w2_ref[...], preferred_element_type=jnp.float32)
                + b2_ref[...], 0.0)

        spec = mlp(xs) + mlp(-xs)
        xw = (jnp.dot(xn_ref[...], wa_ref[...],
                      preferred_element_type=jnp.float32)
              + jnp.dot(spec, wb_ref[...],
                        preferred_element_type=jnp.float32))
        deg = deg_ref[:, 0:1] + deg_ref[:, 1:2] + 1.0
        dis = lax.rsqrt(deg)
        y_ref[...] = xw * dis
        dis_ref[...] = dis

    return pl.pallas_call(
        body,
        grid=(n // bs,),
        in_specs=[
            pl.BlockSpec((bs, nn), lambda i: (i, 0)),
            pl.BlockSpec((bs, k), lambda i: (i, 0)),
            _full((k, hid)),
            _full((1, hid)),
            _full((hid, hid)),
            _full((1, hid)),
            _full((nn, hid)),
            _full((hid, hid)),
            pl.BlockSpec((bs, 2), lambda i: (i, 0)),
        ],
        out_specs=[
            pl.BlockSpec((bs, hid), lambda i: (i, 0)),
            pl.BlockSpec((bs, 1), lambda i: (i, 0)),
        ],
        out_shape=[
            jax.ShapeDtypeStruct((_NPAD, hid), jnp.float32),
            jax.ShapeDtypeStruct((n, 1), jnp.float32),
        ],
    )(xn, xsp, w1, b1, w2, b2, wa, wb, degt)


def _mid_call(y, agg, dis, b, w, n, bs):
    hid = y.shape[1]

    def body(y_ref, agg_ref, dis_ref, b_ref, w_ref, out_ref):
        t = jnp.concatenate([agg_ref[0], agg_ref[1]], axis=-1) + y_ref[...]
        h = jnp.maximum(t * dis_ref[...] + b_ref[...], 0.0)
        out_ref[...] = jnp.dot(
            h, w_ref[...], preferred_element_type=jnp.float32) * dis_ref[...]

    return pl.pallas_call(
        body,
        grid=(n // bs,),
        in_specs=[
            pl.BlockSpec((bs, hid), lambda i: (i, 0)),
            pl.BlockSpec((_NC, bs, hid // _NC), lambda i: (0, i, 0)),
            pl.BlockSpec((bs, 1), lambda i: (i, 0)),
            _full((1, hid)),
            _full((hid, hid)),
        ],
        out_specs=pl.BlockSpec((bs, hid), lambda i: (i, 0)),
        out_shape=jax.ShapeDtypeStruct((_NPAD, hid), jnp.float32),
    )(y, agg, dis, b, w)


def _fin_call(y, agg, dis, b, wo, bo, n, bs):
    hid = y.shape[1]
    out = wo.shape[1]

    def body(y_ref, agg_ref, dis_ref, b_ref, wo_ref, bo_ref, h_ref, z_ref):
        t = jnp.concatenate([agg_ref[0], agg_ref[1]], axis=-1) + y_ref[...]
        h = jnp.maximum(t * dis_ref[...] + b_ref[...], 0.0)
        h_ref[...] = h
        z_ref[...] = jnp.dot(
            h, wo_ref[...], preferred_element_type=jnp.float32) + bo_ref[...]

    return pl.pallas_call(
        body,
        grid=(n // bs,),
        in_specs=[
            pl.BlockSpec((bs, hid), lambda i: (i, 0)),
            pl.BlockSpec((_NC, bs, hid // _NC), lambda i: (0, i, 0)),
            pl.BlockSpec((bs, 1), lambda i: (i, 0)),
            _full((1, hid)),
            _full((hid, out)),
            _full((1, out)),
        ],
        out_specs=[
            pl.BlockSpec((bs, hid), lambda i: (i, 0)),
            pl.BlockSpec((bs, out), lambda i: (i, 0)),
        ],
        out_shape=[
            jax.ShapeDtypeStruct((n, hid), jnp.float32),
            jax.ShapeDtypeStruct((n, out), jnp.float32),
        ],
    )(y, agg, dis, b, wo, bo)



def kernel(x, edge_index, sn_W1, sn_b1, sn_W2, sn_b2,
           W1, b1, W2, b2, W3, b3, W4, b4, Wo, bo):
    n, nin = x.shape
    e = edge_index.shape[1]
    k = sn_W1.shape[0]
    hid = W1.shape[1]
    nn = nin - k
    bs = 1000

    grain = 2 * _NW * _CHUNK
    epad = -(-e // grain) * grain
    iters = epad // (_NW * _CHUNK)
    src = jnp.concatenate(
        [edge_index[0], jnp.zeros((epad - e,), jnp.int32)]
    ).reshape(_NW * iters, _CHUNK)
    dst = jnp.concatenate(
        [edge_index[1], jnp.full((epad - e,), n, jnp.int32)]
    ).reshape(_NW * iters, _CHUNK)

    npt = _NPAD // _NS
    degf = _deg_kernel(iters, _NPAD, npt)(dst, jnp.zeros((npt,), jnp.float32))
    degt = degf.reshape(_NC, _NPAD)[:, :n].T

    agg = _agg_kernel(_NPAD, iters * _NC, hid)
    zrow = jnp.zeros((npt, hid // _NC), jnp.float32)

    y, dis = _pre_call(x[:, :nn], x[:, nn:], sn_W1, sn_b1.reshape(1, -1),
                       sn_W2, sn_b2.reshape(1, -1), W1[:nn], W1[nn:],
                       degt, n, bs)
    for bb, wn in ((b1, W2), (b2, W3), (b3, W4)):
        a = agg(y, src, dst, zrow)
        y = _mid_call(y, a, dis, bb.reshape(1, -1), wn, n, bs)
    a = agg(y, src, dst, zrow)
    h, z = _fin_call(y, a, dis, b4.reshape(1, -1), Wo, bo.reshape(1, -1),
                     n, bs)
    return (h, z)

# --- scband reference (transcript-rebuilt; emitter-appended) ---
"""Pipeline reference for scband-gcn-86818468921562 (READ-ONLY COPY).

The authoritative reference and input builder live on the scoring server;
editing this copy changes nothing except your own understanding.
"""

import jax, jax.numpy as jnp
import numpy as np

N = 10000
E = 320000
IN = 128
K = 16
HID = 64
OUT = 32
IN_NEW = IN - K + HID

def _lin_params(key, fin, fout):
    kw, kb = jax.random.split(key)
    W = jax.random.normal(kw, (fin, fout), dtype=jnp.float32) * (1.0 / np.sqrt(fin))
    b = jax.random.normal(kb, (fout,), dtype=jnp.float32) * 0.01
    return W, b

def setup_inputs(seed: int = 0):
    key = jax.random.key(seed)
    ks = jax.random.split(key, 10)
    x = jax.random.normal(ks[0], (N, IN), dtype=jnp.float32)
    edge_index = jax.random.randint(ks[1], (2, E), 0, N, dtype=jnp.int32)
    sn_W1, sn_b1 = _lin_params(ks[2], K, HID)
    sn_W2, sn_b2 = _lin_params(ks[3], HID, HID)
    W1, b1 = _lin_params(ks[4], IN_NEW, HID)
    W2, b2 = _lin_params(ks[5], HID, HID)
    W3, b3 = _lin_params(ks[6], HID, HID)
    W4, b4 = _lin_params(ks[7], HID, HID)
    Wo, bo = _lin_params(ks[8], HID, OUT)
    return {"x": x, "edge_index": edge_index, "sn_W1": sn_W1, "sn_b1": sn_b1, "sn_W2": sn_W2, "sn_b2": sn_b2, "W1": W1, "b1": b1, "W2": W2, "b2": b2, "W3": W3, "b3": b3, "W4": W4, "b4": b4, "Wo": Wo, "bo": bo}

def _gcn_conv(x, edge_index, W, b):
    # PyG GCNConv: add self loops, symmetric normalization D^-1/2 (A+I) D^-1/2, then linear
    n = x.shape[0]
    loop = jnp.arange(n, dtype=edge_index.dtype)
    src = jnp.concatenate([edge_index[0], loop])
    dst = jnp.concatenate([edge_index[1], loop])
    deg = jnp.zeros((n,), jnp.float32).at[dst].add(1.0)
    dis = jnp.where(deg > 0, 1.0 / jnp.sqrt(deg), 0.0)
    norm = dis[src] * dis[dst]
    xw = x @ W
    msg = xw[src] * norm[:, None]
    out = jnp.zeros((n, W.shape[1]), jnp.float32).at[dst].add(msg)
    return out + b

def reference(x, edge_index, sn_W1, sn_b1, sn_W2, sn_b2, W1, b1, W2, b2, W3, b3, W4, b4, Wo, bo):
    x_spec = x[:, -K:]
    x_node = x[:, :IN - K]
    def mlp(v):
        return jax.nn.relu(jax.nn.relu(v @ sn_W1 + sn_b1) @ sn_W2 + sn_b2)
    x_spec = mlp(x_spec) + mlp(-x_spec)  # SignNet: f(x) + f(-x)
    xc = jnp.concatenate([x_node, x_spec], axis=-1)
    h = jax.nn.relu(_gcn_conv(xc, edge_index, W1, b1))
    h = jax.nn.relu(_gcn_conv(h, edge_index, W2, b2))
    h = jax.nn.relu(_gcn_conv(h, edge_index, W3, b3))
    h = jax.nn.relu(_gcn_conv(h, edge_index, W4, b4))
    z = h @ Wo + bo
    return (h, z)

if __name__ == "__main__":
    import jax
    _d = setup_inputs()
    print(jax.jit(kernel)(*tuple(_d.values())))

</pallas_src>

<mosaic_0001>
#map = affine_map<(d0, d1) -> (0, 0)>
#map1 = affine_map<(d0, d1) -> (0)>
module attributes {stable_mosaic.version = 14 : i64} {
  func.func @deg_kernel(%arg0: i32, %arg1: i32, %arg2: memref<2560x128xi32, #tpu.memory_space<hbm>>, %arg3: memref<640xf32, #tpu.memory_space<hbm>>, %arg4: memref<20480xf32, #tpu.memory_space<hbm>>, %arg5: memref<80x128xi32, #tpu.memory_space<vmem>>, %arg6: memref<128xf32, #tpu.memory_space<vmem>>, %arg7: memref<10240xf32, #tpu.memory_space<vmem_shared>>) attributes {dimension_semantics = [#tpu.dimension_semantics<core_parallel>, #tpu.dimension_semantics<subcore_parallel>], iteration_bounds = array<i64: 2, 16>, scalar_prefetch = 0 : i64, scratch_operands = 3 : i64, tpu.core_type = #tpu.core_type<sc_vector_subcore>, window_params = [{transform_indices = #map}, {transform_indices = #map1}, {transform_indices = #map1}]} {
    %mul3A = arith.constant 16 : i32
    %mul3A_0 = arith.muli %arg0, %mul3A : i32
    %add3A = arith.addi %mul3A_0, %arg1 : i32
    %broadcast_in_dim3A = arith.constant 1.000000e+00 : f32
    %broadcast_in_dim3A_1 = vector.broadcast %broadcast_in_dim3A : f32 to vector<16xf32>
    %swap3A = arith.constant 0 : index
    %swap3A_2 = tpu.vector_load %arg6[%swap3A] {strides = array<i32>} : memref<128xf32, #tpu.memory_space<vmem>>, vector<16xf32>,
    %swap3A_3 = vector.shape_cast %swap3A_2 : vector<16xf32> to vector<16xf32>
    %swap3A_4 = vector.shape_cast %broadcast_in_dim3A_1 : vector<16xf32> to vector<16xf32>
    tpu.vector_store %arg6[%swap3A], %swap3A_4 {strides = array<i32>} : memref<128xf32, #tpu.memory_space<vmem>>, vector<16xf32>,
    %broadcast_in_dim3A_5 = arith.constant 1.000000e+00 : f32
    %broadcast_in_dim3A_6 = vector.broadcast %broadcast_in_dim3A_5 : f32 to vector<16xf32>
    %swap3A_7 = arith.constant 16 : index
    %swap3A_8 = tpu.vector_load %arg6[%swap3A_7] {strides = array<i32>} : memref<128xf32, #tpu.memory_space<vmem>>, vector<16xf32>,
    %swap3A_9 = vector.shape_cast %swap3A_8 : vector<16xf32> to vector<16xf32>
    %swap3A_10 = vector.shape_cast %broadcast_in_dim3A_6 : vector<16xf32> to vector<16xf32>
    tpu.vector_store %arg6[%swap3A_7], %swap3A_10 {strides = array<i32>} : memref<128xf32, #tpu.memory_space<vmem>>, vector<16xf32>,
    %broadcast_in_dim3A_11 = arith.constant 1.000000e+00 : f32
    %broadcast_in_dim3A_12 = vector.broadcast %broadcast_in_dim3A_11 : f32 to vector<16xf32>
    %swap3A_13 = arith.constant 32 : index
    %swap3A_14 = tpu.vector_load %arg6[%swap3A_13] {strides = array<i32>} : memref<128xf32, #tpu.memory_space<vmem>>, vector<16xf32>,
    %swap3A_15 = vector.shape_cast %swap3A_14 : vector<16xf32> to vector<16xf32>
    %swap3A_16 = vector.shape_cast %broadcast_in_dim3A_12 : vector<16xf32> to vector<16xf32>
    tpu.vector_store %arg6[%swap3A_13], %swap3A_16 {strides = array<i32>} : memref<128xf32, #tpu.memory_space<vmem>>, vector<16xf32>,
    %broadcast_in_dim3A_17 = arith.constant 1.000000e+00 : f32
    %broadcast_in_dim3A_18 = vector.broadcast %broadcast_in_dim3A_17 : f32 to vector<16xf32>
    %swap3A_19 = arith.constant 48 : index
    %swap3A_20 = tpu.vector_load %arg6[%swap3A_19] {strides = array<i32>} : memref<128xf32, #tpu.memory_space<vmem>>, vector<16xf32>,
    %swap3A_21 = vector.shape_cast %swap3A_20 : vector<16xf32> to vector<16xf32>
    %swap3A_22 = vector.shape_cast %broadcast_in_dim3A_18 : vector<16xf32> to vector<16xf32>
    tpu.vector_store %arg6[%swap3A_19], %swap3A_22 {strides = array<i32>} : memref<128xf32, #tpu.memory_space<vmem>>, vector<16xf32>,
    %broadcast_in_dim3A_23 = arith.constant 1.000000e+00 : f32
    %broadcast_in_dim3A_24 = vector.broadcast %broadcast_in_dim3A_23 : f32 to vector<16xf32>
    %swap3A_25 = arith.constant 64 : index
    %swap3A_26 = tpu.vector_load %arg6[%swap3A_25] {strides = array<i32>} : memref<128xf32, #tpu.memory_space<vmem>>, vector<16xf32>,
    %swap3A_27 = vector.shape_cast %swap3A_26 : vector<16xf32> to vector<16xf32>
    %swap3A_28 = vector.shape_cast %broadcast_in_dim3A_24 : vector<16xf32> to vector<16xf32>
    tpu.vector_store %arg6[%swap3A_25], %swap3A_28 {strides = array<i32>} : memref<128xf32, #tpu.memory_space<vmem>>, vector<16xf32>,
    %broadcast_in_dim3A_29 = arith.constant 1.000000e+00 : f32
    %broadcast_in_dim3A_30 = vector.broadcast %broadcast_in_dim3A_29 : f32 to vector<16xf32>
    %swap3A_31 = arith.constant 80 : index
    %swap3A_32 = tpu.vector_load %arg6[%swap3A_31] {strides = array<i32>} : memref<128xf32, #tpu.memory_space<vmem>>, vector<16xf32>,
    %swap3A_33 = vector.shape_cast %swap3A_32 : vector<16xf32> to vector<16xf32>
    %swap3A_34 = vector.shape_cast %broadcast_in_dim3A_30 : vector<16xf32> to vector<16xf32>
    tpu.vector_store %arg6[%swap3A_31], %swap3A_34 {strides = array<i32>} : memref<128xf32, #tpu.memory_space<vmem>>, vector<16xf32>,
    %broadcast_in_dim3A_35 = arith.constant 1.000000e+00 : f32
    %broadcast_in_dim3A_36 = vector.broadcast %broadcast_in_dim3A_35 : f32 to vector<16xf32>
    %swap3A_37 = arith.constant 96 : index
    %swap3A_38 = tpu.vector_load %arg6[%swap3A_37] {strides = array<i32>} : memref<128xf32, #tpu.memory_space<vmem>>, vector<16xf32>,
    %swap3A_39 = vector.shape_cast %swap3A_38 : vector<16xf32> to vector<16xf32>
    %swap3A_40 = vector.shape_cast %broadcast_in_dim3A_36 : vector<16xf32> to vector<16xf32>
    tpu.vector_store %arg6[%swap3A_37], %swap3A_40 {strides = array<i32>} : memref<128xf32, #tpu.memory_space<vmem>>, vector<16xf32>,
    %broadcast_in_dim3A_41 = arith.constant 1.000000e+00 : f32
    %broadcast_in_dim3A_42 = vector.broadcast %broadcast_in_dim3A_41 : f32 to vector<16xf32>
    %swap3A_43 = arith.constant 112 : index
    %swap3A_44 = tpu.vector_load %arg6[%swap3A_43] {strides = array<i32>} : memref<128xf32, #tpu.memory_space<vmem>>, vector<16xf32>,
    %swap3A_45 = vector.shape_cast %swap3A_44 : vector<16xf32> to vector<16xf32>
    %swap3A_46 = vector.shape_cast %broadcast_in_dim3A_42 : vector<16xf32> to vector<16xf32>
    tpu.vector_store %arg6[%swap3A_43], %swap3A_46 {strides = array<i32>} : memref<128xf32, #tpu.memory_space<vmem>>, vector<16xf32>,
    %mul3A_47 = arith.constant 640 : i32
    %mul3A_48 = arith.muli %arg1, %mul3A_47 : i32
    "tpu.region"() ({
      %run_scoped3A = tpu.sem_alloc : memref<!tpu.dma_semaphore, #tpu.memory_space<semaphore_mem>>
      %dma_start3A = tpu.memref_slice %arg7[%mul3A_48] : memref<10240xf32, #tpu.memory_space<vmem_shared>> -> memref<640xf32, #tpu.memory_space<vmem_shared>>
      tpu.enqueue_dma source(%arg3 : memref<640xf32, #tpu.memory_space<hbm>>) target(%dma_start3A : memref<640xf32, #tpu.memory_space<vmem_shared>>) target_semaphore(%run_scoped3A : memref<!tpu.dma_semaphore, #tpu.memory_space<semaphore_mem>>)
      %dma_wait3A = tpu.memref_slice %arg7[%mul3A_48] : memref<10240xf32, #tpu.memory_space<vmem_shared>> -> memref<640xf32, #tpu.memory_space<vmem_shared>>
      tpu.wait_dma2 semaphore(%run_scoped3A : memref<!tpu.dma_semaphore, #tpu.memory_space<semaphore_mem>>) src(%arg3 : memref<640xf32, #tpu.memory_space<hbm>>) dst(%dma_wait3A : memref<640xf32, #tpu.memory_space<vmem_shared>>)
      tpu.yield
    }) : () -> ()
    %mul3A_49 = arith.constant 80 : i32
    %mul3A_50 = arith.muli %add3A, %mul3A_49 : i32
    "tpu.region"() ({
      %run_scoped3A = tpu.sem_alloc : memref<!tpu.dma_semaphore, #tpu.memory_space<semaphore_mem>>
      %dma_start3A = arith.constant 0 : i32
      %dma_start3A_64 = tpu.memref_slice %arg2[%mul3A_50, %dma_start3A] : memref<2560x128xi32, #tpu.memory_space<hbm>> -> memref<80x128xi32, #tpu.memory_space<hbm>>
      %dma_start3A_65 = arith.constant 0 : i32
      %dma_start3A_66 = tpu.memref_slice %arg2[%mul3A_50, %dma_start3A_65] : memref<2560x128xi32, #tpu.memory_space<hbm>> -> memref<80x128xi32, #tpu.memory_space<hbm>>
      tpu.enqueue_dma source(%dma_start3A_66 : memref<80x128xi32, #tpu.memory_space<hbm>>) target(%arg5 : memref<80x128xi32, #tpu.memory_space<vmem>>) target_semaphore(%run_scoped3A : memref<!tpu.dma_semaphore, #tpu.memory_space<semaphore_mem>>)
      %dma_wait3A = arith.constant 0 : i32
      %dma_wait3A_67 = tpu.memref_slice %arg2[%mul3A_50, %dma_wait3A] : memref<2560x128xi32, #tpu.memory_space<hbm>> -> memref<80x128xi32, #tpu.memory_space<hbm>>
      %dma_wait3A_68 = arith.constant 0 : i32
      %dma_wait3A_69 = tpu.memref_slice %arg2[%mul3A_50, %dma_wait3A_68] : memref<2560x128xi32, #tpu.memory_space<hbm>> -> memref<80x128xi32, #tpu.memory_space<hbm>>
      tpu.wait_dma2 semaphore(%run_scoped3A : memref<!tpu.dma_semaphore, #tpu.memory_space<semaphore_mem>>) src(%dma_wait3A_69 : memref<80x128xi32, #tpu.memory_space<hbm>>) dst(%arg5 : memref<80x128xi32, #tpu.memory_space<vmem>>)
      tpu.yield
    }) : () -> ()
    %barrier3A = arith.constant 0 : index
    tpu.barrier barrier_id(%barrier3A)
    %scan3A = arith.constant 0 : i32
    %scan3A_51 = arith.constant 0 : i32
    %scan3A_52 = arith.constant 80 : i32
    %scan3A_53 = arith.addi %scan3A_51, %scan3A_52 : i32
    %scan3A_54 = arith.constant 1 : i32
    scf.for %scan3A_64 = %scan3A_51 to %scan3A_53 step %scan3A_54  : i32 {
      "tpu.region"() ({
        %run_scoped3A = tpu.sem_alloc : memref<!tpu.dma_semaphore, #tpu.memory_space<semaphore_mem>>
        %dma_start3A = arith.constant 0 : i32
        %dma_start3A_65 = tpu.memref_slice %arg5[%scan3A_64, %dma_start3A] : memref<80x128xi32, #tpu.memory_space<vmem>> -> memref<1x128xi32, #tpu.memory_space<vmem>>
        %dma_start3A_66 = tpu.memref_squeeze %dma_start3A_65 : memref<1x128xi32, #tpu.memory_space<vmem>> -> memref<128xi32, #tpu.memory_space<vmem>>
        %dma_start3A_67 = arith.constant 0 : i32
        %dma_start3A_68 = tpu.memref_slice %arg7[%dma_start3A_67] : memref<10240xf32, #tpu.memory_space<vmem_shared>> -> memref<10240xf32, #tpu.memory_space<vmem_shared>>
        tpu.enqueue_indirect_dma source(%arg6 : memref<128xf32, #tpu.memory_space<vmem>>) target(%dma_start3A_68 : memref<10240xf32, #tpu.memory_space<vmem_shared>>) offsets(%dma_start3A_66 : memref<128xi32, #tpu.memory_space<vmem>>) semaphore(%run_scoped3A : memref<!tpu.dma_semaphore, #tpu.memory_space<semaphore_mem>>) {add = true}
        %dma_wait3A = arith.constant 0 : i32
        %dma_wait3A_69 = tpu.memref_slice %arg5[%scan3A_64, %dma_wait3A] : memref<80x128xi32, #tpu.memory_space<vmem>> -> memref<1x128xi32, #tpu.memory_space<vmem>>
        %dma_wait3A_70 = tpu.memref_squeeze %dma_wait3A_69 : memref<1x128xi32, #tpu.memory_space<vmem>> -> memref<128xi32, #tpu.memory_space<vmem>>
        %dma_wait3A_71 = arith.constant 0 : i32
        %dma_wait3A_72 = tpu.memref_slice %arg7[%dma_wait3A_71] : memref<10240xf32, #tpu.memory_space<vmem_shared>> -> memref<10240xf32, #tpu.memory_space<vmem_shared>>
        tpu.wait_indirect_dma semaphore(%run_scoped3A : memref<!tpu.dma_semaphore, #tpu.memory_space<semaphore_mem>>) src(%arg6 : memref<128xf32, #tpu.memory_space<vmem>>) dst(%dma_wait3A_72 : memref<10240xf32, #tpu.memory_space<vmem_shared>>)
        tpu.yield
      }) : () -> ()
    }
    %scan3A_55 = arith.constant 80 : i32
    %barrier3A_56 = arith.constant 0 : index
    tpu.barrier barrier_id(%barrier3A_56)
    %mul3A_57 = arith.constant 640 : i32
    %mul3A_58 = arith.muli %arg1, %mul3A_57 : i32
    %mul3A_59 = arith.constant 10240 : i32
    %mul3A_60 = arith.muli %arg0, %mul3A_59 : i32
    %mul3A_61 = arith.constant 640 : i32
    %mul3A_62 = arith.muli %arg1, %mul3A_61 : i32
    %add3A_63 = arith.addi %mul3A_60, %mul3A_62 : i32
    "tpu.region"() ({
      %run_scoped3A = tpu.sem_alloc : memref<!tpu.dma_semaphore, #tpu.memory_space<semaphore_mem>>
      %dma_start3A = tpu.memref_slice %arg4[%add3A_63] : memref<20480xf32, #tpu.memory_space<hbm>> -> memref<640xf32, #tpu.memory_space<hbm>>
      %dma_start3A_64 = tpu.memref_slice %arg7[%mul3A_58] : memref<10240xf32, #tpu.memory_space<vmem_shared>> -> memref<640xf32, #tpu.memory_space<vmem_shared>>
      tpu.enqueue_dma source(%dma_start3A_64 : memref<640xf32, #tpu.memory_space<vmem_shared>>) target(%dma_start3A : memref<640xf32, #tpu.memory_space<hbm>>) target_semaphore(%run_scoped3A : memref<!tpu.dma_semaphore, #tpu.memory_space<semaphore_mem>>)
      %dma_wait3A = tpu.memref_slice %arg4[%add3A_63] : memref<20480xf32, #tpu.memory_space<hbm>> -> memref<640xf32, #tpu.memory_space<hbm>>
      %dma_wait3A_65 = tpu.memref_slice %arg7[%mul3A_58] : memref<10240xf32, #tpu.memory_space<vmem_shared>> -> memref<640xf32, #tpu.memory_space<vmem_shared>>
      tpu.wait_dma2 semaphore(%run_scoped3A : memref<!tpu.dma_semaphore, #tpu.memory_space<semaphore_mem>>) src(%dma_wait3A_65 : memref<640xf32, #tpu.memory_space<vmem_shared>>) dst(%dma_wait3A : memref<640xf32, #tpu.memory_space<hbm>>)
      tpu.yield
    }) : () -> ()
    return
  }
}

#map = affine_map<(d0, d1) -> (0, 0)>
#map1 = affine_map<(d0, d1) -> (0, 0, 0)>
module attributes {stable_mosaic.version = 14 : i64} {
  func.func @agg_kernel(%arg0: i32, %arg1: i32, %arg2: memref<10240x64xf32, #tpu.memory_space<hbm>>, %arg3: memref<2560x128xi32, #tpu.memory_space<hbm>>, %arg4: memref<2560x128xi32, #tpu.memory_space<hbm>>, %arg5: memref<640x32xf32, #tpu.memory_space<hbm>>, %arg6: memref<2x10240x32xf32, #tpu.memory_space<hbm>>, %arg7: memref<160x128xi32, #tpu.memory_space<vmem>>, %arg8: memref<160x128xi32, #tpu.memory_space<vmem>>, %arg9: memref<128x32xf32, #tpu.memory_space<vmem>>, %arg10: memref<128x32xf32, #tpu.memory_space<vmem>>, %arg11: memref<128x32xf32, #tpu.memory_space<vmem>>, %arg12: memref<128x32xf32, #tpu.memory_space<vmem>>, %arg13: memref<128x32xf32, #tpu.memory_space<vmem>>, %arg14: memref<128x32xf32, #tpu.memory_space<vmem>>, %arg15: memref<128x32xf32, #tpu.memory_space<vmem>>, %arg16: memref<128x32xf32, #tpu.memory_space<vmem>>, %arg17: memref<!tpu.dma_semaphore, #tpu.memory_space<semaphore_mem>>, %arg18: memref<!tpu.dma_semaphore, #tpu.memory_space<semaphore_mem>>, %arg19: memref<!tpu.dma_semaphore, #tpu.memory_space<semaphore_mem>>, %arg20: memref<!tpu.dma_semaphore, #tpu.memory_space<semaphore_mem>>, %arg21: memref<!tpu.dma_semaphore, #tpu.memory_space<semaphore_mem>>, %arg22: memref<!tpu.dma_semaphore, #tpu.memory_space<semaphore_mem>>, %arg23: memref<!tpu.dma_semaphore, #tpu.memory_space<semaphore_mem>>, %arg24: memref<!tpu.dma_semaphore, #tpu.memory_space<semaphore_mem>>, %arg25: memref<!tpu.dma_semaphore, #tpu.memory_space<semaphore_mem>>, %arg26: memref<!tpu.dma_semaphore, #tpu.memory_space<semaphore_mem>>, %arg27: memref<!tpu.dma_semaphore, #tpu.memory_space<semaphore_mem>>, %arg28: memref<!tpu.dma_semaphore, #tpu.memory_space<semaphore_mem>>, %arg29: memref<!tpu.dma_semaphore, #tpu.memory_space<semaphore_mem>>, %arg30: memref<!tpu.dma_semaphore, #tpu.memory_space<semaphore_mem>>, %arg31: memref<!tpu.dma_semaphore, #tpu.memory_space<semaphore_mem>>, %arg32: memref<!tpu.dma_semaphore, #tpu.memory_space<semaphore_mem>>, %arg33: memref<10240x32xf32, #tpu.memory_space<vmem_shared>>, %arg34: memref<10240x32xf32, #tpu.memory_space<vmem_shared>>) attributes {dimension_semantics = [#tpu.dimension_semantics<core_parallel>, #tpu.dimension_semantics<subcore_parallel>], iteration_bounds = array<i64: 2, 16>, scalar_prefetch = 0 : i64, scratch_operands = 28 : i64, tpu.core_type = #tpu.core_type<sc_vector_subcore>, window_params = [{transform_indices = #map}, {transform_indices = #map}, {transform_indices = #map}, {transform_indices = #map}, {transform_indices = #map1}]} {
    %mul3A = arith.constant 640 : i32
    %mul3A_0 = arith.muli %arg1, %mul3A : i32
    %mul3A_1 = arith.constant 32 : i32
    %mul3A_2 = arith.muli %arg0, %mul3A_1 : i32
    %mul3A_3 = arith.constant 640 : i32
    %mul3A_4 = arith.muli %arg1, %mul3A_3 : i32
    "tpu.region"() ({
      %run_scoped3A = tpu.sem_alloc : memref<!tpu.dma_semaphore, #tpu.memory_space<semaphore_mem>>
      %dma_start3A = arith.constant 0 : i32
      %dma_start3A_76 = tpu.memref_slice %arg34[%mul3A_4, %dma_start3A] : memref<10240x32xf32, #tpu.memory_space<vmem_shared>> -> memref<640x32xf32, #tpu.memory_space<vmem_shared>>
      %dma_start3A_77 = tpu.memref_slice %arg2[%mul3A_0, %mul3A_2] : memref<10240x64xf32, #tpu.memory_space<hbm>> -> memref<640x32xf32, #tpu.memory_space<hbm>>
      tpu.enqueue_dma source(%dma_start3A_77 : memref<640x32xf32, #tpu.memory_space<hbm>>) target(%dma_start3A_76 : memref<640x32xf32, #tpu.memory_space<vmem_shared>>) target_semaphore(%run_scoped3A : memref<!tpu.dma_semaphore, #tpu.memory_space<semaphore_mem>>)
      %dma_wait3A_78 = arith.constant 0 : i32
      %dma_wait3A_79 = tpu.memref_slice %arg34[%mul3A_4, %dma_wait3A_78] : memref<10240x32xf32, #tpu.memory_space<vmem_shared>> -> memref<640x32xf32, #tpu.memory_space<vmem_shared>>
      %dma_wait3A_80 = tpu.memref_slice %arg2[%mul3A_0, %mul3A_2] : memref<10240x64xf32, #tpu.memory_space<hbm>> -> memref<640x32xf32, #tpu.memory_space<hbm>>
      tpu.wait_dma2 semaphore(%run_scoped3A : memref<!tpu.dma_semaphore, #tpu.memory_space<semaphore_mem>>) src(%dma_wait3A_80 : memref<640x32xf32, #tpu.memory_space<hbm>>) dst(%dma_wait3A_79 : memref<640x32xf32, #tpu.memory_space<vmem_shared>>)
      tpu.yield
    }) : () -> ()
    %mul3A_5 = arith.constant 640 : i32
    %mul3A_6 = arith.muli %arg1, %mul3A_5 : i32
    "tpu.region"() ({
      %run_scoped3A = tpu.sem_alloc : memref<!tpu.dma_semaphore, #tpu.memory_space<semaphore_mem>>
      %dma_start3A = arith.constant 0 : i32
      %dma_start3A_76 = tpu.memref_slice %arg33[%mul3A_6, %dma_start3A] : memref<10240x32xf32, #tpu.memory_space<vmem_shared>> -> memref<640x32xf32, #tpu.memory_space<vmem_shared>>
      tpu.enqueue_dma source(%arg5 : memref<640x32xf32, #tpu.memory_space<hbm>>) target(%dma_start3A_76 : memref<640x32xf32, #tpu.memory_space<vmem_shared>>) target_semaphore(%run_scoped3A : memref<!tpu.dma_semaphore, #tpu.memory_space<semaphore_mem>>)
      %dma_wait3A_77 = arith.constant 0 : i32
      %dma_wait3A_78 = tpu.memref_slice %arg33[%mul3A_6, %dma_wait3A_77] : memref<10240x32xf32, #tpu.memory_space<vmem_shared>> -> memref<640x32xf32, #tpu.memory_space<vmem_shared>>
      tpu.wait_dma2 semaphore(%run_scoped3A : memref<!tpu.dma_semaphore, #tpu.memory_space<semaphore_mem>>) src(%arg5 : memref<640x32xf32, #tpu.memory_space<hbm>>) dst(%dma_wait3A_78 : memref<640x32xf32, #tpu.memory_space<vmem_shared>>)
      tpu.yield
    }) : () -> ()
    %mul3A_7 = arith.constant 160 : i32
    %mul3A_8 = arith.muli %arg1, %mul3A_7 : i32
    "tpu.region"() ({
      %run_scoped3A = tpu.sem_alloc : memref<!tpu.dma_semaphore, #tpu.memory_space<semaphore_mem>>
      %dma_start3A = arith.constant 0 : i32
      %dma_start3A_76 = tpu.memref_slice %arg3[%mul3A_8, %dma_start3A] : memref<2560x128xi32, #tpu.memory_space<hbm>> -> memref<160x128xi32, #tpu.memory_space<hbm>>
      %dma_start3A_77 = arith.constant 0 : i32
      %dma_start3A_78 = tpu.memref_slice %arg3[%mul3A_8, %dma_start3A_77] : memref<2560x128xi32, #tpu.memory_space<hbm>> -> memref<160x128xi32, #tpu.memory_space<hbm>>
      tpu.enqueue_dma source(%dma_start3A_78 : memref<160x128xi32, #tpu.memory_space<hbm>>) target(%arg7 : memref<160x128xi32, #tpu.memory_space<vmem>>) target_semaphore(%run_scoped3A : memref<!tpu.dma_semaphore, #tpu.memory_space<semaphore_mem>>)
      %dma_wait3A_79 = arith.constant 0 : i32
      %dma_wait3A_80 = tpu.memref_slice %arg3[%mul3A_8, %dma_wait3A_79] : memref<2560x128xi32, #tpu.memory_space<hbm>> -> memref<160x128xi32, #tpu.memory_space<hbm>>
      %dma_wait3A_81 = arith.constant 0 : i32
      %dma_wait3A_82 = tpu.memref_slice %arg3[%mul3A_8, %dma_wait3A_81] : memref<2560x128xi32, #tpu.memory_space<hbm>> -> memref<160x128xi32, #tpu.memory_space<hbm>>
      tpu.wait_dma2 semaphore(%run_scoped3A : memref<!tpu.dma_semaphore, #tpu.memory_space<semaphore_mem>>) src(%dma_wait3A_82 : memref<160x128xi32, #tpu.memory_space<hbm>>) dst(%arg7 : memref<160x128xi32, #tpu.memory_space<vmem>>)
      tpu.yield
    }) : () -> ()
    %mul3A_9 = arith.constant 160 : i32
    %mul3A_10 = arith.muli %arg1, %mul3A_9 : i32
    "tpu.region"() ({
      %run_scoped3A = tpu.sem_alloc : memref<!tpu.dma_semaphore, #tpu.memory_space<semaphore_mem>>
      %dma_start3A = arith.constant 0 : i32
      %dma_start3A_76 = tpu.memref_slice %arg4[%mul3A_10, %dma_start3A] : memref<2560x128xi32, #tpu.memory_space<hbm>> -> memref<160x128xi32, #tpu.memory_space<hbm>>
      %dma_start3A_77 = arith.constant 0 : i32
      %dma_start3A_78 = tpu.memref_slice %arg4[%mul3A_10, %dma_start3A_77] : memref<2560x128xi32, #tpu.memory_space<hbm>> -> memref<160x128xi32, #tpu.memory_space<hbm>>
      tpu.enqueue_dma source(%dma_start3A_78 : memref<160x128xi32, #tpu.memory_space<hbm>>) target(%arg8 : memref<160x128xi32, #tpu.memory_space<vmem>>) target_semaphore(%run_scoped3A : memref<!tpu.dma_semaphore, #tpu.memory_space<semaphore_mem>>)
      %dma_wait3A_79 = arith.constant 0 : i32
      %dma_wait3A_80 = tpu.memref_slice %arg4[%mul3A_10, %dma_wait3A_79] : memref<2560x128xi32, #tpu.memory_space<hbm>> -> memref<160x128xi32, #tpu.memory_space<hbm>>
      %dma_wait3A_81 = arith.constant 0 : i32
      %dma_wait3A_82 = tpu.memref_slice %arg4[%mul3A_10, %dma_wait3A_81] : memref<2560x128xi32, #tpu.memory_space<hbm>> -> memref<160x128xi32, #tpu.memory_space<hbm>>
      tpu.wait_dma2 semaphore(%run_scoped3A : memref<!tpu.dma_semaphore, #tpu.memory_space<semaphore_mem>>) src(%dma_wait3A_82 : memref<160x128xi32, #tpu.memory_space<hbm>>) dst(%arg8 : memref<160x128xi32, #tpu.memory_space<vmem>>)
      tpu.yield
    }) : () -> ()
    %barrier3A = arith.constant 0 : index
    tpu.barrier barrier_id(%barrier3A)
    %scan3A = arith.constant 0 : i32
    %scan3A_11 = arith.constant 0 : i32
    %scan3A_12 = arith.constant 20 : i32
    %scan3A_13 = arith.addi %scan3A_11, %scan3A_12 : i32
    %scan3A_14 = arith.constant 1 : i32
    scf.for %scan3A_76 = %scan3A_11 to %scan3A_13 step %scan3A_14  : i32 {
      %mul3A_77 = arith.constant 8 : i32
      %mul3A_78 = arith.muli %scan3A_76, %mul3A_77 : i32
      %gt3A = arith.constant 0 : i32
      %gt3A_79 = arith.cmpi sgt, %scan3A_76, %gt3A : i32
      %convert_element_type3A = arith.extui %gt3A_79 : i1 to i32
      %cond3A = arith.constant 0 : i32
      %cond3A_80 = arith.cmpi ne, %convert_element_type3A, %cond3A : i32
      scf.if %cond3A_80 {
        %dma_wait3A_298 = arith.constant 0 : i32
        %dma_wait3A_299 = arith.constant 0 : i32
        %dma_wait3A_300 = tpu.memref_slice %arg8[%dma_wait3A_298, %dma_wait3A_299] : memref<160x128xi32, #tpu.memory_space<vmem>> -> memref<1x128xi32, #tpu.memory_space<vmem>>
        %dma_wait3A_301 = tpu.memref_squeeze %dma_wait3A_300 : memref<1x128xi32, #tpu.memory_space<vmem>> -> memref<128xi32, #tpu.memory_space<vmem>>
        %dma_wait3A_302 = arith.constant 0 : i32
        %dma_wait3A_303 = arith.constant 0 : i32
        %dma_wait3A_304 = tpu.memref_slice %arg33[%dma_wait3A_302, %dma_wait3A_303] : memref<10240x32xf32, #tpu.memory_space<vmem_shared>> -> memref<10240x32xf32, #tpu.memory_space<vmem_shared>>
        tpu.wait_indirect_dma semaphore(%arg25 : memref<!tpu.dma_semaphore, #tpu.memory_space<semaphore_mem>>) src(%arg9 : memref<128x32xf32, #tpu.memory_space<vmem>>) dst(%dma_wait3A_304 : memref<10240x32xf32, #tpu.memory_space<vmem_shared>>)
      } else {
      }
      %add3A = arith.constant 0 : i32
      %add3A_81 = arith.addi %mul3A_78, %add3A : i32
      %dma_start3A = arith.constant 0 : i32
      %dma_start3A_82 = tpu.memref_slice %arg7[%add3A_81, %dma_start3A] : memref<160x128xi32, #tpu.memory_space<vmem>> -> memref<1x128xi32, #tpu.memory_space<vmem>>
      %dma_start3A_83 = tpu.memref_squeeze %dma_start3A_82 : memref<1x128xi32, #tpu.memory_space<vmem>> -> memref<128xi32, #tpu.memory_space<vmem>>
      %dma_start3A_84 = arith.constant 0 : i32
      %dma_start3A_85 = arith.constant 0 : i32
      %dma_start3A_86 = tpu.memref_slice %arg34[%dma_start3A_84, %dma_start3A_85] : memref<10240x32xf32, #tpu.memory_space<vmem_shared>> -> memref<10240x32xf32, #tpu.memory_space<vmem_shared>>
      tpu.enqueue_indirect_dma source(%dma_start3A_86 : memref<10240x32xf32, #tpu.memory_space<vmem_shared>>) target(%arg9 : memref<128x32xf32, #tpu.memory_space<vmem>>) offsets(%dma_start3A_83 : memref<128xi32, #tpu.memory_space<vmem>>) semaphore(%arg17 : memref<!tpu.dma_semaphore, #tpu.memory_space<semaphore_mem>>)
      %gt3A_87 = arith.constant 0 : i32
      %gt3A_88 = arith.cmpi sgt, %scan3A_76, %gt3A_87 : i32
      %convert_element_type3A_89 = arith.extui %gt3A_88 : i1 to i32
      %cond3A_90 = arith.constant 0 : i32
      %cond3A_91 = arith.cmpi ne, %convert_element_type3A_89, %cond3A_90 : i32
      scf.if %cond3A_91 {
        %dma_wait3A_298 = arith.constant 0 : i32
        %dma_wait3A_299 = arith.constant 0 : i32
        %dma_wait3A_300 = tpu.memref_slice %arg8[%dma_wait3A_298, %dma_wait3A_299] : memref<160x128xi32, #tpu.memory_space<vmem>> -> memref<1x128xi32, #tpu.memory_space<vmem>>
        %dma_wait3A_301 = tpu.memref_squeeze %dma_wait3A_300 : memref<1x128xi32, #tpu.memory_space<vmem>> -> memref<128xi32, #tpu.memory_space<vmem>>
        %dma_wait3A_302 = arith.constant 0 : i32
        %dma_wait3A_303 = arith.constant 0 : i32
        %dma_wait3A_304 = tpu.memref_slice %arg33[%dma_wait3A_302, %dma_wait3A_303] : memref<10240x32xf32, #tpu.memory_space<vmem_shared>> -> memref<10240x32xf32, #tpu.memory_space<vmem_shared>>
        tpu.wait_indirect_dma semaphore(%arg26 : memref<!tpu.dma_semaphore, #tpu.memory_space<semaphore_mem>>) src(%arg10 : memref<128x32xf32, #tpu.memory_space<vmem>>) dst(%dma_wait3A_304 : memref<10240x32xf32, #tpu.memory_space<vmem_shared>>)
      } else {
      }
      %add3A_92 = arith.constant 1 : i32
      %add3A_93 = arith.addi %mul3A_78, %add3A_92 : i32
      %dma_start3A_94 = arith.constant 0 : i32
      %dma_start3A_95 = tpu.memref_slice %arg7[%add3A_93, %dma_start3A_94] : memref<160x128xi32, #tpu.memory_space<vmem>> -> memref<1x128xi32, #tpu.memory_space<vmem>>
      %dma_start3A_96 = tpu.memref_squeeze %dma_start3A_95 : memref<1x128xi32, #tpu.memory_space<vmem>> -> memref<128xi32, #tpu.memory_space<vmem>>
      %dma_start3A_97 = arith.constant 0 : i32
      %dma_start3A_98 = arith.constant 0 : i32
      %dma_start3A_99 = tpu.memref_slice %arg34[%dma_start3A_97, %dma_start3A_98] : memref<10240x32xf32, #tpu.memory_space<vmem_shared>> -> memref<10240x32xf32, #tpu.memory_space<vmem_shared>>
      tpu.enqueue_indirect_dma source(%dma_start3A_99 : memref<10240x32xf32, #tpu.memory_space<vmem_shared>>) target(%arg10 : memref<128x32xf32, #tpu.memory_space<vmem>>) offsets(%dma_start3A_96 : memref<128xi32, #tpu.memory_space<vmem>>) semaphore(%arg18 : memref<!tpu.dma_semaphore, #tpu.memory_space<semaphore_mem>>)
      %gt3A_100 = arith.constant 0 : i32
      %gt3A_101 = arith.cmpi sgt, %scan3A_76, %gt3A_100 : i32
      %convert_element_type3A_102 = arith.extui %gt3A_101 : i1 to i32
      %cond3A_103 = arith.constant 0 : i32
      %cond3A_104 = arith.cmpi ne, %convert_element_type3A_102, %cond3A_103 : i32
      scf.if %cond3A_104 {
        %dma_wait3A_298 = arith.constant 0 : i32
        %dma_wait3A_299 = arith.constant 0 : i32
        %dma_wait3A_300 = tpu.memref_slice %arg8[%dma_wait3A_298, %dma_wait3A_299] : memref<160x128xi32, #tpu.memory_space<vmem>> -> memref<1x128xi32, #tpu.memory_space<vmem>>
        %dma_wait3A_301 = tpu.memref_squeeze %dma_wait3A_300 : memref<1x128xi32, #tpu.memory_space<vmem>> -> memref<128xi32, #tpu.memory_space<vmem>>
        %dma_wait3A_302 = arith.constant 0 : i32
        %dma_wait3A_303 = arith.constant 0 : i32
        %dma_wait3A_304 = tpu.memref_slice %arg33[%dma_wait3A_302, %dma_wait3A_303] : memref<10240x32xf32, #tpu.memory_space<vmem_shared>> -> memref<10240x32xf32, #tpu.memory_space<vmem_shared>>
        tpu.wait_indirect_dma semaphore(%arg27 : memref<!tpu.dma_semaphore, #tpu.memory_space<semaphore_mem>>) src(%arg11 : memref<128x32xf32, #tpu.memory_space<vmem>>) dst(%dma_wait3A_304 : memref<10240x32xf32, #tpu.memory_space<vmem_shared>>)
      } else {
      }
      %add3A_105 = arith.constant 2 : i32
      %add3A_106 = arith.addi %mul3A_78, %add3A_105 : i32
      %dma_start3A_107 = arith.constant 0 : i32
      %dma_start3A_108 = tpu.memref_slice %arg7[%add3A_106, %dma_start3A_107] : memref<160x128xi32, #tpu.memory_space<vmem>> -> memref<1x128xi32, #tpu.memory_space<vmem>>
      %dma_start3A_109 = tpu.memref_squeeze %dma_start3A_108 : memref<1x128xi32, #tpu.memory_space<vmem>> -> memref<128xi32, #tpu.memory_space<vmem>>
      %dma_start3A_110 = arith.constant 0 : i32
      %dma_start3A_111 = arith.constant 0 : i32
      %dma_start3A_112 = tpu.memref_slice %arg34[%dma_start3A_110, %dma_start3A_111] : memref<10240x32xf32, #tpu.memory_space<vmem_shared>> -> memref<10240x32xf32, #tpu.memory_space<vmem_shared>>
      tpu.enqueue_indirect_dma source(%dma_start3A_112 : memref<10240x32xf32, #tpu.memory_space<vmem_shared>>) target(%arg11 : memref<128x32xf32, #tpu.memory_space<vmem>>) offsets(%dma_start3A_109 : memref<128xi32, #tpu.memory_space<vmem>>) semaphore(%arg19 : memref<!tpu.dma_semaphore, #tpu.memory_space<semaphore_mem>>)
      %gt3A_113 = arith.constant 0 : i32
      %gt3A_114 = arith.cmpi sgt, %scan3A_76, %gt3A_113 : i32
      %convert_element_type3A_115 = arith.extui %gt3A_114 : i1 to i32
      %cond3A_116 = arith.constant 0 : i32
      %cond3A_117 = arith.cmpi ne, %convert_element_type3A_115, %cond3A_116 : i32
      scf.if %cond3A_117 {
        %dma_wait3A_298 = arith.constant 0 : i32
        %dma_wait3A_299 = arith.constant 0 : i32
        %dma_wait3A_300 = tpu.memref_slice %arg8[%dma_wait3A_298, %dma_wait3A_299] : memref<160x128xi32, #tpu.memory_space<vmem>> -> memref<1x128xi32, #tpu.memory_space<vmem>>
        %dma_wait3A_301 = tpu.memref_squeeze %dma_wait3A_300 : memref<1x128xi32, #tpu.memory_space<vmem>> -> memref<128xi32, #tpu.memory_space<vmem>>
        %dma_wait3A_302 = arith.constant 0 : i32
        %dma_wait3A_303 = arith.constant 0 : i32
        %dma_wait3A_304 = tpu.memref_slice %arg33[%dma_wait3A_302, %dma_wait3A_303] : memref<10240x32xf32, #tpu.memory_space<vmem_shared>> -> memref<10240x32xf32, #tpu.memory_space<vmem_shared>>
        tpu.wait_indirect_dma semaphore(%arg28 : memref<!tpu.dma_semaphore, #tpu.memory_space<semaphore_mem>>) src(%arg12 : memref<128x32xf32, #tpu.memory_space<vmem>>) dst(%dma_wait3A_304 : memref<10240x32xf32, #tpu.memory_space<vmem_shared>>)
      } else {
      }
      %add3A_118 = arith.constant 3 : i32
      %add3A_119 = arith.addi %mul3A_78, %add3A_118 : i32
      %dma_start3A_120 = arith.constant 0 : i32
      %dma_start3A_121 = tpu.memref_slice %arg7[%add3A_119, %dma_start3A_120] : memref<160x128xi32, #tpu.memory_space<vmem>> -> memref<1x128xi32, #tpu.memory_space<vmem>>
      %dma_start3A_122 = tpu.memref_squeeze %dma_start3A_121 : memref<1x128xi32, #tpu.memory_space<vmem>> -> memref<128xi32, #tpu.memory_space<vmem>>
      %dma_start3A_123 = arith.constant 0 : i32
      %dma_start3A_124 = arith.constant 0 : i32
      %dma_start3A_125 = tpu.memref_slice %arg34[%dma_start3A_123, %dma_start3A_124] : memref<10240x32xf32, #tpu.memory_space<vmem_shared>> -> memref<10240x32xf32, #tpu.memory_space<vmem_shared>>
      tpu.enqueue_indirect_dma source(%dma_start3A_125 : memref<10240x32xf32, #tpu.memory_space<vmem_shared>>) target(%arg12 : memref<128x32xf32, #tpu.memory_space<vmem>>) offsets(%dma_start3A_122 : memref<128xi32, #tpu.memory_space<vmem>>) semaphore(%arg20 : memref<!tpu.dma_semaphore, #tpu.memory_space<semaphore_mem>>)
      %gt3A_126 = arith.constant 0 : i32
      %gt3A_127 = arith.cmpi sgt, %scan3A_76, %gt3A_126 : i32
      %convert_element_type3A_128 = arith.extui %gt3A_127 : i1 to i32
      %cond3A_129 = arith.constant 0 : i32
      %cond3A_130 = arith.cmpi ne, %convert_element_type3A_128, %cond3A_129 : i32
      scf.if %cond3A_130 {
        %dma_wait3A_298 = arith.constant 0 : i32
        %dma_wait3A_299 = arith.constant 0 : i32
        %dma_wait3A_300 = tpu.memref_slice %arg8[%dma_wait3A_298, %dma_wait3A_299] : memref<160x128xi32, #tpu.memory_space<vmem>> -> memref<1x128xi32, #tpu.memory_space<vmem>>
        %dma_wait3A_301 = tpu.memref_squeeze %dma_wait3A_300 : memref<1x128xi32, #tpu.memory_space<vmem>> -> memref<128xi32, #tpu.memory_space<vmem>>
        %dma_wait3A_302 = arith.constant 0 : i32
        %dma_wait3A_303 = arith.constant 0 : i32
        %dma_wait3A_304 = tpu.memref_slice %arg33[%dma_wait3A_302, %dma_wait3A_303] : memref<10240x32xf32, #tpu.memory_space<vmem_shared>> -> memref<10240x32xf32, #tpu.memory_space<vmem_shared>>
        tpu.wait_indirect_dma semaphore(%arg29 : memref<!tpu.dma_semaphore, #tpu.memory_space<semaphore_mem>>) src(%arg13 : memref<128x32xf32, #tpu.memory_space<vmem>>) dst(%dma_wait3A_304 : memref<10240x32xf32, #tpu.memory_space<vmem_shared>>)
      } else {
      }
      %add3A_131 = arith.constant 4 : i32
      %add3A_132 = arith.addi %mul3A_78, %add3A_131 : i32
      %dma_start3A_133 = arith.constant 0 : i32
      %dma_start3A_134 = tpu.memref_slice %arg7[%add3A_132, %dma_start3A_133] : memref<160x128xi32, #tpu.memory_space<vmem>> -> memref<1x128xi32, #tpu.memory_space<vmem>>
      %dma_start3A_135 = tpu.memref_squeeze %dma_start3A_134 : memref<1x128xi32, #tpu.memory_space<vmem>> -> memref<128xi32, #tpu.memory_space<vmem>>
      %dma_start3A_136 = arith.constant 0 : i32
      %dma_start3A_137 = arith.constant 0 : i32
      %dma_start3A_138 = tpu.memref_slice %arg34[%dma_start3A_136, %dma_start3A_137] : memref<10240x32xf32, #tpu.memory_space<vmem_shared>> -> memref<10240x32xf32, #tpu.memory_space<vmem_shared>>
      tpu.enqueue_indirect_dma source(%dma_start3A_138 : memref<10240x32xf32, #tpu.memory_space<vmem_shared>>) target(%arg13 : memref<128x32xf32, #tpu.memory_space<vmem>>) offsets(%dma_start3A_135 : memref<128xi32, #tpu.memory_space<vmem>>) semaphore(%arg21 : memref<!tpu.dma_semaphore, #tpu.memory_space<semaphore_mem>>)
      %gt3A_139 = arith.constant 0 : i32
      %gt3A_140 = arith.cmpi sgt, %scan3A_76, %gt3A_139 : i32
      %convert_element_type3A_141 = arith.extui %gt3A_140 : i1 to i32
      %cond3A_142 = arith.constant 0 : i32
      %cond3A_143 = arith.cmpi ne, %convert_element_type3A_141, %cond3A_142 : i32
      scf.if %cond3A_143 {
        %dma_wait3A_298 = arith.constant 0 : i32
        %dma_wait3A_299 = arith.constant 0 : i32
        %dma_wait3A_300 = tpu.memref_slice %arg8[%dma_wait3A_298, %dma_wait3A_299] : memref<160x128xi32, #tpu.memory_space<vmem>> -> memref<1x128xi32, #tpu.memory_space<vmem>>
        %dma_wait3A_301 = tpu.memref_squeeze %dma_wait3A_300 : memref<1x128xi32, #tpu.memory_space<vmem>> -> memref<128xi32, #tpu.memory_space<vmem>>
        %dma_wait3A_302 = arith.constant 0 : i32
        %dma_wait3A_303 = arith.constant 0 : i32
        %dma_wait3A_304 = tpu.memref_slice %arg33[%dma_wait3A_302, %dma_wait3A_303] : memref<10240x32xf32, #tpu.memory_space<vmem_shared>> -> memref<10240x32xf32, #tpu.memory_space<vmem_shared>>
        tpu.wait_indirect_dma semaphore(%arg30 : memref<!tpu.dma_semaphore, #tpu.memory_space<semaphore_mem>>) src(%arg14 : memref<128x32xf32, #tpu.memory_space<vmem>>) dst(%dma_wait3A_304 : memref<10240x32xf32, #tpu.memory_space<vmem_shared>>)
      } else {
      }
      %add3A_144 = arith.constant 5 : i32
      %add3A_145 = arith.addi %mul3A_78, %add3A_144 : i32
      %dma_start3A_146 = arith.constant 0 : i32
      %dma_start3A_147 = tpu.memref_slice %arg7[%add3A_145, %dma_start3A_146] : memref<160x128xi32, #tpu.memory_space<vmem>> -> memref<1x128xi32, #tpu.memory_space<vmem>>
      %dma_start3A_148 = tpu.memref_squeeze %dma_start3A_147 : memref<1x128xi32, #tpu.memory_space<vmem>> -> memref<128xi32, #tpu.memory_space<vmem>>
      %dma_start3A_149 = arith.constant 0 : i32
      %dma_start3A_150 = arith.constant 0 : i32
      %dma_start3A_151 = tpu.memref_slice %arg34[%dma_start3A_149, %dma_start3A_150] : memref<10240x32xf32, #tpu.memory_space<vmem_shared>> -> memref<10240x32xf32, #tpu.memory_space<vmem_shared>>
      tpu.enqueue_indirect_dma source(%dma_start3A_151 : memref<10240x32xf32, #tpu.memory_space<vmem_shared>>) target(%arg14 : memref<128x32xf32, #tpu.memory_space<vmem>>) offsets(%dma_start3A_148 : memref<128xi32, #tpu.memory_space<vmem>>) semaphore(%arg22 : memref<!tpu.dma_semaphore, #tpu.memory_space<semaphore_mem>>)
      %gt3A_152 = arith.constant 0 : i32
      %gt3A_153 = arith.cmpi sgt, %scan3A_76, %gt3A_152 : i32
      %convert_element_type3A_154 = arith.extui %gt3A_153 : i1 to i32
      %cond3A_155 = arith.constant 0 : i32
      %cond3A_156 = arith.cmpi ne, %convert_element_type3A_154, %cond3A_155 : i32
      scf.if %cond3A_156 {
        %dma_wait3A_298 = arith.constant 0 : i32
        %dma_wait3A_299 = arith.constant 0 : i32
        %dma_wait3A_300 = tpu.memref_slice %arg8[%dma_wait3A_298, %dma_wait3A_299] : memref<160x128xi32, #tpu.memory_space<vmem>> -> memref<1x128xi32, #tpu.memory_space<vmem>>
        %dma_wait3A_301 = tpu.memref_squeeze %dma_wait3A_300 : memref<1x128xi32, #tpu.memory_space<vmem>> -> memref<128xi32, #tpu.memory_space<vmem>>
        %dma_wait3A_302 = arith.constant 0 : i32
        %dma_wait3A_303 = arith.constant 0 : i32
        %dma_wait3A_304 = tpu.memref_slice %arg33[%dma_wait3A_302, %dma_wait3A_303] : memref<10240x32xf32, #tpu.memory_space<vmem_shared>> -> memref<10240x32xf32, #tpu.memory_space<vmem_shared>>
        tpu.wait_indirect_dma semaphore(%arg31 : memref<!tpu.dma_semaphore, #tpu.memory_space<semaphore_mem>>) src(%arg15 : memref<128x32xf32, #tpu.memory_space<vmem>>) dst(%dma_wait3A_304 : memref<10240x32xf32, #tpu.memory_space<vmem_shared>>)
      } else {
      }
      %add3A_157 = arith.constant 6 : i32
      %add3A_158 = arith.addi %mul3A_78, %add3A_157 : i32
      %dma_start3A_159 = arith.constant 0 : i32
      %dma_start3A_160 = tpu.memref_slice %arg7[%add3A_158, %dma_start3A_159] : memref<160x128xi32, #tpu.memory_space<vmem>> -> memref<1x128xi32, #tpu.memory_space<vmem>>
      %dma_start3A_161 = tpu.memref_squeeze %dma_start3A_160 : memref<1x128xi32, #tpu.memory_space<vmem>> -> memref<128xi32, #tpu.memory_space<vmem>>
      %dma_start3A_162 = arith.constant 0 : i32
      %dma_start3A_163 = arith.constant 0 : i32
      %dma_start3A_164 = tpu.memref_slice %arg34[%dma_start3A_162, %dma_start3A_163] : memref<10240x32xf32, #tpu.memory_space<vmem_shared>> -> memref<10240x32xf32, #tpu.memory_space<vmem_shared>>
      tpu.enqueue_indirect_dma source(%dma_start3A_164 : memref<10240x32xf32, #tpu.memory_space<vmem_shared>>) target(%arg15 : memref<128x32xf32, #tpu.memory_space<vmem>>) offsets(%dma_start3A_161 : memref<128xi32, #tpu.memory_space<vmem>>) semaphore(%arg23 : memref<!tpu.dma_semaphore, #tpu.memory_space<semaphore_mem>>)
      %gt3A_165 = arith.constant 0 : i32
      %gt3A_166 = arith.cmpi sgt, %scan3A_76, %gt3A_165 : i32
      %convert_element_type3A_167 = arith.extui %gt3A_166 : i1 to i32
      %cond3A_168 = arith.constant 0 : i32
      %cond3A_169 = arith.cmpi ne, %convert_element_type3A_167, %cond3A_168 : i32
      scf.if %cond3A_169 {
        %dma_wait3A_298 = arith.constant 0 : i32
        %dma_wait3A_299 = arith.constant 0 : i32
        %dma_wait3A_300 = tpu.memref_slice %arg8[%dma_wait3A_298, %dma_wait3A_299] : memref<160x128xi32, #tpu.memory_space<vmem>> -> memref<1x128xi32, #tpu.memory_space<vmem>>
        %dma_wait3A_301 = tpu.memref_squeeze %dma_wait3A_300 : memref<1x128xi32, #tpu.memory_space<vmem>> -> memref<128xi32, #tpu.memory_space<vmem>>
        %dma_wait3A_302 = arith.constant 0 : i32
        %dma_wait3A_303 = arith.constant 0 : i32
        %dma_wait3A_304 = tpu.memref_slice %arg33[%dma_wait3A_302, %dma_wait3A_303] : memref<10240x32xf32, #tpu.memory_space<vmem_shared>> -> memref<10240x32xf32, #tpu.memory_space<vmem_shared>>
        tpu.wait_indirect_dma semaphore(%arg32 : memref<!tpu.dma_semaphore, #tpu.memory_space<semaphore_mem>>) src(%arg16 : memref<128x32xf32, #tpu.memory_space<vmem>>) dst(%dma_wait3A_304 : memref<10240x32xf32, #tpu.memory_space<vmem_shared>>)
      } else {
      }
      %add3A_170 = arith.constant 7 : i32
      %add3A_171 = arith.addi %mul3A_78, %add3A_170 : i32
      %dma_start3A_172 = arith.constant 0 : i32
      %dma_start3A_173 = tpu.memref_slice %arg7[%add3A_171, %dma_start3A_172] : memref<160x128xi32, #tpu.memory_space<vmem>> -> memref<1x128xi32, #tpu.memory_space<vmem>>
      %dma_start3A_174 = tpu.memref_squeeze %dma_start3A_173 : memref<1x128xi32, #tpu.memory_space<vmem>> -> memref<128xi32, #tpu.memory_space<vmem>>
      %dma_start3A_175 = arith.constant 0 : i32
      %dma_start3A_176 = arith.constant 0 : i32
      %dma_start3A_177 = tpu.memref_slice %arg34[%dma_start3A_175, %dma_start3A_176] : memref<10240x32xf32, #tpu.memory_space<vmem_shared>> -> memref<10240x32xf32, #tpu.memory_space<vmem_shared>>
      tpu.enqueue_indirect_dma source(%dma_start3A_177 : memref<10240x32xf32, #tpu.memory_space<vmem_shared>>) target(%arg16 : memref<128x32xf32, #tpu.memory_space<vmem>>) offsets(%dma_start3A_174 : memref<128xi32, #tpu.memory_space<vmem>>) semaphore(%arg24 : memref<!tpu.dma_semaphore, #tpu.memory_space<semaphore_mem>>)
      %dma_wait3A_178 = arith.constant 0 : i32
      %dma_wait3A_179 = arith.constant 0 : i32
      %dma_wait3A_180 = tpu.memref_slice %arg7[%dma_wait3A_178, %dma_wait3A_179] : memref<160x128xi32, #tpu.memory_space<vmem>> -> memref<1x128xi32, #tpu.memory_space<vmem>>
      %dma_wait3A_181 = tpu.memref_squeeze %dma_wait3A_180 : memref<1x128xi32, #tpu.memory_space<vmem>> -> memref<128xi32, #tpu.memory_space<vmem>>
      %dma_wait3A_182 = arith.constant 0 : i32
      %dma_wait3A_183 = arith.constant 0 : i32
      %dma_wait3A_184 = tpu.memref_slice %arg34[%dma_wait3A_182, %dma_wait3A_183] : memref<10240x32xf32, #tpu.memory_space<vmem_shared>> -> memref<10240x32xf32, #tpu.memory_space<vmem_shared>>
      tpu.wait_indirect_dma semaphore(%arg17 : memref<!tpu.dma_semaphore, #tpu.memory_space<semaphore_mem>>) src(%dma_wait3A_184 : memref<10240x32xf32, #tpu.memory_space<vmem_shared>>) dst(%arg9 : memref<128x32xf32, #tpu.memory_space<vmem>>)
      %add3A_185 = arith.constant 0 : i32
      %add3A_186 = arith.addi %mul3A_78, %add3A_185 : i32
      %dma_start3A_187 = arith.constant 0 : i32
      %dma_start3A_188 = tpu.memref_slice %arg8[%add3A_186, %dma_start3A_187] : memref<160x128xi32, #tpu.memory_space<vmem>> -> memref<1x128xi32, #tpu.memory_space<vmem>>
      %dma_start3A_189 = tpu.memref_squeeze %dma_start3A_188 : memref<1x128xi32, #tpu.memory_space<vmem>> -> memref<128xi32, #tpu.memory_space<vmem>>
      %dma_start3A_190 = arith.constant 0 : i32
      %dma_start3A_191 = arith.constant 0 : i32
      %dma_start3A_192 = tpu.memref_slice %arg33[%dma_start3A_190, %dma_start3A_191] : memref<10240x32xf32, #tpu.memory_space<vmem_shared>> -> memref<10240x32xf32, #tpu.memory_space<vmem_shared>>
      tpu.enqueue_indirect_dma source(%arg9 : memref<128x32xf32, #tpu.memory_space<vmem>>) target(%dma_start3A_192 : memref<10240x32xf32, #tpu.memory_space<vmem_shared>>) offsets(%dma_start3A_189 : memref<128xi32, #tpu.memory_space<vmem>>) semaphore(%arg25 : memref<!tpu.dma_semaphore, #tpu.memory_space<semaphore_mem>>) {add = true}
      %dma_wait3A_193 = arith.constant 0 : i32
      %dma_wait3A_194 = arith.constant 0 : i32
      %dma_wait3A_195 = tpu.memref_slice %arg7[%dma_wait3A_193, %dma_wait3A_194] : memref<160x128xi32, #tpu.memory_space<vmem>> -> memref<1x128xi32, #tpu.memory_space<vmem>>
      %dma_wait3A_196 = tpu.memref_squeeze %dma_wait3A_195 : memref<1x128xi32, #tpu.memory_space<vmem>> -> memref<128xi32, #tpu.memory_space<vmem>>
      %dma_wait3A_197 = arith.constant 0 : i32
      %dma_wait3A_198 = arith.constant 0 : i32
      %dma_wait3A_199 = tpu.memref_slice %arg34[%dma_wait3A_197, %dma_wait3A_198] : memref<10240x32xf32, #tpu.memory_space<vmem_shared>> -> memref<10240x32xf32, #tpu.memory_space<vmem_shared>>
      tpu.wait_indirect_dma semaphore(%arg18 : memref<!tpu.dma_semaphore, #tpu.memory_space<semaphore_mem>>) src(%dma_wait3A_199 : memref<10240x32xf32, #tpu.memory_space<vmem_shared>>) dst(%arg10 : memref<128x32xf32, #tpu.memory_space<vmem>>)
      %add3A_200 = arith.constant 1 : i32
      %add3A_201 = arith.addi %mul3A_78, %add3A_200 : i32
      %dma_start3A_202 = arith.constant 0 : i32
      %dma_start3A_203 = tpu.memref_slice %arg8[%add3A_201, %dma_start3A_202] : memref<160x128xi32, #tpu.memory_space<vmem>> -> memref<1x128xi32, #tpu.memory_space<vmem>>
      %dma_start3A_204 = tpu.memref_squeeze %dma_start3A_203 : memref<1x128xi32, #tpu.memory_space<vmem>> -> memref<128xi32, #tpu.memory_space<vmem>>
      %dma_start3A_205 = arith.constant 0 : i32
      %dma_start3A_206 = arith.constant 0 : i32
      %dma_start3A_207 = tpu.memref_slice %arg33[%dma_start3A_205, %dma_start3A_206] : memref<10240x32xf32, #tpu.memory_space<vmem_shared>> -> memref<10240x32xf32, #tpu.memory_space<vmem_shared>>
      tpu.enqueue_indirect_dma source(%arg10 : memref<128x32xf32, #tpu.memory_space<vmem>>) target(%dma_start3A_207 : memref<10240x32xf32, #tpu.memory_space<vmem_shared>>) offsets(%dma_start3A_204 : memref<128xi32, #tpu.memory_space<vmem>>) semaphore(%arg26 : memref<!tpu.dma_semaphore, #tpu.memory_space<semaphore_mem>>) {add = true}
      %dma_wait3A_208 = arith.constant 0 : i32
      %dma_wait3A_209 = arith.constant 0 : i32
      %dma_wait3A_210 = tpu.memref_slice %arg7[%dma_wait3A_208, %dma_wait3A_209] : memref<160x128xi32, #tpu.memory_space<vmem>> -> memref<1x128xi32, #tpu.memory_space<vmem>>
      %dma_wait3A_211 = tpu.memref_squeeze %dma_wait3A_210 : memref<1x128xi32, #tpu.memory_space<vmem>> -> memref<128xi32, #tpu.memory_space<vmem>>
      %dma_wait3A_212 = arith.constant 0 : i32
      %dma_wait3A_213 = arith.constant 0 : i32
      %dma_wait3A_214 = tpu.memref_slice %arg34[%dma_wait3A_212, %dma_wait3A_213] : memref<10240x32xf32, #tpu.memory_space<vmem_shared>> -> memref<10240x32xf32, #tpu.memory_space<vmem_shared>>
      tpu.wait_indirect_dma semaphore(%arg19 : memref<!tpu.dma_semaphore, #tpu.memory_space<semaphore_mem>>) src(%dma_wait3A_214 : memref<10240x32xf32, #tpu.memory_space<vmem_shared>>) dst(%arg11 : memref<128x32xf32, #tpu.memory_space<vmem>>)
      %add3A_215 = arith.constant 2 : i32
      %add3A_216 = arith.addi %mul3A_78, %add3A_215 : i32
      %dma_start3A_217 = arith.constant 0 : i32
      %dma_start3A_218 = tpu.memref_slice %arg8[%add3A_216, %dma_start3A_217] : memref<160x128xi32, #tpu.memory_space<vmem>> -> memref<1x128xi32, #tpu.memory_space<vmem>>
      %dma_start3A_219 = tpu.memref_squeeze %dma_start3A_218 : memref<1x128xi32, #tpu.memory_space<vmem>> -> memref<128xi32, #tpu.memory_space<vmem>>
      %dma_start3A_220 = arith.constant 0 : i32
      %dma_start3A_221 = arith.constant 0 : i32
      %dma_start3A_222 = tpu.memref_slice %arg33[%dma_start3A_220, %dma_start3A_221] : memref<10240x32xf32, #tpu.memory_space<vmem_shared>> -> memref<10240x32xf32, #tpu.memory_space<vmem_shared>>
      tpu.enqueue_indirect_dma source(%arg11 : memref<128x32xf32, #tpu.memory_space<vmem>>) target(%dma_start3A_222 : memref<10240x32xf32, #tpu.memory_space<vmem_shared>>) offsets(%dma_start3A_219 : memref<128xi32, #tpu.memory_space<vmem>>) semaphore(%arg27 : memref<!tpu.dma_semaphore, #tpu.memory_space<semaphore_mem>>) {add = true}
      %dma_wait3A_223 = arith.constant 0 : i32
      %dma_wait3A_224 = arith.constant 0 : i32
      %dma_wait3A_225 = tpu.memref_slice %arg7[%dma_wait3A_223, %dma_wait3A_224] : memref<160x128xi32, #tpu.memory_space<vmem>> -> memref<1x128xi32, #tpu.memory_space<vmem>>
      %dma_wait3A_226 = tpu.memref_squeeze %dma_wait3A_225 : memref<1x128xi32, #tpu.memory_space<vmem>> -> memref<128xi32, #tpu.memory_space<vmem>>
      %dma_wait3A_227 = arith.constant 0 : i32
      %dma_wait3A_228 = arith.constant 0 : i32
      %dma_wait3A_229 = tpu.memref_slice %arg34[%dma_wait3A_227, %dma_wait3A_228] : memref<10240x32xf32, #tpu.memory_space<vmem_shared>> -> memref<10240x32xf32, #tpu.memory_space<vmem_shared>>
      tpu.wait_indirect_dma semaphore(%arg20 : memref<!tpu.dma_semaphore, #tpu.memory_space<semaphore_mem>>) src(%dma_wait3A_229 : memref<10240x32xf32, #tpu.memory_space<vmem_shared>>) dst(%arg12 : memref<128x32xf32, #tpu.memory_space<vmem>>)
      %add3A_230 = arith.constant 3 : i32
      %add3A_231 = arith.addi %mul3A_78, %add3A_230 : i32
      %dma_start3A_232 = arith.constant 0 : i32
      %dma_start3A_233 = tpu.memref_slice %arg8[%add3A_231, %dma_start3A_232] : memref<160x128xi32, #tpu.memory_space<vmem>> -> memref<1x128xi32, #tpu.memory_space<vmem>>
      %dma_start3A_234 = tpu.memref_squeeze %dma_start3A_233 : memref<1x128xi32, #tpu.memory_space<vmem>> -> memref<128xi32, #tpu.memory_space<vmem>>
      %dma_start3A_235 = arith.constant 0 : i32
      %dma_start3A_236 = arith.constant 0 : i32
      %dma_start3A_237 = tpu.memref_slice %arg33[%dma_start3A_235, %dma_start3A_236] : memref<10240x32xf32, #tpu.memory_space<vmem_shared>> -> memref<10240x32xf32, #tpu.memory_space<vmem_shared>>
      tpu.enqueue_indirect_dma source(%arg12 : memref<128x32xf32, #tpu.memory_space<vmem>>) target(%dma_start3A_237 : memref<10240x32xf32, #tpu.memory_space<vmem_shared>>) offsets(%dma_start3A_234 : memref<128xi32, #tpu.memory_space<vmem>>) semaphore(%arg28 : memref<!tpu.dma_semaphore, #tpu.memory_space<semaphore_mem>>) {add = true}
      %dma_wait3A_238 = arith.constant 0 : i32
      %dma_wait3A_239 = arith.constant 0 : i32
      %dma_wait3A_240 = tpu.memref_slice %arg7[%dma_wait3A_238, %dma_wait3A_239] : memref<160x128xi32, #tpu.memory_space<vmem>> -> memref<1x128xi32, #tpu.memory_space<vmem>>
      %dma_wait3A_241 = tpu.memref_squeeze %dma_wait3A_240 : memref<1x128xi32, #tpu.memory_space<vmem>> -> memref<128xi32, #tpu.memory_space<vmem>>
      %dma_wait3A_242 = arith.constant 0 : i32
      %dma_wait3A_243 = arith.constant 0 : i32
      %dma_wait3A_244 = tpu.memref_slice %arg34[%dma_wait3A_242, %dma_wait3A_243] : memref<10240x32xf32, #tpu.memory_space<vmem_shared>> -> memref<10240x32xf32, #tpu.memory_space<vmem_shared>>
      tpu.wait_indirect_dma semaphore(%arg21 : memref<!tpu.dma_semaphore, #tpu.memory_space<semaphore_mem>>) src(%dma_wait3A_244 : memref<10240x32xf32, #tpu.memory_space<vmem_shared>>) dst(%arg13 : memref<128x32xf32, #tpu.memory_space<vmem>>)
      %add3A_245 = arith.constant 4 : i32
      %add3A_246 = arith.addi %mul3A_78, %add3A_245 : i32
      %dma_start3A_247 = arith.constant 0 : i32
      %dma_start3A_248 = tpu.memref_slice %arg8[%add3A_246, %dma_start3A_247] : memref<160x128xi32, #tpu.memory_space<vmem>> -> memref<1x128xi32, #tpu.memory_space<vmem>>
      %dma_start3A_249 = tpu.memref_squeeze %dma_start3A_248 : memref<1x128xi32, #tpu.memory_space<vmem>> -> memref<128xi32, #tpu.memory_space<vmem>>
      %dma_start3A_250 = arith.constant 0 : i32
      %dma_start3A_251 = arith.constant 0 : i32
      %dma_start3A_252 = tpu.memref_slice %arg33[%dma_start3A_250, %dma_start3A_251] : memref<10240x32xf32, #tpu.memory_space<vmem_shared>> -> memref<10240x32xf32, #tpu.memory_space<vmem_shared>>
      tpu.enqueue_indirect_dma source(%arg13 : memref<128x32xf32, #tpu.memory_space<vmem>>) target(%dma_start3A_252 : memref<10240x32xf32, #tpu.memory_space<vmem_shared>>) offsets(%dma_start3A_249 : memref<128xi32, #tpu.memory_space<vmem>>) semaphore(%arg29 : memref<!tpu.dma_semaphore, #tpu.memory_space<semaphore_mem>>) {add = true}
      %dma_wait3A_253 = arith.constant 0 : i32
      %dma_wait3A_254 = arith.constant 0 : i32
      %dma_wait3A_255 = tpu.memref_slice %arg7[%dma_wait3A_253, %dma_wait3A_254] : memref<160x128xi32, #tpu.memory_space<vmem>> -> memref<1x128xi32, #tpu.memory_space<vmem>>
      %dma_wait3A_256 = tpu.memref_squeeze %dma_wait3A_255 : memref<1x128xi32, #tpu.memory_space<vmem>> -> memref<128xi32, #tpu.memory_space<vmem>>
      %dma_wait3A_257 = arith.constant 0 : i32
      %dma_wait3A_258 = arith.constant 0 : i32
      %dma_wait3A_259 = tpu.memref_slice %arg34[%dma_wait3A_257, %dma_wait3A_258] : memref<10240x32xf32, #tpu.memory_space<vmem_shared>> -> memref<10240x32xf32, #tpu.memory_space<vmem_shared>>
      tpu.wait_indirect_dma semaphore(%arg22 : memref<!tpu.dma_semaphore, #tpu.memory_space<semaphore_mem>>) src(%dma_wait3A_259 : memref<10240x32xf32, #tpu.memory_space<vmem_shared>>) dst(%arg14 : memref<128x32xf32, #tpu.memory_space<vmem>>)
      %add3A_260 = arith.constant 5 : i32
      %add3A_261 = arith.addi %mul3A_78, %add3A_260 : i32
      %dma_start3A_262 = arith.constant 0 : i32
      %dma_start3A_263 = tpu.memref_slice %arg8[%add3A_261, %dma_start3A_262] : memref<160x128xi32, #tpu.memory_space<vmem>> -> memref<1x128xi32, #tpu.memory_space<vmem>>
      %dma_start3A_264 = tpu.memref_squeeze %dma_start3A_263 : memref<1x128xi32, #tpu.memory_space<vmem>> -> memref<128xi32, #tpu.memory_space<vmem>>
      %dma_start3A_265 = arith.constant 0 : i32
      %dma_start3A_266 = arith.constant 0 : i32
      %dma_start3A_267 = tpu.memref_slice %arg33[%dma_start3A_265, %dma_start3A_266] : memref<10240x32xf32, #tpu.memory_space<vmem_shared>> -> memref<10240x32xf32, #tpu.memory_space<vmem_shared>>
      tpu.enqueue_indirect_dma source(%arg14 : memref<128x32xf32, #tpu.memory_space<vmem>>) target(%dma_start3A_267 : memref<10240x32xf32, #tpu.memory_space<vmem_shared>>) offsets(%dma_start3A_264 : memref<128xi32, #tpu.memory_space<vmem>>) semaphore(%arg30 : memref<!tpu.dma_semaphore, #tpu.memory_space<semaphore_mem>>) {add = true}
      %dma_wait3A_268 = arith.constant 0 : i32
      %dma_wait3A_269 = arith.constant 0 : i32
      %dma_wait3A_270 = tpu.memref_slice %arg7[%dma_wait3A_268, %dma_wait3A_269] : memref<160x128xi32, #tpu.memory_space<vmem>> -> memref<1x128xi32, #tpu.memory_space<vmem>>
      %dma_wait3A_271 = tpu.memref_squeeze %dma_wait3A_270 : memref<1x128xi32, #tpu.memory_space<vmem>> -> memref<128xi32, #tpu.memory_space<vmem>>
      %dma_wait3A_272 = arith.constant 0 : i32
      %dma_wait3A_273 = arith.constant 0 : i32
      %dma_wait3A_274 = tpu.memref_slice %arg34[%dma_wait3A_272, %dma_wait3A_273] : memref<10240x32xf32, #tpu.memory_space<vmem_shared>> -> memref<10240x32xf32, #tpu.memory_space<vmem_shared>>
      tpu.wait_indirect_dma semaphore(%arg23 : memref<!tpu.dma_semaphore, #tpu.memory_space<semaphore_mem>>) src(%dma_wait3A_274 : memref<10240x32xf32, #tpu.memory_space<vmem_shared>>) dst(%arg15 : memref<128x32xf32, #tpu.memory_space<vmem>>)
      %add3A_275 = arith.constant 6 : i32
      %add3A_276 = arith.addi %mul3A_78, %add3A_275 : i32
      %dma_start3A_277 = arith.constant 0 : i32
      %dma_start3A_278 = tpu.memref_slice %arg8[%add3A_276, %dma_start3A_277] : memref<160x128xi32, #tpu.memory_space<vmem>> -> memref<1x128xi32, #tpu.memory_space<vmem>>
      %dma_start3A_279 = tpu.memref_squeeze %dma_start3A_278 : memref<1x128xi32, #tpu.memory_space<vmem>> -> memref<128xi32, #tpu.memory_space<vmem>>
      %dma_start3A_280 = arith.constant 0 : i32
      %dma_start3A_281 = arith.constant 0 : i32
      %dma_start3A_282 = tpu.memref_slice %arg33[%dma_start3A_280, %dma_start3A_281] : memref<10240x32xf32, #tpu.memory_space<vmem_shared>> -> memref<10240x32xf32, #tpu.memory_space<vmem_shared>>
      tpu.enqueue_indirect_dma source(%arg15 : memref<128x32xf32, #tpu.memory_space<vmem>>) target(%dma_start3A_282 : memref<10240x32xf32, #tpu.memory_space<vmem_shared>>) offsets(%dma_start3A_279 : memref<128xi32, #tpu.memory_space<vmem>>) semaphore(%arg31 : memref<!tpu.dma_semaphore, #tpu.memory_space<semaphore_mem>>) {add = true}
      %dma_wait3A_283 = arith.constant 0 : i32
      %dma_wait3A_284 = arith.constant 0 : i32
      %dma_wait3A_285 = tpu.memref_slice %arg7[%dma_wait3A_283, %dma_wait3A_284] : memref<160x128xi32, #tpu.memory_space<vmem>> -> memref<1x128xi32, #tpu.memory_space<vmem>>
      %dma_wait3A_286 = tpu.memref_squeeze %dma_wait3A_285 : memref<1x128xi32, #tpu.memory_space<vmem>> -> memref<128xi32, #tpu.memory_space<vmem>>
      %dma_wait3A_287 = arith.constant 0 : i32
      %dma_wait3A_288 = arith.constant 0 : i32
      %dma_wait3A_289 = tpu.memref_slice %arg34[%dma_wait3A_287, %dma_wait3A_288] : memref<10240x32xf32, #tpu.memory_space<vmem_shared>> -> memref<10240x32xf32, #tpu.memory_space<vmem_shared>>
      tpu.wait_indirect_dma semaphore(%arg24 : memref<!tpu.dma_semaphore, #tpu.memory_space<semaphore_mem>>) src(%dma_wait3A_289 : memref<10240x32xf32, #tpu.memory_space<vmem_shared>>) dst(%arg16 : memref<128x32xf32, #tpu.memory_space<vmem>>)
      %add3A_290 = arith.constant 7 : i32
      %add3A_291 = arith.addi %mul3A_78, %add3A_290 : i32
      %dma_start3A_292 = arith.constant 0 : i32
      %dma_start3A_293 = tpu.memref_slice %arg8[%add3A_291, %dma_start3A_292] : memref<160x128xi32, #tpu.memory_space<vmem>> -> memref<1x128xi32, #tpu.memory_space<vmem>>
      %dma_start3A_294 = tpu.memref_squeeze %dma_start3A_293 : memref<1x128xi32, #tpu.memory_space<vmem>> -> memref<128xi32, #tpu.memory_space<vmem>>
      %dma_start3A_295 = arith.constant 0 : i32
      %dma_start3A_296 = arith.constant 0 : i32
      %dma_start3A_297 = tpu.memref_slice %arg33[%dma_start3A_295, %dma_start3A_296] : memref<10240x32xf32, #tpu.memory_space<vmem_shared>> -> memref<10240x32xf32, #tpu.memory_space<vmem_shared>>
      tpu.enqueue_indirect_dma source(%arg16 : memref<128x32xf32, #tpu.memory_space<vmem>>) target(%dma_start3A_297 : memref<10240x32xf32, #tpu.memory_space<vmem_shared>>) offsets(%dma_start3A_294 : memref<128xi32, #tpu.memory_space<vmem>>) semaphore(%arg32 : memref<!tpu.dma_semaphore, #tpu.memory_space<semaphore_mem>>) {add = true}
    }
    %scan3A_15 = arith.constant 20 : i32
    %dma_wait3A = arith.constant 0 : i32
    %dma_wait3A_16 = arith.constant 0 : i32
    %dma_wait3A_17 = tpu.memref_slice %arg8[%dma_wait3A, %dma_wait3A_16] : memref<160x128xi32, #tpu.memory_space<vmem>> -> memref<1x128xi32, #tpu.memory_space<vmem>>
    %dma_wait3A_18 = tpu.memref_squeeze %dma_wait3A_17 : memref<1x128xi32, #tpu.memory_space<vmem>> -> memref<128xi32, #tpu.memory_space<vmem>>
    %dma_wait3A_19 = arith.constant 0 : i32
    %dma_wait3A_20 = arith.constant 0 : i32
    %dma_wait3A_21 = tpu.memref_slice %arg33[%dma_wait3A_19, %dma_wait3A_20] : memref<10240x32xf32, #tpu.memory_space<vmem_shared>> -> memref<10240x32xf32, #tpu.memory_space<vmem_shared>>
    tpu.wait_indirect_dma semaphore(%arg25 : memref<!tpu.dma_semaphore, #tpu.memory_space<semaphore_mem>>) src(%arg9 : memref<128x32xf32, #tpu.memory_space<vmem>>) dst(%dma_wait3A_21 : memref<10240x32xf32, #tpu.memory_space<vmem_shared>>)
    %dma_wait3A_22 = arith.constant 0 : i32
    %dma_wait3A_23 = arith.constant 0 : i32
    %dma_wait3A_24 = tpu.memref_slice %arg8[%dma_wait3A_22, %dma_wait3A_23] : memref<160x128xi32, #tpu.memory_space<vmem>> -> memref<1x128xi32, #tpu.memory_space<vmem>>
    %dma_wait3A_25 = tpu.memref_squeeze %dma_wait3A_24 : memref<1x128xi32, #tpu.memory_space<vmem>> -> memref<128xi32, #tpu.memory_space<vmem>>
    %dma_wait3A_26 = arith.constant 0 : i32
    %dma_wait3A_27 = arith.constant 0 : i32
    %dma_wait3A_28 = tpu.memref_slice %arg33[%dma_wait3A_26, %dma_wait3A_27] : memref<10240x32xf32, #tpu.memory_space<vmem_shared>> -> memref<10240x32xf32, #tpu.memory_space<vmem_shared>>
    tpu.wait_indirect_dma semaphore(%arg26 : memref<!tpu.dma_semaphore, #tpu.memory_space<semaphore_mem>>) src(%arg10 : memref<128x32xf32, #tpu.memory_space<vmem>>) dst(%dma_wait3A_28 : memref<10240x32xf32, #tpu.memory_space<vmem_shared>>)
    %dma_wait3A_29 = arith.constant 0 : i32
    %dma_wait3A_30 = arith.constant 0 : i32
    %dma_wait3A_31 = tpu.memref_slice %arg8[%dma_wait3A_29, %dma_wait3A_30] : memref<160x128xi32, #tpu.memory_space<vmem>> -> memref<1x128xi32, #tpu.memory_space<vmem>>
    %dma_wait3A_32 = tpu.memref_squeeze %dma_wait3A_31 : memref<1x128xi32, #tpu.memory_space<vmem>> -> memref<128xi32, #tpu.memory_space<vmem>>
    %dma_wait3A_33 = arith.constant 0 : i32
    %dma_wait3A_34 = arith.constant 0 : i32
    %dma_wait3A_35 = tpu.memref_slice %arg33[%dma_wait3A_33, %dma_wait3A_34] : memref<10240x32xf32, #tpu.memory_space<vmem_shared>> -> memref<10240x32xf32, #tpu.memory_space<vmem_shared>>
    tpu.wait_indirect_dma semaphore(%arg27 : memref<!tpu.dma_semaphore, #tpu.memory_space<semaphore_mem>>) src(%arg11 : memref<128x32xf32, #tpu.memory_space<vmem>>) dst(%dma_wait3A_35 : memref<10240x32xf32, #tpu.memory_space<vmem_shared>>)
    %dma_wait3A_36 = arith.constant 0 : i32
    %dma_wait3A_37 = arith.constant 0 : i32
    %dma_wait3A_38 = tpu.memref_slice %arg8[%dma_wait3A_36, %dma_wait3A_37] : memref<160x128xi32, #tpu.memory_space<vmem>> -> memref<1x128xi32, #tpu.memory_space<vmem>>
    %dma_wait3A_39 = tpu.memref_squeeze %dma_wait3A_38 : memref<1x128xi32, #tpu.memory_space<vmem>> -> memref<128xi32, #tpu.memory_space<vmem>>
    %dma_wait3A_40 = arith.constant 0 : i32
    %dma_wait3A_41 = arith.constant 0 : i32
    %dma_wait3A_42 = tpu.memref_slice %arg33[%dma_wait3A_40, %dma_wait3A_41] : memref<10240x32xf32, #tpu.memory_space<vmem_shared>> -> memref<10240x32xf32, #tpu.memory_space<vmem_shared>>
    tpu.wait_indirect_dma semaphore(%arg28 : memref<!tpu.dma_semaphore, #tpu.memory_space<semaphore_mem>>) src(%arg12 : memref<128x32xf32, #tpu.memory_space<vmem>>) dst(%dma_wait3A_42 : memref<10240x32xf32, #tpu.memory_space<vmem_shared>>)
    %dma_wait3A_43 = arith.constant 0 : i32
    %dma_wait3A_44 = arith.constant 0 : i32
    %dma_wait3A_45 = tpu.memref_slice %arg8[%dma_wait3A_43, %dma_wait3A_44] : memref<160x128xi32, #tpu.memory_space<vmem>> -> memref<1x128xi32, #tpu.memory_space<vmem>>
    %dma_wait3A_46 = tpu.memref_squeeze %dma_wait3A_45 : memref<1x128xi32, #tpu.memory_space<vmem>> -> memref<128xi32, #tpu.memory_space<vmem>>
    %dma_wait3A_47 = arith.constant 0 : i32
    %dma_wait3A_48 = arith.constant 0 : i32
    %dma_wait3A_49 = tpu.memref_slice %arg33[%dma_wait3A_47, %dma_wait3A_48] : memref<10240x32xf32, #tpu.memory_space<vmem_shared>> -> memref<10240x32xf32, #tpu.memory_space<vmem_shared>>
    tpu.wait_indirect_dma semaphore(%arg29 : memref<!tpu.dma_semaphore, #tpu.memory_space<semaphore_mem>>) src(%arg13 : memref<128x32xf32, #tpu.memory_space<vmem>>) dst(%dma_wait3A_49 : memref<10240x32xf32, #tpu.memory_space<vmem_shared>>)
    %dma_wait3A_50 = arith.constant 0 : i32
    %dma_wait3A_51 = arith.constant 0 : i32
    %dma_wait3A_52 = tpu.memref_slice %arg8[%dma_wait3A_50, %dma_wait3A_51] : memref<160x128xi32, #tpu.memory_space<vmem>> -> memref<1x128xi32, #tpu.memory_space<vmem>>
    %dma_wait3A_53 = tpu.memref_squeeze %dma_wait3A_52 : memref<1x128xi32, #tpu.memory_space<vmem>> -> memref<128xi32, #tpu.memory_space<vmem>>
    %dma_wait3A_54 = arith.constant 0 : i32
    %dma_wait3A_55 = arith.constant 0 : i32
    %dma_wait3A_56 = tpu.memref_slice %arg33[%dma_wait3A_54, %dma_wait3A_55] : memref<10240x32xf32, #tpu.memory_space<vmem_shared>> -> memref<10240x32xf32, #tpu.memory_space<vmem_shared>>
    tpu.wait_indirect_dma semaphore(%arg30 : memref<!tpu.dma_semaphore, #tpu.memory_space<semaphore_mem>>) src(%arg14 : memref<128x32xf32, #tpu.memory_space<vmem>>) dst(%dma_wait3A_56 : memref<10240x32xf32, #tpu.memory_space<vmem_shared>>)
    %dma_wait3A_57 = arith.constant 0 : i32
    %dma_wait3A_58 = arith.constant 0 : i32
    %dma_wait3A_59 = tpu.memref_slice %arg8[%dma_wait3A_57, %dma_wait3A_58] : memref<160x128xi32, #tpu.memory_space<vmem>> -> memref<1x128xi32, #tpu.memory_space<vmem>>
    %dma_wait3A_60 = tpu.memref_squeeze %dma_wait3A_59 : memref<1x128xi32, #tpu.memory_space<vmem>> -> memref<128xi32, #tpu.memory_space<vmem>>
    %dma_wait3A_61 = arith.constant 0 : i32
    %dma_wait3A_62 = arith.constant 0 : i32
    %dma_wait3A_63 = tpu.memref_slice %arg33[%dma_wait3A_61, %dma_wait3A_62] : memref<10240x32xf32, #tpu.memory_space<vmem_shared>> -> memref<10240x32xf32, #tpu.memory_space<vmem_shared>>
    tpu.wait_indirect_dma semaphore(%arg31 : memref<!tpu.dma_semaphore, #tpu.memory_space<semaphore_mem>>) src(%arg15 : memref<128x32xf32, #tpu.memory_space<vmem>>) dst(%dma_wait3A_63 : memref<10240x32xf32, #tpu.memory_space<vmem_shared>>)
    %dma_wait3A_64 = arith.constant 0 : i32
    %dma_wait3A_65 = arith.constant 0 : i32
    %dma_wait3A_66 = tpu.memref_slice %arg8[%dma_wait3A_64, %dma_wait3A_65] : memref<160x128xi32, #tpu.memory_space<vmem>> -> memref<1x128xi32, #tpu.memory_space<vmem>>
    %dma_wait3A_67 = tpu.memref_squeeze %dma_wait3A_66 : memref<1x128xi32, #tpu.memory_space<vmem>> -> memref<128xi32, #tpu.memory_space<vmem>>
    %dma_wait3A_68 = arith.constant 0 : i32
    %dma_wait3A_69 = arith.constant 0 : i32
    %dma_wait3A_70 = tpu.memref_slice %arg33[%dma_wait3A_68, %dma_wait3A_69] : memref<10240x32xf32, #tpu.memory_space<vmem_shared>> -> memref<10240x32xf32, #tpu.memory_space<vmem_shared>>
    tpu.wait_indirect_dma semaphore(%arg32 : memref<!tpu.dma_semaphore, #tpu.memory_space<semaphore_mem>>) src(%arg16 : memref<128x32xf32, #tpu.memory_space<vmem>>) dst(%dma_wait3A_70 : memref<10240x32xf32, #tpu.memory_space<vmem_shared>>)
    %barrier3A_71 = arith.constant 0 : index
    tpu.barrier barrier_id(%barrier3A_71)
    %mul3A_72 = arith.constant 640 : i32
    %mul3A_73 = arith.muli %arg1, %mul3A_72 : i32
    %mul3A_74 = arith.constant 640 : i32
    %mul3A_75 = arith.muli %arg1, %mul3A_74 : i32
    "tpu.region"() ({
      %run_scoped3A = tpu.sem_alloc : memref<!tpu.dma_semaphore, #tpu.memory_space<semaphore_mem>>
      %dma_start3A = arith.constant 0 : i32
      %dma_start3A_76 = tpu.memref_slice %arg6[%arg0, %mul3A_75, %dma_start3A] : memref<2x10240x32xf32, #tpu.memory_space<hbm>> -> memref<1x640x32xf32, #tpu.memory_space<hbm>>
      %dma_start3A_77 = tpu.memref_squeeze %dma_start3A_76 : memref<1x640x32xf32, #tpu.memory_space<hbm>> -> memref<640x32xf32, #tpu.memory_space<hbm>>
      %dma_start3A_78 = arith.constant 0 : i32
      %dma_start3A_79 = tpu.memref_slice %arg33[%mul3A_73, %dma_start3A_78] : memref<10240x32xf32, #tpu.memory_space<vmem_shared>> -> memref<640x32xf32, #tpu.memory_space<vmem_shared>>
      tpu.enqueue_dma source(%dma_start3A_79 : memref<640x32xf32, #tpu.memory_space<vmem_shared>>) target(%dma_start3A_77 : memref<640x32xf32, #tpu.memory_space<hbm>>) target_semaphore(%run_scoped3A : memref<!tpu.dma_semaphore, #tpu.memory_space<semaphore_mem>>)
      %dma_wait3A_80 = arith.constant 0 : i32
      %dma_wait3A_81 = tpu.memref_slice %arg6[%arg0, %mul3A_75, %dma_wait3A_80] : memref<2x10240x32xf32, #tpu.memory_space<hbm>> -> memref<1x640x32xf32, #tpu.memory_space<hbm>>
      %dma_wait3A_82 = tpu.memref_squeeze %dma_wait3A_81 : memref<1x640x32xf32, #tpu.memory_space<hbm>> -> memref<640x32xf32, #tpu.memory_space<hbm>>
      %dma_wait3A_83 = arith.constant 0 : i32
      %dma_wait3A_84 = tpu.memref_slice %arg33[%mul3A_73, %dma_wait3A_83] : memref<10240x32xf32, #tpu.memory_space<vmem_shared>> -> memref<640x32xf32, #tpu.memory_space<vmem_shared>>
      tpu.wait_dma2 semaphore(%run_scoped3A : memref<!tpu.dma_semaphore, #tpu.memory_space<semaphore_mem>>) src(%dma_wait3A_84 : memref<640x32xf32, #tpu.memory_space<vmem_shared>>) dst(%dma_wait3A_82 : memref<640x32xf32, #tpu.memory_space<hbm>>)
      tpu.yield
    }) : () -> ()
    return
  }
}

#map = affine_map<(d0, d1) -> (0, 0)>
#map1 = affine_map<(d0, d1) -> (0, 0, 0)>
module attributes {stable_mosaic.version = 14 : i64} {
  func.func @agg_kernel(%arg0: i32, %arg1: i32, %arg2: memref<10240x64xf32, #tpu.memory_space<hbm>>, %arg3: memref<2560x128xi32, #tpu.memory_space<hbm>>, %arg4: memref<2560x128xi32, #tpu.memory_space<hbm>>, %arg5: memref<640x32xf32, #tpu.memory_space<hbm>>, %arg6: memref<2x10240x32xf32, #tpu.memory_space<hbm>>, %arg7: memref<160x128xi32, #tpu.memory_space<vmem>>, %arg8: memref<160x128xi32, #tpu.memory_space<vmem>>, %arg9: memref<128x32xf32, #tpu.memory_space<vmem>>, %arg10: memref<128x32xf32, #tpu.memory_space<vmem>>, %arg11: memref<128x32xf32, #tpu.memory_space<vmem>>, %arg12: memref<128x32xf32, #tpu.memory_space<vmem>>, %arg13: memref<128x32xf32, #tpu.memory_space<vmem>>, %arg14: memref<128x32xf32, #tpu.memory_space<vmem>>, %arg15: memref<128x32xf32, #tpu.memory_space<vmem>>, %arg16: memref<128x32xf32, #tpu.memory_space<vmem>>, %arg17: memref<!tpu.dma_semaphore, #tpu.memory_space<semaphore_mem>>, %arg18: memref<!tpu.dma_semaphore, #tpu.memory_space<semaphore_mem>>, %arg19: memref<!tpu.dma_semaphore, #tpu.memory_space<semaphore_mem>>, %arg20: memref<!tpu.dma_semaphore, #tpu.memory_space<semaphore_mem>>, %arg21: memref<!tpu.dma_semaphore, #tpu.memory_space<semaphore_mem>>, %arg22: memref<!tpu.dma_semaphore, #tpu.memory_space<semaphore_mem>>, %arg23: memref<!tpu.dma_semaphore, #tpu.memory_space<semaphore_mem>>, %arg24: memref<!tpu.dma_semaphore, #tpu.memory_space<semaphore_mem>>, %arg25: memref<!tpu.dma_semaphore, #tpu.memory_space<semaphore_mem>>, %arg26: memref<!tpu.dma_semaphore, #tpu.memory_space<semaphore_mem>>, %arg27: memref<!tpu.dma_semaphore, #tpu.memory_space<semaphore_mem>>, %arg28: memref<!tpu.dma_semaphore, #tpu.memory_space<semaphore_mem>>, %arg29: memref<!tpu.dma_semaphore, #tpu.memory_space<semaphore_mem>>, %arg30: memref<!tpu.dma_semaphore, #tpu.memory_space<semaphore_mem>>, %arg31: memref<!tpu.dma_semaphore, #tpu.memory_space<semaphore_mem>>, %arg32: memref<!tpu.dma_semaphore, #tpu.memory_space<semaphore_mem>>, %arg33: memref<10240x32xf32, #tpu.memory_space<vmem_shared>>, %arg34: memref<10240x32xf32, #tpu.memory_space<vmem_shared>>) attributes {dimension_semantics = [#tpu.dimension_semantics<core_parallel>, #tpu.dimension_semantics<subcore_parallel>], iteration_bounds = array<i64: 2, 16>, scalar_prefetch = 0 : i64, scratch_operands = 28 : i64, tpu.core_type = #tpu.core_type<sc_vector_subcore>, window_params = [{transform_indices = #map}, {transform_indices = #map}, {transform_indices = #map}, {transform_indices = #map}, {transform_indices = #map1}]} {
    %mul3A = arith.constant 640 : i32
    %mul3A_0 = arith.muli %arg1, %mul3A : i32
    %mul3A_1 = arith.constant 32 : i32
    %mul3A_2 = arith.muli %arg0, %mul3A_1 : i32
    %mul3A_3 = arith.constant 640 : i32
    %mul3A_4 = arith.muli %arg1, %mul3A_3 : i32
    "tpu.region"() ({
      %run_scoped3A = tpu.sem_alloc : memref<!tpu.dma_semaphore, #tpu.memory_space<semaphore_mem>>
      %dma_start3A = arith.constant 0 : i32
      %dma_start3A_76 = tpu.memref_slice %arg34[%mul3A_4, %dma_start3A] : memref<10240x32xf32, #tpu.memory_space<vmem_shared>> -> memref<640x32xf32, #tpu.memory_space<vmem_shared>>
      %dma_start3A_77 = tpu.memref_slice %arg2[%mul3A_0, %mul3A_2] : memref<10240x64xf32, #tpu.memory_space<hbm>> -> memref<640x32xf32, #tpu.memory_space<hbm>>
      tpu.enqueue_dma source(%dma_start3A_77 : memref<640x32xf32, #tpu.memory_space<hbm>>) target(%dma_start3A_76 : memref<640x32xf32, #tpu.memory_space<vmem_shared>>) target_semaphore(%run_scoped3A : memref<!tpu.dma_semaphore, #tpu.memory_space<semaphore_mem>>)
      %dma_wait3A_78 = arith.constant 0 : i32
      %dma_wait3A_79 = tpu.memref_slice %arg34[%mul3A_4, %dma_wait3A_78] : memref<10240x32xf32, #tpu.memory_space<vmem_shared>> -> memref<640x32xf32, #tpu.memory_space<vmem_shared>>
      %dma_wait3A_80 = tpu.memref_slice %arg2[%mul3A_0, %mul3A_2] : memref<10240x64xf32, #tpu.memory_space<hbm>> -> memref<640x32xf32, #tpu.memory_space<hbm>>
      tpu.wait_dma2 semaphore(%run_scoped3A : memref<!tpu.dma_semaphore, #tpu.memory_space<semaphore_mem>>) src(%dma_wait3A_80 : memref<640x32xf32, #tpu.memory_space<hbm>>) dst(%dma_wait3A_79 : memref<640x32xf32, #tpu.memory_space<vmem_shared>>)
      tpu.yield
    }) : () -> ()
    %mul3A_5 = arith.constant 640 : i32
    %mul3A_6 = arith.muli %arg1, %mul3A_5 : i32
    "tpu.region"() ({
      %run_scoped3A = tpu.sem_alloc : memref<!tpu.dma_semaphore, #tpu.memory_space<semaphore_mem>>
      %dma_start3A = arith.constant 0 : i32
      %dma_start3A_76 = tpu.memref_slice %arg33[%mul3A_6, %dma_start3A] : memref<10240x32xf32, #tpu.memory_space<vmem_shared>> -> memref<640x32xf32, #tpu.memory_space<vmem_shared>>
      tpu.enqueue_dma source(%arg5 : memref<640x32xf32, #tpu.memory_space<hbm>>) target(%dma_start3A_76 : memref<640x32xf32, #tpu.memory_space<vmem_shared>>) target_semaphore(%run_scoped3A : memref<!tpu.dma_semaphore, #tpu.memory_space<semaphore_mem>>)
      %dma_wait3A_77 = arith.constant 0 : i32
      %dma_wait3A_78 = tpu.memref_slice %arg33[%mul3A_6, %dma_wait3A_77] : memref<10240x32xf32, #tpu.memory_space<vmem_shared>> -> memref<640x32xf32, #tpu.memory_space<vmem_shared>>
      tpu.wait_dma2 semaphore(%run_scoped3A : memref<!tpu.dma_semaphore, #tpu.memory_space<semaphore_mem>>) src(%arg5 : memref<640x32xf32, #tpu.memory_space<hbm>>) dst(%dma_wait3A_78 : memref<640x32xf32, #tpu.memory_space<vmem_shared>>)
      tpu.yield
    }) : () -> ()
    %mul3A_7 = arith.constant 160 : i32
    %mul3A_8 = arith.muli %arg1, %mul3A_7 : i32
    "tpu.region"() ({
      %run_scoped3A = tpu.sem_alloc : memref<!tpu.dma_semaphore, #tpu.memory_space<semaphore_mem>>
      %dma_start3A = arith.constant 0 : i32
      %dma_start3A_76 = tpu.memref_slice %arg3[%mul3A_8, %dma_start3A] : memref<2560x128xi32, #tpu.memory_space<hbm>> -> memref<160x128xi32, #tpu.memory_space<hbm>>
      %dma_start3A_77 = arith.constant 0 : i32
      %dma_start3A_78 = tpu.memref_slice %arg3[%mul3A_8, %dma_start3A_77] : memref<2560x128xi32, #tpu.memory_space<hbm>> -> memref<160x128xi32, #tpu.memory_space<hbm>>
      tpu.enqueue_dma source(%dma_start3A_78 : memref<160x128xi32, #tpu.memory_space<hbm>>) target(%arg7 : memref<160x128xi32, #tpu.memory_space<vmem>>) target_semaphore(%run_scoped3A : memref<!tpu.dma_semaphore, #tpu.memory_space<semaphore_mem>>)
      %dma_wait3A_79 = arith.constant 0 : i32
      %dma_wait3A_80 = tpu.memref_slice %arg3[%mul3A_8, %dma_wait3A_79] : memref<2560x128xi32, #tpu.memory_space<hbm>> -> memref<160x128xi32, #tpu.memory_space<hbm>>
      %dma_wait3A_81 = arith.constant 0 : i32
      %dma_wait3A_82 = tpu.memref_slice %arg3[%mul3A_8, %dma_wait3A_81] : memref<2560x128xi32, #tpu.memory_space<hbm>> -> memref<160x128xi32, #tpu.memory_space<hbm>>
      tpu.wait_dma2 semaphore(%run_scoped3A : memref<!tpu.dma_semaphore, #tpu.memory_space<semaphore_mem>>) src(%dma_wait3A_82 : memref<160x128xi32, #tpu.memory_space<hbm>>) dst(%arg7 : memref<160x128xi32, #tpu.memory_space<vmem>>)
      tpu.yield
    }) : () -> ()
    %mul3A_9 = arith.constant 160 : i32
    %mul3A_10 = arith.muli %arg1, %mul3A_9 : i32
    "tpu.region"() ({
      %run_scoped3A = tpu.sem_alloc : memref<!tpu.dma_semaphore, #tpu.memory_space<semaphore_mem>>
      %dma_start3A = arith.constant 0 : i32
      %dma_start3A_76 = tpu.memref_slice %arg4[%mul3A_10, %dma_start3A] : memref<2560x128xi32, #tpu.memory_space<hbm>> -> memref<160x128xi32, #tpu.memory_space<hbm>>
      %dma_start3A_77 = arith.constant 0 : i32
      %dma_start3A_78 = tpu.memref_slice %arg4[%mul3A_10, %dma_start3A_77] : memref<2560x128xi32, #tpu.memory_space<hbm>> -> memref<160x128xi32, #tpu.memory_space<hbm>>
      tpu.enqueue_dma source(%dma_start3A_78 : memref<160x128xi32, #tpu.memory_space<hbm>>) target(%arg8 : memref<160x128xi32, #tpu.memory_space<vmem>>) target_semaphore(%run_scoped3A : memref<!tpu.dma_semaphore, #tpu.memory_space<semaphore_mem>>)
      %dma_wait3A_79 = arith.constant 0 : i32
      %dma_wait3A_80 = tpu.memref_slice %arg4[%mul3A_10, %dma_wait3A_79] : memref<2560x128xi32, #tpu.memory_space<hbm>> -> memref<160x128xi32, #tpu.memory_space<hbm>>
      %dma_wait3A_81 = arith.constant 0 : i32
      %dma_wait3A_82 = tpu.memref_slice %arg4[%mul3A_10, %dma_wait3A_81] : memref<2560x128xi32, #tpu.memory_space<hbm>> -> memref<160x128xi32, #tpu.memory_space<hbm>>
      tpu.wait_dma2 semaphore(%run_scoped3A : memref<!tpu.dma_semaphore, #tpu.memory_space<semaphore_mem>>) src(%dma_wait3A_82 : memref<160x128xi32, #tpu.memory_space<hbm>>) dst(%arg8 : memref<160x128xi32, #tpu.memory_space<vmem>>)
      tpu.yield
    }) : () -> ()
    %barrier3A = arith.constant 0 : index
    tpu.barrier barrier_id(%barrier3A)
    %scan3A = arith.constant 0 : i32
    %scan3A_11 = arith.constant 0 : i32
    %scan3A_12 = arith.constant 20 : i32
    %scan3A_13 = arith.addi %scan3A_11, %scan3A_12 : i32
    %scan3A_14 = arith.constant 1 : i32
    scf.for %scan3A_76 = %scan3A_11 to %scan3A_13 step %scan3A_14  : i32 {
      %mul3A_77 = arith.constant 8 : i32
      %mul3A_78 = arith.muli %scan3A_76, %mul3A_77 : i32
      %gt3A = arith.constant 0 : i32
      %gt3A_79 = arith.cmpi sgt, %scan3A_76, %gt3A : i32
      %convert_element_type3A = arith.extui %gt3A_79 : i1 to i32
      %cond3A = arith.constant 0 : i32
      %cond3A_80 = arith.cmpi ne, %convert_element_type3A, %cond3A : i32
      scf.if %cond3A_80 {
        %dma_wait3A_298 = arith.constant 0 : i32
        %dma_wait3A_299 = arith.constant 0 : i32
        %dma_wait3A_300 = tpu.memref_slice %arg8[%dma_wait3A_298, %dma_wait3A_299] : memref<160x128xi32, #tpu.memory_space<vmem>> -> memref<1x128xi32, #tpu.memory_space<vmem>>
        %dma_wait3A_301 = tpu.memref_squeeze %dma_wait3A_300 : memref<1x128xi32, #tpu.memory_space<vmem>> -> memref<128xi32, #tpu.memory_space<vmem>>
        %dma_wait3A_302 = arith.constant 0 : i32
        %dma_wait3A_303 = arith.constant 0 : i32
        %dma_wait3A_304 = tpu.memref_slice %arg33[%dma_wait3A_302, %dma_wait3A_303] : memref<10240x32xf32, #tpu.memory_space<vmem_shared>> -> memref<10240x32xf32, #tpu.memory_space<vmem_shared>>
        tpu.wait_indirect_dma semaphore(%arg25 : memref<!tpu.dma_semaphore, #tpu.memory_space<semaphore_mem>>) src(%arg9 : memref<128x32xf32, #tpu.memory_space<vmem>>) dst(%dma_wait3A_304 : memref<10240x32xf32, #tpu.memory_space<vmem_shared>>)
      } else {
      }
      %add3A = arith.constant 0 : i32
      %add3A_81 = arith.addi %mul3A_78, %add3A : i32
      %dma_start3A = arith.constant 0 : i32
      %dma_start3A_82 = tpu.memref_slice %arg7[%add3A_81, %dma_start3A] : memref<160x128xi32, #tpu.memory_space<vmem>> -> memref<1x128xi32, #tpu.memory_space<vmem>>
      %dma_start3A_83 = tpu.memref_squeeze %dma_start3A_82 : memref<1x128xi32, #tpu.memory_space<vmem>> -> memref<128xi32, #tpu.memory_space<vmem>>
      %dma_start3A_84 = arith.constant 0 : i32
      %dma_start3A_85 = arith.constant 0 : i32
      %dma_start3A_86 = tpu.memref_slice %arg34[%dma_start3A_84, %dma_start3A_85] : memref<10240x32xf32, #tpu.memory_space<vmem_shared>> -> memref<10240x32xf32, #tpu.memory_space<vmem_shared>>
      tpu.enqueue_indirect_dma source(%dma_start3A_86 : memref<10240x32xf32, #tpu.memory_space<vmem_shared>>) target(%arg9 : memref<128x32xf32, #tpu.memory_space<vmem>>) offsets(%dma_start3A_83 : memref<128xi32, #tpu.memory_space<vmem>>) semaphore(%arg17 : memref<!tpu.dma_semaphore, #tpu.memory_space<semaphore_mem>>)
      %gt3A_87 = arith.constant 0 : i32
      %gt3A_88 = arith.cmpi sgt, %scan3A_76, %gt3A_87 : i32
      %convert_element_type3A_89 = arith.extui %gt3A_88 : i1 to i32
      %cond3A_90 = arith.constant 0 : i32
      %cond3A_91 = arith.cmpi ne, %convert_element_type3A_89, %cond3A_90 : i32
      scf.if %cond3A_91 {
        %dma_wait3A_298 = arith.constant 0 : i32
        %dma_wait3A_299 = arith.constant 0 : i32
        %dma_wait3A_300 = tpu.memref_slice %arg8[%dma_wait3A_298, %dma_wait3A_299] : memref<160x128xi32, #tpu.memory_space<vmem>> -> memref<1x128xi32, #tpu.memory_space<vmem>>
        %dma_wait3A_301 = tpu.memref_squeeze %dma_wait3A_300 : memref<1x128xi32, #tpu.memory_space<vmem>> -> memref<128xi32, #tpu.memory_space<vmem>>
        %dma_wait3A_302 = arith.constant 0 : i32
        %dma_wait3A_303 = arith.constant 0 : i32
        %dma_wait3A_304 = tpu.memref_slice %arg33[%dma_wait3A_302, %dma_wait3A_303] : memref<10240x32xf32, #tpu.memory_space<vmem_shared>> -> memref<10240x32xf32, #tpu.memory_space<vmem_shared>>
        tpu.wait_indirect_dma semaphore(%arg26 : memref<!tpu.dma_semaphore, #tpu.memory_space<semaphore_mem>>) src(%arg10 : memref<128x32xf32, #tpu.memory_space<vmem>>) dst(%dma_wait3A_304 : memref<10240x32xf32, #tpu.memory_space<vmem_shared>>)
      } else {
      }
      %add3A_92 = arith.constant 1 : i32
      %add3A_93 = arith.addi %mul3A_78, %add3A_92 : i32
      %dma_start3A_94 = arith.constant 0 : i32
      %dma_start3A_95 = tpu.memref_slice %arg7[%add3A_93, %dma_start3A_94] : memref<160x128xi32, #tpu.memory_space<vmem>> -> memref<1x128xi32, #tpu.memory_space<vmem>>
      %dma_start3A_96 = tpu.memref_squeeze %dma_start3A_95 : memref<1x128xi32, #tpu.memory_space<vmem>> -> memref<128xi32, #tpu.memory_space<vmem>>
      %dma_start3A_97 = arith.constant 0 : i32
      %dma_start3A_98 = arith.constant 0 : i32
      %dma_start3A_99 = tpu.memref_slice %arg34[%dma_start3A_97, %dma_start3A_98] : memref<10240x32xf32, #tpu.memory_space<vmem_shared>> -> memref<10240x32xf32, #tpu.memory_space<vmem_shared>>
      tpu.enqueue_indirect_dma source(%dma_start3A_99 : memref<10240x32xf32, #tpu.memory_space<vmem_shared>>) target(%arg10 : memref<128x32xf32, #tpu.memory_space<vmem>>) offsets(%dma_start3A_96 : memref<128xi32, #tpu.memory_space<vmem>>) semaphore(%arg18 : memref<!tpu.dma_semaphore, #tpu.memory_space<semaphore_mem>>)
      %gt3A_100 = arith.constant 0 : i32
      %gt3A_101 = arith.cmpi sgt, %scan3A_76, %gt3A_100 : i32
      %convert_element_type3A_102 = arith.extui %gt3A_101 : i1 to i32
      %cond3A_103 = arith.constant 0 : i32
      %cond3A_104 = arith.cmpi ne, %convert_element_type3A_102, %cond3A_103 : i32
      scf.if %cond3A_104 {
        %dma_wait3A_298 = arith.constant 0 : i32
        %dma_wait3A_299 = arith.constant 0 : i32
        %dma_wait3A_300 = tpu.memref_slice %arg8[%dma_wait3A_298, %dma_wait3A_299] : memref<160x128xi32, #tpu.memory_space<vmem>> -> memref<1x128xi32, #tpu.memory_space<vmem>>
        %dma_wait3A_301 = tpu.memref_squeeze %dma_wait3A_300 : memref<1x128xi32, #tpu.memory_space<vmem>> -> memref<128xi32, #tpu.memory_space<vmem>>
        %dma_wait3A_302 = arith.constant 0 : i32
        %dma_wait3A_303 = arith.constant 0 : i32
        %dma_wait3A_304 = tpu.memref_slice %arg33[%dma_wait3A_302, %dma_wait3A_303] : memref<10240x32xf32, #tpu.memory_space<vmem_shared>> -> memref<10240x32xf32, #tpu.memory_space<vmem_shared>>
        tpu.wait_indirect_dma semaphore(%arg27 : memref<!tpu.dma_semaphore, #tpu.memory_space<semaphore_mem>>) src(%arg11 : memref<128x32xf32, #tpu.memory_space<vmem>>) dst(%dma_wait3A_304 : memref<10240x32xf32, #tpu.memory_space<vmem_shared>>)
      } else {
      }
      %add3A_105 = arith.constant 2 : i32
      %add3A_106 = arith.addi %mul3A_78, %add3A_105 : i32
      %dma_start3A_107 = arith.constant 0 : i32
      %dma_start3A_108 = tpu.memref_slice %arg7[%add3A_106, %dma_start3A_107] : memref<160x128xi32, #tpu.memory_space<vmem>> -> memref<1x128xi32, #tpu.memory_space<vmem>>
      %dma_start3A_109 = tpu.memref_squeeze %dma_start3A_108 : memref<1x128xi32, #tpu.memory_space<vmem>> -> memref<128xi32, #tpu.memory_space<vmem>>
      %dma_start3A_110 = arith.constant 0 : i32
      %dma_start3A_111 = arith.constant 0 : i32
      %dma_start3A_112 = tpu.memref_slice %arg34[%dma_start3A_110, %dma_start3A_111] : memref<10240x32xf32, #tpu.memory_space<vmem_shared>> -> memref<10240x32xf32, #tpu.memory_space<vmem_shared>>
      tpu.enqueue_indirect_dma source(%dma_start3A_112 : memref<10240x32xf32, #tpu.memory_space<vmem_shared>>) target(%arg11 : memref<128x32xf32, #tpu.memory_space<vmem>>) offsets(%dma_start3A_109 : memref<128xi32, #tpu.memory_space<vmem>>) semaphore(%arg19 : memref<!tpu.dma_semaphore, #tpu.memory_space<semaphore_mem>>)
      %gt3A_113 = arith.constant 0 : i32
      %gt3A_114 = arith.cmpi sgt, %scan3A_76, %gt3A_113 : i32
      %convert_element_type3A_115 = arith.extui %gt3A_114 : i1 to i32
      %cond3A_116 = arith.constant 0 : i32
      %cond3A_117 = arith.cmpi ne, %convert_element_type3A_115, %cond3A_116 : i32
      scf.if %cond3A_117 {
        %dma_wait3A_298 = arith.constant 0 : i32
        %dma_wait3A_299 = arith.constant 0 : i32
        %dma_wait3A_300 = tpu.memref_slice %arg8[%dma_wait3A_298, %dma_wait3A_299] : memref<160x128xi32, #tpu.memory_space<vmem>> -> memref<1x128xi32, #tpu.memory_space<vmem>>
        %dma_wait3A_301 = tpu.memref_squeeze %dma_wait3A_300 : memref<1x128xi32, #tpu.memory_space<vmem>> -> memref<128xi32, #tpu.memory_space<vmem>>
        %dma_wait3A_302 = arith.constant 0 : i32
        %dma_wait3A_303 = arith.constant 0 : i32
        %dma_wait3A_304 = tpu.memref_slice %arg33[%dma_wait3A_302, %dma_wait3A_303] : memref<10240x32xf32, #tpu.memory_space<vmem_shared>> -> memref<10240x32xf32, #tpu.memory_space<vmem_shared>>
        tpu.wait_indirect_dma semaphore(%arg28 : memref<!tpu.dma_semaphore, #tpu.memory_space<semaphore_mem>>) src(%arg12 : memref<128x32xf32, #tpu.memory_space<vmem>>) dst(%dma_wait3A_304 : memref<10240x32xf32, #tpu.memory_space<vmem_shared>>)
      } else {
      }
      %add3A_118 = arith.constant 3 : i32
      %add3A_119 = arith.addi %mul3A_78, %add3A_118 : i32
      %dma_start3A_120 = arith.constant 0 : i32
      %dma_start3A_121 = tpu.memref_slice %arg7[%add3A_119, %dma_start3A_120] : memref<160x128xi32, #tpu.memory_space<vmem>> -> memref<1x128xi32, #tpu.memory_space<vmem>>
      %dma_start3A_122 = tpu.memref_squeeze %dma_start3A_121 : memref<1x128xi32, #tpu.memory_space<vmem>> -> memref<128xi32, #tpu.memory_space<vmem>>
      %dma_start3A_123 = arith.constant 0 : i32
      %dma_start3A_124 = arith.constant 0 : i32
      %dma_start3A_125 = tpu.memref_slice %arg34[%dma_start3A_123, %dma_start3A_124] : memref<10240x32xf32, #tpu.memory_space<vmem_shared>> -> memref<10240x32xf32, #tpu.memory_space<vmem_shared>>
      tpu.enqueue_indirect_dma source(%dma_start3A_125 : memref<10240x32xf32, #tpu.memory_space<vmem_shared>>) target(%arg12 : memref<128x32xf32, #tpu.memory_space<vmem>>) offsets(%dma_start3A_122 : memref<128xi32, #tpu.memory_space<vmem>>) semaphore(%arg20 : memref<!tpu.dma_semaphore, #tpu.memory_space<semaphore_mem>>)
      %gt3A_126 = arith.constant 0 : i32
      %gt3A_127 = arith.cmpi sgt, %scan3A_76, %gt3A_126 : i32
      %convert_element_type3A_128 = arith.extui %gt3A_127 : i1 to i32
      %cond3A_129 = arith.constant 0 : i32
      %cond3A_130 = arith.cmpi ne, %convert_element_type3A_128, %cond3A_129 : i32
      scf.if %cond3A_130 {
        %dma_wait3A_298 = arith.constant 0 : i32
        %dma_wait3A_299 = arith.constant 0 : i32
        %dma_wait3A_300 = tpu.memref_slice %arg8[%dma_wait3A_298, %dma_wait3A_299] : memref<160x128xi32, #tpu.memory_space<vmem>> -> memref<1x128xi32, #tpu.memory_space<vmem>>
        %dma_wait3A_301 = tpu.memref_squeeze %dma_wait3A_300 : memref<1x128xi32, #tpu.memory_space<vmem>> -> memref<128xi32, #tpu.memory_space<vmem>>
        %dma_wait3A_302 = arith.constant 0 : i32
        %dma_wait3A_303 = arith.constant 0 : i32
        %dma_wait3A_304 = tpu.memref_slice %arg33[%dma_wait3A_302, %dma_wait3A_303] : memref<10240x32xf32, #tpu.memory_space<vmem_shared>> -> memref<10240x32xf32, #tpu.memory_space<vmem_shared>>
        tpu.wait_indirect_dma semaphore(%arg29 : memref<!tpu.dma_semaphore, #tpu.memory_space<semaphore_mem>>) src(%arg13 : memref<128x32xf32, #tpu.memory_space<vmem>>) dst(%dma_wait3A_304 : memref<10240x32xf32, #tpu.memory_space<vmem_shared>>)
      } else {
      }
      %add3A_131 = arith.constant 4 : i32
      %add3A_132 = arith.addi %mul3A_78, %add3A_131 : i32
      %dma_start3A_133 = arith.constant 0 : i32
      %dma_start3A_134 = tpu.memref_slice %arg7[%add3A_132, %dma_start3A_133] : memref<160x128xi32, #tpu.memory_space<vmem>> -> memref<1x128xi32, #tpu.memory_space<vmem>>
      %dma_start3A_135 = tpu.memref_squeeze %dma_start3A_134 : memref<1x128xi32, #tpu.memory_space<vmem>> -> memref<128xi32, #tpu.memory_space<vmem>>
      %dma_start3A_136 = arith.constant 0 : i32
      %dma_start3A_137 = arith.constant 0 : i32
      %dma_start3A_138 = tpu.memref_slice %arg34[%dma_start3A_136, %dma_start3A_137] : memref<10240x32xf32, #tpu.memory_space<vmem_shared>> -> memref<10240x32xf32, #tpu.memory_space<vmem_shared>>
      tpu.enqueue_indirect_dma source(%dma_start3A_138 : memref<10240x32xf32, #tpu.memory_space<vmem_shared>>) target(%arg13 : memref<128x32xf32, #tpu.memory_space<vmem>>) offsets(%dma_start3A_135 : memref<128xi32, #tpu.memory_space<vmem>>) semaphore(%arg21 : memref<!tpu.dma_semaphore, #tpu.memory_space<semaphore_mem>>)
      %gt3A_139 = arith.constant 0 : i32
      %gt3A_140 = arith.cmpi sgt, %scan3A_76, %gt3A_139 : i32
      %convert_element_type3A_141 = arith.extui %gt3A_140 : i1 to i32
      %cond3A_142 = arith.constant 0 : i32
      %cond3A_143 = arith.cmpi ne, %convert_element_type3A_141, %cond3A_142 : i32
      scf.if %cond3A_143 {
        %dma_wait3A_298 = arith.constant 0 : i32
        %dma_wait3A_299 = arith.constant 0 : i32
        %dma_wait3A_300 = tpu.memref_slice %arg8[%dma_wait3A_298, %dma_wait3A_299] : memref<160x128xi32, #tpu.memory_space<vmem>> -> memref<1x128xi32, #tpu.memory_space<vmem>>
        %dma_wait3A_301 = tpu.memref_squeeze %dma_wait3A_300 : memref<1x128xi32, #tpu.memory_space<vmem>> -> memref<128xi32, #tpu.memory_space<vmem>>
        %dma_wait3A_302 = arith.constant 0 : i32
        %dma_wait3A_303 = arith.constant 0 : i32
        %dma_wait3A_304 = tpu.memref_slice %arg33[%dma_wait3A_302, %dma_wait3A_303] : memref<10240x32xf32, #tpu.memory_space<vmem_shared>> -> memref<10240x32xf32, #tpu.memory_space<vmem_shared>>
        tpu.wait_indirect_dma semaphore(%arg30 : memref<!tpu.dma_semaphore, #tpu.memory_space<semaphore_mem>>) src(%arg14 : memref<128x32xf32, #tpu.memory_space<vmem>>) dst(%dma_wait3A_304 : memref<10240x32xf32, #tpu.memory_space<vmem_shared>>)
      } else {
      }
      %add3A_144 = arith.constant 5 : i32
      %add3A_145 = arith.addi %mul3A_78, %add3A_144 : i32
      %dma_start3A_146 = arith.constant 0 : i32
      %dma_start3A_147 = tpu.memref_slice %arg7[%add3A_145, %dma_start3A_146] : memref<160x128xi32, #tpu.memory_space<vmem>> -> memref<1x128xi32, #tpu.memory_space<vmem>>
      %dma_start3A_148 = tpu.memref_squeeze %dma_start3A_147 : memref<1x128xi32, #tpu.memory_space<vmem>> -> memref<128xi32, #tpu.memory_space<vmem>>
      %dma_start3A_149 = arith.constant 0 : i32
      %dma_start3A_150 = arith.constant 0 : i32
      %dma_start3A_151 = tpu.memref_slice %arg34[%dma_start3A_149, %dma_start3A_150] : memref<10240x32xf32, #tpu.memory_space<vmem_shared>> -> memref<10240x32xf32, #tpu.memory_space<vmem_shared>>
      tpu.enqueue_indirect_dma source(%dma_start3A_151 : memref<10240x32xf32, #tpu.memory_space<vmem_shared>>) target(%arg14 : memref<128x32xf32, #tpu.memory_space<vmem>>) offsets(%dma_start3A_148 : memref<128xi32, #tpu.memory_space<vmem>>) semaphore(%arg22 : memref<!tpu.dma_semaphore, #tpu.memory_space<semaphore_mem>>)
      %gt3A_152 = arith.constant 0 : i32
      %gt3A_153 = arith.cmpi sgt, %scan3A_76, %gt3A_152 : i32
      %convert_element_type3A_154 = arith.extui %gt3A_153 : i1 to i32
      %cond3A_155 = arith.constant 0 : i32
      %cond3A_156 = arith.cmpi ne, %convert_element_type3A_154, %cond3A_155 : i32
      scf.if %cond3A_156 {
        %dma_wait3A_298 = arith.constant 0 : i32
        %dma_wait3A_299 = arith.constant 0 : i32
        %dma_wait3A_300 = tpu.memref_slice %arg8[%dma_wait3A_298, %dma_wait3A_299] : memref<160x128xi32, #tpu.memory_space<vmem>> -> memref<1x128xi32, #tpu.memory_space<vmem>>
        %dma_wait3A_301 = tpu.memref_squeeze %dma_wait3A_300 : memref<1x128xi32, #tpu.memory_space<vmem>> -> memref<128xi32, #tpu.memory_space<vmem>>
        %dma_wait3A_302 = arith.constant 0 : i32
        %dma_wait3A_303 = arith.constant 0 : i32
        %dma_wait3A_304 = tpu.memref_slice %arg33[%dma_wait3A_302, %dma_wait3A_303] : memref<10240x32xf32, #tpu.memory_space<vmem_shared>> -> memref<10240x32xf32, #tpu.memory_space<vmem_shared>>
        tpu.wait_indirect_dma semaphore(%arg31 : memref<!tpu.dma_semaphore, #tpu.memory_space<semaphore_mem>>) src(%arg15 : memref<128x32xf32, #tpu.memory_space<vmem>>) dst(%dma_wait3A_304 : memref<10240x32xf32, #tpu.memory_space<vmem_shared>>)
      } else {
      }
      %add3A_157 = arith.constant 6 : i32
      %add3A_158 = arith.addi %mul3A_78, %add3A_157 : i32
      %dma_start3A_159 = arith.constant 0 : i32
      %dma_start3A_160 = tpu.memref_slice %arg7[%add3A_158, %dma_start3A_159] : memref<160x128xi32, #tpu.memory_space<vmem>> -> memref<1x128xi32, #tpu.memory_space<vmem>>
      %dma_start3A_161 = tpu.memref_squeeze %dma_start3A_160 : memref<1x128xi32, #tpu.memory_space<vmem>> -> memref<128xi32, #tpu.memory_space<vmem>>
      %dma_start3A_162 = arith.constant 0 : i32
      %dma_start3A_163 = arith.constant 0 : i32
      %dma_start3A_164 = tpu.memref_slice %arg34[%dma_start3A_162, %dma_start3A_163] : memref<10240x32xf32, #tpu.memory_space<vmem_shared>> -> memref<10240x32xf32, #tpu.memory_space<vmem_shared>>
      tpu.enqueue_indirect_dma source(%dma_start3A_164 : memref<10240x32xf32, #tpu.memory_space<vmem_shared>>) target(%arg15 : memref<128x32xf32, #tpu.memory_space<vmem>>) offsets(%dma_start3A_161 : memref<128xi32, #tpu.memory_space<vmem>>) semaphore(%arg23 : memref<!tpu.dma_semaphore, #tpu.memory_space<semaphore_mem>>)
      %gt3A_165 = arith.constant 0 : i32
      %gt3A_166 = arith.cmpi sgt, %scan3A_76, %gt3A_165 : i32
      %convert_element_type3A_167 = arith.extui %gt3A_166 : i1 to i32
      %cond3A_168 = arith.constant 0 : i32
      %cond3A_169 = arith.cmpi ne, %convert_element_type3A_167, %cond3A_168 : i32
      scf.if %cond3A_169 {
        %dma_wait3A_298 = arith.constant 0 : i32
        %dma_wait3A_299 = arith.constant 0 : i32
        %dma_wait3A_300 = tpu.memref_slice %arg8[%dma_wait3A_298, %dma_wait3A_299] : memref<160x128xi32, #tpu.memory_space<vmem>> -> memref<1x128xi32, #tpu.memory_space<vmem>>
        %dma_wait3A_301 = tpu.memref_squeeze %dma_wait3A_300 : memref<1x128xi32, #tpu.memory_space<vmem>> -> memref<128xi32, #tpu.memory_space<vmem>>
        %dma_wait3A_302 = arith.constant 0 : i32
        %dma_wait3A_303 = arith.constant 0 : i32
        %dma_wait3A_304 = tpu.memref_slice %arg33[%dma_wait3A_302, %dma_wait3A_303] : memref<10240x32xf32, #tpu.memory_space<vmem_shared>> -> memref<10240x32xf32, #tpu.memory_space<vmem_shared>>
        tpu.wait_indirect_dma semaphore(%arg32 : memref<!tpu.dma_semaphore, #tpu.memory_space<semaphore_mem>>) src(%arg16 : memref<128x32xf32, #tpu.memory_space<vmem>>) dst(%dma_wait3A_304 : memref<10240x32xf32, #tpu.memory_space<vmem_shared>>)
      } else {
      }
      %add3A_170 = arith.constant 7 : i32
      %add3A_171 = arith.addi %mul3A_78, %add3A_170 : i32
      %dma_start3A_172 = arith.constant 0 : i32
      %dma_start3A_173 = tpu.memref_slice %arg7[%add3A_171, %dma_start3A_172] : memref<160x128xi32, #tpu.memory_space<vmem>> -> memref<1x128xi32, #tpu.memory_space<vmem>>
      %dma_start3A_174 = tpu.memref_squeeze %dma_start3A_173 : memref<1x128xi32, #tpu.memory_space<vmem>> -> memref<128xi32, #tpu.memory_space<vmem>>
      %dma_start3A_175 = arith.constant 0 : i32
      %dma_start3A_176 = arith.constant 0 : i32
      %dma_start3A_177 = tpu.memref_slice %arg34[%dma_start3A_175, %dma_start3A_176] : memref<10240x32xf32, #tpu.memory_space<vmem_shared>> -> memref<10240x32xf32, #tpu.memory_space<vmem_shared>>
      tpu.enqueue_indirect_dma source(%dma_start3A_177 : memref<10240x32xf32, #tpu.memory_space<vmem_shared>>) target(%arg16 : memref<128x32xf32, #tpu.memory_space<vmem>>) offsets(%dma_start3A_174 : memref<128xi32, #tpu.memory_space<vmem>>) semaphore(%arg24 : memref<!tpu.dma_semaphore, #tpu.memory_space<semaphore_mem>>)
      %dma_wait3A_178 = arith.constant 0 : i32
      %dma_wait3A_179 = arith.constant 0 : i32
      %dma_wait3A_180 = tpu.memref_slice %arg7[%dma_wait3A_178, %dma_wait3A_179] : memref<160x128xi32, #tpu.memory_space<vmem>> -> memref<1x128xi32, #tpu.memory_space<vmem>>
      %dma_wait3A_181 = tpu.memref_squeeze %dma_wait3A_180 : memref<1x128xi32, #tpu.memory_space<vmem>> -> memref<128xi32, #tpu.memory_space<vmem>>
      %dma_wait3A_182 = arith.constant 0 : i32
      %dma_wait3A_183 = arith.constant 0 : i32
      %dma_wait3A_184 = tpu.memref_slice %arg34[%dma_wait3A_182, %dma_wait3A_183] : memref<10240x32xf32, #tpu.memory_space<vmem_shared>> -> memref<10240x32xf32, #tpu.memory_space<vmem_shared>>
      tpu.wait_indirect_dma semaphore(%arg17 : memref<!tpu.dma_semaphore, #tpu.memory_space<semaphore_mem>>) src(%dma_wait3A_184 : memref<10240x32xf32, #tpu.memory_space<vmem_shared>>) dst(%arg9 : memref<128x32xf32, #tpu.memory_space<vmem>>)
      %add3A_185 = arith.constant 0 : i32
      %add3A_186 = arith.addi %mul3A_78, %add3A_185 : i32
      %dma_start3A_187 = arith.constant 0 : i32
      %dma_start3A_188 = tpu.memref_slice %arg8[%add3A_186, %dma_start3A_187] : memref<160x128xi32, #tpu.memory_space<vmem>> -> memref<1x128xi32, #tpu.memory_space<vmem>>
      %dma_start3A_189 = tpu.memref_squeeze %dma_start3A_188 : memref<1x128xi32, #tpu.memory_space<vmem>> -> memref<128xi32, #tpu.memory_space<vmem>>
      %dma_start3A_190 = arith.constant 0 : i32
      %dma_start3A_191 = arith.constant 0 : i32
      %dma_start3A_192 = tpu.memref_slice %arg33[%dma_start3A_190, %dma_start3A_191] : memref<10240x32xf32, #tpu.memory_space<vmem_shared>> -> memref<10240x32xf32, #tpu.memory_space<vmem_shared>>
      tpu.enqueue_indirect_dma source(%arg9 : memref<128x32xf32, #tpu.memory_space<vmem>>) target(%dma_start3A_192 : memref<10240x32xf32, #tpu.memory_space<vmem_shared>>) offsets(%dma_start3A_189 : memref<128xi32, #tpu.memory_space<vmem>>) semaphore(%arg25 : memref<!tpu.dma_semaphore, #tpu.memory_space<semaphore_mem>>) {add = true}
      %dma_wait3A_193 = arith.constant 0 : i32
      %dma_wait3A_194 = arith.constant 0 : i32
      %dma_wait3A_195 = tpu.memref_slice %arg7[%dma_wait3A_193, %dma_wait3A_194] : memref<160x128xi32, #tpu.memory_space<vmem>> -> memref<1x128xi32, #tpu.memory_space<vmem>>
      %dma_wait3A_196 = tpu.memref_squeeze %dma_wait3A_195 : memref<1x128xi32, #tpu.memory_space<vmem>> -> memref<128xi32, #tpu.memory_space<vmem>>
      %dma_wait3A_197 = arith.constant 0 : i32
      %dma_wait3A_198 = arith.constant 0 : i32
      %dma_wait3A_199 = tpu.memref_slice %arg34[%dma_wait3A_197, %dma_wait3A_198] : memref<10240x32xf32, #tpu.memory_space<vmem_shared>> -> memref<10240x32xf32, #tpu.memory_space<vmem_shared>>
      tpu.wait_indirect_dma semaphore(%arg18 : memref<!tpu.dma_semaphore, #tpu.memory_space<semaphore_mem>>) src(%dma_wait3A_199 : memref<10240x32xf32, #tpu.memory_space<vmem_shared>>) dst(%arg10 : memref<128x32xf32, #tpu.memory_space<vmem>>)
      %add3A_200 = arith.constant 1 : i32
      %add3A_201 = arith.addi %mul3A_78, %add3A_200 : i32
      %dma_start3A_202 = arith.constant 0 : i32
      %dma_start3A_203 = tpu.memref_slice %arg8[%add3A_201, %dma_start3A_202] : memref<160x128xi32, #tpu.memory_space<vmem>> -> memref<1x128xi32, #tpu.memory_space<vmem>>
      %dma_start3A_204 = tpu.memref_squeeze %dma_start3A_203 : memref<1x128xi32, #tpu.memory_space<vmem>> -> memref<128xi32, #tpu.memory_space<vmem>>
      %dma_start3A_205 = arith.constant 0 : i32
      %dma_start3A_206 = arith.constant 0 : i32
      %dma_start3A_207 = tpu.memref_slice %arg33[%dma_start3A_205, %dma_start3A_206] : memref<10240x32xf32, #tpu.memory_space<vmem_shared>> -> memref<10240x32xf32, #tpu.memory_space<vmem_shared>>
      tpu.enqueue_indirect_dma source(%arg10 : memref<128x32xf32, #tpu.memory_space<vmem>>) target(%dma_start3A_207 : memref<10240x32xf32, #tpu.memory_space<vmem_shared>>) offsets(%dma_start3A_204 : memref<128xi32, #tpu.memory_space<vmem>>) semaphore(%arg26 : memref<!tpu.dma_semaphore, #tpu.memory_space<semaphore_mem>>) {add = true}
      %dma_wait3A_208 = arith.constant 0 : i32
      %dma_wait3A_209 = arith.constant 0 : i32
      %dma_wait3A_210 = tpu.memref_slice %arg7[%dma_wait3A_208, %dma_wait3A_209] : memref<160x128xi32, #tpu.memory_space<vmem>> -> memref<1x128xi32, #tpu.memory_space<vmem>>
      %dma_wait3A_211 = tpu.memref_squeeze %dma_wait3A_210 : memref<1x128xi32, #tpu.memory_space<vmem>> -> memref<128xi32, #tpu.memory_space<vmem>>
      %dma_wait3A_212 = arith.constant 0 : i32
      %dma_wait3A_213 = arith.constant 0 : i32
      %dma_wait3A_214 = tpu.memref_slice %arg34[%dma_wait3A_212, %dma_wait3A_213] : memref<10240x32xf32, #tpu.memory_space<vmem_shared>> -> memref<10240x32xf32, #tpu.memory_space<vmem_shared>>
      tpu.wait_indirect_dma semaphore(%arg19 : memref<!tpu.dma_semaphore, #tpu.memory_space<semaphore_mem>>) src(%dma_wait3A_214 : memref<10240x32xf32, #tpu.memory_space<vmem_shared>>) dst(%arg11 : memref<128x32xf32, #tpu.memory_space<vmem>>)
      %add3A_215 = arith.constant 2 : i32
      %add3A_216 = arith.addi %mul3A_78, %add3A_215 : i32
      %dma_start3A_217 = arith.constant 0 : i32
      %dma_start3A_218 = tpu.memref_slice %arg8[%add3A_216, %dma_start3A_217] : memref<160x128xi32, #tpu.memory_space<vmem>> -> memref<1x128xi32, #tpu.memory_space<vmem>>
      %dma_start3A_219 = tpu.memref_squeeze %dma_start3A_218 : memref<1x128xi32, #tpu.memory_space<vmem>> -> memref<128xi32, #tpu.memory_space<vmem>>
      %dma_start3A_220 = arith.constant 0 : i32
      %dma_start3A_221 = arith.constant 0 : i32
      %dma_start3A_222 = tpu.memref_slice %arg33[%dma_start3A_220, %dma_start3A_221] : memref<10240x32xf32, #tpu.memory_space<vmem_shared>> -> memref<10240x32xf32, #tpu.memory_space<vmem_shared>>
      tpu.enqueue_indirect_dma source(%arg11 : memref<128x32xf32, #tpu.memory_space<vmem>>) target(%dma_start3A_222 : memref<10240x32xf32, #tpu.memory_space<vmem_shared>>) offsets(%dma_start3A_219 : memref<128xi32, #tpu.memory_space<vmem>>) semaphore(%arg27 : memref<!tpu.dma_semaphore, #tpu.memory_space<semaphore_mem>>) {add = true}
      %dma_wait3A_223 = arith.constant 0 : i32
      %dma_wait3A_224 = arith.constant 0 : i32
      %dma_wait3A_225 = tpu.memref_slice %arg7[%dma_wait3A_223, %dma_wait3A_224] : memref<160x128xi32, #tpu.memory_space<vmem>> -> memref<1x128xi32, #tpu.memory_space<vmem>>
      %dma_wait3A_226 = tpu.memref_squeeze %dma_wait3A_225 : memref<1x128xi32, #tpu.memory_space<vmem>> -> memref<128xi32, #tpu.memory_space<vmem>>
      %dma_wait3A_227 = arith.constant 0 : i32
      %dma_wait3A_228 = arith.constant 0 : i32
      %dma_wait3A_229 = tpu.memref_slice %arg34[%dma_wait3A_227, %dma_wait3A_228] : memref<10240x32xf32, #tpu.memory_space<vmem_shared>> -> memref<10240x32xf32, #tpu.memory_space<vmem_shared>>
      tpu.wait_indirect_dma semaphore(%arg20 : memref<!tpu.dma_semaphore, #tpu.memory_space<semaphore_mem>>) src(%dma_wait3A_229 : memref<10240x32xf32, #tpu.memory_space<vmem_shared>>) dst(%arg12 : memref<128x32xf32, #tpu.memory_space<vmem>>)
      %add3A_230 = arith.constant 3 : i32
      %add3A_231 = arith.addi %mul3A_78, %add3A_230 : i32
      %dma_start3A_232 = arith.constant 0 : i32
      %dma_start3A_233 = tpu.memref_slice %arg8[%add3A_231, %dma_start3A_232] : memref<160x128xi32, #tpu.memory_space<vmem>> -> memref<1x128xi32, #tpu.memory_space<vmem>>
      %dma_start3A_234 = tpu.memref_squeeze %dma_start3A_233 : memref<1x128xi32, #tpu.memory_space<vmem>> -> memref<128xi32, #tpu.memory_space<vmem>>
      %dma_start3A_235 = arith.constant 0 : i32
      %dma_start3A_236 = arith.constant 0 : i32
      %dma_start3A_237 = tpu.memref_slice %arg33[%dma_start3A_235, %dma_start3A_236] : memref<10240x32xf32, #tpu.memory_space<vmem_shared>> -> memref<10240x32xf32, #tpu.memory_space<vmem_shared>>
      tpu.enqueue_indirect_dma source(%arg12 : memref<128x32xf32, #tpu.memory_space<vmem>>) target(%dma_start3A_237 : memref<10240x32xf32, #tpu.memory_space<vmem_shared>>) offsets(%dma_start3A_234 : memref<128xi32, #tpu.memory_space<vmem>>) semaphore(%arg28 : memref<!tpu.dma_semaphore, #tpu.memory_space<semaphore_mem>>) {add = true}
      %dma_wait3A_238 = arith.constant 0 : i32
      %dma_wait3A_239 = arith.constant 0 : i32
      %dma_wait3A_240 = tpu.memref_slice %arg7[%dma_wait3A_238, %dma_wait3A_239] : memref<160x128xi32, #tpu.memory_space<vmem>> -> memref<1x128xi32, #tpu.memory_space<vmem>>
      %dma_wait3A_241 = tpu.memref_squeeze %dma_wait3A_240 : memref<1x128xi32, #tpu.memory_space<vmem>> -> memref<128xi32, #tpu.memory_space<vmem>>
      %dma_wait3A_242 = arith.constant 0 : i32
      %dma_wait3A_243 = arith.constant 0 : i32
      %dma_wait3A_244 = tpu.memref_slice %arg34[%dma_wait3A_242, %dma_wait3A_243] : memref<10240x32xf32, #tpu.memory_space<vmem_shared>> -> memref<10240x32xf32, #tpu.memory_space<vmem_shared>>
      tpu.wait_indirect_dma semaphore(%arg21 : memref<!tpu.dma_semaphore, #tpu.memory_space<semaphore_mem>>) src(%dma_wait3A_244 : memref<10240x32xf32, #tpu.memory_space<vmem_shared>>) dst(%arg13 : memref<128x32xf32, #tpu.memory_space<vmem>>)
      %add3A_245 = arith.constant 4 : i32
      %add3A_246 = arith.addi %mul3A_78, %add3A_245 : i32
      %dma_start3A_247 = arith.constant 0 : i32
      %dma_start3A_248 = tpu.memref_slice %arg8[%add3A_246, %dma_start3A_247] : memref<160x128xi32, #tpu.memory_space<vmem>> -> memref<1x128xi32, #tpu.memory_space<vmem>>
      %dma_start3A_249 = tpu.memref_squeeze %dma_start3A_248 : memref<1x128xi32, #tpu.memory_space<vmem>> -> memref<128xi32, #tpu.memory_space<vmem>>
      %dma_start3A_250 = arith.constant 0 : i32
      %dma_start3A_251 = arith.constant 0 : i32
      %dma_start3A_252 = tpu.memref_slice %arg33[%dma_start3A_250, %dma_start3A_251] : memref<10240x32xf32, #tpu.memory_space<vmem_shared>> -> memref<10240x32xf32, #tpu.memory_space<vmem_shared>>
      tpu.enqueue_indirect_dma source(%arg13 : memref<128x32xf32, #tpu.memory_space<vmem>>) target(%dma_start3A_252 : memref<10240x32xf32, #tpu.memory_space<vmem_shared>>) offsets(%dma_start3A_249 : memref<128xi32, #tpu.memory_space<vmem>>) semaphore(%arg29 : memref<!tpu.dma_semaphore, #tpu.memory_space<semaphore_mem>>) {add = true}
      %dma_wait3A_253 = arith.constant 0 : i32
      %dma_wait3A_254 = arith.constant 0 : i32
      %dma_wait3A_255 = tpu.memref_slice %arg7[%dma_wait3A_253, %dma_wait3A_254] : memref<160x128xi32, #tpu.memory_space<vmem>> -> memref<1x128xi32, #tpu.memory_space<vmem>>
      %dma_wait3A_256 = tpu.memref_squeeze %dma_wait3A_255 : memref<1x128xi32, #tpu.memory_space<vmem>> -> memref<128xi32, #tpu.memory_space<vmem>>
      %dma_wait3A_257 = arith.constant 0 : i32
      %dma_wait3A_258 = arith.constant 0 : i32
      %dma_wait3A_259 = tpu.memref_slice %arg34[%dma_wait3A_257, %dma_wait3A_258] : memref<10240x32xf32, #tpu.memory_space<vmem_shared>> -> memref<10240x32xf32, #tpu.memory_space<vmem_shared>>
      tpu.wait_indirect_dma semaphore(%arg22 : memref<!tpu.dma_semaphore, #tpu.memory_space<semaphore_mem>>) src(%dma_wait3A_259 : memref<10240x32xf32, #tpu.memory_space<vmem_shared>>) dst(%arg14 : memref<128x32xf32, #tpu.memory_space<vmem>>)
      %add3A_260 = arith.constant 5 : i32
      %add3A_261 = arith.addi %mul3A_78, %add3A_260 : i32
      %dma_start3A_262 = arith.constant 0 : i32
      %dma_start3A_263 = tpu.memref_slice %arg8[%add3A_261, %dma_start3A_262] : memref<160x128xi32, #tpu.memory_space<vmem>> -> memref<1x128xi32, #tpu.memory_space<vmem>>
      %dma_start3A_264 = tpu.memref_squeeze %dma_start3A_263 : memref<1x128xi32, #tpu.memory_space<vmem>> -> memref<128xi32, #tpu.memory_space<vmem>>
      %dma_start3A_265 = arith.constant 0 : i32
      %dma_start3A_266 = arith.constant 0 : i32
      %dma_start3A_267 = tpu.memref_slice %arg33[%dma_start3A_265, %dma_start3A_266] : memref<10240x32xf32, #tpu.memory_space<vmem_shared>> -> memref<10240x32xf32, #tpu.memory_space<vmem_shared>>
      tpu.enqueue_indirect_dma source(%arg14 : memref<128x32xf32, #tpu.memory_space<vmem>>) target(%dma_start3A_267 : memref<10240x32xf32, #tpu.memory_space<vmem_shared>>) offsets(%dma_start3A_264 : memref<128xi32, #tpu.memory_space<vmem>>) semaphore(%arg30 : memref<!tpu.dma_semaphore, #tpu.memory_space<semaphore_mem>>) {add = true}
      %dma_wait3A_268 = arith.constant 0 : i32
      %dma_wait3A_269 = arith.constant 0 : i32
      %dma_wait3A_270 = tpu.memref_slice %arg7[%dma_wait3A_268, %dma_wait3A_269] : memref<160x128xi32, #tpu.memory_space<vmem>> -> memref<1x128xi32, #tpu.memory_space<vmem>>
      %dma_wait3A_271 = tpu.memref_squeeze %dma_wait3A_270 : memref<1x128xi32, #tpu.memory_space<vmem>> -> memref<128xi32, #tpu.memory_space<vmem>>
      %dma_wait3A_272 = arith.constant 0 : i32
      %dma_wait3A_273 = arith.constant 0 : i32
      %dma_wait3A_274 = tpu.memref_slice %arg34[%dma_wait3A_272, %dma_wait3A_273] : memref<10240x32xf32, #tpu.memory_space<vmem_shared>> -> memref<10240x32xf32, #tpu.memory_space<vmem_shared>>
      tpu.wait_indirect_dma semaphore(%arg23 : memref<!tpu.dma_semaphore, #tpu.memory_space<semaphore_mem>>) src(%dma_wait3A_274 : memref<10240x32xf32, #tpu.memory_space<vmem_shared>>) dst(%arg15 : memref<128x32xf32, #tpu.memory_space<vmem>>)
      %add3A_275 = arith.constant 6 : i32
      %add3A_276 = arith.addi %mul3A_78, %add3A_275 : i32
      %dma_start3A_277 = arith.constant 0 : i32
      %dma_start3A_278 = tpu.memref_slice %arg8[%add3A_276, %dma_start3A_277] : memref<160x128xi32, #tpu.memory_space<vmem>> -> memref<1x128xi32, #tpu.memory_space<vmem>>
      %dma_start3A_279 = tpu.memref_squeeze %dma_start3A_278 : memref<1x128xi32, #tpu.memory_space<vmem>> -> memref<128xi32, #tpu.memory_space<vmem>>
      %dma_start3A_280 = arith.constant 0 : i32
      %dma_start3A_281 = arith.constant 0 : i32
      %dma_start3A_282 = tpu.memref_slice %arg33[%dma_start3A_280, %dma_start3A_281] : memref<10240x32xf32, #tpu.memory_space<vmem_shared>> -> memref<10240x32xf32, #tpu.memory_space<vmem_shared>>
      tpu.enqueue_indirect_dma source(%arg15 : memref<128x32xf32, #tpu.memory_space<vmem>>) target(%dma_start3A_282 : memref<10240x32xf32, #tpu.memory_space<vmem_shared>>) offsets(%dma_start3A_279 : memref<128xi32, #tpu.memory_space<vmem>>) semaphore(%arg31 : memref<!tpu.dma_semaphore, #tpu.memory_space<semaphore_mem>>) {add = true}
      %dma_wait3A_283 = arith.constant 0 : i32
      %dma_wait3A_284 = arith.constant 0 : i32
      %dma_wait3A_285 = tpu.memref_slice %arg7[%dma_wait3A_283, %dma_wait3A_284] : memref<160x128xi32, #tpu.memory_space<vmem>> -> memref<1x128xi32, #tpu.memory_space<vmem>>
      %dma_wait3A_286 = tpu.memref_squeeze %dma_wait3A_285 : memref<1x128xi32, #tpu.memory_space<vmem>> -> memref<128xi32, #tpu.memory_space<vmem>>
      %dma_wait3A_287 = arith.constant 0 : i32
      %dma_wait3A_288 = arith.constant 0 : i32
      %dma_wait3A_289 = tpu.memref_slice %arg34[%dma_wait3A_287, %dma_wait3A_288] : memref<10240x32xf32, #tpu.memory_space<vmem_shared>> -> memref<10240x32xf32, #tpu.memory_space<vmem_shared>>
      tpu.wait_indirect_dma semaphore(%arg24 : memref<!tpu.dma_semaphore, #tpu.memory_space<semaphore_mem>>) src(%dma_wait3A_289 : memref<10240x32xf32, #tpu.memory_space<vmem_shared>>) dst(%arg16 : memref<128x32xf32, #tpu.memory_space<vmem>>)
      %add3A_290 = arith.constant 7 : i32
      %add3A_291 = arith.addi %mul3A_78, %add3A_290 : i32
      %dma_start3A_292 = arith.constant 0 : i32
      %dma_start3A_293 = tpu.memref_slice %arg8[%add3A_291, %dma_start3A_292] : memref<160x128xi32, #tpu.memory_space<vmem>> -> memref<1x128xi32, #tpu.memory_space<vmem>>
      %dma_start3A_294 = tpu.memref_squeeze %dma_start3A_293 : memref<1x128xi32, #tpu.memory_space<vmem>> -> memref<128xi32, #tpu.memory_space<vmem>>
      %dma_start3A_295 = arith.constant 0 : i32
      %dma_start3A_296 = arith.constant 0 : i32
      %dma_start3A_297 = tpu.memref_slice %arg33[%dma_start3A_295, %dma_start3A_296] : memref<10240x32xf32, #tpu.memory_space<vmem_shared>> -> memref<10240x32xf32, #tpu.memory_space<vmem_shared>>
      tpu.enqueue_indirect_dma source(%arg16 : memref<128x32xf32, #tpu.memory_space<vmem>>) target(%dma_start3A_297 : memref<10240x32xf32, #tpu.memory_space<vmem_shared>>) offsets(%dma_start3A_294 : memref<128xi32, #tpu.memory_space<vmem>>) semaphore(%arg32 : memref<!tpu.dma_semaphore, #tpu.memory_space<semaphore_mem>>) {add = true}
    }
    %scan3A_15 = arith.constant 20 : i32
    %dma_wait3A = arith.constant 0 : i32
    %dma_wait3A_16 = arith.constant 0 : i32
    %dma_wait3A_17 = tpu.memref_slice %arg8[%dma_wait3A, %dma_wait3A_16] : memref<160x128xi32, #tpu.memory_space<vmem>> -> memref<1x128xi32, #tpu.memory_space<vmem>>
    %dma_wait3A_18 = tpu.memref_squeeze %dma_wait3A_17 : memref<1x128xi32, #tpu.memory_space<vmem>> -> memref<128xi32, #tpu.memory_space<vmem>>
    %dma_wait3A_19 = arith.constant 0 : i32
    %dma_wait3A_20 = arith.constant 0 : i32
    %dma_wait3A_21 = tpu.memref_slice %arg33[%dma_wait3A_19, %dma_wait3A_20] : memref<10240x32xf32, #tpu.memory_space<vmem_shared>> -> memref<10240x32xf32, #tpu.memory_space<vmem_shared>>
    tpu.wait_indirect_dma semaphore(%arg25 : memref<!tpu.dma_semaphore, #tpu.memory_space<semaphore_mem>>) src(%arg9 : memref<128x32xf32, #tpu.memory_space<vmem>>) dst(%dma_wait3A_21 : memref<10240x32xf32, #tpu.memory_space<vmem_shared>>)
    %dma_wait3A_22 = arith.constant 0 : i32
    %dma_wait3A_23 = arith.constant 0 : i32
    %dma_wait3A_24 = tpu.memref_slice %arg8[%dma_wait3A_22, %dma_wait3A_23] : memref<160x128xi32, #tpu.memory_space<vmem>> -> memref<1x128xi32, #tpu.memory_space<vmem>>
    %dma_wait3A_25 = tpu.memref_squeeze %dma_wait3A_24 : memref<1x128xi32, #tpu.memory_space<vmem>> -> memref<128xi32, #tpu.memory_space<vmem>>
    %dma_wait3A_26 = arith.constant 0 : i32
    %dma_wait3A_27 = arith.constant 0 : i32
    %dma_wait3A_28 = tpu.memref_slice %arg33[%dma_wait3A_26, %dma_wait3A_27] : memref<10240x32xf32, #tpu.memory_space<vmem_shared>> -> memref<10240x32xf32, #tpu.memory_space<vmem_shared>>
    tpu.wait_indirect_dma semaphore(%arg26 : memref<!tpu.dma_semaphore, #tpu.memory_space<semaphore_mem>>) src(%arg10 : memref<128x32xf32, #tpu.memory_space<vmem>>) dst(%dma_wait3A_28 : memref<10240x32xf32, #tpu.memory_space<vmem_shared>>)
    %dma_wait3A_29 = arith.constant 0 : i32
    %dma_wait3A_30 = arith.constant 0 : i32
    %dma_wait3A_31 = tpu.memref_slice %arg8[%dma_wait3A_29, %dma_wait3A_30] : memref<160x128xi32, #tpu.memory_space<vmem>> -> memref<1x128xi32, #tpu.memory_space<vmem>>
    %dma_wait3A_32 = tpu.memref_squeeze %dma_wait3A_31 : memref<1x128xi32, #tpu.memory_space<vmem>> -> memref<128xi32, #tpu.memory_space<vmem>>
    %dma_wait3A_33 = arith.constant 0 : i32
    %dma_wait3A_34 = arith.constant 0 : i32
    %dma_wait3A_35 = tpu.memref_slice %arg33[%dma_wait3A_33, %dma_wait3A_34] : memref<10240x32xf32, #tpu.memory_space<vmem_shared>> -> memref<10240x32xf32, #tpu.memory_space<vmem_shared>>
    tpu.wait_indirect_dma semaphore(%arg27 : memref<!tpu.dma_semaphore, #tpu.memory_space<semaphore_mem>>) src(%arg11 : memref<128x32xf32, #tpu.memory_space<vmem>>) dst(%dma_wait3A_35 : memref<10240x32xf32, #tpu.memory_space<vmem_shared>>)
    %dma_wait3A_36 = arith.constant 0 : i32
    %dma_wait3A_37 = arith.constant 0 : i32
    %dma_wait3A_38 = tpu.memref_slice %arg8[%dma_wait3A_36, %dma_wait3A_37] : memref<160x128xi32, #tpu.memory_space<vmem>> -> memref<1x128xi32, #tpu.memory_space<vmem>>
    %dma_wait3A_39 = tpu.memref_squeeze %dma_wait3A_38 : memref<1x128xi32, #tpu.memory_space<vmem>> -> memref<128xi32, #tpu.memory_space<vmem>>
    %dma_wait3A_40 = arith.constant 0 : i32
    %dma_wait3A_41 = arith.constant 0 : i32
    %dma_wait3A_42 = tpu.memref_slice %arg33[%dma_wait3A_40, %dma_wait3A_41] : memref<10240x32xf32, #tpu.memory_space<vmem_shared>> -> memref<10240x32xf32, #tpu.memory_space<vmem_shared>>
    tpu.wait_indirect_dma semaphore(%arg28 : memref<!tpu.dma_semaphore, #tpu.memory_space<semaphore_mem>>) src(%arg12 : memref<128x32xf32, #tpu.memory_space<vmem>>) dst(%dma_wait3A_42 : memref<10240x32xf32, #tpu.memory_space<vmem_shared>>)
    %dma_wait3A_43 = arith.constant 0 : i32
    %dma_wait3A_44 = arith.constant 0 : i32
    %dma_wait3A_45 = tpu.memref_slice %arg8[%dma_wait3A_43, %dma_wait3A_44] : memref<160x128xi32, #tpu.memory_space<vmem>> -> memref<1x128xi32, #tpu.memory_space<vmem>>
    %dma_wait3A_46 = tpu.memref_squeeze %dma_wait3A_45 : memref<1x128xi32, #tpu.memory_space<vmem>> -> memref<128xi32, #tpu.memory_space<vmem>>
    %dma_wait3A_47 = arith.constant 0 : i32
    %dma_wait3A_48 = arith.constant 0 : i32
    %dma_wait3A_49 = tpu.memref_slice %arg33[%dma_wait3A_47, %dma_wait3A_48] : memref<10240x32xf32, #tpu.memory_space<vmem_shared>> -> memref<10240x32xf32, #tpu.memory_space<vmem_shared>>
    tpu.wait_indirect_dma semaphore(%arg29 : memref<!tpu.dma_semaphore, #tpu.memory_space<semaphore_mem>>) src(%arg13 : memref<128x32xf32, #tpu.memory_space<vmem>>) dst(%dma_wait3A_49 : memref<10240x32xf32, #tpu.memory_space<vmem_shared>>)
    %dma_wait3A_50 = arith.constant 0 : i32
    %dma_wait3A_51 = arith.constant 0 : i32
    %dma_wait3A_52 = tpu.memref_slice %arg8[%dma_wait3A_50, %dma_wait3A_51] : memref<160x128xi32, #tpu.memory_space<vmem>> -> memref<1x128xi32, #tpu.memory_space<vmem>>
    %dma_wait3A_53 = tpu.memref_squeeze %dma_wait3A_52 : memref<1x128xi32, #tpu.memory_space<vmem>> -> memref<128xi32, #tpu.memory_space<vmem>>
    %dma_wait3A_54 = arith.constant 0 : i32
    %dma_wait3A_55 = arith.constant 0 : i32
    %dma_wait3A_56 = tpu.memref_slice %arg33[%dma_wait3A_54, %dma_wait3A_55] : memref<10240x32xf32, #tpu.memory_space<vmem_shared>> -> memref<10240x32xf32, #tpu.memory_space<vmem_shared>>
    tpu.wait_indirect_dma semaphore(%arg30 : memref<!tpu.dma_semaphore, #tpu.memory_space<semaphore_mem>>) src(%arg14 : memref<128x32xf32, #tpu.memory_space<vmem>>) dst(%dma_wait3A_56 : memref<10240x32xf32, #tpu.memory_space<vmem_shared>>)
    %dma_wait3A_57 = arith.constant 0 : i32
    %dma_wait3A_58 = arith.constant 0 : i32
    %dma_wait3A_59 = tpu.memref_slice %arg8[%dma_wait3A_57, %dma_wait3A_58] : memref<160x128xi32, #tpu.memory_space<vmem>> -> memref<1x128xi32, #tpu.memory_space<vmem>>
    %dma_wait3A_60 = tpu.memref_squeeze %dma_wait3A_59 : memref<1x128xi32, #tpu.memory_space<vmem>> -> memref<128xi32, #tpu.memory_space<vmem>>
    %dma_wait3A_61 = arith.constant 0 : i32
    %dma_wait3A_62 = arith.constant 0 : i32
    %dma_wait3A_63 = tpu.memref_slice %arg33[%dma_wait3A_61, %dma_wait3A_62] : memref<10240x32xf32, #tpu.memory_space<vmem_shared>> -> memref<10240x32xf32, #tpu.memory_space<vmem_shared>>
    tpu.wait_indirect_dma semaphore(%arg31 : memref<!tpu.dma_semaphore, #tpu.memory_space<semaphore_mem>>) src(%arg15 : memref<128x32xf32, #tpu.memory_space<vmem>>) dst(%dma_wait3A_63 : memref<10240x32xf32, #tpu.memory_space<vmem_shared>>)
    %dma_wait3A_64 = arith.constant 0 : i32
    %dma_wait3A_65 = arith.constant 0 : i32
    %dma_wait3A_66 = tpu.memref_slice %arg8[%dma_wait3A_64, %dma_wait3A_65] : memref<160x128xi32, #tpu.memory_space<vmem>> -> memref<1x128xi32, #tpu.memory_space<vmem>>
    %dma_wait3A_67 = tpu.memref_squeeze %dma_wait3A_66 : memref<1x128xi32, #tpu.memory_space<vmem>> -> memref<128xi32, #tpu.memory_space<vmem>>
    %dma_wait3A_68 = arith.constant 0 : i32
    %dma_wait3A_69 = arith.constant 0 : i32
    %dma_wait3A_70 = tpu.memref_slice %arg33[%dma_wait3A_68, %dma_wait3A_69] : memref<10240x32xf32, #tpu.memory_space<vmem_shared>> -> memref<10240x32xf32, #tpu.memory_space<vmem_shared>>
    tpu.wait_indirect_dma semaphore(%arg32 : memref<!tpu.dma_semaphore, #tpu.memory_space<semaphore_mem>>) src(%arg16 : memref<128x32xf32, #tpu.memory_space<vmem>>) dst(%dma_wait3A_70 : memref<10240x32xf32, #tpu.memory_space<vmem_shared>>)
    %barrier3A_71 = arith.constant 0 : index
    tpu.barrier barrier_id(%barrier3A_71)
    %mul3A_72 = arith.constant 640 : i32
    %mul3A_73 = arith.muli %arg1, %mul3A_72 : i32
    %mul3A_74 = arith.constant 640 : i32
    %mul3A_75 = arith.muli %arg1, %mul3A_74 : i32
    "tpu.region"() ({
      %run_scoped3A = tpu.sem_alloc : memref<!tpu.dma_semaphore, #tpu.memory_space<semaphore_mem>>
      %dma_start3A = arith.constant 0 : i32
      %dma_start3A_76 = tpu.memref_slice %arg6[%arg0, %mul3A_75, %dma_start3A] : memref<2x10240x32xf32, #tpu.memory_space<hbm>> -> memref<1x640x32xf32, #tpu.memory_space<hbm>>
      %dma_start3A_77 = tpu.memref_squeeze %dma_start3A_76 : memref<1x640x32xf32, #tpu.memory_space<hbm>> -> memref<640x32xf32, #tpu.memory_space<hbm>>
      %dma_start3A_78 = arith.constant 0 : i32
      %dma_start3A_79 = tpu.memref_slice %arg33[%mul3A_73, %dma_start3A_78] : memref<10240x32xf32, #tpu.memory_space<vmem_shared>> -> memref<640x32xf32, #tpu.memory_space<vmem_shared>>
      tpu.enqueue_dma source(%dma_start3A_79 : memref<640x32xf32, #tpu.memory_space<vmem_shared>>) target(%dma_start3A_77 : memref<640x32xf32, #tpu.memory_space<hbm>>) target_semaphore(%run_scoped3A : memref<!tpu.dma_semaphore, #tpu.memory_space<semaphore_mem>>)
      %dma_wait3A_80 = arith.constant 0 : i32
      %dma_wait3A_81 = tpu.memref_slice %arg6[%arg0, %mul3A_75, %dma_wait3A_80] : memref<2x10240x32xf32, #tpu.memory_space<hbm>> -> memref<1x640x32xf32, #tpu.memory_space<hbm>>
      %dma_wait3A_82 = tpu.memref_squeeze %dma_wait3A_81 : memref<1x640x32xf32, #tpu.memory_space<hbm>> -> memref<640x32xf32, #tpu.memory_space<hbm>>
      %dma_wait3A_83 = arith.constant 0 : i32
      %dma_wait3A_84 = tpu.memref_slice %arg33[%mul3A_73, %dma_wait3A_83] : memref<10240x32xf32, #tpu.memory_space<vmem_shared>> -> memref<640x32xf32, #tpu.memory_space<vmem_shared>>
      tpu.wait_dma2 semaphore(%run_scoped3A : memref<!tpu.dma_semaphore, #tpu.memory_space<semaphore_mem>>) src(%dma_wait3A_84 : memref<640x32xf32, #tpu.memory_space<vmem_shared>>) dst(%dma_wait3A_82 : memref<640x32xf32, #tpu.memory_space<hbm>>)
      tpu.yield
    }) : () -> ()
    return
  }
}

#map = affine_map<(d0, d1) -> (0, 0)>
#map1 = affine_map<(d0, d1) -> (0, 0, 0)>
module attributes {stable_mosaic.version = 14 : i64} {
  func.func @agg_kernel(%arg0: i32, %arg1: i32, %arg2: memref<10240x64xf32, #tpu.memory_space<hbm>>, %arg3: memref<2560x128xi32, #tpu.memory_space<hbm>>, %arg4: memref<2560x128xi32, #tpu.memory_space<hbm>>, %arg5: memref<640x32xf32, #tpu.memory_space<hbm>>, %arg6: memref<2x10240x32xf32, #tpu.memory_space<hbm>>, %arg7: memref<160x128xi32, #tpu.memory_space<vmem>>, %arg8: memref<160x128xi32, #tpu.memory_space<vmem>>, %arg9: memref<128x32xf32, #tpu.memory_space<vmem>>, %arg10: memref<128x32xf32, #tpu.memory_space<vmem>>, %arg11: memref<128x32xf32, #tpu.memory_space<vmem>>, %arg12: memref<128x32xf32, #tpu.memory_space<vmem>>, %arg13: memref<128x32xf32, #tpu.memory_space<vmem>>, %arg14: memref<128x32xf32, #tpu.memory_space<vmem>>, %arg15: memref<128x32xf32, #tpu.memory_space<vmem>>, %arg16: memref<128x32xf32, #tpu.memory_space<vmem>>, %arg17: memref<!tpu.dma_semaphore, #tpu.memory_space<semaphore_mem>>, %arg18: memref<!tpu.dma_semaphore, #tpu.memory_space<semaphore_mem>>, %arg19: memref<!tpu.dma_semaphore, #tpu.memory_space<semaphore_mem>>, %arg20: memref<!tpu.dma_semaphore, #tpu.memory_space<semaphore_mem>>, %arg21: memref<!tpu.dma_semaphore, #tpu.memory_space<semaphore_mem>>, %arg22: memref<!tpu.dma_semaphore, #tpu.memory_space<semaphore_mem>>, %arg23: memref<!tpu.dma_semaphore, #tpu.memory_space<semaphore_mem>>, %arg24: memref<!tpu.dma_semaphore, #tpu.memory_space<semaphore_mem>>, %arg25: memref<!tpu.dma_semaphore, #tpu.memory_space<semaphore_mem>>, %arg26: memref<!tpu.dma_semaphore, #tpu.memory_space<semaphore_mem>>, %arg27: memref<!tpu.dma_semaphore, #tpu.memory_space<semaphore_mem>>, %arg28: memref<!tpu.dma_semaphore, #tpu.memory_space<semaphore_mem>>, %arg29: memref<!tpu.dma_semaphore, #tpu.memory_space<semaphore_mem>>, %arg30: memref<!tpu.dma_semaphore, #tpu.memory_space<semaphore_mem>>, %arg31: memref<!tpu.dma_semaphore, #tpu.memory_space<semaphore_mem>>, %arg32: memref<!tpu.dma_semaphore, #tpu.memory_space<semaphore_mem>>, %arg33: memref<10240x32xf32, #tpu.memory_space<vmem_shared>>, %arg34: memref<10240x32xf32, #tpu.memory_space<vmem_shared>>) attributes {dimension_semantics = [#tpu.dimension_semantics<core_parallel>, #tpu.dimension_semantics<subcore_parallel>], iteration_bounds = array<i64: 2, 16>, scalar_prefetch = 0 : i64, scratch_operands = 28 : i64, tpu.core_type = #tpu.core_type<sc_vector_subcore>, window_params = [{transform_indices = #map}, {transform_indices = #map}, {transform_indices = #map}, {transform_indices = #map}, {transform_indices = #map1}]} {
    %mul3A = arith.constant 640 : i32
    %mul3A_0 = arith.muli %arg1, %mul3A : i32
    %mul3A_1 = arith.constant 32 : i32
    %mul3A_2 = arith.muli %arg0, %mul3A_1 : i32
    %mul3A_3 = arith.constant 640 : i32
    %mul3A_4 = arith.muli %arg1, %mul3A_3 : i32
    "tpu.region"() ({
      %run_scoped3A = tpu.sem_alloc : memref<!tpu.dma_semaphore, #tpu.memory_space<semaphore_mem>>
      %dma_start3A = arith.constant 0 : i32
      %dma_start3A_76 = tpu.memref_slice %arg34[%mul3A_4, %dma_start3A] : memref<10240x32xf32, #tpu.memory_space<vmem_shared>> -> memref<640x32xf32, #tpu.memory_space<vmem_shared>>
      %dma_start3A_77 = tpu.memref_slice %arg2[%mul3A_0, %mul3A_2] : memref<10240x64xf32, #tpu.memory_space<hbm>> -> memref<640x32xf32, #tpu.memory_space<hbm>>
      tpu.enqueue_dma source(%dma_start3A_77 : memref<640x32xf32, #tpu.memory_space<hbm>>) target(%dma_start3A_76 : memref<640x32xf32, #tpu.memory_space<vmem_shared>>) target_semaphore(%run_scoped3A : memref<!tpu.dma_semaphore, #tpu.memory_space<semaphore_mem>>)
      %dma_wait3A_78 = arith.constant 0 : i32
      %dma_wait3A_79 = tpu.memref_slice %arg34[%mul3A_4, %dma_wait3A_78] : memref<10240x32xf32, #tpu.memory_space<vmem_shared>> -> memref<640x32xf32, #tpu.memory_space<vmem_shared>>
      %dma_wait3A_80 = tpu.memref_slice %arg2[%mul3A_0, %mul3A_2] : memref<10240x64xf32, #tpu.memory_space<hbm>> -> memref<640x32xf32, #tpu.memory_space<hbm>>
      tpu.wait_dma2 semaphore(%run_scoped3A : memref<!tpu.dma_semaphore, #tpu.memory_space<semaphore_mem>>) src(%dma_wait3A_80 : memref<640x32xf32, #tpu.memory_space<hbm>>) dst(%dma_wait3A_79 : memref<640x32xf32, #tpu.memory_space<vmem_shared>>)
      tpu.yield
    }) : () -> ()
    %mul3A_5 = arith.constant 640 : i32
    %mul3A_6 = arith.muli %arg1, %mul3A_5 : i32
    "tpu.region"() ({
      %run_scoped3A = tpu.sem_alloc : memref<!tpu.dma_semaphore, #tpu.memory_space<semaphore_mem>>
      %dma_start3A = arith.constant 0 : i32
      %dma_start3A_76 = tpu.memref_slice %arg33[%mul3A_6, %dma_start3A] : memref<10240x32xf32, #tpu.memory_space<vmem_shared>> -> memref<640x32xf32, #tpu.memory_space<vmem_shared>>
      tpu.enqueue_dma source(%arg5 : memref<640x32xf32, #tpu.memory_space<hbm>>) target(%dma_start3A_76 : memref<640x32xf32, #tpu.memory_space<vmem_shared>>) target_semaphore(%run_scoped3A : memref<!tpu.dma_semaphore, #tpu.memory_space<semaphore_mem>>)
      %dma_wait3A_77 = arith.constant 0 : i32
      %dma_wait3A_78 = tpu.memref_slice %arg33[%mul3A_6, %dma_wait3A_77] : memref<10240x32xf32, #tpu.memory_space<vmem_shared>> -> memref<640x32xf32, #tpu.memory_space<vmem_shared>>
      tpu.wait_dma2 semaphore(%run_scoped3A : memref<!tpu.dma_semaphore, #tpu.memory_space<semaphore_mem>>) src(%arg5 : memref<640x32xf32, #tpu.memory_space<hbm>>) dst(%dma_wait3A_78 : memref<640x32xf32, #tpu.memory_space<vmem_shared>>)
      tpu.yield
    }) : () -> ()
    %mul3A_7 = arith.constant 160 : i32
    %mul3A_8 = arith.muli %arg1, %mul3A_7 : i32
    "tpu.region"() ({
      %run_scoped3A = tpu.sem_alloc : memref<!tpu.dma_semaphore, #tpu.memory_space<semaphore_mem>>
      %dma_start3A = arith.constant 0 : i32
      %dma_start3A_76 = tpu.memref_slice %arg3[%mul3A_8, %dma_start3A] : memref<2560x128xi32, #tpu.memory_space<hbm>> -> memref<160x128xi32, #tpu.memory_space<hbm>>
      %dma_start3A_77 = arith.constant 0 : i32
      %dma_start3A_78 = tpu.memref_slice %arg3[%mul3A_8, %dma_start3A_77] : memref<2560x128xi32, #tpu.memory_space<hbm>> -> memref<160x128xi32, #tpu.memory_space<hbm>>
      tpu.enqueue_dma source(%dma_start3A_78 : memref<160x128xi32, #tpu.memory_space<hbm>>) target(%arg7 : memref<160x128xi32, #tpu.memory_space<vmem>>) target_semaphore(%run_scoped3A : memref<!tpu.dma_semaphore, #tpu.memory_space<semaphore_mem>>)
      %dma_wait3A_79 = arith.constant 0 : i32
      %dma_wait3A_80 = tpu.memref_slice %arg3[%mul3A_8, %dma_wait3A_79] : memref<2560x128xi32, #tpu.memory_space<hbm>> -> memref<160x128xi32, #tpu.memory_space<hbm>>
      %dma_wait3A_81 = arith.constant 0 : i32
      %dma_wait3A_82 = tpu.memref_slice %arg3[%mul3A_8, %dma_wait3A_81] : memref<2560x128xi32, #tpu.memory_space<hbm>> -> memref<160x128xi32, #tpu.memory_space<hbm>>
      tpu.wait_dma2 semaphore(%run_scoped3A : memref<!tpu.dma_semaphore, #tpu.memory_space<semaphore_mem>>) src(%dma_wait3A_82 : memref<160x128xi32, #tpu.memory_space<hbm>>) dst(%arg7 : memref<160x128xi32, #tpu.memory_space<vmem>>)
      tpu.yield
    }) : () -> ()
    %mul3A_9 = arith.constant 160 : i32
    %mul3A_10 = arith.muli %arg1, %mul3A_9 : i32
    "tpu.region"() ({
      %run_scoped3A = tpu.sem_alloc : memref<!tpu.dma_semaphore, #tpu.memory_space<semaphore_mem>>
      %dma_start3A = arith.constant 0 : i32
      %dma_start3A_76 = tpu.memref_slice %arg4[%mul3A_10, %dma_start3A] : memref<2560x128xi32, #tpu.memory_space<hbm>> -> memref<160x128xi32, #tpu.memory_space<hbm>>
      %dma_start3A_77 = arith.constant 0 : i32
      %dma_start3A_78 = tpu.memref_slice %arg4[%mul3A_10, %dma_start3A_77] : memref<2560x128xi32, #tpu.memory_space<hbm>> -> memref<160x128xi32, #tpu.memory_space<hbm>>
      tpu.enqueue_dma source(%dma_start3A_78 : memref<160x128xi32, #tpu.memory_space<hbm>>) target(%arg8 : memref<160x128xi32, #tpu.memory_space<vmem>>) target_semaphore(%run_scoped3A : memref<!tpu.dma_semaphore, #tpu.memory_space<semaphore_mem>>)
      %dma_wait3A_79 = arith.constant 0 : i32
      %dma_wait3A_80 = tpu.memref_slice %arg4[%mul3A_10, %dma_wait3A_79] : memref<2560x128xi32, #tpu.memory_space<hbm>> -> memref<160x128xi32, #tpu.memory_space<hbm>>
      %dma_wait3A_81 = arith.constant 0 : i32
      %dma_wait3A_82 = tpu.memref_slice %arg4[%mul3A_10, %dma_wait3A_81] : memref<2560x128xi32, #tpu.memory_space<hbm>> -> memref<160x128xi32, #tpu.memory_space<hbm>>
      tpu.wait_dma2 semaphore(%run_scoped3A : memref<!tpu.dma_semaphore, #tpu.memory_space<semaphore_mem>>) src(%dma_wait3A_82 : memref<160x128xi32, #tpu.memory_space<hbm>>) dst(%arg8 : memref<160x128xi32, #tpu.memory_space<vmem>>)
      tpu.yield
    }) : () -> ()
    %barrier3A = arith.constant 0 : index
    tpu.barrier barrier_id(%barrier3A)
    %scan3A = arith.constant 0 : i32
    %scan3A_11 = arith.constant 0 : i32
    %scan3A_12 = arith.constant 20 : i32
    %scan3A_13 = arith.addi %scan3A_11, %scan3A_12 : i32
    %scan3A_14 = arith.constant 1 : i32
    scf.for %scan3A_76 = %scan3A_11 to %scan3A_13 step %scan3A_14  : i32 {
      %mul3A_77 = arith.constant 8 : i32
      %mul3A_78 = arith.muli %scan3A_76, %mul3A_77 : i32
      %gt3A = arith.constant 0 : i32
      %gt3A_79 = arith.cmpi sgt, %scan3A_76, %gt3A : i32
      %convert_element_type3A = arith.extui %gt3A_79 : i1 to i32
      %cond3A = arith.constant 0 : i32
      %cond3A_80 = arith.cmpi ne, %convert_element_type3A, %cond3A : i32
      scf.if %cond3A_80 {
        %dma_wait3A_298 = arith.constant 0 : i32
        %dma_wait3A_299 = arith.constant 0 : i32
        %dma_wait3A_300 = tpu.memref_slice %arg8[%dma_wait3A_298, %dma_wait3A_299] : memref<160x128xi32, #tpu.memory_space<vmem>> -> memref<1x128xi32, #tpu.memory_space<vmem>>
        %dma_wait3A_301 = tpu.memref_squeeze %dma_wait3A_300 : memref<1x128xi32, #tpu.memory_space<vmem>> -> memref<128xi32, #tpu.memory_space<vmem>>
        %dma_wait3A_302 = arith.constant 0 : i32
        %dma_wait3A_303 = arith.constant 0 : i32
        %dma_wait3A_304 = tpu.memref_slice %arg33[%dma_wait3A_302, %dma_wait3A_303] : memref<10240x32xf32, #tpu.memory_space<vmem_shared>> -> memref<10240x32xf32, #tpu.memory_space<vmem_shared>>
        tpu.wait_indirect_dma semaphore(%arg25 : memref<!tpu.dma_semaphore, #tpu.memory_space<semaphore_mem>>) src(%arg9 : memref<128x32xf32, #tpu.memory_space<vmem>>) dst(%dma_wait3A_304 : memref<10240x32xf32, #tpu.memory_space<vmem_shared>>)
      } else {
      }
      %add3A = arith.constant 0 : i32
      %add3A_81 = arith.addi %mul3A_78, %add3A : i32
      %dma_start3A = arith.constant 0 : i32
      %dma_start3A_82 = tpu.memref_slice %arg7[%add3A_81, %dma_start3A] : memref<160x128xi32, #tpu.memory_space<vmem>> -> memref<1x128xi32, #tpu.memory_space<vmem>>
      %dma_start3A_83 = tpu.memref_squeeze %dma_start3A_82 : memref<1x128xi32, #tpu.memory_space<vmem>> -> memref<128xi32, #tpu.memory_space<vmem>>
      %dma_start3A_84 = arith.constant 0 : i32
      %dma_start3A_85 = arith.constant 0 : i32
      %dma_start3A_86 = tpu.memref_slice %arg34[%dma_start3A_84, %dma_start3A_85] : memref<10240x32xf32, #tpu.memory_space<vmem_shared>> -> memref<10240x32xf32, #tpu.memory_space<vmem_shared>>
      tpu.enqueue_indirect_dma source(%dma_start3A_86 : memref<10240x32xf32, #tpu.memory_space<vmem_shared>>) target(%arg9 : memref<128x32xf32, #tpu.memory_space<vmem>>) offsets(%dma_start3A_83 : memref<128xi32, #tpu.memory_space<vmem>>) semaphore(%arg17 : memref<!tpu.dma_semaphore, #tpu.memory_space<semaphore_mem>>)
      %gt3A_87 = arith.constant 0 : i32
      %gt3A_88 = arith.cmpi sgt, %scan3A_76, %gt3A_87 : i32
      %convert_element_type3A_89 = arith.extui %gt3A_88 : i1 to i32
      %cond3A_90 = arith.constant 0 : i32
      %cond3A_91 = arith.cmpi ne, %convert_element_type3A_89, %cond3A_90 : i32
      scf.if %cond3A_91 {
        %dma_wait3A_298 = arith.constant 0 : i32
        %dma_wait3A_299 = arith.constant 0 : i32
        %dma_wait3A_300 = tpu.memref_slice %arg8[%dma_wait3A_298, %dma_wait3A_299] : memref<160x128xi32, #tpu.memory_space<vmem>> -> memref<1x128xi32, #tpu.memory_space<vmem>>
        %dma_wait3A_301 = tpu.memref_squeeze %dma_wait3A_300 : memref<1x128xi32, #tpu.memory_space<vmem>> -> memref<128xi32, #tpu.memory_space<vmem>>
        %dma_wait3A_302 = arith.constant 0 : i32
        %dma_wait3A_303 = arith.constant 0 : i32
        %dma_wait3A_304 = tpu.memref_slice %arg33[%dma_wait3A_302, %dma_wait3A_303] : memref<10240x32xf32, #tpu.memory_space<vmem_shared>> -> memref<10240x32xf32, #tpu.memory_space<vmem_shared>>
        tpu.wait_indirect_dma semaphore(%arg26 : memref<!tpu.dma_semaphore, #tpu.memory_space<semaphore_mem>>) src(%arg10 : memref<128x32xf32, #tpu.memory_space<vmem>>) dst(%dma_wait3A_304 : memref<10240x32xf32, #tpu.memory_space<vmem_shared>>)
      } else {
      }
      %add3A_92 = arith.constant 1 : i32
      %add3A_93 = arith.addi %mul3A_78, %add3A_92 : i32
      %dma_start3A_94 = arith.constant 0 : i32
      %dma_start3A_95 = tpu.memref_slice %arg7[%add3A_93, %dma_start3A_94] : memref<160x128xi32, #tpu.memory_space<vmem>> -> memref<1x128xi32, #tpu.memory_space<vmem>>
      %dma_start3A_96 = tpu.memref_squeeze %dma_start3A_95 : memref<1x128xi32, #tpu.memory_space<vmem>> -> memref<128xi32, #tpu.memory_space<vmem>>
      %dma_start3A_97 = arith.constant 0 : i32
      %dma_start3A_98 = arith.constant 0 : i32
      %dma_start3A_99 = tpu.memref_slice %arg34[%dma_start3A_97, %dma_start3A_98] : memref<10240x32xf32, #tpu.memory_space<vmem_shared>> -> memref<10240x32xf32, #tpu.memory_space<vmem_shared>>
      tpu.enqueue_indirect_dma source(%dma_start3A_99 : memref<10240x32xf32, #tpu.memory_space<vmem_shared>>) target(%arg10 : memref<128x32xf32, #tpu.memory_space<vmem>>) offsets(%dma_start3A_96 : memref<128xi32, #tpu.memory_space<vmem>>) semaphore(%arg18 : memref<!tpu.dma_semaphore, #tpu.memory_space<semaphore_mem>>)
      %gt3A_100 = arith.constant 0 : i32
      %gt3A_101 = arith.cmpi sgt, %scan3A_76, %gt3A_100 : i32
      %convert_element_type3A_102 = arith.extui %gt3A_101 : i1 to i32
      %cond3A_103 = arith.constant 0 : i32
      %cond3A_104 = arith.cmpi ne, %convert_element_type3A_102, %cond3A_103 : i32
      scf.if %cond3A_104 {
        %dma_wait3A_298 = arith.constant 0 : i32
        %dma_wait3A_299 = arith.constant 0 : i32
        %dma_wait3A_300 = tpu.memref_slice %arg8[%dma_wait3A_298, %dma_wait3A_299] : memref<160x128xi32, #tpu.memory_space<vmem>> -> memref<1x128xi32, #tpu.memory_space<vmem>>
        %dma_wait3A_301 = tpu.memref_squeeze %dma_wait3A_300 : memref<1x128xi32, #tpu.memory_space<vmem>> -> memref<128xi32, #tpu.memory_space<vmem>>
        %dma_wait3A_302 = arith.constant 0 : i32
        %dma_wait3A_303 = arith.constant 0 : i32
        %dma_wait3A_304 = tpu.memref_slice %arg33[%dma_wait3A_302, %dma_wait3A_303] : memref<10240x32xf32, #tpu.memory_space<vmem_shared>> -> memref<10240x32xf32, #tpu.memory_space<vmem_shared>>
        tpu.wait_indirect_dma semaphore(%arg27 : memref<!tpu.dma_semaphore, #tpu.memory_space<semaphore_mem>>) src(%arg11 : memref<128x32xf32, #tpu.memory_space<vmem>>) dst(%dma_wait3A_304 : memref<10240x32xf32, #tpu.memory_space<vmem_shared>>)
      } else {
      }
      %add3A_105 = arith.constant 2 : i32
      %add3A_106 = arith.addi %mul3A_78, %add3A_105 : i32
      %dma_start3A_107 = arith.constant 0 : i32
      %dma_start3A_108 = tpu.memref_slice %arg7[%add3A_106, %dma_start3A_107] : memref<160x128xi32, #tpu.memory_space<vmem>> -> memref<1x128xi32, #tpu.memory_space<vmem>>
      %dma_start3A_109 = tpu.memref_squeeze %dma_start3A_108 : memref<1x128xi32, #tpu.memory_space<vmem>> -> memref<128xi32, #tpu.memory_space<vmem>>
      %dma_start3A_110 = arith.constant 0 : i32
      %dma_start3A_111 = arith.constant 0 : i32
      %dma_start3A_112 = tpu.memref_slice %arg34[%dma_start3A_110, %dma_start3A_111] : memref<10240x32xf32, #tpu.memory_space<vmem_shared>> -> memref<10240x32xf32, #tpu.memory_space<vmem_shared>>
      tpu.enqueue_indirect_dma source(%dma_start3A_112 : memref<10240x32xf32, #tpu.memory_space<vmem_shared>>) target(%arg11 : memref<128x32xf32, #tpu.memory_space<vmem>>) offsets(%dma_start3A_109 : memref<128xi32, #tpu.memory_space<vmem>>) semaphore(%arg19 : memref<!tpu.dma_semaphore, #tpu.memory_space<semaphore_mem>>)
      %gt3A_113 = arith.constant 0 : i32
      %gt3A_114 = arith.cmpi sgt, %scan3A_76, %gt3A_113 : i32
      %convert_element_type3A_115 = arith.extui %gt3A_114 : i1 to i32
      %cond3A_116 = arith.constant 0 : i32
      %cond3A_117 = arith.cmpi ne, %convert_element_type3A_115, %cond3A_116 : i32
      scf.if %cond3A_117 {
        %dma_wait3A_298 = arith.constant 0 : i32
        %dma_wait3A_299 = arith.constant 0 : i32
        %dma_wait3A_300 = tpu.memref_slice %arg8[%dma_wait3A_298, %dma_wait3A_299] : memref<160x128xi32, #tpu.memory_space<vmem>> -> memref<1x128xi32, #tpu.memory_space<vmem>>
        %dma_wait3A_301 = tpu.memref_squeeze %dma_wait3A_300 : memref<1x128xi32, #tpu.memory_space<vmem>> -> memref<128xi32, #tpu.memory_space<vmem>>
        %dma_wait3A_302 = arith.constant 0 : i32
        %dma_wait3A_303 = arith.constant 0 : i32
        %dma_wait3A_304 = tpu.memref_slice %arg33[%dma_wait3A_302, %dma_wait3A_303] : memref<10240x32xf32, #tpu.memory_space<vmem_shared>> -> memref<10240x32xf32, #tpu.memory_space<vmem_shared>>
        tpu.wait_indirect_dma semaphore(%arg28 : memref<!tpu.dma_semaphore, #tpu.memory_space<semaphore_mem>>) src(%arg12 : memref<128x32xf32, #tpu.memory_space<vmem>>) dst(%dma_wait3A_304 : memref<10240x32xf32, #tpu.memory_space<vmem_shared>>)
      } else {
      }
      %add3A_118 = arith.constant 3 : i32
      %add3A_119 = arith.addi %mul3A_78, %add3A_118 : i32
      %dma_start3A_120 = arith.constant 0 : i32
      %dma_start3A_121 = tpu.memref_slice %arg7[%add3A_119, %dma_start3A_120] : memref<160x128xi32, #tpu.memory_space<vmem>> -> memref<1x128xi32, #tpu.memory_space<vmem>>
      %dma_start3A_122 = tpu.memref_squeeze %dma_start3A_121 : memref<1x128xi32, #tpu.memory_space<vmem>> -> memref<128xi32, #tpu.memory_space<vmem>>
      %dma_start3A_123 = arith.constant 0 : i32
      %dma_start3A_124 = arith.constant 0 : i32
      %dma_start3A_125 = tpu.memref_slice %arg34[%dma_start3A_123, %dma_start3A_124] : memref<10240x32xf32, #tpu.memory_space<vmem_shared>> -> memref<10240x32xf32, #tpu.memory_space<vmem_shared>>
      tpu.enqueue_indirect_dma source(%dma_start3A_125 : memref<10240x32xf32, #tpu.memory_space<vmem_shared>>) target(%arg12 : memref<128x32xf32, #tpu.memory_space<vmem>>) offsets(%dma_start3A_122 : memref<128xi32, #tpu.memory_space<vmem>>) semaphore(%arg20 : memref<!tpu.dma_semaphore, #tpu.memory_space<semaphore_mem>>)
      %gt3A_126 = arith.constant 0 : i32
      %gt3A_127 = arith.cmpi sgt, %scan3A_76, %gt3A_126 : i32
      %convert_element_type3A_128 = arith.extui %gt3A_127 : i1 to i32
      %cond3A_129 = arith.constant 0 : i32
      %cond3A_130 = arith.cmpi ne, %convert_element_type3A_128, %cond3A_129 : i32
      scf.if %cond3A_130 {
        %dma_wait3A_298 = arith.constant 0 : i32
        %dma_wait3A_299 = arith.constant 0 : i32
        %dma_wait3A_300 = tpu.memref_slice %arg8[%dma_wait3A_298, %dma_wait3A_299] : memref<160x128xi32, #tpu.memory_space<vmem>> -> memref<1x128xi32, #tpu.memory_space<vmem>>
        %dma_wait3A_301 = tpu.memref_squeeze %dma_wait3A_300 : memref<1x128xi32, #tpu.memory_space<vmem>> -> memref<128xi32, #tpu.memory_space<vmem>>
        %dma_wait3A_302 = arith.constant 0 : i32
        %dma_wait3A_303 = arith.constant 0 : i32
        %dma_wait3A_304 = tpu.memref_slice %arg33[%dma_wait3A_302, %dma_wait3A_303] : memref<10240x32xf32, #tpu.memory_space<vmem_shared>> -> memref<10240x32xf32, #tpu.memory_space<vmem_shared>>
        tpu.wait_indirect_dma semaphore(%arg29 : memref<!tpu.dma_semaphore, #tpu.memory_space<semaphore_mem>>) src(%arg13 : memref<128x32xf32, #tpu.memory_space<vmem>>) dst(%dma_wait3A_304 : memref<10240x32xf32, #tpu.memory_space<vmem_shared>>)
      } else {
      }
      %add3A_131 = arith.constant 4 : i32
      %add3A_132 = arith.addi %mul3A_78, %add3A_131 : i32
      %dma_start3A_133 = arith.constant 0 : i32
      %dma_start3A_134 = tpu.memref_slice %arg7[%add3A_132, %dma_start3A_133] : memref<160x128xi32, #tpu.memory_space<vmem>> -> memref<1x128xi32, #tpu.memory_space<vmem>>
      %dma_start3A_135 = tpu.memref_squeeze %dma_start3A_134 : memref<1x128xi32, #tpu.memory_space<vmem>> -> memref<128xi32, #tpu.memory_space<vmem>>
      %dma_start3A_136 = arith.constant 0 : i32
      %dma_start3A_137 = arith.constant 0 : i32
      %dma_start3A_138 = tpu.memref_slice %arg34[%dma_start3A_136, %dma_start3A_137] : memref<10240x32xf32, #tpu.memory_space<vmem_shared>> -> memref<10240x32xf32, #tpu.memory_space<vmem_shared>>
      tpu.enqueue_indirect_dma source(%dma_start3A_138 : memref<10240x32xf32, #tpu.memory_space<vmem_shared>>) target(%arg13 : memref<128x32xf32, #tpu.memory_space<vmem>>) offsets(%dma_start3A_135 : memref<128xi32, #tpu.memory_space<vmem>>) semaphore(%arg21 : memref<!tpu.dma_semaphore, #tpu.memory_space<semaphore_mem>>)
      %gt3A_139 = arith.constant 0 : i32
      %gt3A_140 = arith.cmpi sgt, %scan3A_76, %gt3A_139 : i32
      %convert_element_type3A_141 = arith.extui %gt3A_140 : i1 to i32
      %cond3A_142 = arith.constant 0 : i32
      %cond3A_143 = arith.cmpi ne, %convert_element_type3A_141, %cond3A_142 : i32
      scf.if %cond3A_143 {
        %dma_wait3A_298 = arith.constant 0 : i32
        %dma_wait3A_299 = arith.constant 0 : i32
        %dma_wait3A_300 = tpu.memref_slice %arg8[%dma_wait3A_298, %dma_wait3A_299] : memref<160x128xi32, #tpu.memory_space<vmem>> -> memref<1x128xi32, #tpu.memory_space<vmem>>
        %dma_wait3A_301 = tpu.memref_squeeze %dma_wait3A_300 : memref<1x128xi32, #tpu.memory_space<vmem>> -> memref<128xi32, #tpu.memory_space<vmem>>
        %dma_wait3A_302 = arith.constant 0 : i32
        %dma_wait3A_303 = arith.constant 0 : i32
        %dma_wait3A_304 = tpu.memref_slice %arg33[%dma_wait3A_302, %dma_wait3A_303] : memref<10240x32xf32, #tpu.memory_space<vmem_shared>> -> memref<10240x32xf32, #tpu.memory_space<vmem_shared>>
        tpu.wait_indirect_dma semaphore(%arg30 : memref<!tpu.dma_semaphore, #tpu.memory_space<semaphore_mem>>) src(%arg14 : memref<128x32xf32, #tpu.memory_space<vmem>>) dst(%dma_wait3A_304 : memref<10240x32xf32, #tpu.memory_space<vmem_shared>>)
      } else {
      }
      %add3A_144 = arith.constant 5 : i32
      %add3A_145 = arith.addi %mul3A_78, %add3A_144 : i32
      %dma_start3A_146 = arith.constant 0 : i32
      %dma_start3A_147 = tpu.memref_slice %arg7[%add3A_145, %dma_start3A_146] : memref<160x128xi32, #tpu.memory_space<vmem>> -> memref<1x128xi32, #tpu.memory_space<vmem>>
      %dma_start3A_148 = tpu.memref_squeeze %dma_start3A_147 : memref<1x128xi32, #tpu.memory_space<vmem>> -> memref<128xi32, #tpu.memory_space<vmem>>
      %dma_start3A_149 = arith.constant 0 : i32
      %dma_start3A_150 = arith.constant 0 : i32
      %dma_start3A_151 = tpu.memref_slice %arg34[%dma_start3A_149, %dma_start3A_150] : memref<10240x32xf32, #tpu.memory_space<vmem_shared>> -> memref<10240x32xf32, #tpu.memory_space<vmem_shared>>
      tpu.enqueue_indirect_dma source(%dma_start3A_151 : memref<10240x32xf32, #tpu.memory_space<vmem_shared>>) target(%arg14 : memref<128x32xf32, #tpu.memory_space<vmem>>) offsets(%dma_start3A_148 : memref<128xi32, #tpu.memory_space<vmem>>) semaphore(%arg22 : memref<!tpu.dma_semaphore, #tpu.memory_space<semaphore_mem>>)
      %gt3A_152 = arith.constant 0 : i32
      %gt3A_153 = arith.cmpi sgt, %scan3A_76, %gt3A_152 : i32
      %convert_element_type3A_154 = arith.extui %gt3A_153 : i1 to i32
      %cond3A_155 = arith.constant 0 : i32
      %cond3A_156 = arith.cmpi ne, %convert_element_type3A_154, %cond3A_155 : i32
      scf.if %cond3A_156 {
        %dma_wait3A_298 = arith.constant 0 : i32
        %dma_wait3A_299 = arith.constant 0 : i32
        %dma_wait3A_300 = tpu.memref_slice %arg8[%dma_wait3A_298, %dma_wait3A_299] : memref<160x128xi32, #tpu.memory_space<vmem>> -> memref<1x128xi32, #tpu.memory_space<vmem>>
        %dma_wait3A_301 = tpu.memref_squeeze %dma_wait3A_300 : memref<1x128xi32, #tpu.memory_space<vmem>> -> memref<128xi32, #tpu.memory_space<vmem>>
        %dma_wait3A_302 = arith.constant 0 : i32
        %dma_wait3A_303 = arith.constant 0 : i32
        %dma_wait3A_304 = tpu.memref_slice %arg33[%dma_wait3A_302, %dma_wait3A_303] : memref<10240x32xf32, #tpu.memory_space<vmem_shared>> -> memref<10240x32xf32, #tpu.memory_space<vmem_shared>>
        tpu.wait_indirect_dma semaphore(%arg31 : memref<!tpu.dma_semaphore, #tpu.memory_space<semaphore_mem>>) src(%arg15 : memref<128x32xf32, #tpu.memory_space<vmem>>) dst(%dma_wait3A_304 : memref<10240x32xf32, #tpu.memory_space<vmem_shared>>)
      } else {
      }
      %add3A_157 = arith.constant 6 : i32
      %add3A_158 = arith.addi %mul3A_78, %add3A_157 : i32
      %dma_start3A_159 = arith.constant 0 : i32
      %dma_start3A_160 = tpu.memref_slice %arg7[%add3A_158, %dma_start3A_159] : memref<160x128xi32, #tpu.memory_space<vmem>> -> memref<1x128xi32, #tpu.memory_space<vmem>>
      %dma_start3A_161 = tpu.memref_squeeze %dma_start3A_160 : memref<1x128xi32, #tpu.memory_space<vmem>> -> memref<128xi32, #tpu.memory_space<vmem>>
      %dma_start3A_162 = arith.constant 0 : i32
      %dma_start3A_163 = arith.constant 0 : i32
      %dma_start3A_164 = tpu.memref_slice %arg34[%dma_start3A_162, %dma_start3A_163] : memref<10240x32xf32, #tpu.memory_space<vmem_shared>> -> memref<10240x32xf32, #tpu.memory_space<vmem_shared>>
      tpu.enqueue_indirect_dma source(%dma_start3A_164 : memref<10240x32xf32, #tpu.memory_space<vmem_shared>>) target(%arg15 : memref<128x32xf32, #tpu.memory_space<vmem>>) offsets(%dma_start3A_161 : memref<128xi32, #tpu.memory_space<vmem>>) semaphore(%arg23 : memref<!tpu.dma_semaphore, #tpu.memory_space<semaphore_mem>>)
      %gt3A_165 = arith.constant 0 : i32
      %gt3A_166 = arith.cmpi sgt, %scan3A_76, %gt3A_165 : i32
      %convert_element_type3A_167 = arith.extui %gt3A_166 : i1 to i32
      %cond3A_168 = arith.constant 0 : i32
      %cond3A_169 = arith.cmpi ne, %convert_element_type3A_167, %cond3A_168 : i32
      scf.if %cond3A_169 {
        %dma_wait3A_298 = arith.constant 0 : i32
        %dma_wait3A_299 = arith.constant 0 : i32
        %dma_wait3A_300 = tpu.memref_slice %arg8[%dma_wait3A_298, %dma_wait3A_299] : memref<160x128xi32, #tpu.memory_space<vmem>> -> memref<1x128xi32, #tpu.memory_space<vmem>>
        %dma_wait3A_301 = tpu.memref_squeeze %dma_wait3A_300 : memref<1x128xi32, #tpu.memory_space<vmem>> -> memref<128xi32, #tpu.memory_space<vmem>>
        %dma_wait3A_302 = arith.constant 0 : i32
        %dma_wait3A_303 = arith.constant 0 : i32
        %dma_wait3A_304 = tpu.memref_slice %arg33[%dma_wait3A_302, %dma_wait3A_303] : memref<10240x32xf32, #tpu.memory_space<vmem_shared>> -> memref<10240x32xf32, #tpu.memory_space<vmem_shared>>
        tpu.wait_indirect_dma semaphore(%arg32 : memref<!tpu.dma_semaphore, #tpu.memory_space<semaphore_mem>>) src(%arg16 : memref<128x32xf32, #tpu.memory_space<vmem>>) dst(%dma_wait3A_304 : memref<10240x32xf32, #tpu.memory_space<vmem_shared>>)
      } else {
      }
      %add3A_170 = arith.constant 7 : i32
      %add3A_171 = arith.addi %mul3A_78, %add3A_170 : i32
      %dma_start3A_172 = arith.constant 0 : i32
      %dma_start3A_173 = tpu.memref_slice %arg7[%add3A_171, %dma_start3A_172] : memref<160x128xi32, #tpu.memory_space<vmem>> -> memref<1x128xi32, #tpu.memory_space<vmem>>
      %dma_start3A_174 = tpu.memref_squeeze %dma_start3A_173 : memref<1x128xi32, #tpu.memory_space<vmem>> -> memref<128xi32, #tpu.memory_space<vmem>>
      %dma_start3A_175 = arith.constant 0 : i32
      %dma_start3A_176 = arith.constant 0 : i32
      %dma_start3A_177 = tpu.memref_slice %arg34[%dma_start3A_175, %dma_start3A_176] : memref<10240x32xf32, #tpu.memory_space<vmem_shared>> -> memref<10240x32xf32, #tpu.memory_space<vmem_shared>>
      tpu.enqueue_indirect_dma source(%dma_start3A_177 : memref<10240x32xf32, #tpu.memory_space<vmem_shared>>) target(%arg16 : memref<128x32xf32, #tpu.memory_space<vmem>>) offsets(%dma_start3A_174 : memref<128xi32, #tpu.memory_space<vmem>>) semaphore(%arg24 : memref<!tpu.dma_semaphore, #tpu.memory_space<semaphore_mem>>)
      %dma_wait3A_178 = arith.constant 0 : i32
      %dma_wait3A_179 = arith.constant 0 : i32
      %dma_wait3A_180 = tpu.memref_slice %arg7[%dma_wait3A_178, %dma_wait3A_179] : memref<160x128xi32, #tpu.memory_space<vmem>> -> memref<1x128xi32, #tpu.memory_space<vmem>>
      %dma_wait3A_181 = tpu.memref_squeeze %dma_wait3A_180 : memref<1x128xi32, #tpu.memory_space<vmem>> -> memref<128xi32, #tpu.memory_space<vmem>>
      %dma_wait3A_182 = arith.constant 0 : i32
      %dma_wait3A_183 = arith.constant 0 : i32
      %dma_wait3A_184 = tpu.memref_slice %arg34[%dma_wait3A_182, %dma_wait3A_183] : memref<10240x32xf32, #tpu.memory_space<vmem_shared>> -> memref<10240x32xf32, #tpu.memory_space<vmem_shared>>
      tpu.wait_indirect_dma semaphore(%arg17 : memref<!tpu.dma_semaphore, #tpu.memory_space<semaphore_mem>>) src(%dma_wait3A_184 : memref<10240x32xf32, #tpu.memory_space<vmem_shared>>) dst(%arg9 : memref<128x32xf32, #tpu.memory_space<vmem>>)
      %add3A_185 = arith.constant 0 : i32
      %add3A_186 = arith.addi %mul3A_78, %add3A_185 : i32
      %dma_start3A_187 = arith.constant 0 : i32
      %dma_start3A_188 = tpu.memref_slice %arg8[%add3A_186, %dma_start3A_187] : memref<160x128xi32, #tpu.memory_space<vmem>> -> memref<1x128xi32, #tpu.memory_space<vmem>>
      %dma_start3A_189 = tpu.memref_squeeze %dma_start3A_188 : memref<1x128xi32, #tpu.memory_space<vmem>> -> memref<128xi32, #tpu.memory_space<vmem>>
      %dma_start3A_190 = arith.constant 0 : i32
      %dma_start3A_191 = arith.constant 0 : i32
      %dma_start3A_192 = tpu.memref_slice %arg33[%dma_start3A_190, %dma_start3A_191] : memref<10240x32xf32, #tpu.memory_space<vmem_shared>> -> memref<10240x32xf32, #tpu.memory_space<vmem_shared>>
      tpu.enqueue_indirect_dma source(%arg9 : memref<128x32xf32, #tpu.memory_space<vmem>>) target(%dma_start3A_192 : memref<10240x32xf32, #tpu.memory_space<vmem_shared>>) offsets(%dma_start3A_189 : memref<128xi32, #tpu.memory_space<vmem>>) semaphore(%arg25 : memref<!tpu.dma_semaphore, #tpu.memory_space<semaphore_mem>>) {add = true}
      %dma_wait3A_193 = arith.constant 0 : i32
      %dma_wait3A_194 = arith.constant 0 : i32
      %dma_wait3A_195 = tpu.memref_slice %arg7[%dma_wait3A_193, %dma_wait3A_194] : memref<160x128xi32, #tpu.memory_space<vmem>> -> memref<1x128xi32, #tpu.memory_space<vmem>>
      %dma_wait3A_196 = tpu.memref_squeeze %dma_wait3A_195 : memref<1x128xi32, #tpu.memory_space<vmem>> -> memref<128xi32, #tpu.memory_space<vmem>>
      %dma_wait3A_197 = arith.constant 0 : i32
      %dma_wait3A_198 = arith.constant 0 : i32
      %dma_wait3A_199 = tpu.memref_slice %arg34[%dma_wait3A_197, %dma_wait3A_198] : memref<10240x32xf32, #tpu.memory_space<vmem_shared>> -> memref<10240x32xf32, #tpu.memory_space<vmem_shared>>
      tpu.wait_indirect_dma semaphore(%arg18 : memref<!tpu.dma_semaphore, #tpu.memory_space<semaphore_mem>>) src(%dma_wait3A_199 : memref<10240x32xf32, #tpu.memory_space<vmem_shared>>) dst(%arg10 : memref<128x32xf32, #tpu.memory_space<vmem>>)
      %add3A_200 = arith.constant 1 : i32
      %add3A_201 = arith.addi %mul3A_78, %add3A_200 : i32
      %dma_start3A_202 = arith.constant 0 : i32
      %dma_start3A_203 = tpu.memref_slice %arg8[%add3A_201, %dma_start3A_202] : memref<160x128xi32, #tpu.memory_space<vmem>> -> memref<1x128xi32, #tpu.memory_space<vmem>>
      %dma_start3A_204 = tpu.memref_squeeze %dma_start3A_203 : memref<1x128xi32, #tpu.memory_space<vmem>> -> memref<128xi32, #tpu.memory_space<vmem>>
      %dma_start3A_205 = arith.constant 0 : i32
      %dma_start3A_206 = arith.constant 0 : i32
      %dma_start3A_207 = tpu.memref_slice %arg33[%dma_start3A_205, %dma_start3A_206] : memref<10240x32xf32, #tpu.memory_space<vmem_shared>> -> memref<10240x32xf32, #tpu.memory_space<vmem_shared>>
      tpu.enqueue_indirect_dma source(%arg10 : memref<128x32xf32, #tpu.memory_space<vmem>>) target(%dma_start3A_207 : memref<10240x32xf32, #tpu.memory_space<vmem_shared>>) offsets(%dma_start3A_204 : memref<128xi32, #tpu.memory_space<vmem>>) semaphore(%arg26 : memref<!tpu.dma_semaphore, #tpu.memory_space<semaphore_mem>>) {add = true}
      %dma_wait3A_208 = arith.constant 0 : i32
      %dma_wait3A_209 = arith.constant 0 : i32
      %dma_wait3A_210 = tpu.memref_slice %arg7[%dma_wait3A_208, %dma_wait3A_209] : memref<160x128xi32, #tpu.memory_space<vmem>> -> memref<1x128xi32, #tpu.memory_space<vmem>>
      %dma_wait3A_211 = tpu.memref_squeeze %dma_wait3A_210 : memref<1x128xi32, #tpu.memory_space<vmem>> -> memref<128xi32, #tpu.memory_space<vmem>>
      %dma_wait3A_212 = arith.constant 0 : i32
      %dma_wait3A_213 = arith.constant 0 : i32
      %dma_wait3A_214 = tpu.memref_slice %arg34[%dma_wait3A_212, %dma_wait3A_213] : memref<10240x32xf32, #tpu.memory_space<vmem_shared>> -> memref<10240x32xf32, #tpu.memory_space<vmem_shared>>
      tpu.wait_indirect_dma semaphore(%arg19 : memref<!tpu.dma_semaphore, #tpu.memory_space<semaphore_mem>>) src(%dma_wait3A_214 : memref<10240x32xf32, #tpu.memory_space<vmem_shared>>) dst(%arg11 : memref<128x32xf32, #tpu.memory_space<vmem>>)
      %add3A_215 = arith.constant 2 : i32
      %add3A_216 = arith.addi %mul3A_78, %add3A_215 : i32
      %dma_start3A_217 = arith.constant 0 : i32
      %dma_start3A_218 = tpu.memref_slice %arg8[%add3A_216, %dma_start3A_217] : memref<160x128xi32, #tpu.memory_space<vmem>> -> memref<1x128xi32, #tpu.memory_space<vmem>>
      %dma_start3A_219 = tpu.memref_squeeze %dma_start3A_218 : memref<1x128xi32, #tpu.memory_space<vmem>> -> memref<128xi32, #tpu.memory_space<vmem>>
      %dma_start3A_220 = arith.constant 0 : i32
      %dma_start3A_221 = arith.constant 0 : i32
      %dma_start3A_222 = tpu.memref_slice %arg33[%dma_start3A_220, %dma_start3A_221] : memref<10240x32xf32, #tpu.memory_space<vmem_shared>> -> memref<10240x32xf32, #tpu.memory_space<vmem_shared>>
      tpu.enqueue_indirect_dma source(%arg11 : memref<128x32xf32, #tpu.memory_space<vmem>>) target(%dma_start3A_222 : memref<10240x32xf32, #tpu.memory_space<vmem_shared>>) offsets(%dma_start3A_219 : memref<128xi32, #tpu.memory_space<vmem>>) semaphore(%arg27 : memref<!tpu.dma_semaphore, #tpu.memory_space<semaphore_mem>>) {add = true}
      %dma_wait3A_223 = arith.constant 0 : i32
      %dma_wait3A_224 = arith.constant 0 : i32
      %dma_wait3A_225 = tpu.memref_slice %arg7[%dma_wait3A_223, %dma_wait3A_224] : memref<160x128xi32, #tpu.memory_space<vmem>> -> memref<1x128xi32, #tpu.memory_space<vmem>>
      %dma_wait3A_226 = tpu.memref_squeeze %dma_wait3A_225 : memref<1x128xi32, #tpu.memory_space<vmem>> -> memref<128xi32, #tpu.memory_space<vmem>>
      %dma_wait3A_227 = arith.constant 0 : i32
      %dma_wait3A_228 = arith.constant 0 : i32
      %dma_wait3A_229 = tpu.memref_slice %arg34[%dma_wait3A_227, %dma_wait3A_228] : memref<10240x32xf32, #tpu.memory_space<vmem_shared>> -> memref<10240x32xf32, #tpu.memory_space<vmem_shared>>
      tpu.wait_indirect_dma semaphore(%arg20 : memref<!tpu.dma_semaphore, #tpu.memory_space<semaphore_mem>>) src(%dma_wait3A_229 : memref<10240x32xf32, #tpu.memory_space<vmem_shared>>) dst(%arg12 : memref<128x32xf32, #tpu.memory_space<vmem>>)
      %add3A_230 = arith.constant 3 : i32
      %add3A_231 = arith.addi %mul3A_78, %add3A_230 : i32
      %dma_start3A_232 = arith.constant 0 : i32
      %dma_start3A_233 = tpu.memref_slice %arg8[%add3A_231, %dma_start3A_232] : memref<160x128xi32, #tpu.memory_space<vmem>> -> memref<1x128xi32, #tpu.memory_space<vmem>>
      %dma_start3A_234 = tpu.memref_squeeze %dma_start3A_233 : memref<1x128xi32, #tpu.memory_space<vmem>> -> memref<128xi32, #tpu.memory_space<vmem>>
      %dma_start3A_235 = arith.constant 0 : i32
      %dma_start3A_236 = arith.constant 0 : i32
      %dma_start3A_237 = tpu.memref_slice %arg33[%dma_start3A_235, %dma_start3A_236] : memref<10240x32xf32, #tpu.memory_space<vmem_shared>> -> memref<10240x32xf32, #tpu.memory_space<vmem_shared>>
      tpu.enqueue_indirect_dma source(%arg12 : memref<128x32xf32, #tpu.memory_space<vmem>>) target(%dma_start3A_237 : memref<10240x32xf32, #tpu.memory_space<vmem_shared>>) offsets(%dma_start3A_234 : memref<128xi32, #tpu.memory_space<vmem>>) semaphore(%arg28 : memref<!tpu.dma_semaphore, #tpu.memory_space<semaphore_mem>>) {add = true}
      %dma_wait3A_238 = arith.constant 0 : i32
      %dma_wait3A_239 = arith.constant 0 : i32
      %dma_wait3A_240 = tpu.memref_slice %arg7[%dma_wait3A_238, %dma_wait3A_239] : memref<160x128xi32, #tpu.memory_space<vmem>> -> memref<1x128xi32, #tpu.memory_space<vmem>>
      %dma_wait3A_241 = tpu.memref_squeeze %dma_wait3A_240 : memref<1x128xi32, #tpu.memory_space<vmem>> -> memref<128xi32, #tpu.memory_space<vmem>>
      %dma_wait3A_242 = arith.constant 0 : i32
      %dma_wait3A_243 = arith.constant 0 : i32
      %dma_wait3A_244 = tpu.memref_slice %arg34[%dma_wait3A_242, %dma_wait3A_243] : memref<10240x32xf32, #tpu.memory_space<vmem_shared>> -> memref<10240x32xf32, #tpu.memory_space<vmem_shared>>
      tpu.wait_indirect_dma semaphore(%arg21 : memref<!tpu.dma_semaphore, #tpu.memory_space<semaphore_mem>>) src(%dma_wait3A_244 : memref<10240x32xf32, #tpu.memory_space<vmem_shared>>) dst(%arg13 : memref<128x32xf32, #tpu.memory_space<vmem>>)
      %add3A_245 = arith.constant 4 : i32
      %add3A_246 = arith.addi %mul3A_78, %add3A_245 : i32
      %dma_start3A_247 = arith.constant 0 : i32
      %dma_start3A_248 = tpu.memref_slice %arg8[%add3A_246, %dma_start3A_247] : memref<160x128xi32, #tpu.memory_space<vmem>> -> memref<1x128xi32, #tpu.memory_space<vmem>>
      %dma_start3A_249 = tpu.memref_squeeze %dma_start3A_248 : memref<1x128xi32, #tpu.memory_space<vmem>> -> memref<128xi32, #tpu.memory_space<vmem>>
      %dma_start3A_250 = arith.constant 0 : i32
      %dma_start3A_251 = arith.constant 0 : i32
      %dma_start3A_252 = tpu.memref_slice %arg33[%dma_start3A_250, %dma_start3A_251] : memref<10240x32xf32, #tpu.memory_space<vmem_shared>> -> memref<10240x32xf32, #tpu.memory_space<vmem_shared>>
      tpu.enqueue_indirect_dma source(%arg13 : memref<128x32xf32, #tpu.memory_space<vmem>>) target(%dma_start3A_252 : memref<10240x32xf32, #tpu.memory_space<vmem_shared>>) offsets(%dma_start3A_249 : memref<128xi32, #tpu.memory_space<vmem>>) semaphore(%arg29 : memref<!tpu.dma_semaphore, #tpu.memory_space<semaphore_mem>>) {add = true}
      %dma_wait3A_253 = arith.constant 0 : i32
      %dma_wait3A_254 = arith.constant 0 : i32
      %dma_wait3A_255 = tpu.memref_slice %arg7[%dma_wait3A_253, %dma_wait3A_254] : memref<160x128xi32, #tpu.memory_space<vmem>> -> memref<1x128xi32, #tpu.memory_space<vmem>>
      %dma_wait3A_256 = tpu.memref_squeeze %dma_wait3A_255 : memref<1x128xi32, #tpu.memory_space<vmem>> -> memref<128xi32, #tpu.memory_space<vmem>>
      %dma_wait3A_257 = arith.constant 0 : i32
      %dma_wait3A_258 = arith.constant 0 : i32
      %dma_wait3A_259 = tpu.memref_slice %arg34[%dma_wait3A_257, %dma_wait3A_258] : memref<10240x32xf32, #tpu.memory_space<vmem_shared>> -> memref<10240x32xf32, #tpu.memory_space<vmem_shared>>
      tpu.wait_indirect_dma semaphore(%arg22 : memref<!tpu.dma_semaphore, #tpu.memory_space<semaphore_mem>>) src(%dma_wait3A_259 : memref<10240x32xf32, #tpu.memory_space<vmem_shared>>) dst(%arg14 : memref<128x32xf32, #tpu.memory_space<vmem>>)
      %add3A_260 = arith.constant 5 : i32
      %add3A_261 = arith.addi %mul3A_78, %add3A_260 : i32
      %dma_start3A_262 = arith.constant 0 : i32
      %dma_start3A_263 = tpu.memref_slice %arg8[%add3A_261, %dma_start3A_262] : memref<160x128xi32, #tpu.memory_space<vmem>> -> memref<1x128xi32, #tpu.memory_space<vmem>>
      %dma_start3A_264 = tpu.memref_squeeze %dma_start3A_263 : memref<1x128xi32, #tpu.memory_space<vmem>> -> memref<128xi32, #tpu.memory_space<vmem>>
      %dma_start3A_265 = arith.constant 0 : i32
      %dma_start3A_266 = arith.constant 0 : i32
      %dma_start3A_267 = tpu.memref_slice %arg33[%dma_start3A_265, %dma_start3A_266] : memref<10240x32xf32, #tpu.memory_space<vmem_shared>> -> memref<10240x32xf32, #tpu.memory_space<vmem_shared>>
      tpu.enqueue_indirect_dma source(%arg14 : memref<128x32xf32, #tpu.memory_space<vmem>>) target(%dma_start3A_267 : memref<10240x32xf32, #tpu.memory_space<vmem_shared>>) offsets(%dma_start3A_264 : memref<128xi32, #tpu.memory_space<vmem>>) semaphore(%arg30 : memref<!tpu.dma_semaphore, #tpu.memory_space<semaphore_mem>>) {add = true}
      %dma_wait3A_268 = arith.constant 0 : i32
      %dma_wait3A_269 = arith.constant 0 : i32
      %dma_wait3A_270 = tpu.memref_slice %arg7[%dma_wait3A_268, %dma_wait3A_269] : memref<160x128xi32, #tpu.memory_space<vmem>> -> memref<1x128xi32, #tpu.memory_space<vmem>>
      %dma_wait3A_271 = tpu.memref_squeeze %dma_wait3A_270 : memref<1x128xi32, #tpu.memory_space<vmem>> -> memref<128xi32, #tpu.memory_space<vmem>>
      %dma_wait3A_272 = arith.constant 0 : i32
      %dma_wait3A_273 = arith.constant 0 : i32
      %dma_wait3A_274 = tpu.memref_slice %arg34[%dma_wait3A_272, %dma_wait3A_273] : memref<10240x32xf32, #tpu.memory_space<vmem_shared>> -> memref<10240x32xf32, #tpu.memory_space<vmem_shared>>
      tpu.wait_indirect_dma semaphore(%arg23 : memref<!tpu.dma_semaphore, #tpu.memory_space<semaphore_mem>>) src(%dma_wait3A_274 : memref<10240x32xf32, #tpu.memory_space<vmem_shared>>) dst(%arg15 : memref<128x32xf32, #tpu.memory_space<vmem>>)
      %add3A_275 = arith.constant 6 : i32
      %add3A_276 = arith.addi %mul3A_78, %add3A_275 : i32
      %dma_start3A_277 = arith.constant 0 : i32
      %dma_start3A_278 = tpu.memref_slice %arg8[%add3A_276, %dma_start3A_277] : memref<160x128xi32, #tpu.memory_space<vmem>> -> memref<1x128xi32, #tpu.memory_space<vmem>>
      %dma_start3A_279 = tpu.memref_squeeze %dma_start3A_278 : memref<1x128xi32, #tpu.memory_space<vmem>> -> memref<128xi32, #tpu.memory_space<vmem>>
      %dma_start3A_280 = arith.constant 0 : i32
      %dma_start3A_281 = arith.constant 0 : i32
      %dma_start3A_282 = tpu.memref_slice %arg33[%dma_start3A_280, %dma_start3A_281] : memref<10240x32xf32, #tpu.memory_space<vmem_shared>> -> memref<10240x32xf32, #tpu.memory_space<vmem_shared>>
      tpu.enqueue_indirect_dma source(%arg15 : memref<128x32xf32, #tpu.memory_space<vmem>>) target(%dma_start3A_282 : memref<10240x32xf32, #tpu.memory_space<vmem_shared>>) offsets(%dma_start3A_279 : memref<128xi32, #tpu.memory_space<vmem>>) semaphore(%arg31 : memref<!tpu.dma_semaphore, #tpu.memory_space<semaphore_mem>>) {add = true}
      %dma_wait3A_283 = arith.constant 0 : i32
      %dma_wait3A_284 = arith.constant 0 : i32
      %dma_wait3A_285 = tpu.memref_slice %arg7[%dma_wait3A_283, %dma_wait3A_284] : memref<160x128xi32, #tpu.memory_space<vmem>> -> memref<1x128xi32, #tpu.memory_space<vmem>>
      %dma_wait3A_286 = tpu.memref_squeeze %dma_wait3A_285 : memref<1x128xi32, #tpu.memory_space<vmem>> -> memref<128xi32, #tpu.memory_space<vmem>>
      %dma_wait3A_287 = arith.constant 0 : i32
      %dma_wait3A_288 = arith.constant 0 : i32
      %dma_wait3A_289 = tpu.memref_slice %arg34[%dma_wait3A_287, %dma_wait3A_288] : memref<10240x32xf32, #tpu.memory_space<vmem_shared>> -> memref<10240x32xf32, #tpu.memory_space<vmem_shared>>
      tpu.wait_indirect_dma semaphore(%arg24 : memref<!tpu.dma_semaphore, #tpu.memory_space<semaphore_mem>>) src(%dma_wait3A_289 : memref<10240x32xf32, #tpu.memory_space<vmem_shared>>) dst(%arg16 : memref<128x32xf32, #tpu.memory_space<vmem>>)
      %add3A_290 = arith.constant 7 : i32
      %add3A_291 = arith.addi %mul3A_78, %add3A_290 : i32
      %dma_start3A_292 = arith.constant 0 : i32
      %dma_start3A_293 = tpu.memref_slice %arg8[%add3A_291, %dma_start3A_292] : memref<160x128xi32, #tpu.memory_space<vmem>> -> memref<1x128xi32, #tpu.memory_space<vmem>>
      %dma_start3A_294 = tpu.memref_squeeze %dma_start3A_293 : memref<1x128xi32, #tpu.memory_space<vmem>> -> memref<128xi32, #tpu.memory_space<vmem>>
      %dma_start3A_295 = arith.constant 0 : i32
      %dma_start3A_296 = arith.constant 0 : i32
      %dma_start3A_297 = tpu.memref_slice %arg33[%dma_start3A_295, %dma_start3A_296] : memref<10240x32xf32, #tpu.memory_space<vmem_shared>> -> memref<10240x32xf32, #tpu.memory_space<vmem_shared>>
      tpu.enqueue_indirect_dma source(%arg16 : memref<128x32xf32, #tpu.memory_space<vmem>>) target(%dma_start3A_297 : memref<10240x32xf32, #tpu.memory_space<vmem_shared>>) offsets(%dma_start3A_294 : memref<128xi32, #tpu.memory_space<vmem>>) semaphore(%arg32 : memref<!tpu.dma_semaphore, #tpu.memory_space<semaphore_mem>>) {add = true}
    }
    %scan3A_15 = arith.constant 20 : i32
    %dma_wait3A = arith.constant 0 : i32
    %dma_wait3A_16 = arith.constant 0 : i32
    %dma_wait3A_17 = tpu.memref_slice %arg8[%dma_wait3A, %dma_wait3A_16] : memref<160x128xi32, #tpu.memory_space<vmem>> -> memref<1x128xi32, #tpu.memory_space<vmem>>
    %dma_wait3A_18 = tpu.memref_squeeze %dma_wait3A_17 : memref<1x128xi32, #tpu.memory_space<vmem>> -> memref<128xi32, #tpu.memory_space<vmem>>
    %dma_wait3A_19 = arith.constant 0 : i32
    %dma_wait3A_20 = arith.constant 0 : i32
    %dma_wait3A_21 = tpu.memref_slice %arg33[%dma_wait3A_19, %dma_wait3A_20] : memref<10240x32xf32, #tpu.memory_space<vmem_shared>> -> memref<10240x32xf32, #tpu.memory_space<vmem_shared>>
    tpu.wait_indirect_dma semaphore(%arg25 : memref<!tpu.dma_semaphore, #tpu.memory_space<semaphore_mem>>) src(%arg9 : memref<128x32xf32, #tpu.memory_space<vmem>>) dst(%dma_wait3A_21 : memref<10240x32xf32, #tpu.memory_space<vmem_shared>>)
    %dma_wait3A_22 = arith.constant 0 : i32
    %dma_wait3A_23 = arith.constant 0 : i32
    %dma_wait3A_24 = tpu.memref_slice %arg8[%dma_wait3A_22, %dma_wait3A_23] : memref<160x128xi32, #tpu.memory_space<vmem>> -> memref<1x128xi32, #tpu.memory_space<vmem>>
    %dma_wait3A_25 = tpu.memref_squeeze %dma_wait3A_24 : memref<1x128xi32, #tpu.memory_space<vmem>> -> memref<128xi32, #tpu.memory_space<vmem>>
    %dma_wait3A_26 = arith.constant 0 : i32
    %dma_wait3A_27 = arith.constant 0 : i32
    %dma_wait3A_28 = tpu.memref_slice %arg33[%dma_wait3A_26, %dma_wait3A_27] : memref<10240x32xf32, #tpu.memory_space<vmem_shared>> -> memref<10240x32xf32, #tpu.memory_space<vmem_shared>>
    tpu.wait_indirect_dma semaphore(%arg26 : memref<!tpu.dma_semaphore, #tpu.memory_space<semaphore_mem>>) src(%arg10 : memref<128x32xf32, #tpu.memory_space<vmem>>) dst(%dma_wait3A_28 : memref<10240x32xf32, #tpu.memory_space<vmem_shared>>)
    %dma_wait3A_29 = arith.constant 0 : i32
    %dma_wait3A_30 = arith.constant 0 : i32
    %dma_wait3A_31 = tpu.memref_slice %arg8[%dma_wait3A_29, %dma_wait3A_30] : memref<160x128xi32, #tpu.memory_space<vmem>> -> memref<1x128xi32, #tpu.memory_space<vmem>>
    %dma_wait3A_32 = tpu.memref_squeeze %dma_wait3A_31 : memref<1x128xi32, #tpu.memory_space<vmem>> -> memref<128xi32, #tpu.memory_space<vmem>>
    %dma_wait3A_33 = arith.constant 0 : i32
    %dma_wait3A_34 = arith.constant 0 : i32
    %dma_wait3A_35 = tpu.memref_slice %arg33[%dma_wait3A_33, %dma_wait3A_34] : memref<10240x32xf32, #tpu.memory_space<vmem_shared>> -> memref<10240x32xf32, #tpu.memory_space<vmem_shared>>
    tpu.wait_indirect_dma semaphore(%arg27 : memref<!tpu.dma_semaphore, #tpu.memory_space<semaphore_mem>>) src(%arg11 : memref<128x32xf32, #tpu.memory_space<vmem>>) dst(%dma_wait3A_35 : memref<10240x32xf32, #tpu.memory_space<vmem_shared>>)
    %dma_wait3A_36 = arith.constant 0 : i32
    %dma_wait3A_37 = arith.constant 0 : i32
    %dma_wait3A_38 = tpu.memref_slice %arg8[%dma_wait3A_36, %dma_wait3A_37] : memref<160x128xi32, #tpu.memory_space<vmem>> -> memref<1x128xi32, #tpu.memory_space<vmem>>
    %dma_wait3A_39 = tpu.memref_squeeze %dma_wait3A_38 : memref<1x128xi32, #tpu.memory_space<vmem>> -> memref<128xi32, #tpu.memory_space<vmem>>
    %dma_wait3A_40 = arith.constant 0 : i32
    %dma_wait3A_41 = arith.constant 0 : i32
    %dma_wait3A_42 = tpu.memref_slice %arg33[%dma_wait3A_40, %dma_wait3A_41] : memref<10240x32xf32, #tpu.memory_space<vmem_shared>> -> memref<10240x32xf32, #tpu.memory_space<vmem_shared>>
    tpu.wait_indirect_dma semaphore(%arg28 : memref<!tpu.dma_semaphore, #tpu.memory_space<semaphore_mem>>) src(%arg12 : memref<128x32xf32, #tpu.memory_space<vmem>>) dst(%dma_wait3A_42 : memref<10240x32xf32, #tpu.memory_space<vmem_shared>>)
    %dma_wait3A_43 = arith.constant 0 : i32
    %dma_wait3A_44 = arith.constant 0 : i32
    %dma_wait3A_45 = tpu.memref_slice %arg8[%dma_wait3A_43, %dma_wait3A_44] : memref<160x128xi32, #tpu.memory_space<vmem>> -> memref<1x128xi32, #tpu.memory_space<vmem>>
    %dma_wait3A_46 = tpu.memref_squeeze %dma_wait3A_45 : memref<1x128xi32, #tpu.memory_space<vmem>> -> memref<128xi32, #tpu.memory_space<vmem>>
    %dma_wait3A_47 = arith.constant 0 : i32
    %dma_wait3A_48 = arith.constant 0 : i32
    %dma_wait3A_49 = tpu.memref_slice %arg33[%dma_wait3A_47, %dma_wait3A_48] : memref<10240x32xf32, #tpu.memory_space<vmem_shared>> -> memref<10240x32xf32, #tpu.memory_space<vmem_shared>>
    tpu.wait_indirect_dma semaphore(%arg29 : memref<!tpu.dma_semaphore, #tpu.memory_space<semaphore_mem>>) src(%arg13 : memref<128x32xf32, #tpu.memory_space<vmem>>) dst(%dma_wait3A_49 : memref<10240x32xf32, #tpu.memory_space<vmem_shared>>)
    %dma_wait3A_50 = arith.constant 0 : i32
    %dma_wait3A_51 = arith.constant 0 : i32
    %dma_wait3A_52 = tpu.memref_slice %arg8[%dma_wait3A_50, %dma_wait3A_51] : memref<160x128xi32, #tpu.memory_space<vmem>> -> memref<1x128xi32, #tpu.memory_space<vmem>>
    %dma_wait3A_53 = tpu.memref_squeeze %dma_wait3A_52 : memref<1x128xi32, #tpu.memory_space<vmem>> -> memref<128xi32, #tpu.memory_space<vmem>>
    %dma_wait3A_54 = arith.constant 0 : i32
    %dma_wait3A_55 = arith.constant 0 : i32
    %dma_wait3A_56 = tpu.memref_slice %arg33[%dma_wait3A_54, %dma_wait3A_55] : memref<10240x32xf32, #tpu.memory_space<vmem_shared>> -> memref<10240x32xf32, #tpu.memory_space<vmem_shared>>
    tpu.wait_indirect_dma semaphore(%arg30 : memref<!tpu.dma_semaphore, #tpu.memory_space<semaphore_mem>>) src(%arg14 : memref<128x32xf32, #tpu.memory_space<vmem>>) dst(%dma_wait3A_56 : memref<10240x32xf32, #tpu.memory_space<vmem_shared>>)
    %dma_wait3A_57 = arith.constant 0 : i32
    %dma_wait3A_58 = arith.constant 0 : i32
    %dma_wait3A_59 = tpu.memref_slice %arg8[%dma_wait3A_57, %dma_wait3A_58] : memref<160x128xi32, #tpu.memory_space<vmem>> -> memref<1x128xi32, #tpu.memory_space<vmem>>
    %dma_wait3A_60 = tpu.memref_squeeze %dma_wait3A_59 : memref<1x128xi32, #tpu.memory_space<vmem>> -> memref<128xi32, #tpu.memory_space<vmem>>
    %dma_wait3A_61 = arith.constant 0 : i32
    %dma_wait3A_62 = arith.constant 0 : i32
    %dma_wait3A_63 = tpu.memref_slice %arg33[%dma_wait3A_61, %dma_wait3A_62] : memref<10240x32xf32, #tpu.memory_space<vmem_shared>> -> memref<10240x32xf32, #tpu.memory_space<vmem_shared>>
    tpu.wait_indirect_dma semaphore(%arg31 : memref<!tpu.dma_semaphore, #tpu.memory_space<semaphore_mem>>) src(%arg15 : memref<128x32xf32, #tpu.memory_space<vmem>>) dst(%dma_wait3A_63 : memref<10240x32xf32, #tpu.memory_space<vmem_shared>>)
    %dma_wait3A_64 = arith.constant 0 : i32
    %dma_wait3A_65 = arith.constant 0 : i32
    %dma_wait3A_66 = tpu.memref_slice %arg8[%dma_wait3A_64, %dma_wait3A_65] : memref<160x128xi32, #tpu.memory_space<vmem>> -> memref<1x128xi32, #tpu.memory_space<vmem>>
    %dma_wait3A_67 = tpu.memref_squeeze %dma_wait3A_66 : memref<1x128xi32, #tpu.memory_space<vmem>> -> memref<128xi32, #tpu.memory_space<vmem>>
    %dma_wait3A_68 = arith.constant 0 : i32
    %dma_wait3A_69 = arith.constant 0 : i32
    %dma_wait3A_70 = tpu.memref_slice %arg33[%dma_wait3A_68, %dma_wait3A_69] : memref<10240x32xf32, #tpu.memory_space<vmem_shared>> -> memref<10240x32xf32, #tpu.memory_space<vmem_shared>>
    tpu.wait_indirect_dma semaphore(%arg32 : memref<!tpu.dma_semaphore, #tpu.memory_space<semaphore_mem>>) src(%arg16 : memref<128x32xf32, #tpu.memory_space<vmem>>) dst(%dma_wait3A_70 : memref<10240x32xf32, #tpu.memory_space<vmem_shared>>)
    %barrier3A_71 = arith.constant 0 : index
    tpu.barrier barrier_id(%barrier3A_71)
    %mul3A_72 = arith.constant 640 : i32
    %mul3A_73 = arith.muli %arg1, %mul3A_72 : i32
    %mul3A_74 = arith.constant 640 : i32
    %mul3A_75 = arith.muli %arg1, %mul3A_74 : i32
    "tpu.region"() ({
      %run_scoped3A = tpu.sem_alloc : memref<!tpu.dma_semaphore, #tpu.memory_space<semaphore_mem>>
      %dma_start3A = arith.constant 0 : i32
      %dma_start3A_76 = tpu.memref_slice %arg6[%arg0, %mul3A_75, %dma_start3A] : memref<2x10240x32xf32, #tpu.memory_space<hbm>> -> memref<1x640x32xf32, #tpu.memory_space<hbm>>
      %dma_start3A_77 = tpu.memref_squeeze %dma_start3A_76 : memref<1x640x32xf32, #tpu.memory_space<hbm>> -> memref<640x32xf32, #tpu.memory_space<hbm>>
      %dma_start3A_78 = arith.constant 0 : i32
      %dma_start3A_79 = tpu.memref_slice %arg33[%mul3A_73, %dma_start3A_78] : memref<10240x32xf32, #tpu.memory_space<vmem_shared>> -> memref<640x32xf32, #tpu.memory_space<vmem_shared>>
      tpu.enqueue_dma source(%dma_start3A_79 : memref<640x32xf32, #tpu.memory_space<vmem_shared>>) target(%dma_start3A_77 : memref<640x32xf32, #tpu.memory_space<hbm>>) target_semaphore(%run_scoped3A : memref<!tpu.dma_semaphore, #tpu.memory_space<semaphore_mem>>)
      %dma_wait3A_80 = arith.constant 0 : i32
      %dma_wait3A_81 = tpu.memref_slice %arg6[%arg0, %mul3A_75, %dma_wait3A_80] : memref<2x10240x32xf32, #tpu.memory_space<hbm>> -> memref<1x640x32xf32, #tpu.memory_space<hbm>>
      %dma_wait3A_82 = tpu.memref_squeeze %dma_wait3A_81 : memref<1x640x32xf32, #tpu.memory_space<hbm>> -> memref<640x32xf32, #tpu.memory_space<hbm>>
      %dma_wait3A_83 = arith.constant 0 : i32
      %dma_wait3A_84 = tpu.memref_slice %arg33[%mul3A_73, %dma_wait3A_83] : memref<10240x32xf32, #tpu.memory_space<vmem_shared>> -> memref<640x32xf32, #tpu.memory_space<vmem_shared>>
      tpu.wait_dma2 semaphore(%run_scoped3A : memref<!tpu.dma_semaphore, #tpu.memory_space<semaphore_mem>>) src(%dma_wait3A_84 : memref<640x32xf32, #tpu.memory_space<vmem_shared>>) dst(%dma_wait3A_82 : memref<640x32xf32, #tpu.memory_space<hbm>>)
      tpu.yield
    }) : () -> ()
    return
  }
}

#map = affine_map<(d0, d1) -> (0, 0)>
#map1 = affine_map<(d0, d1) -> (0, 0, 0)>
module attributes {stable_mosaic.version = 14 : i64} {
  func.func @agg_kernel(%arg0: i32, %arg1: i32, %arg2: memref<10240x64xf32, #tpu.memory_space<hbm>>, %arg3: memref<2560x128xi32, #tpu.memory_space<hbm>>, %arg4: memref<2560x128xi32, #tpu.memory_space<hbm>>, %arg5: memref<640x32xf32, #tpu.memory_space<hbm>>, %arg6: memref<2x10240x32xf32, #tpu.memory_space<hbm>>, %arg7: memref<160x128xi32, #tpu.memory_space<vmem>>, %arg8: memref<160x128xi32, #tpu.memory_space<vmem>>, %arg9: memref<128x32xf32, #tpu.memory_space<vmem>>, %arg10: memref<128x32xf32, #tpu.memory_space<vmem>>, %arg11: memref<128x32xf32, #tpu.memory_space<vmem>>, %arg12: memref<128x32xf32, #tpu.memory_space<vmem>>, %arg13: memref<128x32xf32, #tpu.memory_space<vmem>>, %arg14: memref<128x32xf32, #tpu.memory_space<vmem>>, %arg15: memref<128x32xf32, #tpu.memory_space<vmem>>, %arg16: memref<128x32xf32, #tpu.memory_space<vmem>>, %arg17: memref<!tpu.dma_semaphore, #tpu.memory_space<semaphore_mem>>, %arg18: memref<!tpu.dma_semaphore, #tpu.memory_space<semaphore_mem>>, %arg19: memref<!tpu.dma_semaphore, #tpu.memory_space<semaphore_mem>>, %arg20: memref<!tpu.dma_semaphore, #tpu.memory_space<semaphore_mem>>, %arg21: memref<!tpu.dma_semaphore, #tpu.memory_space<semaphore_mem>>, %arg22: memref<!tpu.dma_semaphore, #tpu.memory_space<semaphore_mem>>, %arg23: memref<!tpu.dma_semaphore, #tpu.memory_space<semaphore_mem>>, %arg24: memref<!tpu.dma_semaphore, #tpu.memory_space<semaphore_mem>>, %arg25: memref<!tpu.dma_semaphore, #tpu.memory_space<semaphore_mem>>, %arg26: memref<!tpu.dma_semaphore, #tpu.memory_space<semaphore_mem>>, %arg27: memref<!tpu.dma_semaphore, #tpu.memory_space<semaphore_mem>>, %arg28: memref<!tpu.dma_semaphore, #tpu.memory_space<semaphore_mem>>, %arg29: memref<!tpu.dma_semaphore, #tpu.memory_space<semaphore_mem>>, %arg30: memref<!tpu.dma_semaphore, #tpu.memory_space<semaphore_mem>>, %arg31: memref<!tpu.dma_semaphore, #tpu.memory_space<semaphore_mem>>, %arg32: memref<!tpu.dma_semaphore, #tpu.memory_space<semaphore_mem>>, %arg33: memref<10240x32xf32, #tpu.memory_space<vmem_shared>>, %arg34: memref<10240x32xf32, #tpu.memory_space<vmem_shared>>) attributes {dimension_semantics = [#tpu.dimension_semantics<core_parallel>, #tpu.dimension_semantics<subcore_parallel>], iteration_bounds = array<i64: 2, 16>, scalar_prefetch = 0 : i64, scratch_operands = 28 : i64, tpu.core_type = #tpu.core_type<sc_vector_subcore>, window_params = [{transform_indices = #map}, {transform_indices = #map}, {transform_indices = #map}, {transform_indices = #map}, {transform_indices = #map1}]} {
    %mul3A = arith.constant 640 : i32
    %mul3A_0 = arith.muli %arg1, %mul3A : i32
    %mul3A_1 = arith.constant 32 : i32
    %mul3A_2 = arith.muli %arg0, %mul3A_1 : i32
    %mul3A_3 = arith.constant 640 : i32
    %mul3A_4 = arith.muli %arg1, %mul3A_3 : i32
    "tpu.region"() ({
      %run_scoped3A = tpu.sem_alloc : memref<!tpu.dma_semaphore, #tpu.memory_space<semaphore_mem>>
      %dma_start3A = arith.constant 0 : i32
      %dma_start3A_76 = tpu.memref_slice %arg34[%mul3A_4, %dma_start3A] : memref<10240x32xf32, #tpu.memory_space<vmem_shared>> -> memref<640x32xf32, #tpu.memory_space<vmem_shared>>
      %dma_start3A_77 = tpu.memref_slice %arg2[%mul3A_0, %mul3A_2] : memref<10240x64xf32, #tpu.memory_space<hbm>> -> memref<640x32xf32, #tpu.memory_space<hbm>>
      tpu.enqueue_dma source(%dma_start3A_77 : memref<640x32xf32, #tpu.memory_space<hbm>>) target(%dma_start3A_76 : memref<640x32xf32, #tpu.memory_space<vmem_shared>>) target_semaphore(%run_scoped3A : memref<!tpu.dma_semaphore, #tpu.memory_space<semaphore_mem>>)
      %dma_wait3A_78 = arith.constant 0 : i32
      %dma_wait3A_79 = tpu.memref_slice %arg34[%mul3A_4, %dma_wait3A_78] : memref<10240x32xf32, #tpu.memory_space<vmem_shared>> -> memref<640x32xf32, #tpu.memory_space<vmem_shared>>
      %dma_wait3A_80 = tpu.memref_slice %arg2[%mul3A_0, %mul3A_2] : memref<10240x64xf32, #tpu.memory_space<hbm>> -> memref<640x32xf32, #tpu.memory_space<hbm>>
      tpu.wait_dma2 semaphore(%run_scoped3A : memref<!tpu.dma_semaphore, #tpu.memory_space<semaphore_mem>>) src(%dma_wait3A_80 : memref<640x32xf32, #tpu.memory_space<hbm>>) dst(%dma_wait3A_79 : memref<640x32xf32, #tpu.memory_space<vmem_shared>>)
      tpu.yield
    }) : () -> ()
    %mul3A_5 = arith.constant 640 : i32
    %mul3A_6 = arith.muli %arg1, %mul3A_5 : i32
    "tpu.region"() ({
      %run_scoped3A = tpu.sem_alloc : memref<!tpu.dma_semaphore, #tpu.memory_space<semaphore_mem>>
      %dma_start3A = arith.constant 0 : i32
      %dma_start3A_76 = tpu.memref_slice %arg33[%mul3A_6, %dma_start3A] : memref<10240x32xf32, #tpu.memory_space<vmem_shared>> -> memref<640x32xf32, #tpu.memory_space<vmem_shared>>
      tpu.enqueue_dma source(%arg5 : memref<640x32xf32, #tpu.memory_space<hbm>>) target(%dma_start3A_76 : memref<640x32xf32, #tpu.memory_space<vmem_shared>>) target_semaphore(%run_scoped3A : memref<!tpu.dma_semaphore, #tpu.memory_space<semaphore_mem>>)
      %dma_wait3A_77 = arith.constant 0 : i32
      %dma_wait3A_78 = tpu.memref_slice %arg33[%mul3A_6, %dma_wait3A_77] : memref<10240x32xf32, #tpu.memory_space<vmem_shared>> -> memref<640x32xf32, #tpu.memory_space<vmem_shared>>
      tpu.wait_dma2 semaphore(%run_scoped3A : memref<!tpu.dma_semaphore, #tpu.memory_space<semaphore_mem>>) src(%arg5 : memref<640x32xf32, #tpu.memory_space<hbm>>) dst(%dma_wait3A_78 : memref<640x32xf32, #tpu.memory_space<vmem_shared>>)
      tpu.yield
    }) : () -> ()
    %mul3A_7 = arith.constant 160 : i32
    %mul3A_8 = arith.muli %arg1, %mul3A_7 : i32
    "tpu.region"() ({
      %run_scoped3A = tpu.sem_alloc : memref<!tpu.dma_semaphore, #tpu.memory_space<semaphore_mem>>
      %dma_start3A = arith.constant 0 : i32
      %dma_start3A_76 = tpu.memref_slice %arg3[%mul3A_8, %dma_start3A] : memref<2560x128xi32, #tpu.memory_space<hbm>> -> memref<160x128xi32, #tpu.memory_space<hbm>>
      %dma_start3A_77 = arith.constant 0 : i32
      %dma_start3A_78 = tpu.memref_slice %arg3[%mul3A_8, %dma_start3A_77] : memref<2560x128xi32, #tpu.memory_space<hbm>> -> memref<160x128xi32, #tpu.memory_space<hbm>>
      tpu.enqueue_dma source(%dma_start3A_78 : memref<160x128xi32, #tpu.memory_space<hbm>>) target(%arg7 : memref<160x128xi32, #tpu.memory_space<vmem>>) target_semaphore(%run_scoped3A : memref<!tpu.dma_semaphore, #tpu.memory_space<semaphore_mem>>)
      %dma_wait3A_79 = arith.constant 0 : i32
      %dma_wait3A_80 = tpu.memref_slice %arg3[%mul3A_8, %dma_wait3A_79] : memref<2560x128xi32, #tpu.memory_space<hbm>> -> memref<160x128xi32, #tpu.memory_space<hbm>>
      %dma_wait3A_81 = arith.constant 0 : i32
      %dma_wait3A_82 = tpu.memref_slice %arg3[%mul3A_8, %dma_wait3A_81] : memref<2560x128xi32, #tpu.memory_space<hbm>> -> memref<160x128xi32, #tpu.memory_space<hbm>>
      tpu.wait_dma2 semaphore(%run_scoped3A : memref<!tpu.dma_semaphore, #tpu.memory_space<semaphore_mem>>) src(%dma_wait3A_82 : memref<160x128xi32, #tpu.memory_space<hbm>>) dst(%arg7 : memref<160x128xi32, #tpu.memory_space<vmem>>)
      tpu.yield
    }) : () -> ()
    %mul3A_9 = arith.constant 160 : i32
    %mul3A_10 = arith.muli %arg1, %mul3A_9 : i32
    "tpu.region"() ({
      %run_scoped3A = tpu.sem_alloc : memref<!tpu.dma_semaphore, #tpu.memory_space<semaphore_mem>>
      %dma_start3A = arith.constant 0 : i32
      %dma_start3A_76 = tpu.memref_slice %arg4[%mul3A_10, %dma_start3A] : memref<2560x128xi32, #tpu.memory_space<hbm>> -> memref<160x128xi32, #tpu.memory_space<hbm>>
      %dma_start3A_77 = arith.constant 0 : i32
      %dma_start3A_78 = tpu.memref_slice %arg4[%mul3A_10, %dma_start3A_77] : memref<2560x128xi32, #tpu.memory_space<hbm>> -> memref<160x128xi32, #tpu.memory_space<hbm>>
      tpu.enqueue_dma source(%dma_start3A_78 : memref<160x128xi32, #tpu.memory_space<hbm>>) target(%arg8 : memref<160x128xi32, #tpu.memory_space<vmem>>) target_semaphore(%run_scoped3A : memref<!tpu.dma_semaphore, #tpu.memory_space<semaphore_mem>>)
      %dma_wait3A_79 = arith.constant 0 : i32
      %dma_wait3A_80 = tpu.memref_slice %arg4[%mul3A_10, %dma_wait3A_79] : memref<2560x128xi32, #tpu.memory_space<hbm>> -> memref<160x128xi32, #tpu.memory_space<hbm>>
      %dma_wait3A_81 = arith.constant 0 : i32
      %dma_wait3A_82 = tpu.memref_slice %arg4[%mul3A_10, %dma_wait3A_81] : memref<2560x128xi32, #tpu.memory_space<hbm>> -> memref<160x128xi32, #tpu.memory_space<hbm>>
      tpu.wait_dma2 semaphore(%run_scoped3A : memref<!tpu.dma_semaphore, #tpu.memory_space<semaphore_mem>>) src(%dma_wait3A_82 : memref<160x128xi32, #tpu.memory_space<hbm>>) dst(%arg8 : memref<160x128xi32, #tpu.memory_space<vmem>>)
      tpu.yield
    }) : () -> ()
    %barrier3A = arith.constant 0 : index
    tpu.barrier barrier_id(%barrier3A)
    %scan3A = arith.constant 0 : i32
    %scan3A_11 = arith.constant 0 : i32
    %scan3A_12 = arith.constant 20 : i32
    %scan3A_13 = arith.addi %scan3A_11, %scan3A_12 : i32
    %scan3A_14 = arith.constant 1 : i32
    scf.for %scan3A_76 = %scan3A_11 to %scan3A_13 step %scan3A_14  : i32 {
      %mul3A_77 = arith.constant 8 : i32
      %mul3A_78 = arith.muli %scan3A_76, %mul3A_77 : i32
      %gt3A = arith.constant 0 : i32
      %gt3A_79 = arith.cmpi sgt, %scan3A_76, %gt3A : i32
      %convert_element_type3A = arith.extui %gt3A_79 : i1 to i32
      %cond3A = arith.constant 0 : i32
      %cond3A_80 = arith.cmpi ne, %convert_element_type3A, %cond3A : i32
      scf.if %cond3A_80 {
        %dma_wait3A_298 = arith.constant 0 : i32
        %dma_wait3A_299 = arith.constant 0 : i32
        %dma_wait3A_300 = tpu.memref_slice %arg8[%dma_wait3A_298, %dma_wait3A_299] : memref<160x128xi32, #tpu.memory_space<vmem>> -> memref<1x128xi32, #tpu.memory_space<vmem>>
        %dma_wait3A_301 = tpu.memref_squeeze %dma_wait3A_300 : memref<1x128xi32, #tpu.memory_space<vmem>> -> memref<128xi32, #tpu.memory_space<vmem>>
        %dma_wait3A_302 = arith.constant 0 : i32
        %dma_wait3A_303 = arith.constant 0 : i32
        %dma_wait3A_304 = tpu.memref_slice %arg33[%dma_wait3A_302, %dma_wait3A_303] : memref<10240x32xf32, #tpu.memory_space<vmem_shared>> -> memref<10240x32xf32, #tpu.memory_space<vmem_shared>>
        tpu.wait_indirect_dma semaphore(%arg25 : memref<!tpu.dma_semaphore, #tpu.memory_space<semaphore_mem>>) src(%arg9 : memref<128x32xf32, #tpu.memory_space<vmem>>) dst(%dma_wait3A_304 : memref<10240x32xf32, #tpu.memory_space<vmem_shared>>)
      } else {
      }
      %add3A = arith.constant 0 : i32
      %add3A_81 = arith.addi %mul3A_78, %add3A : i32
      %dma_start3A = arith.constant 0 : i32
      %dma_start3A_82 = tpu.memref_slice %arg7[%add3A_81, %dma_start3A] : memref<160x128xi32, #tpu.memory_space<vmem>> -> memref<1x128xi32, #tpu.memory_space<vmem>>
      %dma_start3A_83 = tpu.memref_squeeze %dma_start3A_82 : memref<1x128xi32, #tpu.memory_space<vmem>> -> memref<128xi32, #tpu.memory_space<vmem>>
      %dma_start3A_84 = arith.constant 0 : i32
      %dma_start3A_85 = arith.constant 0 : i32
      %dma_start3A_86 = tpu.memref_slice %arg34[%dma_start3A_84, %dma_start3A_85] : memref<10240x32xf32, #tpu.memory_space<vmem_shared>> -> memref<10240x32xf32, #tpu.memory_space<vmem_shared>>
      tpu.enqueue_indirect_dma source(%dma_start3A_86 : memref<10240x32xf32, #tpu.memory_space<vmem_shared>>) target(%arg9 : memref<128x32xf32, #tpu.memory_space<vmem>>) offsets(%dma_start3A_83 : memref<128xi32, #tpu.memory_space<vmem>>) semaphore(%arg17 : memref<!tpu.dma_semaphore, #tpu.memory_space<semaphore_mem>>)
      %gt3A_87 = arith.constant 0 : i32
      %gt3A_88 = arith.cmpi sgt, %scan3A_76, %gt3A_87 : i32
      %convert_element_type3A_89 = arith.extui %gt3A_88 : i1 to i32
      %cond3A_90 = arith.constant 0 : i32
      %cond3A_91 = arith.cmpi ne, %convert_element_type3A_89, %cond3A_90 : i32
      scf.if %cond3A_91 {
        %dma_wait3A_298 = arith.constant 0 : i32
        %dma_wait3A_299 = arith.constant 0 : i32
        %dma_wait3A_300 = tpu.memref_slice %arg8[%dma_wait3A_298, %dma_wait3A_299] : memref<160x128xi32, #tpu.memory_space<vmem>> -> memref<1x128xi32, #tpu.memory_space<vmem>>
        %dma_wait3A_301 = tpu.memref_squeeze %dma_wait3A_300 : memref<1x128xi32, #tpu.memory_space<vmem>> -> memref<128xi32, #tpu.memory_space<vmem>>
        %dma_wait3A_302 = arith.constant 0 : i32
        %dma_wait3A_303 = arith.constant 0 : i32
        %dma_wait3A_304 = tpu.memref_slice %arg33[%dma_wait3A_302, %dma_wait3A_303] : memref<10240x32xf32, #tpu.memory_space<vmem_shared>> -> memref<10240x32xf32, #tpu.memory_space<vmem_shared>>
        tpu.wait_indirect_dma semaphore(%arg26 : memref<!tpu.dma_semaphore, #tpu.memory_space<semaphore_mem>>) src(%arg10 : memref<128x32xf32, #tpu.memory_space<vmem>>) dst(%dma_wait3A_304 : memref<10240x32xf32, #tpu.memory_space<vmem_shared>>)
      } else {
      }
      %add3A_92 = arith.constant 1 : i32
      %add3A_93 = arith.addi %mul3A_78, %add3A_92 : i32
      %dma_start3A_94 = arith.constant 0 : i32
      %dma_start3A_95 = tpu.memref_slice %arg7[%add3A_93, %dma_start3A_94] : memref<160x128xi32, #tpu.memory_space<vmem>> -> memref<1x128xi32, #tpu.memory_space<vmem>>
      %dma_start3A_96 = tpu.memref_squeeze %dma_start3A_95 : memref<1x128xi32, #tpu.memory_space<vmem>> -> memref<128xi32, #tpu.memory_space<vmem>>
      %dma_start3A_97 = arith.constant 0 : i32
      %dma_start3A_98 = arith.constant 0 : i32
      %dma_start3A_99 = tpu.memref_slice %arg34[%dma_start3A_97, %dma_start3A_98] : memref<10240x32xf32, #tpu.memory_space<vmem_shared>> -> memref<10240x32xf32, #tpu.memory_space<vmem_shared>>
      tpu.enqueue_indirect_dma source(%dma_start3A_99 : memref<10240x32xf32, #tpu.memory_space<vmem_shared>>) target(%arg10 : memref<128x32xf32, #tpu.memory_space<vmem>>) offsets(%dma_start3A_96 : memref<128xi32, #tpu.memory_space<vmem>>) semaphore(%arg18 : memref<!tpu.dma_semaphore, #tpu.memory_space<semaphore_mem>>)
      %gt3A_100 = arith.constant 0 : i32
      %gt3A_101 = arith.cmpi sgt, %scan3A_76, %gt3A_100 : i32
      %convert_element_type3A_102 = arith.extui %gt3A_101 : i1 to i32
      %cond3A_103 = arith.constant 0 : i32
      %cond3A_104 = arith.cmpi ne, %convert_element_type3A_102, %cond3A_103 : i32
      scf.if %cond3A_104 {
        %dma_wait3A_298 = arith.constant 0 : i32
        %dma_wait3A_299 = arith.constant 0 : i32
        %dma_wait3A_300 = tpu.memref_slice %arg8[%dma_wait3A_298, %dma_wait3A_299] : memref<160x128xi32, #tpu.memory_space<vmem>> -> memref<1x128xi32, #tpu.memory_space<vmem>>
        %dma_wait3A_301 = tpu.memref_squeeze %dma_wait3A_300 : memref<1x128xi32, #tpu.memory_space<vmem>> -> memref<128xi32, #tpu.memory_space<vmem>>
        %dma_wait3A_302 = arith.constant 0 : i32
        %dma_wait3A_303 = arith.constant 0 : i32
        %dma_wait3A_304 = tpu.memref_slice %arg33[%dma_wait3A_302, %dma_wait3A_303] : memref<10240x32xf32, #tpu.memory_space<vmem_shared>> -> memref<10240x32xf32, #tpu.memory_space<vmem_shared>>
        tpu.wait_indirect_dma semaphore(%arg27 : memref<!tpu.dma_semaphore, #tpu.memory_space<semaphore_mem>>) src(%arg11 : memref<128x32xf32, #tpu.memory_space<vmem>>) dst(%dma_wait3A_304 : memref<10240x32xf32, #tpu.memory_space<vmem_shared>>)
      } else {
      }
      %add3A_105 = arith.constant 2 : i32
      %add3A_106 = arith.addi %mul3A_78, %add3A_105 : i32
      %dma_start3A_107 = arith.constant 0 : i32
      %dma_start3A_108 = tpu.memref_slice %arg7[%add3A_106, %dma_start3A_107] : memref<160x128xi32, #tpu.memory_space<vmem>> -> memref<1x128xi32, #tpu.memory_space<vmem>>
      %dma_start3A_109 = tpu.memref_squeeze %dma_start3A_108 : memref<1x128xi32, #tpu.memory_space<vmem>> -> memref<128xi32, #tpu.memory_space<vmem>>
      %dma_start3A_110 = arith.constant 0 : i32
      %dma_start3A_111 = arith.constant 0 : i32
      %dma_start3A_112 = tpu.memref_slice %arg34[%dma_start3A_110, %dma_start3A_111] : memref<10240x32xf32, #tpu.memory_space<vmem_shared>> -> memref<10240x32xf32, #tpu.memory_space<vmem_shared>>
      tpu.enqueue_indirect_dma source(%dma_start3A_112 : memref<10240x32xf32, #tpu.memory_space<vmem_shared>>) target(%arg11 : memref<128x32xf32, #tpu.memory_space<vmem>>) offsets(%dma_start3A_109 : memref<128xi32, #tpu.memory_space<vmem>>) semaphore(%arg19 : memref<!tpu.dma_semaphore, #tpu.memory_space<semaphore_mem>>)
      %gt3A_113 = arith.constant 0 : i32
      %gt3A_114 = arith.cmpi sgt, %scan3A_76, %gt3A_113 : i32
      %convert_element_type3A_115 = arith.extui %gt3A_114 : i1 to i32
      %cond3A_116 = arith.constant 0 : i32
      %cond3A_117 = arith.cmpi ne, %convert_element_type3A_115, %cond3A_116 : i32
      scf.if %cond3A_117 {
        %dma_wait3A_298 = arith.constant 0 : i32
        %dma_wait3A_299 = arith.constant 0 : i32
        %dma_wait3A_300 = tpu.memref_slice %arg8[%dma_wait3A_298, %dma_wait3A_299] : memref<160x128xi32, #tpu.memory_space<vmem>> -> memref<1x128xi32, #tpu.memory_space<vmem>>
        %dma_wait3A_301 = tpu.memref_squeeze %dma_wait3A_300 : memref<1x128xi32, #tpu.memory_space<vmem>> -> memref<128xi32, #tpu.memory_space<vmem>>
        %dma_wait3A_302 = arith.constant 0 : i32
        %dma_wait3A_303 = arith.constant 0 : i32
        %dma_wait3A_304 = tpu.memref_slice %arg33[%dma_wait3A_302, %dma_wait3A_303] : memref<10240x32xf32, #tpu.memory_space<vmem_shared>> -> memref<10240x32xf32, #tpu.memory_space<vmem_shared>>
        tpu.wait_indirect_dma semaphore(%arg28 : memref<!tpu.dma_semaphore, #tpu.memory_space<semaphore_mem>>) src(%arg12 : memref<128x32xf32, #tpu.memory_space<vmem>>) dst(%dma_wait3A_304 : memref<10240x32xf32, #tpu.memory_space<vmem_shared>>)
      } else {
      }
      %add3A_118 = arith.constant 3 : i32
      %add3A_119 = arith.addi %mul3A_78, %add3A_118 : i32
      %dma_start3A_120 = arith.constant 0 : i32
      %dma_start3A_121 = tpu.memref_slice %arg7[%add3A_119, %dma_start3A_120] : memref<160x128xi32, #tpu.memory_space<vmem>> -> memref<1x128xi32, #tpu.memory_space<vmem>>
      %dma_start3A_122 = tpu.memref_squeeze %dma_start3A_121 : memref<1x128xi32, #tpu.memory_space<vmem>> -> memref<128xi32, #tpu.memory_space<vmem>>
      %dma_start3A_123 = arith.constant 0 : i32
      %dma_start3A_124 = arith.constant 0 : i32
      %dma_start3A_125 = tpu.memref_slice %arg34[%dma_start3A_123, %dma_start3A_124] : memref<10240x32xf32, #tpu.memory_space<vmem_shared>> -> memref<10240x32xf32, #tpu.memory_space<vmem_shared>>
      tpu.enqueue_indirect_dma source(%dma_start3A_125 : memref<10240x32xf32, #tpu.memory_space<vmem_shared>>) target(%arg12 : memref<128x32xf32, #tpu.memory_space<vmem>>) offsets(%dma_start3A_122 : memref<128xi32, #tpu.memory_space<vmem>>) semaphore(%arg20 : memref<!tpu.dma_semaphore, #tpu.memory_space<semaphore_mem>>)
      %gt3A_126 = arith.constant 0 : i32
      %gt3A_127 = arith.cmpi sgt, %scan3A_76, %gt3A_126 : i32
      %convert_element_type3A_128 = arith.extui %gt3A_127 : i1 to i32
      %cond3A_129 = arith.constant 0 : i32
      %cond3A_130 = arith.cmpi ne, %convert_element_type3A_128, %cond3A_129 : i32
      scf.if %cond3A_130 {
        %dma_wait3A_298 = arith.constant 0 : i32
        %dma_wait3A_299 = arith.constant 0 : i32
        %dma_wait3A_300 = tpu.memref_slice %arg8[%dma_wait3A_298, %dma_wait3A_299] : memref<160x128xi32, #tpu.memory_space<vmem>> -> memref<1x128xi32, #tpu.memory_space<vmem>>
        %dma_wait3A_301 = tpu.memref_squeeze %dma_wait3A_300 : memref<1x128xi32, #tpu.memory_space<vmem>> -> memref<128xi32, #tpu.memory_space<vmem>>
        %dma_wait3A_302 = arith.constant 0 : i32
        %dma_wait3A_303 = arith.constant 0 : i32
        %dma_wait3A_304 = tpu.memref_slice %arg33[%dma_wait3A_302, %dma_wait3A_303] : memref<10240x32xf32, #tpu.memory_space<vmem_shared>> -> memref<10240x32xf32, #tpu.memory_space<vmem_shared>>
        tpu.wait_indirect_dma semaphore(%arg29 : memref<!tpu.dma_semaphore, #tpu.memory_space<semaphore_mem>>) src(%arg13 : memref<128x32xf32, #tpu.memory_space<vmem>>) dst(%dma_wait3A_304 : memref<10240x32xf32, #tpu.memory_space<vmem_shared>>)
      } else {
      }
      %add3A_131 = arith.constant 4 : i32
      %add3A_132 = arith.addi %mul3A_78, %add3A_131 : i32
      %dma_start3A_133 = arith.constant 0 : i32
      %dma_start3A_134 = tpu.memref_slice %arg7[%add3A_132, %dma_start3A_133] : memref<160x128xi32, #tpu.memory_space<vmem>> -> memref<1x128xi32, #tpu.memory_space<vmem>>
      %dma_start3A_135 = tpu.memref_squeeze %dma_start3A_134 : memref<1x128xi32, #tpu.memory_space<vmem>> -> memref<128xi32, #tpu.memory_space<vmem>>
      %dma_start3A_136 = arith.constant 0 : i32
      %dma_start3A_137 = arith.constant 0 : i32
      %dma_start3A_138 = tpu.memref_slice %arg34[%dma_start3A_136, %dma_start3A_137] : memref<10240x32xf32, #tpu.memory_space<vmem_shared>> -> memref<10240x32xf32, #tpu.memory_space<vmem_shared>>
      tpu.enqueue_indirect_dma source(%dma_start3A_138 : memref<10240x32xf32, #tpu.memory_space<vmem_shared>>) target(%arg13 : memref<128x32xf32, #tpu.memory_space<vmem>>) offsets(%dma_start3A_135 : memref<128xi32, #tpu.memory_space<vmem>>) semaphore(%arg21 : memref<!tpu.dma_semaphore, #tpu.memory_space<semaphore_mem>>)
      %gt3A_139 = arith.constant 0 : i32
      %gt3A_140 = arith.cmpi sgt, %scan3A_76, %gt3A_139 : i32
      %convert_element_type3A_141 = arith.extui %gt3A_140 : i1 to i32
      %cond3A_142 = arith.constant 0 : i32
      %cond3A_143 = arith.cmpi ne, %convert_element_type3A_141, %cond3A_142 : i32
      scf.if %cond3A_143 {
        %dma_wait3A_298 = arith.constant 0 : i32
        %dma_wait3A_299 = arith.constant 0 : i32
        %dma_wait3A_300 = tpu.memref_slice %arg8[%dma_wait3A_298, %dma_wait3A_299] : memref<160x128xi32, #tpu.memory_space<vmem>> -> memref<1x128xi32, #tpu.memory_space<vmem>>
        %dma_wait3A_301 = tpu.memref_squeeze %dma_wait3A_300 : memref<1x128xi32, #tpu.memory_space<vmem>> -> memref<128xi32, #tpu.memory_space<vmem>>
        %dma_wait3A_302 = arith.constant 0 : i32
        %dma_wait3A_303 = arith.constant 0 : i32
        %dma_wait3A_304 = tpu.memref_slice %arg33[%dma_wait3A_302, %dma_wait3A_303] : memref<10240x32xf32, #tpu.memory_space<vmem_shared>> -> memref<10240x32xf32, #tpu.memory_space<vmem_shared>>
        tpu.wait_indirect_dma semaphore(%arg30 : memref<!tpu.dma_semaphore, #tpu.memory_space<semaphore_mem>>) src(%arg14 : memref<128x32xf32, #tpu.memory_space<vmem>>) dst(%dma_wait3A_304 : memref<10240x32xf32, #tpu.memory_space<vmem_shared>>)
      } else {
      }
      %add3A_144 = arith.constant 5 : i32
      %add3A_145 = arith.addi %mul3A_78, %add3A_144 : i32
      %dma_start3A_146 = arith.constant 0 : i32
      %dma_start3A_147 = tpu.memref_slice %arg7[%add3A_145, %dma_start3A_146] : memref<160x128xi32, #tpu.memory_space<vmem>> -> memref<1x128xi32, #tpu.memory_space<vmem>>
      %dma_start3A_148 = tpu.memref_squeeze %dma_start3A_147 : memref<1x128xi32, #tpu.memory_space<vmem>> -> memref<128xi32, #tpu.memory_space<vmem>>
      %dma_start3A_149 = arith.constant 0 : i32
      %dma_start3A_150 = arith.constant 0 : i32
      %dma_start3A_151 = tpu.memref_slice %arg34[%dma_start3A_149, %dma_start3A_150] : memref<10240x32xf32, #tpu.memory_space<vmem_shared>> -> memref<10240x32xf32, #tpu.memory_space<vmem_shared>>
      tpu.enqueue_indirect_dma source(%dma_start3A_151 : memref<10240x32xf32, #tpu.memory_space<vmem_shared>>) target(%arg14 : memref<128x32xf32, #tpu.memory_space<vmem>>) offsets(%dma_start3A_148 : memref<128xi32, #tpu.memory_space<vmem>>) semaphore(%arg22 : memref<!tpu.dma_semaphore, #tpu.memory_space<semaphore_mem>>)
      %gt3A_152 = arith.constant 0 : i32
      %gt3A_153 = arith.cmpi sgt, %scan3A_76, %gt3A_152 : i32
      %convert_element_type3A_154 = arith.extui %gt3A_153 : i1 to i32
      %cond3A_155 = arith.constant 0 : i32
      %cond3A_156 = arith.cmpi ne, %convert_element_type3A_154, %cond3A_155 : i32
      scf.if %cond3A_156 {
        %dma_wait3A_298 = arith.constant 0 : i32
        %dma_wait3A_299 = arith.constant 0 : i32
        %dma_wait3A_300 = tpu.memref_slice %arg8[%dma_wait3A_298, %dma_wait3A_299] : memref<160x128xi32, #tpu.memory_space<vmem>> -> memref<1x128xi32, #tpu.memory_space<vmem>>
        %dma_wait3A_301 = tpu.memref_squeeze %dma_wait3A_300 : memref<1x128xi32, #tpu.memory_space<vmem>> -> memref<128xi32, #tpu.memory_space<vmem>>
        %dma_wait3A_302 = arith.constant 0 : i32
        %dma_wait3A_303 = arith.constant 0 : i32
        %dma_wait3A_304 = tpu.memref_slice %arg33[%dma_wait3A_302, %dma_wait3A_303] : memref<10240x32xf32, #tpu.memory_space<vmem_shared>> -> memref<10240x32xf32, #tpu.memory_space<vmem_shared>>
        tpu.wait_indirect_dma semaphore(%arg31 : memref<!tpu.dma_semaphore, #tpu.memory_space<semaphore_mem>>) src(%arg15 : memref<128x32xf32, #tpu.memory_space<vmem>>) dst(%dma_wait3A_304 : memref<10240x32xf32, #tpu.memory_space<vmem_shared>>)
      } else {
      }
      %add3A_157 = arith.constant 6 : i32
      %add3A_158 = arith.addi %mul3A_78, %add3A_157 : i32
      %dma_start3A_159 = arith.constant 0 : i32
      %dma_start3A_160 = tpu.memref_slice %arg7[%add3A_158, %dma_start3A_159] : memref<160x128xi32, #tpu.memory_space<vmem>> -> memref<1x128xi32, #tpu.memory_space<vmem>>
      %dma_start3A_161 = tpu.memref_squeeze %dma_start3A_160 : memref<1x128xi32, #tpu.memory_space<vmem>> -> memref<128xi32, #tpu.memory_space<vmem>>
      %dma_start3A_162 = arith.constant 0 : i32
      %dma_start3A_163 = arith.constant 0 : i32
      %dma_start3A_164 = tpu.memref_slice %arg34[%dma_start3A_162, %dma_start3A_163] : memref<10240x32xf32, #tpu.memory_space<vmem_shared>> -> memref<10240x32xf32, #tpu.memory_space<vmem_shared>>
      tpu.enqueue_indirect_dma source(%dma_start3A_164 : memref<10240x32xf32, #tpu.memory_space<vmem_shared>>) target(%arg15 : memref<128x32xf32, #tpu.memory_space<vmem>>) offsets(%dma_start3A_161 : memref<128xi32, #tpu.memory_space<vmem>>) semaphore(%arg23 : memref<!tpu.dma_semaphore, #tpu.memory_space<semaphore_mem>>)
      %gt3A_165 = arith.constant 0 : i32
      %gt3A_166 = arith.cmpi sgt, %scan3A_76, %gt3A_165 : i32
      %convert_element_type3A_167 = arith.extui %gt3A_166 : i1 to i32
      %cond3A_168 = arith.constant 0 : i32
      %cond3A_169 = arith.cmpi ne, %convert_element_type3A_167, %cond3A_168 : i32
      scf.if %cond3A_169 {
        %dma_wait3A_298 = arith.constant 0 : i32
        %dma_wait3A_299 = arith.constant 0 : i32
        %dma_wait3A_300 = tpu.memref_slice %arg8[%dma_wait3A_298, %dma_wait3A_299] : memref<160x128xi32, #tpu.memory_space<vmem>> -> memref<1x128xi32, #tpu.memory_space<vmem>>
        %dma_wait3A_301 = tpu.memref_squeeze %dma_wait3A_300 : memref<1x128xi32, #tpu.memory_space<vmem>> -> memref<128xi32, #tpu.memory_space<vmem>>
        %dma_wait3A_302 = arith.constant 0 : i32
        %dma_wait3A_303 = arith.constant 0 : i32
        %dma_wait3A_304 = tpu.memref_slice %arg33[%dma_wait3A_302, %dma_wait3A_303] : memref<10240x32xf32, #tpu.memory_space<vmem_shared>> -> memref<10240x32xf32, #tpu.memory_space<vmem_shared>>
        tpu.wait_indirect_dma semaphore(%arg32 : memref<!tpu.dma_semaphore, #tpu.memory_space<semaphore_mem>>) src(%arg16 : memref<128x32xf32, #tpu.memory_space<vmem>>) dst(%dma_wait3A_304 : memref<10240x32xf32, #tpu.memory_space<vmem_shared>>)
      } else {
      }
      %add3A_170 = arith.constant 7 : i32
      %add3A_171 = arith.addi %mul3A_78, %add3A_170 : i32
      %dma_start3A_172 = arith.constant 0 : i32
      %dma_start3A_173 = tpu.memref_slice %arg7[%add3A_171, %dma_start3A_172] : memref<160x128xi32, #tpu.memory_space<vmem>> -> memref<1x128xi32, #tpu.memory_space<vmem>>
      %dma_start3A_174 = tpu.memref_squeeze %dma_start3A_173 : memref<1x128xi32, #tpu.memory_space<vmem>> -> memref<128xi32, #tpu.memory_space<vmem>>
      %dma_start3A_175 = arith.constant 0 : i32
      %dma_start3A_176 = arith.constant 0 : i32
      %dma_start3A_177 = tpu.memref_slice %arg34[%dma_start3A_175, %dma_start3A_176] : memref<10240x32xf32, #tpu.memory_space<vmem_shared>> -> memref<10240x32xf32, #tpu.memory_space<vmem_shared>>
      tpu.enqueue_indirect_dma source(%dma_start3A_177 : memref<10240x32xf32, #tpu.memory_space<vmem_shared>>) target(%arg16 : memref<128x32xf32, #tpu.memory_space<vmem>>) offsets(%dma_start3A_174 : memref<128xi32, #tpu.memory_space<vmem>>) semaphore(%arg24 : memref<!tpu.dma_semaphore, #tpu.memory_space<semaphore_mem>>)
      %dma_wait3A_178 = arith.constant 0 : i32
      %dma_wait3A_179 = arith.constant 0 : i32
      %dma_wait3A_180 = tpu.memref_slice %arg7[%dma_wait3A_178, %dma_wait3A_179] : memref<160x128xi32, #tpu.memory_space<vmem>> -> memref<1x128xi32, #tpu.memory_space<vmem>>
      %dma_wait3A_181 = tpu.memref_squeeze %dma_wait3A_180 : memref<1x128xi32, #tpu.memory_space<vmem>> -> memref<128xi32, #tpu.memory_space<vmem>>
      %dma_wait3A_182 = arith.constant 0 : i32
      %dma_wait3A_183 = arith.constant 0 : i32
      %dma_wait3A_184 = tpu.memref_slice %arg34[%dma_wait3A_182, %dma_wait3A_183] : memref<10240x32xf32, #tpu.memory_space<vmem_shared>> -> memref<10240x32xf32, #tpu.memory_space<vmem_shared>>
      tpu.wait_indirect_dma semaphore(%arg17 : memref<!tpu.dma_semaphore, #tpu.memory_space<semaphore_mem>>) src(%dma_wait3A_184 : memref<10240x32xf32, #tpu.memory_space<vmem_shared>>) dst(%arg9 : memref<128x32xf32, #tpu.memory_space<vmem>>)
      %add3A_185 = arith.constant 0 : i32
      %add3A_186 = arith.addi %mul3A_78, %add3A_185 : i32
      %dma_start3A_187 = arith.constant 0 : i32
      %dma_start3A_188 = tpu.memref_slice %arg8[%add3A_186, %dma_start3A_187] : memref<160x128xi32, #tpu.memory_space<vmem>> -> memref<1x128xi32, #tpu.memory_space<vmem>>
      %dma_start3A_189 = tpu.memref_squeeze %dma_start3A_188 : memref<1x128xi32, #tpu.memory_space<vmem>> -> memref<128xi32, #tpu.memory_space<vmem>>
      %dma_start3A_190 = arith.constant 0 : i32
      %dma_start3A_191 = arith.constant 0 : i32
      %dma_start3A_192 = tpu.memref_slice %arg33[%dma_start3A_190, %dma_start3A_191] : memref<10240x32xf32, #tpu.memory_space<vmem_shared>> -> memref<10240x32xf32, #tpu.memory_space<vmem_shared>>
      tpu.enqueue_indirect_dma source(%arg9 : memref<128x32xf32, #tpu.memory_space<vmem>>) target(%dma_start3A_192 : memref<10240x32xf32, #tpu.memory_space<vmem_shared>>) offsets(%dma_start3A_189 : memref<128xi32, #tpu.memory_space<vmem>>) semaphore(%arg25 : memref<!tpu.dma_semaphore, #tpu.memory_space<semaphore_mem>>) {add = true}
      %dma_wait3A_193 = arith.constant 0 : i32
      %dma_wait3A_194 = arith.constant 0 : i32
      %dma_wait3A_195 = tpu.memref_slice %arg7[%dma_wait3A_193, %dma_wait3A_194] : memref<160x128xi32, #tpu.memory_space<vmem>> -> memref<1x128xi32, #tpu.memory_space<vmem>>
      %dma_wait3A_196 = tpu.memref_squeeze %dma_wait3A_195 : memref<1x128xi32, #tpu.memory_space<vmem>> -> memref<128xi32, #tpu.memory_space<vmem>>
      %dma_wait3A_197 = arith.constant 0 : i32
      %dma_wait3A_198 = arith.constant 0 : i32
      %dma_wait3A_199 = tpu.memref_slice %arg34[%dma_wait3A_197, %dma_wait3A_198] : memref<10240x32xf32, #tpu.memory_space<vmem_shared>> -> memref<10240x32xf32, #tpu.memory_space<vmem_shared>>
      tpu.wait_indirect_dma semaphore(%arg18 : memref<!tpu.dma_semaphore, #tpu.memory_space<semaphore_mem>>) src(%dma_wait3A_199 : memref<10240x32xf32, #tpu.memory_space<vmem_shared>>) dst(%arg10 : memref<128x32xf32, #tpu.memory_space<vmem>>)
      %add3A_200 = arith.constant 1 : i32
      %add3A_201 = arith.addi %mul3A_78, %add3A_200 : i32
      %dma_start3A_202 = arith.constant 0 : i32
      %dma_start3A_203 = tpu.memref_slice %arg8[%add3A_201, %dma_start3A_202] : memref<160x128xi32, #tpu.memory_space<vmem>> -> memref<1x128xi32, #tpu.memory_space<vmem>>
      %dma_start3A_204 = tpu.memref_squeeze %dma_start3A_203 : memref<1x128xi32, #tpu.memory_space<vmem>> -> memref<128xi32, #tpu.memory_space<vmem>>
      %dma_start3A_205 = arith.constant 0 : i32
      %dma_start3A_206 = arith.constant 0 : i32
      %dma_start3A_207 = tpu.memref_slice %arg33[%dma_start3A_205, %dma_start3A_206] : memref<10240x32xf32, #tpu.memory_space<vmem_shared>> -> memref<10240x32xf32, #tpu.memory_space<vmem_shared>>
      tpu.enqueue_indirect_dma source(%arg10 : memref<128x32xf32, #tpu.memory_space<vmem>>) target(%dma_start3A_207 : memref<10240x32xf32, #tpu.memory_space<vmem_shared>>) offsets(%dma_start3A_204 : memref<128xi32, #tpu.memory_space<vmem>>) semaphore(%arg26 : memref<!tpu.dma_semaphore, #tpu.memory_space<semaphore_mem>>) {add = true}
      %dma_wait3A_208 = arith.constant 0 : i32
      %dma_wait3A_209 = arith.constant 0 : i32
      %dma_wait3A_210 = tpu.memref_slice %arg7[%dma_wait3A_208, %dma_wait3A_209] : memref<160x128xi32, #tpu.memory_space<vmem>> -> memref<1x128xi32, #tpu.memory_space<vmem>>
      %dma_wait3A_211 = tpu.memref_squeeze %dma_wait3A_210 : memref<1x128xi32, #tpu.memory_space<vmem>> -> memref<128xi32, #tpu.memory_space<vmem>>
      %dma_wait3A_212 = arith.constant 0 : i32
      %dma_wait3A_213 = arith.constant 0 : i32
      %dma_wait3A_214 = tpu.memref_slice %arg34[%dma_wait3A_212, %dma_wait3A_213] : memref<10240x32xf32, #tpu.memory_space<vmem_shared>> -> memref<10240x32xf32, #tpu.memory_space<vmem_shared>>
      tpu.wait_indirect_dma semaphore(%arg19 : memref<!tpu.dma_semaphore, #tpu.memory_space<semaphore_mem>>) src(%dma_wait3A_214 : memref<10240x32xf32, #tpu.memory_space<vmem_shared>>) dst(%arg11 : memref<128x32xf32, #tpu.memory_space<vmem>>)
      %add3A_215 = arith.constant 2 : i32
      %add3A_216 = arith.addi %mul3A_78, %add3A_215 : i32
      %dma_start3A_217 = arith.constant 0 : i32
      %dma_start3A_218 = tpu.memref_slice %arg8[%add3A_216, %dma_start3A_217] : memref<160x128xi32, #tpu.memory_space<vmem>> -> memref<1x128xi32, #tpu.memory_space<vmem>>
      %dma_start3A_219 = tpu.memref_squeeze %dma_start3A_218 : memref<1x128xi32, #tpu.memory_space<vmem>> -> memref<128xi32, #tpu.memory_space<vmem>>
      %dma_start3A_220 = arith.constant 0 : i32
      %dma_start3A_221 = arith.constant 0 : i32
      %dma_start3A_222 = tpu.memref_slice %arg33[%dma_start3A_220, %dma_start3A_221] : memref<10240x32xf32, #tpu.memory_space<vmem_shared>> -> memref<10240x32xf32, #tpu.memory_space<vmem_shared>>
      tpu.enqueue_indirect_dma source(%arg11 : memref<128x32xf32, #tpu.memory_space<vmem>>) target(%dma_start3A_222 : memref<10240x32xf32, #tpu.memory_space<vmem_shared>>) offsets(%dma_start3A_219 : memref<128xi32, #tpu.memory_space<vmem>>) semaphore(%arg27 : memref<!tpu.dma_semaphore, #tpu.memory_space<semaphore_mem>>) {add = true}
      %dma_wait3A_223 = arith.constant 0 : i32
      %dma_wait3A_224 = arith.constant 0 : i32
      %dma_wait3A_225 = tpu.memref_slice %arg7[%dma_wait3A_223, %dma_wait3A_224] : memref<160x128xi32, #tpu.memory_space<vmem>> -> memref<1x128xi32, #tpu.memory_space<vmem>>
      %dma_wait3A_226 = tpu.memref_squeeze %dma_wait3A_225 : memref<1x128xi32, #tpu.memory_space<vmem>> -> memref<128xi32, #tpu.memory_space<vmem>>
      %dma_wait3A_227 = arith.constant 0 : i32
      %dma_wait3A_228 = arith.constant 0 : i32
      %dma_wait3A_229 = tpu.memref_slice %arg34[%dma_wait3A_227, %dma_wait3A_228] : memref<10240x32xf32, #tpu.memory_space<vmem_shared>> -> memref<10240x32xf32, #tpu.memory_space<vmem_shared>>
      tpu.wait_indirect_dma semaphore(%arg20 : memref<!tpu.dma_semaphore, #tpu.memory_space<semaphore_mem>>) src(%dma_wait3A_229 : memref<10240x32xf32, #tpu.memory_space<vmem_shared>>) dst(%arg12 : memref<128x32xf32, #tpu.memory_space<vmem>>)
      %add3A_230 = arith.constant 3 : i32
      %add3A_231 = arith.addi %mul3A_78, %add3A_230 : i32
      %dma_start3A_232 = arith.constant 0 : i32
      %dma_start3A_233 = tpu.memref_slice %arg8[%add3A_231, %dma_start3A_232] : memref<160x128xi32, #tpu.memory_space<vmem>> -> memref<1x128xi32, #tpu.memory_space<vmem>>
      %dma_start3A_234 = tpu.memref_squeeze %dma_start3A_233 : memref<1x128xi32, #tpu.memory_space<vmem>> -> memref<128xi32, #tpu.memory_space<vmem>>
      %dma_start3A_235 = arith.constant 0 : i32
      %dma_start3A_236 = arith.constant 0 : i32
      %dma_start3A_237 = tpu.memref_slice %arg33[%dma_start3A_235, %dma_start3A_236] : memref<10240x32xf32, #tpu.memory_space<vmem_shared>> -> memref<10240x32xf32, #tpu.memory_space<vmem_shared>>
      tpu.enqueue_indirect_dma source(%arg12 : memref<128x32xf32, #tpu.memory_space<vmem>>) target(%dma_start3A_237 : memref<10240x32xf32, #tpu.memory_space<vmem_shared>>) offsets(%dma_start3A_234 : memref<128xi32, #tpu.memory_space<vmem>>) semaphore(%arg28 : memref<!tpu.dma_semaphore, #tpu.memory_space<semaphore_mem>>) {add = true}
      %dma_wait3A_238 = arith.constant 0 : i32
      %dma_wait3A_239 = arith.constant 0 : i32
      %dma_wait3A_240 = tpu.memref_slice %arg7[%dma_wait3A_238, %dma_wait3A_239] : memref<160x128xi32, #tpu.memory_space<vmem>> -> memref<1x128xi32, #tpu.memory_space<vmem>>
      %dma_wait3A_241 = tpu.memref_squeeze %dma_wait3A_240 : memref<1x128xi32, #tpu.memory_space<vmem>> -> memref<128xi32, #tpu.memory_space<vmem>>
      %dma_wait3A_242 = arith.constant 0 : i32
      %dma_wait3A_243 = arith.constant 0 : i32
      %dma_wait3A_244 = tpu.memref_slice %arg34[%dma_wait3A_242, %dma_wait3A_243] : memref<10240x32xf32, #tpu.memory_space<vmem_shared>> -> memref<10240x32xf32, #tpu.memory_space<vmem_shared>>
      tpu.wait_indirect_dma semaphore(%arg21 : memref<!tpu.dma_semaphore, #tpu.memory_space<semaphore_mem>>) src(%dma_wait3A_244 : memref<10240x32xf32, #tpu.memory_space<vmem_shared>>) dst(%arg13 : memref<128x32xf32, #tpu.memory_space<vmem>>)
      %add3A_245 = arith.constant 4 : i32
      %add3A_246 = arith.addi %mul3A_78, %add3A_245 : i32
      %dma_start3A_247 = arith.constant 0 : i32
      %dma_start3A_248 = tpu.memref_slice %arg8[%add3A_246, %dma_start3A_247] : memref<160x128xi32, #tpu.memory_space<vmem>> -> memref<1x128xi32, #tpu.memory_space<vmem>>
      %dma_start3A_249 = tpu.memref_squeeze %dma_start3A_248 : memref<1x128xi32, #tpu.memory_space<vmem>> -> memref<128xi32, #tpu.memory_space<vmem>>
      %dma_start3A_250 = arith.constant 0 : i32
      %dma_start3A_251 = arith.constant 0 : i32
      %dma_start3A_252 = tpu.memref_slice %arg33[%dma_start3A_250, %dma_start3A_251] : memref<10240x32xf32, #tpu.memory_space<vmem_shared>> -> memref<10240x32xf32, #tpu.memory_space<vmem_shared>>
      tpu.enqueue_indirect_dma source(%arg13 : memref<128x32xf32, #tpu.memory_space<vmem>>) target(%dma_start3A_252 : memref<10240x32xf32, #tpu.memory_space<vmem_shared>>) offsets(%dma_start3A_249 : memref<128xi32, #tpu.memory_space<vmem>>) semaphore(%arg29 : memref<!tpu.dma_semaphore, #tpu.memory_space<semaphore_mem>>) {add = true}
      %dma_wait3A_253 = arith.constant 0 : i32
      %dma_wait3A_254 = arith.constant 0 : i32
      %dma_wait3A_255 = tpu.memref_slice %arg7[%dma_wait3A_253, %dma_wait3A_254] : memref<160x128xi32, #tpu.memory_space<vmem>> -> memref<1x128xi32, #tpu.memory_space<vmem>>
      %dma_wait3A_256 = tpu.memref_squeeze %dma_wait3A_255 : memref<1x128xi32, #tpu.memory_space<vmem>> -> memref<128xi32, #tpu.memory_space<vmem>>
      %dma_wait3A_257 = arith.constant 0 : i32
      %dma_wait3A_258 = arith.constant 0 : i32
      %dma_wait3A_259 = tpu.memref_slice %arg34[%dma_wait3A_257, %dma_wait3A_258] : memref<10240x32xf32, #tpu.memory_space<vmem_shared>> -> memref<10240x32xf32, #tpu.memory_space<vmem_shared>>
      tpu.wait_indirect_dma semaphore(%arg22 : memref<!tpu.dma_semaphore, #tpu.memory_space<semaphore_mem>>) src(%dma_wait3A_259 : memref<10240x32xf32, #tpu.memory_space<vmem_shared>>) dst(%arg14 : memref<128x32xf32, #tpu.memory_space<vmem>>)
      %add3A_260 = arith.constant 5 : i32
      %add3A_261 = arith.addi %mul3A_78, %add3A_260 : i32
      %dma_start3A_262 = arith.constant 0 : i32
      %dma_start3A_263 = tpu.memref_slice %arg8[%add3A_261, %dma_start3A_262] : memref<160x128xi32, #tpu.memory_space<vmem>> -> memref<1x128xi32, #tpu.memory_space<vmem>>
      %dma_start3A_264 = tpu.memref_squeeze %dma_start3A_263 : memref<1x128xi32, #tpu.memory_space<vmem>> -> memref<128xi32, #tpu.memory_space<vmem>>
      %dma_start3A_265 = arith.constant 0 : i32
      %dma_start3A_266 = arith.constant 0 : i32
      %dma_start3A_267 = tpu.memref_slice %arg33[%dma_start3A_265, %dma_start3A_266] : memref<10240x32xf32, #tpu.memory_space<vmem_shared>> -> memref<10240x32xf32, #tpu.memory_space<vmem_shared>>
      tpu.enqueue_indirect_dma source(%arg14 : memref<128x32xf32, #tpu.memory_space<vmem>>) target(%dma_start3A_267 : memref<10240x32xf32, #tpu.memory_space<vmem_shared>>) offsets(%dma_start3A_264 : memref<128xi32, #tpu.memory_space<vmem>>) semaphore(%arg30 : memref<!tpu.dma_semaphore, #tpu.memory_space<semaphore_mem>>) {add = true}
      %dma_wait3A_268 = arith.constant 0 : i32
      %dma_wait3A_269 = arith.constant 0 : i32
      %dma_wait3A_270 = tpu.memref_slice %arg7[%dma_wait3A_268, %dma_wait3A_269] : memref<160x128xi32, #tpu.memory_space<vmem>> -> memref<1x128xi32, #tpu.memory_space<vmem>>
      %dma_wait3A_271 = tpu.memref_squeeze %dma_wait3A_270 : memref<1x128xi32, #tpu.memory_space<vmem>> -> memref<128xi32, #tpu.memory_space<vmem>>
      %dma_wait3A_272 = arith.constant 0 : i32
      %dma_wait3A_273 = arith.constant 0 : i32
      %dma_wait3A_274 = tpu.memref_slice %arg34[%dma_wait3A_272, %dma_wait3A_273] : memref<10240x32xf32, #tpu.memory_space<vmem_shared>> -> memref<10240x32xf32, #tpu.memory_space<vmem_shared>>
      tpu.wait_indirect_dma semaphore(%arg23 : memref<!tpu.dma_semaphore, #tpu.memory_space<semaphore_mem>>) src(%dma_wait3A_274 : memref<10240x32xf32, #tpu.memory_space<vmem_shared>>) dst(%arg15 : memref<128x32xf32, #tpu.memory_space<vmem>>)
      %add3A_275 = arith.constant 6 : i32
      %add3A_276 = arith.addi %mul3A_78, %add3A_275 : i32
      %dma_start3A_277 = arith.constant 0 : i32
      %dma_start3A_278 = tpu.memref_slice %arg8[%add3A_276, %dma_start3A_277] : memref<160x128xi32, #tpu.memory_space<vmem>> -> memref<1x128xi32, #tpu.memory_space<vmem>>
      %dma_start3A_279 = tpu.memref_squeeze %dma_start3A_278 : memref<1x128xi32, #tpu.memory_space<vmem>> -> memref<128xi32, #tpu.memory_space<vmem>>
      %dma_start3A_280 = arith.constant 0 : i32
      %dma_start3A_281 = arith.constant 0 : i32
      %dma_start3A_282 = tpu.memref_slice %arg33[%dma_start3A_280, %dma_start3A_281] : memref<10240x32xf32, #tpu.memory_space<vmem_shared>> -> memref<10240x32xf32, #tpu.memory_space<vmem_shared>>
      tpu.enqueue_indirect_dma source(%arg15 : memref<128x32xf32, #tpu.memory_space<vmem>>) target(%dma_start3A_282 : memref<10240x32xf32, #tpu.memory_space<vmem_shared>>) offsets(%dma_start3A_279 : memref<128xi32, #tpu.memory_space<vmem>>) semaphore(%arg31 : memref<!tpu.dma_semaphore, #tpu.memory_space<semaphore_mem>>) {add = true}
      %dma_wait3A_283 = arith.constant 0 : i32
      %dma_wait3A_284 = arith.constant 0 : i32
      %dma_wait3A_285 = tpu.memref_slice %arg7[%dma_wait3A_283, %dma_wait3A_284] : memref<160x128xi32, #tpu.memory_space<vmem>> -> memref<1x128xi32, #tpu.memory_space<vmem>>
      %dma_wait3A_286 = tpu.memref_squeeze %dma_wait3A_285 : memref<1x128xi32, #tpu.memory_space<vmem>> -> memref<128xi32, #tpu.memory_space<vmem>>
      %dma_wait3A_287 = arith.constant 0 : i32
      %dma_wait3A_288 = arith.constant 0 : i32
      %dma_wait3A_289 = tpu.memref_slice %arg34[%dma_wait3A_287, %dma_wait3A_288] : memref<10240x32xf32, #tpu.memory_space<vmem_shared>> -> memref<10240x32xf32, #tpu.memory_space<vmem_shared>>
      tpu.wait_indirect_dma semaphore(%arg24 : memref<!tpu.dma_semaphore, #tpu.memory_space<semaphore_mem>>) src(%dma_wait3A_289 : memref<10240x32xf32, #tpu.memory_space<vmem_shared>>) dst(%arg16 : memref<128x32xf32, #tpu.memory_space<vmem>>)
      %add3A_290 = arith.constant 7 : i32
      %add3A_291 = arith.addi %mul3A_78, %add3A_290 : i32
      %dma_start3A_292 = arith.constant 0 : i32
      %dma_start3A_293 = tpu.memref_slice %arg8[%add3A_291, %dma_start3A_292] : memref<160x128xi32, #tpu.memory_space<vmem>> -> memref<1x128xi32, #tpu.memory_space<vmem>>
      %dma_start3A_294 = tpu.memref_squeeze %dma_start3A_293 : memref<1x128xi32, #tpu.memory_space<vmem>> -> memref<128xi32, #tpu.memory_space<vmem>>
      %dma_start3A_295 = arith.constant 0 : i32
      %dma_start3A_296 = arith.constant 0 : i32
      %dma_start3A_297 = tpu.memref_slice %arg33[%dma_start3A_295, %dma_start3A_296] : memref<10240x32xf32, #tpu.memory_space<vmem_shared>> -> memref<10240x32xf32, #tpu.memory_space<vmem_shared>>
      tpu.enqueue_indirect_dma source(%arg16 : memref<128x32xf32, #tpu.memory_space<vmem>>) target(%dma_start3A_297 : memref<10240x32xf32, #tpu.memory_space<vmem_shared>>) offsets(%dma_start3A_294 : memref<128xi32, #tpu.memory_space<vmem>>) semaphore(%arg32 : memref<!tpu.dma_semaphore, #tpu.memory_space<semaphore_mem>>) {add = true}
    }
    %scan3A_15 = arith.constant 20 : i32
    %dma_wait3A = arith.constant 0 : i32
    %dma_wait3A_16 = arith.constant 0 : i32
    %dma_wait3A_17 = tpu.memref_slice %arg8[%dma_wait3A, %dma_wait3A_16] : memref<160x128xi32, #tpu.memory_space<vmem>> -> memref<1x128xi32, #tpu.memory_space<vmem>>
    %dma_wait3A_18 = tpu.memref_squeeze %dma_wait3A_17 : memref<1x128xi32, #tpu.memory_space<vmem>> -> memref<128xi32, #tpu.memory_space<vmem>>
    %dma_wait3A_19 = arith.constant 0 : i32
    %dma_wait3A_20 = arith.constant 0 : i32
    %dma_wait3A_21 = tpu.memref_slice %arg33[%dma_wait3A_19, %dma_wait3A_20] : memref<10240x32xf32, #tpu.memory_space<vmem_shared>> -> memref<10240x32xf32, #tpu.memory_space<vmem_shared>>
    tpu.wait_indirect_dma semaphore(%arg25 : memref<!tpu.dma_semaphore, #tpu.memory_space<semaphore_mem>>) src(%arg9 : memref<128x32xf32, #tpu.memory_space<vmem>>) dst(%dma_wait3A_21 : memref<10240x32xf32, #tpu.memory_space<vmem_shared>>)
    %dma_wait3A_22 = arith.constant 0 : i32
    %dma_wait3A_23 = arith.constant 0 : i32
    %dma_wait3A_24 = tpu.memref_slice %arg8[%dma_wait3A_22, %dma_wait3A_23] : memref<160x128xi32, #tpu.memory_space<vmem>> -> memref<1x128xi32, #tpu.memory_space<vmem>>
    %dma_wait3A_25 = tpu.memref_squeeze %dma_wait3A_24 : memref<1x128xi32, #tpu.memory_space<vmem>> -> memref<128xi32, #tpu.memory_space<vmem>>
    %dma_wait3A_26 = arith.constant 0 : i32
    %dma_wait3A_27 = arith.constant 0 : i32
    %dma_wait3A_28 = tpu.memref_slice %arg33[%dma_wait3A_26, %dma_wait3A_27] : memref<10240x32xf32, #tpu.memory_space<vmem_shared>> -> memref<10240x32xf32, #tpu.memory_space<vmem_shared>>
    tpu.wait_indirect_dma semaphore(%arg26 : memref<!tpu.dma_semaphore, #tpu.memory_space<semaphore_mem>>) src(%arg10 : memref<128x32xf32, #tpu.memory_space<vmem>>) dst(%dma_wait3A_28 : memref<10240x32xf32, #tpu.memory_space<vmem_shared>>)
    %dma_wait3A_29 = arith.constant 0 : i32
    %dma_wait3A_30 = arith.constant 0 : i32
    %dma_wait3A_31 = tpu.memref_slice %arg8[%dma_wait3A_29, %dma_wait3A_30] : memref<160x128xi32, #tpu.memory_space<vmem>> -> memref<1x128xi32, #tpu.memory_space<vmem>>
    %dma_wait3A_32 = tpu.memref_squeeze %dma_wait3A_31 : memref<1x128xi32, #tpu.memory_space<vmem>> -> memref<128xi32, #tpu.memory_space<vmem>>
    %dma_wait3A_33 = arith.constant 0 : i32
    %dma_wait3A_34 = arith.constant 0 : i32
    %dma_wait3A_35 = tpu.memref_slice %arg33[%dma_wait3A_33, %dma_wait3A_34] : memref<10240x32xf32, #tpu.memory_space<vmem_shared>> -> memref<10240x32xf32, #tpu.memory_space<vmem_shared>>
    tpu.wait_indirect_dma semaphore(%arg27 : memref<!tpu.dma_semaphore, #tpu.memory_space<semaphore_mem>>) src(%arg11 : memref<128x32xf32, #tpu.memory_space<vmem>>) dst(%dma_wait3A_35 : memref<10240x32xf32, #tpu.memory_space<vmem_shared>>)
    %dma_wait3A_36 = arith.constant 0 : i32
    %dma_wait3A_37 = arith.constant 0 : i32
    %dma_wait3A_38 = tpu.memref_slice %arg8[%dma_wait3A_36, %dma_wait3A_37] : memref<160x128xi32, #tpu.memory_space<vmem>> -> memref<1x128xi32, #tpu.memory_space<vmem>>
    %dma_wait3A_39 = tpu.memref_squeeze %dma_wait3A_38 : memref<1x128xi32, #tpu.memory_space<vmem>> -> memref<128xi32, #tpu.memory_space<vmem>>
    %dma_wait3A_40 = arith.constant 0 : i32
    %dma_wait3A_41 = arith.constant 0 : i32
    %dma_wait3A_42 = tpu.memref_slice %arg33[%dma_wait3A_40, %dma_wait3A_41] : memref<10240x32xf32, #tpu.memory_space<vmem_shared>> -> memref<10240x32xf32, #tpu.memory_space<vmem_shared>>
    tpu.wait_indirect_dma semaphore(%arg28 : memref<!tpu.dma_semaphore, #tpu.memory_space<semaphore_mem>>) src(%arg12 : memref<128x32xf32, #tpu.memory_space<vmem>>) dst(%dma_wait3A_42 : memref<10240x32xf32, #tpu.memory_space<vmem_shared>>)
    %dma_wait3A_43 = arith.constant 0 : i32
    %dma_wait3A_44 = arith.constant 0 : i32
    %dma_wait3A_45 = tpu.memref_slice %arg8[%dma_wait3A_43, %dma_wait3A_44] : memref<160x128xi32, #tpu.memory_space<vmem>> -> memref<1x128xi32, #tpu.memory_space<vmem>>
    %dma_wait3A_46 = tpu.memref_squeeze %dma_wait3A_45 : memref<1x128xi32, #tpu.memory_space<vmem>> -> memref<128xi32, #tpu.memory_space<vmem>>
    %dma_wait3A_47 = arith.constant 0 : i32
    %dma_wait3A_48 = arith.constant 0 : i32
    %dma_wait3A_49 = tpu.memref_slice %arg33[%dma_wait3A_47, %dma_wait3A_48] : memref<10240x32xf32, #tpu.memory_space<vmem_shared>> -> memref<10240x32xf32, #tpu.memory_space<vmem_shared>>
    tpu.wait_indirect_dma semaphore(%arg29 : memref<!tpu.dma_semaphore, #tpu.memory_space<semaphore_mem>>) src(%arg13 : memref<128x32xf32, #tpu.memory_space<vmem>>) dst(%dma_wait3A_49 : memref<10240x32xf32, #tpu.memory_space<vmem_shared>>)
    %dma_wait3A_50 = arith.constant 0 : i32
    %dma_wait3A_51 = arith.constant 0 : i32
    %dma_wait3A_52 = tpu.memref_slice %arg8[%dma_wait3A_50, %dma_wait3A_51] : memref<160x128xi32, #tpu.memory_space<vmem>> -> memref<1x128xi32, #tpu.memory_space<vmem>>
    %dma_wait3A_53 = tpu.memref_squeeze %dma_wait3A_52 : memref<1x128xi32, #tpu.memory_space<vmem>> -> memref<128xi32, #tpu.memory_space<vmem>>
    %dma_wait3A_54 = arith.constant 0 : i32
    %dma_wait3A_55 = arith.constant 0 : i32
    %dma_wait3A_56 = tpu.memref_slice %arg33[%dma_wait3A_54, %dma_wait3A_55] : memref<10240x32xf32, #tpu.memory_space<vmem_shared>> -> memref<10240x32xf32, #tpu.memory_space<vmem_shared>>
    tpu.wait_indirect_dma semaphore(%arg30 : memref<!tpu.dma_semaphore, #tpu.memory_space<semaphore_mem>>) src(%arg14 : memref<128x32xf32, #tpu.memory_space<vmem>>) dst(%dma_wait3A_56 : memref<10240x32xf32, #tpu.memory_space<vmem_shared>>)
    %dma_wait3A_57 = arith.constant 0 : i32
    %dma_wait3A_58 = arith.constant 0 : i32
    %dma_wait3A_59 = tpu.memref_slice %arg8[%dma_wait3A_57, %dma_wait3A_58] : memref<160x128xi32, #tpu.memory_space<vmem>> -> memref<1x128xi32, #tpu.memory_space<vmem>>
    %dma_wait3A_60 = tpu.memref_squeeze %dma_wait3A_59 : memref<1x128xi32, #tpu.memory_space<vmem>> -> memref<128xi32, #tpu.memory_space<vmem>>
    %dma_wait3A_61 = arith.constant 0 : i32
    %dma_wait3A_62 = arith.constant 0 : i32
    %dma_wait3A_63 = tpu.memref_slice %arg33[%dma_wait3A_61, %dma_wait3A_62] : memref<10240x32xf32, #tpu.memory_space<vmem_shared>> -> memref<10240x32xf32, #tpu.memory_space<vmem_shared>>
    tpu.wait_indirect_dma semaphore(%arg31 : memref<!tpu.dma_semaphore, #tpu.memory_space<semaphore_mem>>) src(%arg15 : memref<128x32xf32, #tpu.memory_space<vmem>>) dst(%dma_wait3A_63 : memref<10240x32xf32, #tpu.memory_space<vmem_shared>>)
    %dma_wait3A_64 = arith.constant 0 : i32
    %dma_wait3A_65 = arith.constant 0 : i32
    %dma_wait3A_66 = tpu.memref_slice %arg8[%dma_wait3A_64, %dma_wait3A_65] : memref<160x128xi32, #tpu.memory_space<vmem>> -> memref<1x128xi32, #tpu.memory_space<vmem>>
    %dma_wait3A_67 = tpu.memref_squeeze %dma_wait3A_66 : memref<1x128xi32, #tpu.memory_space<vmem>> -> memref<128xi32, #tpu.memory_space<vmem>>
    %dma_wait3A_68 = arith.constant 0 : i32
    %dma_wait3A_69 = arith.constant 0 : i32
    %dma_wait3A_70 = tpu.memref_slice %arg33[%dma_wait3A_68, %dma_wait3A_69] : memref<10240x32xf32, #tpu.memory_space<vmem_shared>> -> memref<10240x32xf32, #tpu.memory_space<vmem_shared>>
    tpu.wait_indirect_dma semaphore(%arg32 : memref<!tpu.dma_semaphore, #tpu.memory_space<semaphore_mem>>) src(%arg16 : memref<128x32xf32, #tpu.memory_space<vmem>>) dst(%dma_wait3A_70 : memref<10240x32xf32, #tpu.memory_space<vmem_shared>>)
    %barrier3A_71 = arith.constant 0 : index
    tpu.barrier barrier_id(%barrier3A_71)
    %mul3A_72 = arith.constant 640 : i32
    %mul3A_73 = arith.muli %arg1, %mul3A_72 : i32
    %mul3A_74 = arith.constant 640 : i32
    %mul3A_75 = arith.muli %arg1, %mul3A_74 : i32
    "tpu.region"() ({
      %run_scoped3A = tpu.sem_alloc : memref<!tpu.dma_semaphore, #tpu.memory_space<semaphore_mem>>
      %dma_start3A = arith.constant 0 : i32
      %dma_start3A_76 = tpu.memref_slice %arg6[%arg0, %mul3A_75, %dma_start3A] : memref<2x10240x32xf32, #tpu.memory_space<hbm>> -> memref<1x640x32xf32, #tpu.memory_space<hbm>>
      %dma_start3A_77 = tpu.memref_squeeze %dma_start3A_76 : memref<1x640x32xf32, #tpu.memory_space<hbm>> -> memref<640x32xf32, #tpu.memory_space<hbm>>
      %dma_start3A_78 = arith.constant 0 : i32
      %dma_start3A_79 = tpu.memref_slice %arg33[%mul3A_73, %dma_start3A_78] : memref<10240x32xf32, #tpu.memory_space<vmem_shared>> -> memref<640x32xf32, #tpu.memory_space<vmem_shared>>
      tpu.enqueue_dma source(%dma_start3A_79 : memref<640x32xf32, #tpu.memory_space<vmem_shared>>) target(%dma_start3A_77 : memref<640x32xf32, #tpu.memory_space<hbm>>) target_semaphore(%run_scoped3A : memref<!tpu.dma_semaphore, #tpu.memory_space<semaphore_mem>>)
      %dma_wait3A_80 = arith.constant 0 : i32
      %dma_wait3A_81 = tpu.memref_slice %arg6[%arg0, %mul3A_75, %dma_wait3A_80] : memref<2x10240x32xf32, #tpu.memory_space<hbm>> -> memref<1x640x32xf32, #tpu.memory_space<hbm>>
      %dma_wait3A_82 = tpu.memref_squeeze %dma_wait3A_81 : memref<1x640x32xf32, #tpu.memory_space<hbm>> -> memref<640x32xf32, #tpu.memory_space<hbm>>
      %dma_wait3A_83 = arith.constant 0 : i32
      %dma_wait3A_84 = tpu.memref_slice %arg33[%mul3A_73, %dma_wait3A_83] : memref<10240x32xf32, #tpu.memory_space<vmem_shared>> -> memref<640x32xf32, #tpu.memory_space<vmem_shared>>
      tpu.wait_dma2 semaphore(%run_scoped3A : memref<!tpu.dma_semaphore, #tpu.memory_space<semaphore_mem>>) src(%dma_wait3A_84 : memref<640x32xf32, #tpu.memory_space<vmem_shared>>) dst(%dma_wait3A_82 : memref<640x32xf32, #tpu.memory_space<hbm>>)
      tpu.yield
    }) : () -> ()
    return
  }
}

module attributes {stable_mosaic.version = 14 : i64} {
  func.func @body(%arg0: i32, %arg1: memref<1000x112xf32, #tpu.memory_space<vmem>>, %arg2: memref<1000x16xf32, #tpu.memory_space<vmem>>, %arg3: memref<16x64xf32, #tpu.memory_space<vmem>>, %arg4: memref<1x64xf32, #tpu.memory_space<vmem>>, %arg5: memref<64x64xf32, #tpu.memory_space<vmem>>, %arg6: memref<1x64xf32, #tpu.memory_space<vmem>>, %arg7: memref<112x64xf32, #tpu.memory_space<vmem>>, %arg8: memref<64x64xf32, #tpu.memory_space<vmem>>, %arg9: memref<1000x2xf32, #tpu.memory_space<vmem>>, %arg10: memref<1000x64xf32, #tpu.memory_space<vmem>>, %arg11: memref<1000x1xf32, #tpu.memory_space<vmem>>) attributes {dimension_semantics = [#tpu.dimension_semantics<arbitrary>], iteration_bounds = array<i64: 10>, scalar_prefetch = 0 : i64, scratch_operands = 0 : i64, tpu.core_type = #tpu.core_type<tc>, window_params = [{transform_indices = @transform_0, window_bounds = array<i64: 1000, 112>}, {transform_indices = @transform_1, window_bounds = array<i64: 1000, 16>}, {pipeline_mode = #tpu.pipeline_mode<synchronous>, transform_indices = @transform_2, window_bounds = array<i64: 16, 64>}, {pipeline_mode = #tpu.pipeline_mode<synchronous>, transform_indices = @transform_3, window_bounds = array<i64: 1, 64>}, {pipeline_mode = #tpu.pipeline_mode<synchronous>, transform_indices = @transform_4, window_bounds = array<i64: 64, 64>}, {pipeline_mode = #tpu.pipeline_mode<synchronous>, transform_indices = @transform_5, window_bounds = array<i64: 1, 64>}, {pipeline_mode = #tpu.pipeline_mode<synchronous>, transform_indices = @transform_6, window_bounds = array<i64: 112, 64>}, {pipeline_mode = #tpu.pipeline_mode<synchronous>, transform_indices = @transform_7, window_bounds = array<i64: 64, 64>}, {transform_indices = @transform_8, window_bounds = array<i64: 1000, 2>}, {transform_indices = @transform_9, window_bounds = array<i64: 1000, 64>}, {transform_indices = @transform_10, window_bounds = array<i64: 1000, 1>}]} {
    %get3A = arith.constant 0 : index
    %get3A_0 = arith.constant 0 : index
    %get3A_1 = vector.load %arg2[%get3A, %get3A_0] : memref<1000x16xf32, #tpu.memory_space<vmem>>, vector<1000x16xf32>
    %get3A_2 = arith.constant 0 : index
    %get3A_3 = arith.constant 0 : index
    %get3A_4 = vector.load %arg3[%get3A_2, %get3A_3] : memref<16x64xf32, #tpu.memory_space<vmem>>, vector<16x64xf32>
    %dot_general3A = arith.constant dense<0.000000e+00> : vector<1000x64xf32>
    %dot_general3A_5 = tpu.matmul %get3A_1, %get3A_4, %dot_general3A {dimension_numbers = #tpu.dot_dimension_numbers<[1], [0], [0], [1], [0, 0, 1, 1], [], []>, transpose_lhs_hint = false} : vector<1000x16xf32>, vector<16x64xf32>, vector<1000x64xf32> -> vector<1000x64xf32>
    %get3A_6 = arith.constant 0 : index
    %get3A_7 = arith.constant 0 : index
    %get3A_8 = vector.load %arg4[%get3A_6, %get3A_7] : memref<1x64xf32, #tpu.memory_space<vmem>>, vector<1x64xf32>
    %add3A = vector.broadcast %get3A_8 : vector<1x64xf32> to vector<1000x64xf32>
    %add3A_9 = arith.addf %dot_general3A_5, %add3A : vector<1000x64xf32>
    %max3A = arith.constant 0.000000e+00 : f32
    %max3A_10 = vector.broadcast %max3A : f32 to vector<1000x64xf32>
    %max3A_11 = arith.maximumf %add3A_9, %max3A_10 : vector<1000x64xf32>
    %get3A_12 = arith.constant 0 : index
    %get3A_13 = arith.constant 0 : index
    %get3A_14 = vector.load %arg5[%get3A_12, %get3A_13] : memref<64x64xf32, #tpu.memory_space<vmem>>, vector<64x64xf32>
    %dot_general3A_15 = arith.constant dense<0.000000e+00> : vector<1000x64xf32>
    %dot_general3A_16 = tpu.matmul %max3A_11, %get3A_14, %dot_general3A_15 {dimension_numbers = #tpu.dot_dimension_numbers<[1], [0], [0], [1], [0, 0, 1, 1], [], []>, transpose_lhs_hint = false} : vector<1000x64xf32>, vector<64x64xf32>, vector<1000x64xf32> -> vector<1000x64xf32>
    %get3A_17 = arith.constant 0 : index
    %get3A_18 = arith.constant 0 : index
    %get3A_19 = vector.load %arg6[%get3A_17, %get3A_18] : memref<1x64xf32, #tpu.memory_space<vmem>>, vector<1x64xf32>
    %add3A_20 = vector.broadcast %get3A_19 : vector<1x64xf32> to vector<1000x64xf32>
    %add3A_21 = arith.addf %dot_general3A_16, %add3A_20 : vector<1000x64xf32>
    %max3A_22 = arith.constant 0.000000e+00 : f32
    %max3A_23 = vector.broadcast %max3A_22 : f32 to vector<1000x64xf32>
    %max3A_24 = arith.maximumf %add3A_21, %max3A_23 : vector<1000x64xf32>
    %neg3A = arith.constant 0.000000e+00 : f32
    %neg3A_25 = vector.broadcast %neg3A : f32 to vector<1000x16xf32>
    %neg3A_26 = arith.subf %neg3A_25, %get3A_1 : vector<1000x16xf32>
    %get3A_27 = arith.constant 0 : index
    %get3A_28 = arith.constant 0 : index
    %get3A_29 = vector.load %arg3[%get3A_27, %get3A_28] : memref<16x64xf32, #tpu.memory_space<vmem>>, vector<16x64xf32>
    %dot_general3A_30 = arith.constant dense<0.000000e+00> : vector<1000x64xf32>
    %dot_general3A_31 = tpu.matmul %neg3A_26, %get3A_29, %dot_general3A_30 {dimension_numbers = #tpu.dot_dimension_numbers<[1], [0], [0], [1], [0, 0, 1, 1], [], []>, transpose_lhs_hint = false} : vector<1000x16xf32>, vector<16x64xf32>, vector<1000x64xf32> -> vector<1000x64xf32>
    %get3A_32 = arith.constant 0 : index
    %get3A_33 = arith.constant 0 : index
    %get3A_34 = vector.load %arg4[%get3A_32, %get3A_33] : memref<1x64xf32, #tpu.memory_space<vmem>>, vector<1x64xf32>
    %add3A_35 = vector.broadcast %get3A_34 : vector<1x64xf32> to vector<1000x64xf32>
    %add3A_36 = arith.addf %dot_general3A_31, %add3A_35 : vector<1000x64xf32>
    %max3A_37 = arith.constant 0.000000e+00 : f32
    %max3A_38 = vector.broadcast %max3A_37 : f32 to vector<1000x64xf32>
    %max3A_39 = arith.maximumf %add3A_36, %max3A_38 : vector<1000x64xf32>
    %get3A_40 = arith.constant 0 : index
    %get3A_41 = arith.constant 0 : index
    %get3A_42 = vector.load %arg5[%get3A_40, %get3A_41] : memref<64x64xf32, #tpu.memory_space<vmem>>, vector<64x64xf32>
    %dot_general3A_43 = arith.constant dense<0.000000e+00> : vector<1000x64xf32>
    %dot_general3A_44 = tpu.matmul %max3A_39, %get3A_42, %dot_general3A_43 {dimension_numbers = #tpu.dot_dimension_numbers<[1], [0], [0], [1], [0, 0, 1, 1], [], []>, transpose_lhs_hint = false} : vector<1000x64xf32>, vector<64x64xf32>, vector<1000x64xf32> -> vector<1000x64xf32>
    %get3A_45 = arith.constant 0 : index
    %get3A_46 = arith.constant 0 : index
    %get3A_47 = vector.load %arg6[%get3A_45, %get3A_46] : memref<1x64xf32, #tpu.memory_space<vmem>>, vector<1x64xf32>
    %add3A_48 = vector.broadcast %get3A_47 : vector<1x64xf32> to vector<1000x64xf32>
    %add3A_49 = arith.addf %dot_general3A_44, %add3A_48 : vector<1000x64xf32>
    %max3A_50 = arith.constant 0.000000e+00 : f32
    %max3A_51 = vector.broadcast %max3A_50 : f32 to vector<1000x64xf32>
    %max3A_52 = arith.maximumf %add3A_49, %max3A_51 : vector<1000x64xf32>
    %add3A_53 = arith.addf %max3A_24, %max3A_52 : vector<1000x64xf32>
    %get3A_54 = arith.constant 0 : index
    %get3A_55 = arith.constant 0 : index
    %get3A_56 = vector.load %arg1[%get3A_54, %get3A_55] : memref<1000x112xf32, #tpu.memory_space<vmem>>, vector<1000x112xf32>
    %get3A_57 = arith.constant 0 : index
    %get3A_58 = arith.constant 0 : index
    %get3A_59 = vector.load %arg7[%get3A_57, %get3A_58] : memref<112x64xf32, #tpu.memory_space<vmem>>, vector<112x64xf32>
    %dot_general3A_60 = arith.constant dense<0.000000e+00> : vector<1000x64xf32>
    %dot_general3A_61 = tpu.matmul %get3A_56, %get3A_59, %dot_general3A_60 {dimension_numbers = #tpu.dot_dimension_numbers<[1], [0], [0], [1], [0, 0, 1, 1], [], []>, transpose_lhs_hint = false} : vector<1000x112xf32>, vector<112x64xf32>, vector<1000x64xf32> -> vector<1000x64xf32>
    %get3A_62 = arith.constant 0 : index
    %get3A_63 = arith.constant 0 : index
    %get3A_64 = vector.load %arg8[%get3A_62, %get3A_63] : memref<64x64xf32, #tpu.memory_space<vmem>>, vector<64x64xf32>
    %dot_general3A_65 = arith.constant dense<0.000000e+00> : vector<1000x64xf32>
    %dot_general3A_66 = tpu.matmul %add3A_53, %get3A_64, %dot_general3A_65 {dimension_numbers = #tpu.dot_dimension_numbers<[1], [0], [0], [1], [0, 0, 1, 1], [], []>, transpose_lhs_hint = false} : vector<1000x64xf32>, vector<64x64xf32>, vector<1000x64xf32> -> vector<1000x64xf32>
    %add3A_67 = arith.addf %dot_general3A_61, %dot_general3A_66 : vector<1000x64xf32>
    %get3A_68 = arith.constant 0 : index
    %get3A_69 = arith.constant 0 : index
    %get3A_70 = vector.load %arg9[%get3A_68, %get3A_69] : memref<1000x2xf32, #tpu.memory_space<vmem>>, vector<1000x1xf32>
    %get3A_71 = arith.constant 0 : index
    %get3A_72 = arith.constant 1 : index
    %get3A_73 = vector.load %arg9[%get3A_71, %get3A_72] : memref<1000x2xf32, #tpu.memory_space<vmem>>, vector<1000x1xf32>
    %add3A_74 = arith.addf %get3A_70, %get3A_73 : vector<1000x1xf32>
    %add3A_75 = arith.constant 1.000000e+00 : f32
    %add3A_76 = vector.broadcast %add3A_75 : f32 to vector<1000x1xf32>
    %add3A_77 = arith.addf %add3A_74, %add3A_76 : vector<1000x1xf32>
    %rsqrt3A = math.rsqrt %add3A_77 : vector<1000x1xf32>
    %mul3A = vector.broadcast %rsqrt3A : vector<1000x1xf32> to vector<1000x64xf32>
    %mul3A_78 = arith.mulf %add3A_67, %mul3A : vector<1000x64xf32>
    %swap3A = arith.constant 0 : index
    %swap3A_79 = arith.constant 0 : index
    %swap3A_80 = vector.load %arg10[%swap3A, %swap3A_79] : memref<1000x64xf32, #tpu.memory_space<vmem>>, vector<1000x64xf32>
    tpu.vector_store %arg10[%swap3A, %swap3A_79], %mul3A_78 {strides = array<i32>} : memref<1000x64xf32, #tpu.memory_space<vmem>>, vector<1000x64xf32>,
    %swap3A_81 = arith.constant 0 : index
    %swap3A_82 = arith.constant 0 : index
    %swap3A_83 = vector.load %arg11[%swap3A_81, %swap3A_82] : memref<1000x1xf32, #tpu.memory_space<vmem>>, vector<1000x1xf32>
    tpu.vector_store %arg11[%swap3A_81, %swap3A_82], %rsqrt3A {strides = array<i32>} : memref<1000x1xf32, #tpu.memory_space<vmem>>, vector<1000x1xf32>,
    return
  }
  func.func @transform_0(%arg0: i32) -> (i32, i32) {
    %c0_i32 = arith.constant 0 : i32
    %c0_i32_0 = arith.constant 0 : i32
    return %arg0, %c0_i32 : i32, i32
  }
  func.func @transform_1(%arg0: i32) -> (i32, i32) {
    %c0_i32 = arith.constant 0 : i32
    %c0_i32_0 = arith.constant 0 : i32
    return %arg0, %c0_i32 : i32, i32
  }
  func.func @transform_2(%arg0: i32) -> (i32, i32) {
    %c0_i32 = arith.constant 0 : i32
    %c0_i32_0 = arith.constant 0 : i32
    %c0_i32_1 = arith.constant 0 : i32
    return %c0_i32, %c0_i32_0 : i32, i32
  }
  func.func @transform_3(%arg0: i32) -> (i32, i32) {
    %c0_i32 = arith.constant 0 : i32
    %c0_i32_0 = arith.constant 0 : i32
    %c0_i32_1 = arith.constant 0 : i32
    return %c0_i32, %c0_i32_0 : i32, i32
  }
  func.func @transform_4(%arg0: i32) -> (i32, i32) {
    %c0_i32 = arith.constant 0 : i32
    %c0_i32_0 = arith.constant 0 : i32
    %c0_i32_1 = arith.constant 0 : i32
    return %c0_i32, %c0_i32_0 : i32, i32
  }
  func.func @transform_5(%arg0: i32) -> (i32, i32) {
    %c0_i32 = arith.constant 0 : i32
    %c0_i32_0 = arith.constant 0 : i32
    %c0_i32_1 = arith.constant 0 : i32
    return %c0_i32, %c0_i32_0 : i32, i32
  }
  func.func @transform_6(%arg0: i32) -> (i32, i32) {
    %c0_i32 = arith.constant 0 : i32
    %c0_i32_0 = arith.constant 0 : i32
    %c0_i32_1 = arith.constant 0 : i32
    return %c0_i32, %c0_i32_0 : i32, i32
  }
  func.func @transform_7(%arg0: i32) -> (i32, i32) {
    %c0_i32 = arith.constant 0 : i32
    %c0_i32_0 = arith.constant 0 : i32
    %c0_i32_1 = arith.constant 0 : i32
    return %c0_i32, %c0_i32_0 : i32, i32
  }
  func.func @transform_8(%arg0: i32) -> (i32, i32) {
    %c0_i32 = arith.constant 0 : i32
    %c0_i32_0 = arith.constant 0 : i32
    return %arg0, %c0_i32 : i32, i32
  }
  func.func @transform_9(%arg0: i32) -> (i32, i32) {
    %c0_i32 = arith.constant 0 : i32
    %c0_i32_0 = arith.constant 0 : i32
    return %arg0, %c0_i32 : i32, i32
  }
  func.func @transform_10(%arg0: i32) -> (i32, i32) {
    %c0_i32 = arith.constant 0 : i32
    %c0_i32_0 = arith.constant 0 : i32
    return %arg0, %c0_i32 : i32, i32
  }
}

module attributes {stable_mosaic.version = 14 : i64} {
  func.func @body(%arg0: i32, %arg1: memref<1000x64xf32, #tpu.memory_space<vmem>>, %arg2: memref<2x1000x32xf32, #tpu.memory_space<vmem>>, %arg3: memref<1000x1xf32, #tpu.memory_space<vmem>>, %arg4: memref<1x64xf32, #tpu.memory_space<vmem>>, %arg5: memref<64x64xf32, #tpu.memory_space<vmem>>, %arg6: memref<1000x64xf32, #tpu.memory_space<vmem>>) attributes {dimension_semantics = [#tpu.dimension_semantics<arbitrary>], iteration_bounds = array<i64: 10>, scalar_prefetch = 0 : i64, scratch_operands = 0 : i64, tpu.core_type = #tpu.core_type<tc>, window_params = [{transform_indices = @transform_0, window_bounds = array<i64: 1000, 64>}, {transform_indices = @transform_1, window_bounds = array<i64: 2, 1000, 32>}, {transform_indices = @transform_2, window_bounds = array<i64: 1000, 1>}, {pipeline_mode = #tpu.pipeline_mode<synchronous>, transform_indices = @transform_3, window_bounds = array<i64: 1, 64>}, {pipeline_mode = #tpu.pipeline_mode<synchronous>, transform_indices = @transform_4, window_bounds = array<i64: 64, 64>}, {transform_indices = @transform_5, window_bounds = array<i64: 1000, 64>}]} {
    %get3A = arith.constant 0 : index
    %get3A_0 = arith.constant 0 : index
    %get3A_1 = arith.constant 0 : index
    %get3A_2 = vector.load %arg2[%get3A, %get3A_0, %get3A_1] : memref<2x1000x32xf32, #tpu.memory_space<vmem>>, vector<1x1000x32xf32>
    %get3A_3 = vector.shape_cast %get3A_2 : vector<1x1000x32xf32> to vector<1000x32xf32>
    %get3A_4 = arith.constant 1 : index
    %get3A_5 = arith.constant 0 : index
    %get3A_6 = arith.constant 0 : index
    %get3A_7 = vector.load %arg2[%get3A_4, %get3A_5, %get3A_6] : memref<2x1000x32xf32, #tpu.memory_space<vmem>>, vector<1x1000x32xf32>
    %get3A_8 = vector.shape_cast %get3A_7 : vector<1x1000x32xf32> to vector<1000x32xf32>
    %concatenate3A = tpu.concatenate %get3A_3, %get3A_8 in 1 : vector<1000x32xf32>, vector<1000x32xf32> -> vector<1000x64xf32>
    %get3A_9 = arith.constant 0 : index
    %get3A_10 = arith.constant 0 : index
    %get3A_11 = vector.load %arg1[%get3A_9, %get3A_10] : memref<1000x64xf32, #tpu.memory_space<vmem>>, vector<1000x64xf32>
    %add3A = arith.addf %concatenate3A, %get3A_11 : vector<1000x64xf32>
    %get3A_12 = arith.constant 0 : index
    %get3A_13 = arith.constant 0 : index
    %get3A_14 = vector.load %arg3[%get3A_12, %get3A_13] : memref<1000x1xf32, #tpu.memory_space<vmem>>, vector<1000x1xf32>
    %mul3A = vector.broadcast %get3A_14 : vector<1000x1xf32> to vector<1000x64xf32>
    %mul3A_15 = arith.mulf %add3A, %mul3A : vector<1000x64xf32>
    %get3A_16 = arith.constant 0 : index
    %get3A_17 = arith.constant 0 : index
    %get3A_18 = vector.load %arg4[%get3A_16, %get3A_17] : memref<1x64xf32, #tpu.memory_space<vmem>>, vector<1x64xf32>
    %add3A_19 = vector.broadcast %get3A_18 : vector<1x64xf32> to vector<1000x64xf32>
    %add3A_20 = arith.addf %mul3A_15, %add3A_19 : vector<1000x64xf32>
    %max3A = arith.constant 0.000000e+00 : f32
    %max3A_21 = vector.broadcast %max3A : f32 to vector<1000x64xf32>
    %max3A_22 = arith.maximumf %add3A_20, %max3A_21 : vector<1000x64xf32>
    %get3A_23 = arith.constant 0 : index
    %get3A_24 = arith.constant 0 : index
    %get3A_25 = vector.load %arg5[%get3A_23, %get3A_24] : memref<64x64xf32, #tpu.memory_space<vmem>>, vector<64x64xf32>
    %dot_general3A = arith.constant dense<0.000000e+00> : vector<1000x64xf32>
    %dot_general3A_26 = tpu.matmul %max3A_22, %get3A_25, %dot_general3A {dimension_numbers = #tpu.dot_dimension_numbers<[1], [0], [0], [1], [0, 0, 1, 1], [], []>, transpose_lhs_hint = false} : vector<1000x64xf32>, vector<64x64xf32>, vector<1000x64xf32> -> vector<1000x64xf32>
    %get3A_27 = arith.constant 0 : index
    %get3A_28 = arith.constant 0 : index
    %get3A_29 = vector.load %arg3[%get3A_27, %get3A_28] : memref<1000x1xf32, #tpu.memory_space<vmem>>, vector<1000x1xf32>
    %mul3A_30 = vector.broadcast %get3A_29 : vector<1000x1xf32> to vector<1000x64xf32>
    %mul3A_31 = arith.mulf %dot_general3A_26, %mul3A_30 : vector<1000x64xf32>
    %swap3A = arith.constant 0 : index
    %swap3A_32 = arith.constant 0 : index
    %swap3A_33 = vector.load %arg6[%swap3A, %swap3A_32] : memref<1000x64xf32, #tpu.memory_space<vmem>>, vector<1000x64xf32>
    tpu.vector_store %arg6[%swap3A, %swap3A_32], %mul3A_31 {strides = array<i32>} : memref<1000x64xf32, #tpu.memory_space<vmem>>, vector<1000x64xf32>,
    return
  }
  func.func @transform_0(%arg0: i32) -> (i32, i32) {
    %c0_i32 = arith.constant 0 : i32
    %c0_i32_0 = arith.constant 0 : i32
    return %arg0, %c0_i32 : i32, i32
  }
  func.func @transform_1(%arg0: i32) -> (i32, i32, i32) {
    %c0_i32 = arith.constant 0 : i32
    %c0_i32_0 = arith.constant 0 : i32
    %c0_i32_1 = arith.constant 0 : i32
    return %c0_i32, %arg0, %c0_i32_0 : i32, i32, i32
  }
  func.func @transform_2(%arg0: i32) -> (i32, i32) {
    %c0_i32 = arith.constant 0 : i32
    %c0_i32_0 = arith.constant 0 : i32
    return %arg0, %c0_i32 : i32, i32
  }
  func.func @transform_3(%arg0: i32) -> (i32, i32) {
    %c0_i32 = arith.constant 0 : i32
    %c0_i32_0 = arith.constant 0 : i32
    %c0_i32_1 = arith.constant 0 : i32
    return %c0_i32, %c0_i32_0 : i32, i32
  }
  func.func @transform_4(%arg0: i32) -> (i32, i32) {
    %c0_i32 = arith.constant 0 : i32
    %c0_i32_0 = arith.constant 0 : i32
    %c0_i32_1 = arith.constant 0 : i32
    return %c0_i32, %c0_i32_0 : i32, i32
  }
  func.func @transform_5(%arg0: i32) -> (i32, i32) {
    %c0_i32 = arith.constant 0 : i32
    %c0_i32_0 = arith.constant 0 : i32
    return %arg0, %c0_i32 : i32, i32
  }
}

module attributes {stable_mosaic.version = 14 : i64} {
  func.func @body(%arg0: i32, %arg1: memref<1000x64xf32, #tpu.memory_space<vmem>>, %arg2: memref<2x1000x32xf32, #tpu.memory_space<vmem>>, %arg3: memref<1000x1xf32, #tpu.memory_space<vmem>>, %arg4: memref<1x64xf32, #tpu.memory_space<vmem>>, %arg5: memref<64x32xf32, #tpu.memory_space<vmem>>, %arg6: memref<1x32xf32, #tpu.memory_space<vmem>>, %arg7: memref<1000x64xf32, #tpu.memory_space<vmem>>, %arg8: memref<1000x32xf32, #tpu.memory_space<vmem>>) attributes {dimension_semantics = [#tpu.dimension_semantics<arbitrary>], iteration_bounds = array<i64: 10>, scalar_prefetch = 0 : i64, scratch_operands = 0 : i64, tpu.core_type = #tpu.core_type<tc>, window_params = [{transform_indices = @transform_0, window_bounds = array<i64: 1000, 64>}, {transform_indices = @transform_1, window_bounds = array<i64: 2, 1000, 32>}, {transform_indices = @transform_2, window_bounds = array<i64: 1000, 1>}, {pipeline_mode = #tpu.pipeline_mode<synchronous>, transform_indices = @transform_3, window_bounds = array<i64: 1, 64>}, {pipeline_mode = #tpu.pipeline_mode<synchronous>, transform_indices = @transform_4, window_bounds = array<i64: 64, 32>}, {pipeline_mode = #tpu.pipeline_mode<synchronous>, transform_indices = @transform_5, window_bounds = array<i64: 1, 32>}, {transform_indices = @transform_6, window_bounds = array<i64: 1000, 64>}, {transform_indices = @transform_7, window_bounds = array<i64: 1000, 32>}]} {
    %get3A = arith.constant 0 : index
    %get3A_0 = arith.constant 0 : index
    %get3A_1 = arith.constant 0 : index
    %get3A_2 = vector.load %arg2[%get3A, %get3A_0, %get3A_1] : memref<2x1000x32xf32, #tpu.memory_space<vmem>>, vector<1x1000x32xf32>
    %get3A_3 = vector.shape_cast %get3A_2 : vector<1x1000x32xf32> to vector<1000x32xf32>
    %get3A_4 = arith.constant 1 : index
    %get3A_5 = arith.constant 0 : index
    %get3A_6 = arith.constant 0 : index
    %get3A_7 = vector.load %arg2[%get3A_4, %get3A_5, %get3A_6] : memref<2x1000x32xf32, #tpu.memory_space<vmem>>, vector<1x1000x32xf32>
    %get3A_8 = vector.shape_cast %get3A_7 : vector<1x1000x32xf32> to vector<1000x32xf32>
    %concatenate3A = tpu.concatenate %get3A_3, %get3A_8 in 1 : vector<1000x32xf32>, vector<1000x32xf32> -> vector<1000x64xf32>
    %get3A_9 = arith.constant 0 : index
    %get3A_10 = arith.constant 0 : index
    %get3A_11 = vector.load %arg1[%get3A_9, %get3A_10] : memref<1000x64xf32, #tpu.memory_space<vmem>>, vector<1000x64xf32>
    %add3A = arith.addf %concatenate3A, %get3A_11 : vector<1000x64xf32>
    %get3A_12 = arith.constant 0 : index
    %get3A_13 = arith.constant 0 : index
    %get3A_14 = vector.load %arg3[%get3A_12, %get3A_13] : memref<1000x1xf32, #tpu.memory_space<vmem>>, vector<1000x1xf32>
    %mul3A = vector.broadcast %get3A_14 : vector<1000x1xf32> to vector<1000x64xf32>
    %mul3A_15 = arith.mulf %add3A, %mul3A : vector<1000x64xf32>
    %get3A_16 = arith.constant 0 : index
    %get3A_17 = arith.constant 0 : index
    %get3A_18 = vector.load %arg4[%get3A_16, %get3A_17] : memref<1x64xf32, #tpu.memory_space<vmem>>, vector<1x64xf32>
    %add3A_19 = vector.broadcast %get3A_18 : vector<1x64xf32> to vector<1000x64xf32>
    %add3A_20 = arith.addf %mul3A_15, %add3A_19 : vector<1000x64xf32>
    %max3A = arith.constant 0.000000e+00 : f32
    %max3A_21 = vector.broadcast %max3A : f32 to vector<1000x64xf32>
    %max3A_22 = arith.maximumf %add3A_20, %max3A_21 : vector<1000x64xf32>
    %swap3A = arith.constant 0 : index
    %swap3A_23 = arith.constant 0 : index
    %swap3A_24 = vector.load %arg7[%swap3A, %swap3A_23] : memref<1000x64xf32, #tpu.memory_space<vmem>>, vector<1000x64xf32>
    tpu.vector_store %arg7[%swap3A, %swap3A_23], %max3A_22 {strides = array<i32>} : memref<1000x64xf32, #tpu.memory_space<vmem>>, vector<1000x64xf32>,
    %get3A_25 = arith.constant 0 : index
    %get3A_26 = arith.constant 0 : index
    %get3A_27 = vector.load %arg5[%get3A_25, %get3A_26] : memref<64x32xf32, #tpu.memory_space<vmem>>, vector<64x32xf32>
    %dot_general3A = arith.constant dense<0.000000e+00> : vector<1000x32xf32>
    %dot_general3A_28 = tpu.matmul %max3A_22, %get3A_27, %dot_general3A {dimension_numbers = #tpu.dot_dimension_numbers<[1], [0], [0], [1], [0, 0, 1, 1], [], []>, transpose_lhs_hint = false} : vector<1000x64xf32>, vector<64x32xf32>, vector<1000x32xf32> -> vector<1000x32xf32>
    %get3A_29 = arith.constant 0 : index
    %get3A_30 = arith.constant 0 : index
    %get3A_31 = vector.load %arg6[%get3A_29, %get3A_30] : memref<1x32xf32, #tpu.memory_space<vmem>>, vector<1x32xf32>
    %add3A_32 = vector.broadcast %get3A_31 : vector<1x32xf32> to vector<1000x32xf32>
    %add3A_33 = arith.addf %dot_general3A_28, %add3A_32 : vector<1000x32xf32>
    %swap3A_34 = arith.constant 0 : index
    %swap3A_35 = arith.constant 0 : index
    %swap3A_36 = vector.load %arg8[%swap3A_34, %swap3A_35] : memref<1000x32xf32, #tpu.memory_space<vmem>>, vector<1000x32xf32>
    tpu.vector_store %arg8[%swap3A_34, %swap3A_35], %add3A_33 {strides = array<i32>} : memref<1000x32xf32, #tpu.memory_space<vmem>>, vector<1000x32xf32>,
    return
  }
  func.func @transform_0(%arg0: i32) -> (i32, i32) {
    %c0_i32 = arith.constant 0 : i32
    %c0_i32_0 = arith.constant 0 : i32
    return %arg0, %c0_i32 : i32, i32
  }
  func.func @transform_1(%arg0: i32) -> (i32, i32, i32) {
    %c0_i32 = arith.constant 0 : i32
    %c0_i32_0 = arith.constant 0 : i32
    %c0_i32_1 = arith.constant 0 : i32
    return %c0_i32, %arg0, %c0_i32_0 : i32, i32, i32
  }
  func.func @transform_2(%arg0: i32) -> (i32, i32) {
    %c0_i32 = arith.constant 0 : i32
    %c0_i32_0 = arith.constant 0 : i32
    return %arg0, %c0_i32 : i32, i32
  }
  func.func @transform_3(%arg0: i32) -> (i32, i32) {
    %c0_i32 = arith.constant 0 : i32
    %c0_i32_0 = arith.constant 0 : i32
    %c0_i32_1 = arith.constant 0 : i32
    return %c0_i32, %c0_i32_0 : i32, i32
  }
  func.func @transform_4(%arg0: i32) -> (i32, i32) {
    %c0_i32 = arith.constant 0 : i32
    %c0_i32_0 = arith.constant 0 : i32
    %c0_i32_1 = arith.constant 0 : i32
    return %c0_i32, %c0_i32_0 : i32, i32
  }
  func.func @transform_5(%arg0: i32) -> (i32, i32) {
    %c0_i32 = arith.constant 0 : i32
    %c0_i32_0 = arith.constant 0 : i32
    %c0_i32_1 = arith.constant 0 : i32
    return %c0_i32, %c0_i32_0 : i32, i32
  }
  func.func @transform_6(%arg0: i32) -> (i32, i32) {
    %c0_i32 = arith.constant 0 : i32
    %c0_i32_0 = arith.constant 0 : i32
    return %arg0, %c0_i32 : i32, i32
  }
  func.func @transform_7(%arg0: i32) -> (i32, i32) {
    %c0_i32 = arith.constant 0 : i32
    %c0_i32_0 = arith.constant 0 : i32
    return %arg0, %c0_i32 : i32, i32
  }
}

</mosaic_0001>

<sc_bundles>
// kernel: kernel.12.cloned.1.call-start
scs
__scs_entry_jumppad:
0x0: {  	(pc) =	sbr.rel $0x88, $3  }
0x1: {  	(tag) =	ssettag $0x0;
	lr =	simm.s32 $0x1  }
0x2: {  	[smem:$0x3F91] =	sst lr;
	_ =	strace $0xD0000000  }
0x3: {  	_ = 	snop  }
0x4: {  	_ = 	snop  }
0x5: {  	_ = 	snop  }
0x6: {  	_ = 	snop  }
0x7: {  	_ = 	snop  }
__scs_overlays_trampoline_lowered:
0x8: {  	[smem:$0x3FA0] =	sst s0  }
0x9: {  	[smem:$0x3FA1] =	sst s1  }
0xa: {  	[smem:$0x3FA2] =	sst s2  }
0xb: {  	[smem:$0x3FA3] =	sst s3  }
0xc: {  	[smem:$0x3FA4] =	sst s4  }
0xd: {  	[smem:$0x3FA5] =	sst s5  }
0xe: {  	[smem:$0x3FA6] =	sst s6  }
0xf: {  	[smem:$0x3FA7] =	sst s7  }
0x10: {  	[smem:$0x3FA8] =	sst s8  }
0x11: {  	[smem:$0x3FA9] =	sst s9;
	s0 =	simm.s32 @!p0 $0x0  }
0x12: {  	s1 =	sld [smem:$0x3F8F];
	s0 =	simm.s32 @p0 $0x1  }
0x13: {  	[smem:$0x3FAA] =	sst s0;
	s0 =	simm.s32 @!p1 $0x0  }
0x14: {  	s2 =	sld [smem:$0x3F8E];
	s0 =	simm.s32 @p1 $0x1  }
0x15: {  	[smem:$0x3FAB] =	sst s0;
	s0 =	simm.s32 @!p2 $0x0  }
0x16: {  	s3 =	sld [smem:$0x3FDB];
	s0 =	simm.s32 @p2 $0x1  }
0x17: {  	s4 =	simm.s32 $0x1BF5;
	[smem:$0x3FAD] =	sst s0  }
0x18: {  	s0 =	sld [smem:$0x3F90];
	_ =	swait.ge [sflag:s4], $0x0  }
0x19: {  	s7 =	sld [smem:$0x3F91]  }
0x1a: {  	s8 =	sadd.s32 $0xFFFFE003, lr  }
0x1b: {  	s9 =	sadd.s32 $0xFFFFFEF7, lr;
	s5 =	simm.s32 $0xFFFFFFFF;
	p2 =	slt.u32 s8, $0xFFFFF086  }
0x1c: {  	p1 =	slt.u32 s9, $0xF7A;
	s5 =	simm.s32 @!p2 $0x0  }
0x1d: {  	s5 =	simm.s32 @p1 $0x1;
	p0 =	seq.s32 s7, s2  }
0x1e: {  	s7 =	smul.u32 @!p0 $0xF7A, s2;
	p2 =	seq.s32 @!p0 s5, $0x0  }
0x1f: {  	s9 =	smul.u32 $0xF7A, s1;
	s8 =	simm.s32 @!p0 $0x1BF5;
	p2 =	por !p2, p0  }
0x20: {  	[sflag:s8] =	ssyncset.s32 @!p0 $0xFFFFF086;
	s6 =	sadd.s32 @!p0 s3, s7;
	s7 =	simm.s32 @!p0 $0x108  }
0x21: {  	s3 =	sadd.s32 s3, s9;
	s6 =	sadd.s32 @!p0 $0x88, s6;
	s7 =	simm.s32 @p2 $0x1082  }
0x22: {  	[simem:s7], [sflag:s8] =	dma.local @!p0 [hbm:s6], $0xF7A  }
0x23: {  	s9 =	sor.u32 $0xD0000000, s2;
	s6 =	simm.s32 $0x108;
	_ =	swait.ge @!p0 [sflag:s8], $0x0  }
0x24: {  	s3 =	sadd.s32 $0x88, s3;
	s6 =	simm.s32 @!p1 $0x1082;
	[sflag:s4] =	ssyncset.s32 $0xFFFFF086  }
0x25: {  	[simem:s6], [sflag:s4] =	dma.local [hbm:s3], $0xF7A  }
0x26: {  	[smem:$0x3F91] =	sst s1;
	(tag) =	ssettag s2;
	_ =	strace s9  }
0x27: {  	s1 =	sld [smem:$0x3FA1]  }
0x28: {  	s2 =	sld [smem:$0x3FA2]  }
0x29: {  	s4 =	sld [smem:$0x3FA4]  }
0x2a: {  	p0 =	seq.s32 s5, $0x0;
	s5 =	sld [smem:$0x3FA5]  }
0x2b: {  	s6 =	sld [smem:$0x3FA6]  }
0x2c: {  	s7 =	sld [smem:$0x3FA7]  }
0x2d: {  	s3 =	simm.s32 $0x108;
	s8 =	sld [smem:$0x3FA8]  }
0x2e: {  	s3 =	simm.s32 @!p0 $0x1082;
	s9 =	sld [smem:$0x3FA9]  }
0x2f: {  	lr =	sadd.s32 s0, s3;
	s0 =	sld [smem:$0x3FA0]  }
0x30: {  	s3 =	sld [smem:$0x3FA3]  }
0x31: {  	[smem:$0x3FAC] =	sst s10  }
0x32: {  	s10 =	sld [smem:$0x3FAA];
	_ =	sdelay $0x3  }
0x33: {  	p0 =	seq.s32 s10, $0x1;
	s10 =	sld [smem:$0x3FAC];
	_ =	sdelay $0x3  }
0x34: {  	[smem:$0x3FAC] =	sst s10  }
0x35: {  	s10 =	sld [smem:$0x3FAB];
	_ =	sdelay $0x3  }
0x36: {  	p1 =	seq.s32 s10, $0x1;
	s10 =	sld [smem:$0x3FAC];
	_ =	sdelay $0x3  }
0x37: {  	[smem:$0x3FAC] =	sst s10  }
0x38: {  	s10 =	sld [smem:$0x3FAD]  }
0x39: {  	_ = 	snop;
	(pc) =	sbr.ind lr, $3  }
0x3a: {  	_ = 	snop  }
0x3b: {  	_ = 	snop  }
0x3c: {  	p2 =	seq.s32 s10, $0x1;
	s10 =	sld [smem:$0x3FAC]  }
0x3d: {  	_ =	shalt  }
0x3e: {  	_ =	shalt  }
0x3f: {  	_ =	shalt  }
0x40: {  	_ =	shalt  }
0x41: {  	_ =	shalt  }
0x42: {  	_ =	shalt  }
0x43: {  	_ =	shalt  }
0x44: {  	_ =	shalt  }
0x45: {  	_ =	shalt  }
0x46: {  	_ =	shalt  }
0x47: {  	_ =	shalt  }
0x48: {  	_ =	shalt  }
0x49: {  	_ =	shalt  }
0x4a: {  	_ =	shalt  }
0x4b: {  	_ =	shalt  }
0x4c: {  	_ =	shalt  }
0x4d: {  	_ =	shalt  }
0x4e: {  	_ =	shalt  }
0x4f: {  	_ =	shalt  }
0x50: {  	_ =	shalt  }
0x51: {  	_ =	shalt  }
0x52: {  	_ =	shalt  }
0x53: {  	_ =	shalt  }
0x54: {  	_ =	shalt  }
0x55: {  	_ =	shalt  }
0x56: {  	_ =	shalt  }
0x57: {  	_ =	shalt  }
0x58: {  	_ =	shalt  }
0x59: {  	_ =	shalt  }
0x5a: {  	_ =	shalt  }
0x5b: {  	_ =	shalt  }
0x5c: {  	_ =	shalt  }
0x5d: {  	_ =	shalt  }
0x5e: {  	_ =	shalt  }
0x5f: {  	_ =	shalt  }
0x60: {  	_ =	shalt  }
0x61: {  	_ =	shalt  }
0x62: {  	_ =	shalt  }
0x63: {  	_ =	shalt  }
0x64: {  	_ =	shalt  }
0x65: {  	_ =	shalt  }
0x66: {  	_ =	shalt  }
0x67: {  	_ =	shalt  }
0x68: {  	_ =	shalt  }
0x69: {  	_ =	shalt  }
0x6a: {  	_ =	shalt  }
0x6b: {  	_ =	shalt  }
0x6c: {  	_ =	shalt  }
0x6d: {  	_ =	shalt  }
0x6e: {  	_ =	shalt  }
0x6f: {  	_ =	shalt  }
0x70: {  	_ =	shalt  }
0x71: {  	_ =	shalt  }
0x72: {  	_ =	shalt  }
0x73: {  	_ =	shalt  }
0x74: {  	_ =	shalt  }
0x75: {  	_ =	shalt  }
0x76: {  	_ =	shalt  }
0x77: {  	_ =	shalt  }
0x78: {  	_ =	shalt  }
0x79: {  	_ =	shalt  }
0x7a: {  	_ =	shalt  }
0x7b: {  	_ =	shalt  }
0x7c: {  	_ =	shalt  }
0x7d: {  	_ =	shalt  }
0x7e: {  	_ =	shalt  }
0x7f: {  	_ =	shalt  }
0x80: {  	_ =	shalt  }
0x81: {  	_ =	shalt  }
0x82: {  	_ =	shalt  }
0x83: {  	_ =	shalt  }
0x84: {  	_ =	shalt  }
0x85: {  	_ =	shalt  }
0x86: {  	_ =	shalt  }
0x87: {  	_ =	shalt  }
.Lfunc_end0:
.L_simem_size_0:
called_computation_lowered:
.L_overlay_start_0:
0x88: {  	s2 =	sld [smem:$0x3FD9]  }
0x89: {  	s3 =	sld [smem:$0x3FFE];
	_ =	sdelay $0x1  }
0x8a: {  	s1 =	srdreg.scid  }
0x8b: {  	s0 =	sand.u32 $0x1, s1  }
0x8c: {  	s14 =	sshll.u32 s0, $0xA;
	s2 =	sadd.s32 s3, s2  }
0x8d: {  	s2 =	sadd.s32 s2, s14  }
0x8e: {  	[smem:$0x3FB8] =	sst s2  }
0x8f: {  	_ = 	snop  }
0x90: {  	s2 =	sld [smem:$0x3FD0];
	_ =	sdelay $0x2  }
0x91: {  	s15 =	simm.s32 $0xA;
	s4 =	simm.s32 $0x10  }
0x92: {  	[smem:s4], [sflag:s15] =	dma.local [hbm:s2], $0x1  }
0x93: {  	_ =	swait.eq [sflag:s15], $0x1  }
0x94: {  	[sflag:s15] =	ssyncset.done $0x0  }
0x95: {  	s16 =	sld [smem:$0x10];
	[sflag:s15] =	ssyncadd.s32 $0xFFFFFFFF  }
0x96: {  	s17 =	sld [smem:$0x11];
	(tm) =	ssettm $0x1  }
0x97: {  	s18 =	sld [smem:$0x3FFB];
	_ =	sdelay $0x3  }
0x98: {  	_ =	strace s18  }
0x99: {  	s4 =	sld [smem:$0x3FFC];
	_ =	sdelay $0x3  }
0x9a: {  	_ =	strace s4  }
0x9b: {  	s4 =	sld [smem:$0x3FFD];
	_ =	sdelay $0x3  }
0x9c: {  	_ =	strace s4  }
0x9d: {  	_ =	strace $0x8FFFFFFF  }
0x9e: {  	s19 =	sld [smem:$0x3FDB];
	_ =	sdelay $0x1  }
0x9f: {  	s5 =	simm.s32 $_scs_section_size  }
0xa0: {  	s6 =	simm.s32 $_size__tile_overlayer_lowered;
	s7 =	simm.s32 $_tile_overlayer_lowered  }
0xa1: {  	s22 =	simm.s32 $0x1BFF;
	s21 =	sshll.u32 s7, $0x1;
	s4 =	sadd.s32 s5, s19  }
0xa2: {  	s8 =	simm.s32 $0x0;
	s20 =	sshll.u32 s6, $0x1;
	s6 =	sadd.s32 s21, s4  }
0xa3: {  	[timem:s8], [sflag:s22] =	dma.local [hbm:s6], s20  }
0xa4: {  	_ =	swait.ge [sflag:s22], s20  }
0xa5: {  	s5 =	ssub.s32 $0x0, s20;
	[sflag:s22] =	ssyncset.done $0x0  }
0xa6: {  	[sflag:s22] =	ssyncadd.s32 s5;
	_ =	sdelay $0x1  }
0xa7: {  	s23 =	simm.s32 $0x1B8B  }
0xa8: {  	_ =	swait.ge [sflag:s23], $0x1  }
0xa9: {  	[sflag:s23] =	ssyncset.done $0x0  }
0xaa: {  	s25 =	simm.s32 $0x1B8E;
	s24 =	sld [smem:$0x3FFE];
	[sflag:s23] =	ssyncadd.s32 $0xFFFFFFFF  }
0xab: {  	s26 =	simm.s32 $execute0_lowered;
	[smem:$0x3FD2] =	sst s25  }
0xac: {  	s6 =	sshll.u32 s26, $0x1;
	_ =	strace $0x80000046;
	[dreg:$0x1] =	wrdreg $0xFFFFFFFF  }
0xad: {  	s28 =	simm.s32 $_size_execute0_lowered;
	s4 =	sadd.s32 s4, s6;
	[dreg:$0x0] =	wrdreg $0x0  }
0xae: {  	s6 =	sshll.u32 s28, $0x1;
	[dreg:$0x2] =	wrdreg s4  }
0xaf: {  	[dreg:$0x3] =	wrdreg s6  }
0xb0: {  	[dreg:$0x4] =	wrdreg $0xC0  }
0xb1: {  	_ =	task [dreg:s8], $0x5FFFF  }
0xb2: {  	[dreg:$0x1] =	wrdreg $0xFFFFFFFF  }
0xb3: {  	[dreg:$0x0] =	wrdreg $0x60  }
0xb4: {  	[dreg:$0x2] =	wrdreg s16  }
0xb5: {  	[dreg:$0x3] =	wrdreg s24  }
0xb6: {  	[dreg:$0x4] =	wrdreg s17  }
0xb7: {  	[dreg:$0x5] =	wrdreg $0x28800  }
0xb8: {  	[dreg:$0x6] =	wrdreg $0x9  }
0xb9: {  	_ =	task.clear_ibuf [dreg:s8], $0x7FFFF;
	_ =	strace $0x90000046  }
0xba: {  	s29 =	simm.s32 $0x9;
	_ =	strace $0x80000048  }
0xbb: {  	_ =	swait.ge [sflag:s29], $0x1  }
0xbc: {  	[sflag:s29] =	ssyncadd.s32 $0xFFFFFFFF  }
0xbd: {  	_ =	strace $0x90000048  }
0xbe: {  	_ =	sfence  }
0xbf: {  	s30 =	sld [smem:$0x0];
	_ =	sdelay $0x2  }
0xc0: {  	s31 =	sshll.u32 s1, $0xD;
	s1 =	sshrl.u32 s1, $0x2  }
0xc1: {  	s3 =	sand.u32 $0x4000, s31;
	s1 =	sadd.s32 s1, s30  }
0xc2: {  	s0 =	sor.u32 s3, s0;
	s1 =	sshll.u32 s1, $0x11  }
0xc3: {  	s0 =	sor.u32 s1, s0  }
0xc4: {  	s0 =	sadd.s32 $0x8F2B, s0  }
0xc5: {  	[sflag:s0] =	ssyncadd.remote.s32 $0x1  }
0xc6: {  	_ =	sfence.sel $0xFFFF  }
0xc7: {  	[dreg:$0x0] =	wrdreg $0xFFFFFFFF;
	(pc) =	sbr.abs _section_cstart, $3  }
0xc8: {  	[dreg:$0x1] =	wrdreg $0xFFFFFFFF  }
0xc9: {  	_ =	task.clear_ibuf [dreg:s8], $0x2FFFF;
	_ =	strace $0x9FFFFFFF  }
0xca: {  	(tm) =	ssettm $0x7FFFFFFF  }
0xcb: {  	_ =	shalt  }
tec
execute0_lowered:
.L_overlay_start_1:
0x0: {  	(tag) =	ssettag $0x1  }
0x1: {  	s6 =	rddreg [dreg:$0x0]  }
0x2: {  	s4 =	rddreg [dreg:$0x1]  }
0x3: {  	s7 =	rddreg [dreg:$0x2]  }
0x4: {  	s1 =	rddreg [dreg:$0x3]  }
0x5: {  	s0 =	rddreg [dreg:$0x4];
	s3 =	simm.s32 $0x0  }
0x6: {  	s5 =	srdreg.scid;
	s2 =	stileid.u32;
	s13 =	simm.s32 $0x0  }
0x7: {  	[smem:$0x7FF] =	sst s3;
	s5 =	sand.u32 $0x1, s5;
	s8 =	smul.u32 $0x280, s2  }
0x8: {  	s4 =	sadd.s32 $0x3A00, s4;
	s31 =	sshll.u32 s2, $0x6;
	_ =	strace $0x80000047  }
0x9: {  	s9 =	ssub.s32 $0x2, s5;
	s10 =	sshll.u32 s5, $0x4;
	s5 =	smul.u32 $0x2800, s5  }
0xa: {  	s11 =	sshrl.u32 s9, $0x1;
	s10 =	sor.u32 s2, s10;
	s30 =	sadd.s32 s8, s1  }
0xb: {  	s9 =	ssub.s32 s9, s11;
	s10 =	smul.u32 $0x500, s10;
	s5 =	sadd.s32 s8, s5  }
0xc: {  	s11 =	simm.s32 $0x80;
	s12 =	sshrl.u32 s5, $0x3;
	s5 =	sor.u32 $0x1C01, s31  }
0xd: {  	s8 =	smax.u32 s9, $0x1;
	s9 =	sshrl.u32 s30, $0x3;
	s6 =	sadd.s32 s6, s10  }
0xe: {  	v0 =	vimm.f32 $1.000000000e+00;
	s7 =	sadd.s32 s7, s12;
	s10 =	simm.s32 $0x1;
	s12 =	simm.s32 $0x2800  }
.LBB2_1:
0xf: {  	[tilespmem:$0x2800] =	vst v0  }
0x10: {  	[tilespmem:$0x2810] =	vst v0  }
0x11: {  	[tilespmem:$0x2820] =	vst v0  }
0x12: {  	[tilespmem:$0x2830] =	vst v0  }
0x13: {  	[tilespmem:$0x2840] =	vst v0  }
0x14: {  	[tilespmem:$0x2850] =	vst v0  }
0x15: {  	[tilespmem:$0x2860] =	vst v0  }
0x16: {  	[tilespmem:$0x2870] =	vst v0  }
0x17: {  	[spmem:s9], [sflag:s5] =	dma.local [hbm:s4], $0x50  }
0x18: {  	_ =	swait.ge [sflag:s10], $0x50  }
0x19: {  	[sflag:s10] =	ssyncset.done $0x0  }
0x1a: {  	[sflag:s10] =	ssyncadd.s32 $0xFFFFFFB0  }
0x1b: {  	[tilespmem:s3], [sflag:$0x1] =	stream.linear.gather [hbm4b:s6+s3], $0x2800, $0x38;
	[tilespmem:$0x2B00] =	vst v63  }
0x1c: {  	_ =	swait.ge [sflag:s10], $0x2800  }
0x1d: {  	[sflag:s10] =	ssyncset.done $0x0  }
0x1e: {  	[sflag:s10] =	ssyncadd.s32 $0xFFFFD800  }
0x1f: {  	s14 =	simm.s32 $0x0;
	[bflag:$0x0] =	sbarrier.arrive $0xFFFF  }
0x20: {  	[spmem:s1] =	stream.indirect.scatter.add.f32 [tilespmem:s12], [sflag:$0x1], $0x1, s14, s11, $0xb8;
	[tilespmem:$0x2B00] =	vst v63  }
0x21: {  	_ =	swait.ge [sflag:s10], $0x80  }
0x22: {  	s14 =	simm.s32 $0x200;
	[sflag:s10] =	ssyncset.done $0x0  }
.LBB2_2:
0x23: {  	s15 =	sshra.s32 s14, $0x2;
	[sflag:s10] =	ssyncadd.s32 $0xFFFFFF80;
	p0 =	sne.s32 s14, $0x9E00  }
0x24: {  	[spmem:s1] =	stream.indirect.scatter.add.f32 [tilespmem:s12], [sflag:$0x1], $0x1, s15, s11, $0xb8;
	[tilespmem:$0x2B00] =	vst v63  }
.Ltmp0:
0x25: {  	_ = 	snop;
	(pc) =	sbr.rel @p0 .LBB2_2-.Ltmp0, $4  }
0x26: {  	_ = 	snop  }
0x27: {  	s14 =	sadd.s32 $0x200, s14  }
0x28: {  	_ =	swait.ge [sflag:s10], $0x80  }
0x29: {  	[sflag:s10] =	ssyncset.done $0x0  }
0x2a: {  	s13 =	sadd.s32 $0x1, s13  }
0x2b: {  	[sflag:s10] =	ssyncadd.s32 $0xFFFFFF80;
	p0 =	sne.s32 s13, s8  }
.Ltmp1:
0x2c: {  	[bflag:$0x0] =	sbarrier.arrive $0xFFFF;
	(pc) =	sbr.rel @p0 .LBB2_1-.Ltmp1, $4  }
0x2d: {  	[hbm:s7], [sflag:s5] =	dma.local [spmem:s9], $0x50  }
0x2e: {  	_ =	swait.ge [sflag:s10], $0x50  }
0x2f: {  	[sflag:s10] =	ssyncset.done $0x0  }
0x30: {  	[sflag:s10] =	ssyncadd.s32 $0xFFFFFFB0  }
0x31: {  	_ =	sfence.sel $0x180000  }
0x32: {  	[bflag:$0x0] =	sbarrier.arrive $0xFFFF  }
0x33: {  	p0 =	sne.s32 s2, $0x0;
	_ =	strace $0x90000047  }
0x34: {  	s0 =	sadd.s32 @!p0 $0x100000, s0;
	[bflag:$0x2] =	sbarrier.arrive $0xFFFF  }
0x35: {  	[sflag:s0] =	ssyncadd.tile.s32 @!p0 $0x1;
	_ =	shalt  }
.Lfunc_end2:
_tile_overlayer_lowered:
.L_overlay_start_2:
0x36: {  	(tag) =	ssettag $0x2  }
0x37: {  	s0 =	rddreg [dreg:$0x0];
	s2 =	stileid.u32  }
0x38: {  	s1 =	rddreg [dreg:$0x1];
	p0 =	sne.s32 s2, $0x0  }
0x39: {  	s3 =	rddreg [dreg:$0x2];
	[bflag:$0x3] =	sbarrier.arrive $0xFFFF;
	s2 =	simm.s32 @!p0 $0x1C01  }
0x3a: {  	[timem:s3], [sflag:s2] =	dma.local @!p0 [hbm:s0], s1  }
0x3b: {  	s0 =	simm.s32 @!p0 $0x1  }
0x3c: {  	_ =	swait.ge @!p0 [sflag:s0], s1  }
0x3d: {  	s1 =	ssub.s32 @!p0 $0x0, s1;
	[sflag:s0] =	ssyncset.done @!p0 $0x0  }
0x3e: {  	[sflag:s0] =	ssyncadd.s32 @!p0 s1  }
0x3f: {  	[bflag:$0x3] =	sbarrier.arrive $0xFFFF  }
0x40: {  	_ =	shalt  }

// kernel: kernel.15.cloned.1.call-start
scs
__scs_entry_jumppad:
0x0: {  	(pc) =	sbr.rel $0x88, $3  }
0x1: {  	(tag) =	ssettag $0x0;
	lr =	simm.s32 $0x1  }
0x2: {  	[smem:$0x3F91] =	sst lr;
	_ =	strace $0xD0000000  }
0x3: {  	_ = 	snop  }
0x4: {  	_ = 	snop  }
0x5: {  	_ = 	snop  }
0x6: {  	_ = 	snop  }
0x7: {  	_ = 	snop  }
__scs_overlays_trampoline_lowered:
0x8: {  	[smem:$0x3FA0] =	sst s0  }
0x9: {  	[smem:$0x3FA1] =	sst s1  }
0xa: {  	[smem:$0x3FA2] =	sst s2  }
0xb: {  	[smem:$0x3FA3] =	sst s3  }
0xc: {  	[smem:$0x3FA4] =	sst s4  }
0xd: {  	[smem:$0x3FA5] =	sst s5  }
0xe: {  	[smem:$0x3FA6] =	sst s6  }
0xf: {  	[smem:$0x3FA7] =	sst s7  }
0x10: {  	[smem:$0x3FA8] =	sst s8  }
0x11: {  	[smem:$0x3FA9] =	sst s9;
	s0 =	simm.s32 @!p0 $0x0  }
0x12: {  	s1 =	sld [smem:$0x3F8F];
	s0 =	simm.s32 @p0 $0x1  }
0x13: {  	[smem:$0x3FAA] =	sst s0;
	s0 =	simm.s32 @!p1 $0x0  }
0x14: {  	s2 =	sld [smem:$0x3F8E];
	s0 =	simm.s32 @p1 $0x1  }
0x15: {  	[smem:$0x3FAB] =	sst s0;
	s0 =	simm.s32 @!p2 $0x0  }
0x16: {  	s3 =	sld [smem:$0x3FDB];
	s0 =	simm.s32 @p2 $0x1  }
0x17: {  	s4 =	simm.s32 $0x1BF5;
	[smem:$0x3FAD] =	sst s0  }
0x18: {  	s0 =	sld [smem:$0x3F90];
	_ =	swait.ge [sflag:s4], $0x0  }
0x19: {  	s7 =	sld [smem:$0x3F91]  }
0x1a: {  	s8 =	sadd.s32 $0xFFFFE003, lr  }
0x1b: {  	s9 =	sadd.s32 $0xFFFFFEF7, lr;
	s5 =	simm.s32 $0xFFFFFFFF;
	p2 =	slt.u32 s8, $0xFFFFF086  }
0x1c: {  	p1 =	slt.u32 s9, $0xF7A;
	s5 =	simm.s32 @!p2 $0x0  }
0x1d: {  	s5 =	simm.s32 @p1 $0x1;
	p0 =	seq.s32 s7, s2  }
0x1e: {  	s7 =	smul.u32 @!p0 $0xF7A, s2;
	p2 =	seq.s32 @!p0 s5, $0x0  }
0x1f: {  	s9 =	smul.u32 $0xF7A, s1;
	s8 =	simm.s32 @!p0 $0x1BF5;
	p2 =	por !p2, p0  }
0x20: {  	[sflag:s8] =	ssyncset.s32 @!p0 $0xFFFFF086;
	s6 =	sadd.s32 @!p0 s3, s7;
	s7 =	simm.s32 @!p0 $0x108  }
0x21: {  	s3 =	sadd.s32 s3, s9;
	s6 =	sadd.s32 @!p0 $0x88, s6;
	s7 =	simm.s32 @p2 $0x1082  }
0x22: {  	[simem:s7], [sflag:s8] =	dma.local @!p0 [hbm:s6], $0xF7A  }
0x23: {  	s9 =	sor.u32 $0xD0000000, s2;
	s6 =	simm.s32 $0x108;
	_ =	swait.ge @!p0 [sflag:s8], $0x0  }
0x24: {  	s3 =	sadd.s32 $0x88, s3;
	s6 =	simm.s32 @!p1 $0x1082;
	[sflag:s4] =	ssyncset.s32 $0xFFFFF086  }
0x25: {  	[simem:s6], [sflag:s4] =	dma.local [hbm:s3], $0xF7A  }
0x26: {  	[smem:$0x3F91] =	sst s1;
	(tag) =	ssettag s2;
	_ =	strace s9  }
0x27: {  	s1 =	sld [smem:$0x3FA1]  }
0x28: {  	s2 =	sld [smem:$0x3FA2]  }
0x29: {  	s4 =	sld [smem:$0x3FA4]  }
0x2a: {  	p0 =	seq.s32 s5, $0x0;
	s5 =	sld [smem:$0x3FA5]  }
0x2b: {  	s6 =	sld [smem:$0x3FA6]  }
0x2c: {  	s7 =	sld [smem:$0x3FA7]  }
0x2d: {  	s3 =	simm.s32 $0x108;
	s8 =	sld [smem:$0x3FA8]  }
0x2e: {  	s3 =	simm.s32 @!p0 $0x1082;
	s9 =	sld [smem:$0x3FA9]  }
0x2f: {  	lr =	sadd.s32 s0, s3;
	s0 =	sld [smem:$0x3FA0]  }
0x30: {  	s3 =	sld [smem:$0x3FA3]  }
0x31: {  	[smem:$0x3FAC] =	sst s10  }
0x32: {  	s10 =	sld [smem:$0x3FAA];
	_ =	sdelay $0x3  }
0x33: {  	p0 =	seq.s32 s10, $0x1;
	s10 =	sld [smem:$0x3FAC];
	_ =	sdelay $0x3  }
0x34: {  	[smem:$0x3FAC] =	sst s10  }
0x35: {  	s10 =	sld [smem:$0x3FAB];
	_ =	sdelay $0x3  }
0x36: {  	p1 =	seq.s32 s10, $0x1;
	s10 =	sld [smem:$0x3FAC];
	_ =	sdelay $0x3  }
0x37: {  	[smem:$0x3FAC] =	sst s10  }
0x38: {  	s10 =	sld [smem:$0x3FAD]  }
0x39: {  	_ = 	snop;
	(pc) =	sbr.ind lr, $3  }
0x3a: {  	_ = 	snop  }
0x3b: {  	_ = 	snop  }
0x3c: {  	p2 =	seq.s32 s10, $0x1;
	s10 =	sld [smem:$0x3FAC]  }
0x3d: {  	_ =	shalt  }
0x3e: {  	_ =	shalt  }
0x3f: {  	_ =	shalt  }
0x40: {  	_ =	shalt  }
0x41: {  	_ =	shalt  }
0x42: {  	_ =	shalt  }
0x43: {  	_ =	shalt  }
0x44: {  	_ =	shalt  }
0x45: {  	_ =	shalt  }
0x46: {  	_ =	shalt  }
0x47: {  	_ =	shalt  }
0x48: {  	_ =	shalt  }
0x49: {  	_ =	shalt  }
0x4a: {  	_ =	shalt  }
0x4b: {  	_ =	shalt  }
0x4c: {  	_ =	shalt  }
0x4d: {  	_ =	shalt  }
0x4e: {  	_ =	shalt  }
0x4f: {  	_ =	shalt  }
0x50: {  	_ =	shalt  }
0x51: {  	_ =	shalt  }
0x52: {  	_ =	shalt  }
0x53: {  	_ =	shalt  }
0x54: {  	_ =	shalt  }
0x55: {  	_ =	shalt  }
0x56: {  	_ =	shalt  }
0x57: {  	_ =	shalt  }
0x58: {  	_ =	shalt  }
0x59: {  	_ =	shalt  }
0x5a: {  	_ =	shalt  }
0x5b: {  	_ =	shalt  }
0x5c: {  	_ =	shalt  }
0x5d: {  	_ =	shalt  }
0x5e: {  	_ =	shalt  }
0x5f: {  	_ =	shalt  }
0x60: {  	_ =	shalt  }
0x61: {  	_ =	shalt  }
0x62: {  	_ =	shalt  }
0x63: {  	_ =	shalt  }
0x64: {  	_ =	shalt  }
0x65: {  	_ =	shalt  }
0x66: {  	_ =	shalt  }
0x67: {  	_ =	shalt  }
0x68: {  	_ =	shalt  }
0x69: {  	_ =	shalt  }
0x6a: {  	_ =	shalt  }
0x6b: {  	_ =	shalt  }
0x6c: {  	_ =	shalt  }
0x6d: {  	_ =	shalt  }
0x6e: {  	_ =	shalt  }
0x6f: {  	_ =	shalt  }
0x70: {  	_ =	shalt  }
0x71: {  	_ =	shalt  }
0x72: {  	_ =	shalt  }
0x73: {  	_ =	shalt  }
0x74: {  	_ =	shalt  }
0x75: {  	_ =	shalt  }
0x76: {  	_ =	shalt  }
0x77: {  	_ =	shalt  }
0x78: {  	_ =	shalt  }
0x79: {  	_ =	shalt  }
0x7a: {  	_ =	shalt  }
0x7b: {  	_ =	shalt  }
0x7c: {  	_ =	shalt  }
0x7d: {  	_ =	shalt  }
0x7e: {  	_ =	shalt  }
0x7f: {  	_ =	shalt  }
0x80: {  	_ =	shalt  }
0x81: {  	_ =	shalt  }
0x82: {  	_ =	shalt  }
0x83: {  	_ =	shalt  }
0x84: {  	_ =	shalt  }
0x85: {  	_ =	shalt  }
0x86: {  	_ =	shalt  }
0x87: {  	_ =	shalt  }
.Lfunc_end0:
.L_simem_size_0:
called_computation.1_lowered:
.L_overlay_start_0:
0x88: {  	s2 =	sld [smem:$0x3FD9]  }
0x89: {  	s3 =	sld [smem:$0x3FFE];
	_ =	sdelay $0x1  }
0x8a: {  	s1 =	srdreg.scid  }
0x8b: {  	s0 =	sand.u32 $0x1, s1  }
0x8c: {  	s14 =	sshll.u32 s0, $0xA;
	s2 =	sadd.s32 s3, s2  }
0x8d: {  	s2 =	sadd.s32 s2, s14  }
0x8e: {  	[smem:$0x3FB8] =	sst s2  }
0x8f: {  	_ = 	snop  }
0x90: {  	s2 =	sld [smem:$0x3FD0];
	_ =	sdelay $0x2  }
0x91: {  	s15 =	simm.s32 $0xA;
	s4 =	simm.s32 $0x10  }
0x92: {  	[smem:s4], [sflag:s15] =	dma.local [hbm:s2], $0x1  }
0x93: {  	_ =	swait.eq [sflag:s15], $0x1  }
0x94: {  	[sflag:s15] =	ssyncset.done $0x0  }
0x95: {  	s16 =	sld [smem:$0x10];
	[sflag:s15] =	ssyncadd.s32 $0xFFFFFFFF  }
0x96: {  	s17 =	sld [smem:$0x11];
	(tm) =	ssettm $0x1  }
0x97: {  	s18 =	sld [smem:$0x3FFB];
	_ =	sdelay $0x3  }
0x98: {  	_ =	strace s18  }
0x99: {  	s4 =	sld [smem:$0x3FFC];
	_ =	sdelay $0x3  }
0x9a: {  	_ =	strace s4  }
0x9b: {  	s4 =	sld [smem:$0x3FFD];
	_ =	sdelay $0x3  }
0x9c: {  	_ =	strace s4  }
0x9d: {  	_ =	strace $0x8FFFFFFF  }
0x9e: {  	s19 =	sld [smem:$0x3FDB];
	_ =	sdelay $0x1  }
0x9f: {  	s5 =	simm.s32 $_scs_section_size  }
0xa0: {  	s6 =	simm.s32 $_size__tile_overlayer_lowered;
	s7 =	simm.s32 $_tile_overlayer_lowered  }
0xa1: {  	s22 =	simm.s32 $0x1BFF;
	s21 =	sshll.u32 s7, $0x1;
	s4 =	sadd.s32 s5, s19  }
0xa2: {  	s8 =	simm.s32 $0x0;
	s20 =	sshll.u32 s6, $0x1;
	s6 =	sadd.s32 s21, s4  }
0xa3: {  	[timem:s8], [sflag:s22] =	dma.local [hbm:s6], s20  }
0xa4: {  	_ =	swait.ge [sflag:s22], s20  }
0xa5: {  	s5 =	ssub.s32 $0x0, s20;
	[sflag:s22] =	ssyncset.done $0x0  }
0xa6: {  	[sflag:s22] =	ssyncadd.s32 s5;
	_ =	sdelay $0x1  }
0xa7: {  	s23 =	simm.s32 $0x1B8B  }
0xa8: {  	_ =	swait.ge [sflag:s23], $0x1  }
0xa9: {  	[sflag:s23] =	ssyncset.done $0x0  }
0xaa: {  	s25 =	simm.s32 $0x1B8E;
	s24 =	sld [smem:$0x3FFE];
	[sflag:s23] =	ssyncadd.s32 $0xFFFFFFFF  }
0xab: {  	s26 =	simm.s32 $execute0_lowered;
	[smem:$0x3FD2] =	sst s25  }
0xac: {  	s6 =	sshll.u32 s26, $0x1;
	_ =	strace $0x80000049;
	[dreg:$0x1] =	wrdreg $0xFFFFFFFF  }
0xad: {  	s28 =	simm.s32 $_size_execute0_lowered;
	s4 =	sadd.s32 s4, s6;
	[dreg:$0x0] =	wrdreg $0x0  }
0xae: {  	s6 =	sshll.u32 s28, $0x1;
	[dreg:$0x2] =	wrdreg s4  }
0xaf: {  	[dreg:$0x3] =	wrdreg s6  }
0xb0: {  	[dreg:$0x4] =	wrdreg $0xC0  }
0xb1: {  	_ =	task [dreg:s8], $0x5FFFF  }
0xb2: {  	[dreg:$0x1] =	wrdreg $0xFFFFFFFF  }
0xb3: {  	[dreg:$0x0] =	wrdreg $0x60  }
0xb4: {  	[dreg:$0x2] =	wrdreg s24  }
0xb5: {  	[dreg:$0x3] =	wrdreg s16  }
0xb6: {  	[dreg:$0x4] =	wrdreg s17  }
0xb7: {  	[dreg:$0x5] =	wrdreg $0x170000  }
0xb8: {  	[dreg:$0x6] =	wrdreg $0x120000  }
0xb9: {  	[dreg:$0x7] =	wrdreg $0x9  }
0xba: {  	_ =	task.clear_ibuf [dreg:s8], $0x8FFFF;
	_ =	strace $0x90000049  }
0xbb: {  	s29 =	simm.s32 $0x9;
	_ =	strace $0x8000004B  }
0xbc: {  	_ =	swait.ge [sflag:s29], $0x1  }
0xbd: {  	[sflag:s29] =	ssyncadd.s32 $0xFFFFFFFF  }
0xbe: {  	_ =	strace $0x9000004B  }
0xbf: {  	_ =	sfence  }
0xc0: {  	s30 =	sld [smem:$0x0];
	_ =	sdelay $0x2  }
0xc1: {  	s31 =	sshll.u32 s1, $0xD;
	s1 =	sshrl.u32 s1, $0x2  }
0xc2: {  	s3 =	sand.u32 $0x4000, s31;
	s1 =	sadd.s32 s1, s30  }
0xc3: {  	s0 =	sor.u32 s3, s0;
	s1 =	sshll.u32 s1, $0x11  }
0xc4: {  	s0 =	sor.u32 s1, s0  }
0xc5: {  	s0 =	sadd.s32 $0x8F2B, s0  }
0xc6: {  	[sflag:s0] =	ssyncadd.remote.s32 $0x1  }
0xc7: {  	_ =	sfence.sel $0xFFFF  }
0xc8: {  	[dreg:$0x0] =	wrdreg $0xFFFFFFFF;
	(pc) =	sbr.abs _section_cstart, $3  }
0xc9: {  	[dreg:$0x1] =	wrdreg $0xFFFFFFFF  }
0xca: {  	_ =	task.clear_ibuf [dreg:s8], $0x2FFFF;
	_ =	strace $0x9FFFFFFF  }
0xcb: {  	(tm) =	ssettm $0x7FFFFFFF  }
tec
execute0_lowered:
.L_overlay_start_1:
0x0: {  	(tag) =	ssettag $0x1  }
0x1: {  	s0 =	rddreg [dreg:$0x0]  }
0x2: {  	s1 =	rddreg [dreg:$0x1]  }
0x3: {  	s3 =	rddreg [dreg:$0x3]  }
0x4: {  	s4 =	rddreg [dreg:$0x4];
	s2 =	srdreg.scid  }
0x5: {  	s11 =	stileid.u32;
	s7 =	simm.s32 $0x0;
	s13 =	simm.s32 $0x1  }
0x6: {  	s14 =	simm.s32 $0x4;
	s15 =	simm.s32 $0x8;
	s16 =	simm.s32 $0x11  }
0x7: {  	s24 =	simm.s32 $0xA000;
	s25 =	simm.s32 $0xB000;
	s26 =	simm.s32 $0xC000  }
0x8: {  	s28 =	simm.s32 $0xD000;
	s29 =	simm.s32 $0xE000;
	[smem:$0x7FF] =	sst s7  }
0x9: {  	s30 =	simm.s32 $0xF000;
	_ =	strace $0x8000004A;
	[dreg:$0x6] =	wrdreg s24  }
0xa: {  	s31 =	simm.s32 $0x10000;
	s5 =	smul.u32 $0xA000, s11;
	[dreg:$0x7] =	wrdreg s25  }
0xb: {  	s2 =	sand.u32 $0x1, s2;
	s8 =	smul.u32 $0x5000, s11;
	[dreg:$0x8] =	wrdreg s26  }
0xc: {  	s9 =	smul.u32 $0xA00, s11;
	s19 =	sshll.u32 s11, $0x6;
	[dreg:$0x9] =	wrdreg s28  }
0xd: {  	s6 =	sshll.u32 s2, $0x5;
	s17 =	smul.u32 $0x50000, s2;
	[dreg:$0xa] =	wrdreg s29  }
0xe: {  	s2 =	ssub.s32 $0x2, s2;
	s7 =	sor.u32 $0x1C11, s19;
	[dreg:$0xb] =	wrdreg s30  }
0xf: {  	s19 =	simm.s32 $0x80;
	s24 =	simm.s32 $0x6;
	[dreg:$0xc] =	wrdreg s31  }
0x10: {  	s25 =	simm.s32 $0x7;
	s5 =	sor.u32 s6, s5;
	s10 =	sadd.s32 s9, s0  }
0x11: {  	s18 =	sshrl.u32 s2, $0x1;
	s12 =	sadd.s32 s8, s3;
	s20 =	sadd.s32 s8, s4  }
0x12: {  	s1 =	sadd.s32 s1, s9;
	s5 =	sshrl.u32 s5, $0x3;
	s6 =	sadd.s32 s8, s17  }
0x13: {  	s2 =	ssub.s32 s2, s18;
	s21 =	sadd.s32 $0x3C00, s10;
	[dreg:$0xf] =	wrdreg s1  }
0x14: {  	s23 =	sshrl.u32 s12, $0x3;
	s17 =	sshrl.u32 s20, $0x3;
	s20 =	simm.s32 $0x11000  }
0x15: {  	s1 =	simm.s32 $0xF;
	s18 =	simm.s32 $0x0;
	s5 =	sadd.s32 s5, s0  }
0x16: {  	s6 =	sshrl.u32 s6, $0x3;
	[dreg:$0xe] =	wrdreg s21;
	s22 =	smax.u32 s2, $0x1  }
0x17: {  	[dreg:$0x12] =	wrdreg s23;
	s21 =	simm.s32 $0x2;
	s23 =	simm.s32 $0x5  }
0x18: {  	s0 =	sadd.s32 s6, s0;
	s5 =	sadd.s32 $0x35C00, s5;
	[dreg:$0x11] =	wrdreg s22  }
0x19: {  	s2 =	simm.s32 $0x10;
	[dreg:$0xd] =	wrdreg s5;
	s0 =	sadd.s32 $0x49C00, s0  }
0x1a: {  	s22 =	simm.s32 $0x3;
	[dreg:$0x10] =	wrdreg s0;
	s0 =	simm.s32 $0xE  }
.LBB2_1:
0x1b: {  	s5 =	rddreg [dreg:$0xd]  }
0x1c: {  	s6 =	rddreg [dreg:$0x12]  }
0x1d: {  	[spmem:s6@s14], [sflag:s7] =	dma.strided [hbm:s5@s15], $0xA00, s13, $0x4   }
0x1e: {  	_ =	swait.ge [sflag:s16], $0xA00  }
0x1f: {  	[sflag:s16] =	ssyncset.done $0x0  }
0x20: {  	[sflag:s16] =	ssyncadd.s32 $0xFFFFF600  }
0x21: {  	s28 =	rddreg [dreg:$0x2]  }
0x22: {  	[spmem:s17], [sflag:s7] =	dma.local [hbm:s28], $0xA00  }
0x23: {  	_ =	swait.ge [sflag:s16], $0xA00  }
0x24: {  	[sflag:s16] =	ssyncset.done $0x0  }
0x25: {  	s29 =	simm.s32 $0x0;
	s30 =	rddreg [dreg:$0xe];
	[sflag:s16] =	ssyncadd.s32 $0xFFFFF600  }
0x26: {  	[tilespmem:s29], [sflag:$0x11] =	stream.linear.gather [hbm4b:s30+s29], $0x5000, $0x38;
	[tilespmem:$0x1C000] =	vst v63  }
0x27: {  	_ =	swait.ge [sflag:s16], $0x5000  }
0x28: {  	[sflag:s16] =	ssyncset.done $0x0  }
0x29: {  	s8 =	simm.s32 $0x5000;
	s31 =	rddreg [dreg:$0xf];
	[sflag:s16] =	ssyncadd.s32 $0xFFFFB000  }
0x2a: {  	[tilespmem:s8], [sflag:$0x11] =	stream.linear.gather [hbm4b:s31+s29], $0x5000, $0x38;
	[tilespmem:$0x1C000] =	vst v63  }
0x2b: {  	_ =	swait.ge [sflag:s16], $0x5000  }
0x2c: {  	[sflag:s16] =	ssyncset.done $0x0  }
0x2d: {  	p0 =	por $0x0, $0x0;
	[sflag:s16] =	ssyncadd.s32 $0xFFFFB000  }
0x2e: {  	s5 =	simm.s32 @p0 $0x9;
	[bflag:$0x0] =	sbarrier.arrive $0xFFFF  }
0x2f: {  	_ =	swait.ge @p0 [sflag:s5], $0x1000  }
0x30: {  	s6 =	simm.s32 @p0 $0xA000;
	s9 =	simm.s32 @p0 $0x80;
	[sflag:s5] =	ssyncset.done @p0 $0x0  }
0x31: {  	s8 =	simm.s32 @p0 $0xA;
	[sflag:s5] =	ssyncadd.s32 @p0 $0xFFFFF000;
	s5 =	simm.s32 @p0 $0x0  }
0x32: {  	[tilespmem:s6], [sflag:$0x1] =	stream.indirect.gather @p0 [spmem:s3], $0x20, s5, s9, $0xb8;
	[tilespmem:$0x1C000] =	vst v63  }
0x33: {  	_ =	swait.ge @p0 [sflag:s8], $0x1000  }
0x34: {  	s5 =	simm.s32 @p0 $0x80;
	[sflag:s8] =	ssyncset.done @p0 $0x0  }
0x35: {  	s6 =	simm.s32 @p0 $0xB000;
	[sflag:s8] =	ssyncadd.s32 @p0 $0xFFFFF000;
	s8 =	simm.s32 @p0 $0xB  }
0x36: {  	[tilespmem:s6], [sflag:$0x2] =	stream.indirect.gather @p0 [spmem:s3], $0x20, s5, s9, $0xb8;
	[tilespmem:$0x1C000] =	vst v63  }
0x37: {  	_ =	swait.ge @p0 [sflag:s8], $0x1000  }
0x38: {  	s5 =	simm.s32 @p0 $0x100;
	[sflag:s8] =	ssyncset.done @p0 $0x0  }
0x39: {  	s6 =	simm.s32 @p0 $0xC000;
	[sflag:s8] =	ssyncadd.s32 @p0 $0xFFFFF000;
	s8 =	simm.s32 @p0 $0xC  }
0x3a: {  	[tilespmem:s6], [sflag:$0x3] =	stream.indirect.gather @p0 [spmem:s3], $0x20, s5, s9, $0xb8;
	[tilespmem:$0x1C000] =	vst v63  }
0x3b: {  	_ =	swait.ge @p0 [sflag:s8], $0x1000  }
0x3c: {  	s5 =	simm.s32 @p0 $0x180;
	[sflag:s8] =	ssyncset.done @p0 $0x0  }
0x3d: {  	s6 =	simm.s32 @p0 $0xD000;
	[sflag:s8] =	ssyncadd.s32 @p0 $0xFFFFF000;
	s8 =	simm.s32 @p0 $0xD  }
0x3e: {  	[tilespmem:s6], [sflag:$0x4] =	stream.indirect.gather @p0 [spmem:s3], $0x20, s5, s9, $0xb8;
	[tilespmem:$0x1C000] =	vst v63  }
0x3f: {  	_ =	swait.ge @p0 [sflag:s8], $0x1000  }
0x40: {  	s5 =	simm.s32 @p0 $0x200;
	[sflag:s8] =	ssyncset.done @p0 $0x0  }
0x41: {  	s6 =	simm.s32 @p0 $0xE000;
	[sflag:s8] =	ssyncadd.s32 @p0 $0xFFFFF000;
	s8 =	simm.s32 @p0 $0xE  }
0x42: {  	[tilespmem:s6], [sflag:$0x5] =	stream.indirect.gather @p0 [spmem:s3], $0x20, s5, s9, $0xb8;
	[tilespmem:$0x1C000] =	vst v63  }
0x43: {  	_ =	swait.ge @p0 [sflag:s8], $0x1000  }
0x44: {  	s5 =	simm.s32 @p0 $0x280;
	[sflag:s8] =	ssyncset.done @p0 $0x0  }
0x45: {  	s6 =	simm.s32 @p0 $0xF000;
	[sflag:s8] =	ssyncadd.s32 @p0 $0xFFFFF000;
	s8 =	simm.s32 @p0 $0xF  }
0x46: {  	[tilespmem:s6], [sflag:$0x6] =	stream.indirect.gather @p0 [spmem:s3], $0x20, s5, s9, $0xb8;
	[tilespmem:$0x1C000] =	vst v63  }
0x47: {  	_ =	swait.ge @p0 [sflag:s8], $0x1000  }
0x48: {  	s5 =	simm.s32 @p0 $0x300;
	[sflag:s8] =	ssyncset.done @p0 $0x0  }
0x49: {  	s6 =	simm.s32 @p0 $0x10000;
	[sflag:s8] =	ssyncadd.s32 @p0 $0xFFFFF000;
	s8 =	simm.s32 @p0 $0x10  }
0x4a: {  	[tilespmem:s6], [sflag:$0x7] =	stream.indirect.gather @p0 [spmem:s3], $0x20, s5, s9, $0xb8;
	[tilespmem:$0x1C000] =	vst v63  }
0x4b: {  	_ =	swait.ge @p0 [sflag:s8], $0x1000  }
0x4c: {  	s5 =	simm.s32 @!p0 $0xA000;
	[sflag:s8] =	ssyncset.done @p0 $0x0  }
0x4d: {  	s6 =	simm.s32 @!p0 $0x0;
	[sflag:s8] =	ssyncadd.s32 @p0 $0xFFFFF000;
	s8 =	simm.s32 @!p0 $0x80  }
0x4e: {  	[tilespmem:s5], [sflag:$0x1] =	stream.indirect.gather @!p0 [spmem:s3], $0x20, s6, s8, $0xb8;
	[tilespmem:$0x1C000] =	vst v63  }
0x4f: {  	s5 =	simm.s32 @!p0 $0xB000  }
0x50: {  	[tilespmem:s5], [sflag:$0x2] =	stream.indirect.gather @!p0 [spmem:s3], $0x20, s8, s8, $0xb8;
	[tilespmem:$0x1C000] =	vst v63  }
0x51: {  	s6 =	simm.s32 @!p0 $0xC000;
	s5 =	simm.s32 @!p0 $0x100  }
0x52: {  	[tilespmem:s6], [sflag:$0x3] =	stream.indirect.gather @!p0 [spmem:s3], $0x20, s5, s8, $0xb8;
	[tilespmem:$0x1C000] =	vst v63  }
0x53: {  	s5 =	simm.s32 @!p0 $0x180;
	s6 =	simm.s32 @!p0 $0xD000  }
0x54: {  	[tilespmem:s6], [sflag:$0x4] =	stream.indirect.gather @!p0 [spmem:s3], $0x20, s5, s8, $0xb8;
	[tilespmem:$0x1C000] =	vst v63  }
0x55: {  	s5 =	simm.s32 @!p0 $0x200;
	s6 =	simm.s32 @!p0 $0xE000  }
0x56: {  	[tilespmem:s6], [sflag:$0x5] =	stream.indirect.gather @!p0 [spmem:s3], $0x20, s5, s8, $0xb8;
	[tilespmem:$0x1C000] =	vst v63  }
0x57: {  	s5 =	simm.s32 @!p0 $0x280;
	s6 =	simm.s32 @!p0 $0xF000  }
0x58: {  	[tilespmem:s6], [sflag:$0x6] =	stream.indirect.gather @!p0 [spmem:s3], $0x20, s5, s8, $0xb8;
	[tilespmem:$0x1C000] =	vst v63  }
0x59: {  	s5 =	simm.s32 @!p0 $0x300;
	s6 =	simm.s32 @!p0 $0x10000  }
0x5a: {  	[tilespmem:s6], [sflag:$0x7] =	stream.indirect.gather @!p0 [spmem:s3], $0x20, s5, s8, $0xb8;
	[tilespmem:$0x1C000] =	vst v63  }
0x5b: {  	s9 =	simm.s32 $0x380  }
0x5c: {  	[tilespmem:s20], [sflag:$0x8] =	stream.indirect.gather [spmem:s3], $0x20, s9, s19, $0xb8;
	[tilespmem:$0x1C000] =	vst v63  }
0x5d: {  	_ =	swait.ge [sflag:s13], $0x1000  }
0x5e: {  	[sflag:s13] =	ssyncset.done $0x0  }
0x5f: {  	s11 =	simm.s32 $0x5000;
	s10 =	rddreg [dreg:$0x6];
	[sflag:s13] =	ssyncadd.s32 $0xFFFFF000  }
0x60: {  	[spmem:s4] =	stream.indirect.scatter.add.f32 [tilespmem:s10], [sflag:$0x9], $0x20, s11, s19, $0xb8;
	[tilespmem:$0x1C000] =	vst v63  }
0x61: {  	s5 =	simm.s32 @p0 $0x80;
	_ =	swait.ge [sflag:s21], $0x1000  }
0x62: {  	s5 =	simm.s32 @!p0 $0x80;
	[sflag:s21] =	ssyncset.done $0x0  }
0x63: {  	s5 =	sadd.s32 $0x5000, s5;
	s12 =	rddreg [dreg:$0x7];
	[sflag:s21] =	ssyncadd.s32 $0xFFFFF000  }
0x64: {  	[spmem:s4] =	stream.indirect.scatter.add.f32 [tilespmem:s12], [sflag:$0xA], $0x20, s5, s19, $0xb8;
	[tilespmem:$0x1C000] =	vst v63  }
0x65: {  	s5 =	simm.s32 @p0 $0x100;
	_ =	swait.ge [sflag:s22], $0x1000  }
0x66: {  	s5 =	simm.s32 @!p0 $0x100;
	[sflag:s22] =	ssyncset.done $0x0  }
0x67: {  	s26 =	rddreg [dreg:$0x8];
	s5 =	sadd.s32 $0x5000, s5;
	[sflag:s22] =	ssyncadd.s32 $0xFFFFF000  }
0x68: {  	[spmem:s4] =	stream.indirect.scatter.add.f32 [tilespmem:s26], [sflag:$0xB], $0x20, s5, s19, $0xb8;
	[tilespmem:$0x1C000] =	vst v63  }
0x69: {  	s5 =	simm.s32 @p0 $0x180;
	_ =	swait.ge [sflag:s14], $0x1000  }
0x6a: {  	s5 =	simm.s32 @!p0 $0x180;
	[sflag:s14] =	ssyncset.done $0x0  }
0x6b: {  	s28 =	rddreg [dreg:$0x9];
	s5 =	sadd.s32 $0x5000, s5;
	[sflag:s14] =	ssyncadd.s32 $0xFFFFF000  }
0x6c: {  	[spmem:s4] =	stream.indirect.scatter.add.f32 [tilespmem:s28], [sflag:$0xC], $0x20, s5, s19, $0xb8;
	[tilespmem:$0x1C000] =	vst v63  }
0x6d: {  	s5 =	simm.s32 @p0 $0x200;
	_ =	swait.ge [sflag:s23], $0x1000  }
0x6e: {  	s5 =	simm.s32 @!p0 $0x200;
	[sflag:s23] =	ssyncset.done $0x0  }
0x6f: {  	s29 =	rddreg [dreg:$0xa];
	s5 =	sadd.s32 $0x5000, s5;
	[sflag:s23] =	ssyncadd.s32 $0xFFFFF000  }
0x70: {  	[spmem:s4] =	stream.indirect.scatter.add.f32 [tilespmem:s29], [sflag:$0xD], $0x20, s5, s19, $0xb8;
	[tilespmem:$0x1C000] =	vst v63  }
0x71: {  	s5 =	simm.s32 @p0 $0x280;
	_ =	swait.ge [sflag:s24], $0x1000  }
0x72: {  	s5 =	simm.s32 @!p0 $0x280;
	[sflag:s24] =	ssyncset.done $0x0  }
0x73: {  	s30 =	rddreg [dreg:$0xb];
	s5 =	sadd.s32 $0x5000, s5;
	[sflag:s24] =	ssyncadd.s32 $0xFFFFF000  }
0x74: {  	[spmem:s4] =	stream.indirect.scatter.add.f32 [tilespmem:s30], [sflag:$0xE], $0x20, s5, s19, $0xb8;
	[tilespmem:$0x1C000] =	vst v63  }
0x75: {  	s5 =	simm.s32 $0x300;
	_ =	swait.ge [sflag:s25], $0x1000  }
0x76: {  	s6 =	simm.s32 $0x1000;
	s5 =	simm.s32 @!p0 $0x300;
	[sflag:s25] =	ssyncset.done $0x0  }
0x77: {  	s31 =	rddreg [dreg:$0xc];
	s5 =	sadd.s32 $0x5000, s5;
	[sflag:s25] =	ssyncadd.s32 $0xFFFFF000  }
0x78: {  	[spmem:s4] =	stream.indirect.scatter.add.f32 [tilespmem:s31], [sflag:$0xF], $0x20, s5, s19, $0xb8;
	[tilespmem:$0x1C000] =	vst v63  }
0x79: {  	s8 =	simm.s32 $0x2000;
	s10 =	simm.s32 $0x5380;
	_ =	swait.ge [sflag:s15], $0x1000  }
0x7a: {  	p0 =	por $0x1, $0x1;
	s5 =	simm.s32 $0x700;
	[sflag:s15] =	ssyncset.done $0x0  }
.LBB2_2:
0x7b: {  	s11 =	simm.s32 @p0 $0x9;
	[sflag:s15] =	ssyncadd.s32 $0xFFFFF000  }
0x7c: {  	[spmem:s4] =	stream.indirect.scatter.add.f32 [tilespmem:s20], [sflag:$0x10], $0x20, s10, s19, $0xb8;
	[tilespmem:$0x1C000] =	vst v63  }
0x7d: {  	_ =	swait.ge @p0 [sflag:s11], $0x1000  }
0x7e: {  	s12 =	simm.s32 @p0 $0xA000;
	s26 =	simm.s32 @p0 $0xA;
	[sflag:s11] =	ssyncset.done @p0 $0x0  }
0x7f: {  	s10 =	simm.s32 @p0 $0x80;
	[sflag:s11] =	ssyncadd.s32 @p0 $0xFFFFF000;
	s11 =	sshra.s32 @p0 s6, $0x2  }
0x80: {  	[tilespmem:s12], [sflag:$0x1] =	stream.indirect.gather @p0 [spmem:s3], $0x20, s11, s10, $0xb8;
	[tilespmem:$0x1C000] =	vst v63  }
0x81: {  	_ =	swait.ge @p0 [sflag:s26], $0x1000  }
0x82: {  	s31 =	simm.s32 @p0 $0xB;
	[sflag:s26] =	ssyncset.done @p0 $0x0  }
0x83: {  	s12 =	sadd.s32 @p0 $0x80, s11;
	[sflag:s26] =	ssyncadd.s32 @p0 $0xFFFFF000;
	s26 =	simm.s32 @p0 $0xB000  }
0x84: {  	[tilespmem:s26], [sflag:$0x2] =	stream.indirect.gather @p0 [spmem:s3], $0x20, s12, s10, $0xb8;
	[tilespmem:$0x1C000] =	vst v63  }
0x85: {  	_ =	swait.ge @p0 [sflag:s31], $0x1000  }
0x86: {  	s28 =	sadd.s32 @p0 $0x100, s11;
	[sflag:s31] =	ssyncset.done @p0 $0x0  }
0x87: {  	s26 =	simm.s32 @p0 $0xC000;
	[sflag:s31] =	ssyncadd.s32 @p0 $0xFFFFF000;
	s31 =	simm.s32 @p0 $0xC  }
0x88: {  	[tilespmem:s26], [sflag:$0x3] =	stream.indirect.gather @p0 [spmem:s3], $0x20, s28, s10, $0xb8;
	[tilespmem:$0x1C000] =	vst v63  }
0x89: {  	_ =	swait.ge @p0 [sflag:s31], $0x1000  }
0x8a: {  	s29 =	sadd.s32 @p0 $0x180, s11;
	[sflag:s31] =	ssyncset.done @p0 $0x0  }
0x8b: {  	s26 =	simm.s32 @p0 $0xD000;
	s28 =	simm.s32 @p0 $0xD;
	[sflag:s31] =	ssyncadd.s32 @p0 $0xFFFFF000  }
0x8c: {  	[tilespmem:s26], [sflag:$0x4] =	stream.indirect.gather @p0 [spmem:s3], $0x20, s29, s10, $0xb8;
	[tilespmem:$0x1C000] =	vst v63  }
0x8d: {  	_ =	swait.ge @p0 [sflag:s28], $0x1000  }
0x8e: {  	s30 =	sadd.s32 @p0 $0x200, s11;
	[sflag:s28] =	ssyncset.done @p0 $0x0  }
0x8f: {  	s26 =	simm.s32 @p0 $0xE000;
	[sflag:s28] =	ssyncadd.s32 @p0 $0xFFFFF000;
	s28 =	simm.s32 @p0 $0xE  }
0x90: {  	[tilespmem:s26], [sflag:$0x5] =	stream.indirect.gather @p0 [spmem:s3], $0x20, s30, s10, $0xb8;
	[tilespmem:$0x1C000] =	vst v63  }
0x91: {  	_ =	swait.ge @p0 [sflag:s28], $0x1000  }
0x92: {  	s12 =	sadd.s32 @p0 $0x280, s11;
	[sflag:s28] =	ssyncset.done @p0 $0x0  }
0x93: {  	s26 =	simm.s32 @p0 $0xF000;
	[sflag:s28] =	ssyncadd.s32 @p0 $0xFFFFF000;
	s28 =	simm.s32 @p0 $0xF  }
0x94: {  	[tilespmem:s26], [sflag:$0x6] =	stream.indirect.gather @p0 [spmem:s3], $0x20, s12, s10, $0xb8;
	[tilespmem:$0x1C000] =	vst v63  }
0x95: {  	_ =	swait.ge @p0 [sflag:s28], $0x1000  }
0x96: {  	s11 =	sadd.s32 @p0 $0x300, s11;
	[sflag:s28] =	ssyncset.done @p0 $0x0  }
0x97: {  	s12 =	simm.s32 @p0 $0x10000;
	s26 =	simm.s32 @p0 $0x10;
	[sflag:s28] =	ssyncadd.s32 @p0 $0xFFFFF000  }
0x98: {  	[tilespmem:s12], [sflag:$0x7] =	stream.indirect.gather @p0 [spmem:s3], $0x20, s11, s10, $0xb8;
	[tilespmem:$0x1C000] =	vst v63  }
0x99: {  	_ =	swait.ge @p0 [sflag:s26], $0x1000  }
0x9a: {  	s10 =	simm.s32 @!p0 $0xA000;
	[sflag:s26] =	ssyncset.done @p0 $0x0  }
0x9b: {  	s11 =	sshra.s32 @!p0 s6, $0x2;
	s12 =	simm.s32 @!p0 $0x80;
	[sflag:s26] =	ssyncadd.s32 @p0 $0xFFFFF000  }
0x9c: {  	[tilespmem:s10], [sflag:$0x1] =	stream.indirect.gather @!p0 [spmem:s3], $0x20, s11, s12, $0xb8;
	[tilespmem:$0x1C000] =	vst v63  }
0x9d: {  	s10 =	simm.s32 @!p0 $0xB000  }
0x9e: {  	[tilespmem:s10], [sflag:$0x2] =	stream.indirect.gather @!p0 [spmem:s3], $0x20, s12, s12, $0xb8;
	[tilespmem:$0x1C000] =	vst v63  }
0x9f: {  	s11 =	simm.s32 @!p0 $0xC000;
	s10 =	simm.s32 @!p0 $0x100  }
0xa0: {  	[tilespmem:s11], [sflag:$0x3] =	stream.indirect.gather @!p0 [spmem:s3], $0x20, s10, s12, $0xb8;
	[tilespmem:$0x1C000] =	vst v63  }
0xa1: {  	s10 =	simm.s32 @!p0 $0x180;
	s11 =	simm.s32 @!p0 $0xD000  }
0xa2: {  	[tilespmem:s11], [sflag:$0x4] =	stream.indirect.gather @!p0 [spmem:s3], $0x20, s10, s12, $0xb8;
	[tilespmem:$0x1C000] =	vst v63  }
0xa3: {  	s10 =	simm.s32 @!p0 $0x200;
	s11 =	simm.s32 @!p0 $0xE000  }
0xa4: {  	[tilespmem:s11], [sflag:$0x5] =	stream.indirect.gather @!p0 [spmem:s3], $0x20, s10, s12, $0xb8;
	[tilespmem:$0x1C000] =	vst v63  }
0xa5: {  	s10 =	simm.s32 @!p0 $0x280;
	s11 =	simm.s32 @!p0 $0xF000  }
0xa6: {  	[tilespmem:s11], [sflag:$0x6] =	stream.indirect.gather @!p0 [spmem:s3], $0x20, s10, s12, $0xb8;
	[tilespmem:$0x1C000] =	vst v63  }
0xa7: {  	s26 =	simm.s32 @!p0 $0x10000;
	s11 =	simm.s32 @!p0 $0x300;
	s10 =	sshra.s32 s6, $0x2  }
0xa8: {  	[tilespmem:s26], [sflag:$0x7] =	stream.indirect.gather @!p0 [spmem:s3], $0x20, s11, s12, $0xb8;
	[tilespmem:$0x1C000] =	vst v63  }
0xa9: {  	s29 =	sadd.s32 $0x380, s10  }
0xaa: {  	[tilespmem:s20], [sflag:$0x8] =	stream.indirect.gather [spmem:s3], $0x20, s29, s19, $0xb8;
	[tilespmem:$0x1C000] =	vst v63  }
0xab: {  	_ =	swait.ge [sflag:s13], $0x1000  }
0xac: {  	s9 =	smov.u32 s8;
	[sflag:s13] =	ssyncset.done $0x0  }
0xad: {  	s31 =	sadd.s32 $0x5000, s10;
	s30 =	rddreg [dreg:$0x6];
	[sflag:s13] =	ssyncadd.s32 $0xFFFFF000  }
0xae: {  	[spmem:s4] =	stream.indirect.scatter.add.f32 [tilespmem:s30], [sflag:$0x9], $0x20, s31, s19, $0xb8;
	[tilespmem:$0x1C000] =	vst v63  }
0xaf: {  	s6 =	smov.u32 s9;
	s9 =	sadd.s32 @p0 $0xFFFFFD80, s5;
	_ =	swait.ge [sflag:s21], $0x1000  }
0xb0: {  	s9 =	simm.s32 @!p0 $0x80;
	[sflag:s21] =	ssyncset.done $0x0  }
0xb1: {  	s9 =	sadd.s32 $0x5000, s9;
	s12 =	rddreg [dreg:$0x7];
	[sflag:s21] =	ssyncadd.s32 $0xFFFFF000  }
0xb2: {  	[spmem:s4] =	stream.indirect.scatter.add.f32 [tilespmem:s12], [sflag:$0xA], $0x20, s9, s19, $0xb8;
	[tilespmem:$0x1C000] =	vst v63  }
0xb3: {  	s9 =	sadd.s32 @p0 $0xFFFFFE00, s5;
	_ =	swait.ge [sflag:s22], $0x1000  }
0xb4: {  	s9 =	simm.s32 @!p0 $0x100;
	[sflag:s22] =	ssyncset.done $0x0  }
0xb5: {  	s26 =	rddreg [dreg:$0x8];
	s9 =	sadd.s32 $0x5000, s9;
	[sflag:s22] =	ssyncadd.s32 $0xFFFFF000  }
0xb6: {  	[spmem:s4] =	stream.indirect.scatter.add.f32 [tilespmem:s26], [sflag:$0xB], $0x20, s9, s19, $0xb8;
	[tilespmem:$0x1C000] =	vst v63  }
0xb7: {  	s9 =	sadd.s32 @p0 $0xFFFFFE80, s5;
	_ =	swait.ge [sflag:s14], $0x1000  }
0xb8: {  	s9 =	simm.s32 @!p0 $0x180;
	[sflag:s14] =	ssyncset.done $0x0  }
0xb9: {  	s28 =	rddreg [dreg:$0x9];
	s9 =	sadd.s32 $0x5000, s9;
	[sflag:s14] =	ssyncadd.s32 $0xFFFFF000  }
0xba: {  	[spmem:s4] =	stream.indirect.scatter.add.f32 [tilespmem:s28], [sflag:$0xC], $0x20, s9, s19, $0xb8;
	[tilespmem:$0x1C000] =	vst v63  }
0xbb: {  	s9 =	sadd.s32 @p0 $0xFFFFFF00, s5;
	_ =	swait.ge [sflag:s23], $0x1000  }
0xbc: {  	s9 =	simm.s32 @!p0 $0x200;
	[sflag:s23] =	ssyncset.done $0x0  }
0xbd: {  	s29 =	rddreg [dreg:$0xa];
	s9 =	sadd.s32 $0x5000, s9;
	[sflag:s23] =	ssyncadd.s32 $0xFFFFF000  }
0xbe: {  	[spmem:s4] =	stream.indirect.scatter.add.f32 [tilespmem:s29], [sflag:$0xD], $0x20, s9, s19, $0xb8;
	[tilespmem:$0x1C000] =	vst v63  }
0xbf: {  	s9 =	sadd.s32 @p0 $0xFFFFFF80, s5;
	_ =	swait.ge [sflag:s24], $0x1000  }
0xc0: {  	s8 =	sadd.s32 $0x1000, s8;
	s9 =	simm.s32 @!p0 $0x280;
	[sflag:s24] =	ssyncset.done $0x0  }
0xc1: {  	s30 =	rddreg [dreg:$0xb];
	s9 =	sadd.s32 $0x5000, s9;
	[sflag:s24] =	ssyncadd.s32 $0xFFFFF000  }
0xc2: {  	[spmem:s4] =	stream.indirect.scatter.add.f32 [tilespmem:s30], [sflag:$0xE], $0x20, s9, s19, $0xb8;
	[tilespmem:$0x1C000] =	vst v63  }
0xc3: {  	p1 =	sne.s32 s8, $0x14000;
	s11 =	smov.u32 s5;
	_ =	swait.ge [sflag:s25], $0x1000  }
.Ltmp0:
0xc4: {  	s11 =	simm.s32 @!p0 $0x300;
	[sflag:s25] =	ssyncset.done $0x0;
	(pc) =	sbr.rel @p1 .LBB2_2-.Ltmp0, $4  }
0xc5: {  	s11 =	sadd.s32 $0x5000, s11;
	s31 =	rddreg [dreg:$0xc];
	[sflag:s25] =	ssyncadd.s32 $0xFFFFF000  }
0xc6: {  	[spmem:s4] =	stream.indirect.scatter.add.f32 [tilespmem:s31], [sflag:$0xF], $0x20, s11, s19, $0xb8;
	[tilespmem:$0x1C000] =	vst v63  }
0xc7: {  	s10 =	sadd.s32 $0x5380, s10;
	_ =	swait.ge [sflag:s15], $0x1000  }
0xc8: {  	s5 =	sadd.s32 $0x400, s5;
	p0 =	sne.s32 s6, $0x0;
	[sflag:s15] =	ssyncset.done $0x0  }
0xc9: {  	s8 =	simm.s32 @p0 $0x9;
	[sflag:s15] =	ssyncadd.s32 $0xFFFFF000  }
0xca: {  	[spmem:s4] =	stream.indirect.scatter.add.f32 [tilespmem:s20], [sflag:$0x10], $0x20, s10, s19, $0xb8;
	[tilespmem:$0x1C000] =	vst v63  }
0xcb: {  	_ =	swait.ge @p0 [sflag:s8], $0x1000  }
0xcc: {  	s9 =	simm.s32 @p0 $0xA000;
	s11 =	simm.s32 @p0 $0x80;
	[sflag:s8] =	ssyncset.done @p0 $0x0  }
0xcd: {  	s10 =	simm.s32 @p0 $0xA;
	[sflag:s8] =	ssyncadd.s32 @p0 $0xFFFFF000;
	s8 =	sshra.s32 @p0 s6, $0x2  }
0xce: {  	[tilespmem:s9], [sflag:$0x1] =	stream.indirect.gather @p0 [spmem:s3], $0x20, s8, s11, $0xb8;
	[tilespmem:$0x1C000] =	vst v63  }
0xcf: {  	_ =	swait.ge @p0 [sflag:s10], $0x1000  }
0xd0: {  	[sflag:s10] =	ssyncset.done @p0 $0x0  }
0xd1: {  	s9 =	sadd.s32 @p0 $0x80, s8;
	[sflag:s10] =	ssyncadd.s32 @p0 $0xFFFFF000;
	s10 =	simm.s32 @p0 $0xB000  }
0xd2: {  	[tilespmem:s10], [sflag:$0x2] =	stream.indirect.gather @p0 [spmem:s3], $0x20, s9, s11, $0xb8;
	[tilespmem:$0x1C000] =	vst v63  }
0xd3: {  	s9 =	simm.s32 @p0 $0xB  }
0xd4: {  	_ =	swait.ge @p0 [sflag:s9], $0x1000  }
0xd5: {  	[sflag:s9] =	ssyncset.done @p0 $0x0  }
0xd6: {  	s10 =	sadd.s32 @p0 $0x100, s8;
	[sflag:s9] =	ssyncadd.s32 @p0 $0xFFFFF000;
	s9 =	simm.s32 @p0 $0xC000  }
0xd7: {  	[tilespmem:s9], [sflag:$0x3] =	stream.indirect.gather @p0 [spmem:s3], $0x20, s10, s11, $0xb8;
	[tilespmem:$0x1C000] =	vst v63  }
0xd8: {  	s9 =	simm.s32 @p0 $0xC  }
0xd9: {  	_ =	swait.ge @p0 [sflag:s9], $0x1000  }
0xda: {  	[sflag:s9] =	ssyncset.done @p0 $0x0  }
0xdb: {  	s10 =	sadd.s32 @p0 $0x180, s8;
	[sflag:s9] =	ssyncadd.s32 @p0 $0xFFFFF000;
	s9 =	simm.s32 @p0 $0xD000  }
0xdc: {  	[tilespmem:s9], [sflag:$0x4] =	stream.indirect.gather @p0 [spmem:s3], $0x20, s10, s11, $0xb8;
	[tilespmem:$0x1C000] =	vst v63  }
0xdd: {  	s9 =	simm.s32 @p0 $0xD  }
0xde: {  	_ =	swait.ge @p0 [sflag:s9], $0x1000  }
0xdf: {  	[sflag:s9] =	ssyncset.done @p0 $0x0  }
0xe0: {  	s10 =	sadd.s32 @p0 $0x200, s8;
	[sflag:s9] =	ssyncadd.s32 @p0 $0xFFFFF000;
	s9 =	simm.s32 @p0 $0xE000  }
0xe1: {  	[tilespmem:s9], [sflag:$0x5] =	stream.indirect.gather @p0 [spmem:s3], $0x20, s10, s11, $0xb8;
	[tilespmem:$0x1C000] =	vst v63  }
0xe2: {  	s9 =	simm.s32 @p0 $0xE  }
0xe3: {  	_ =	swait.ge @p0 [sflag:s9], $0x1000  }
0xe4: {  	[sflag:s9] =	ssyncset.done @p0 $0x0  }
0xe5: {  	s10 =	sadd.s32 @p0 $0x280, s8;
	[sflag:s9] =	ssyncadd.s32 @p0 $0xFFFFF000;
	s9 =	simm.s32 @p0 $0xF000  }
0xe6: {  	[tilespmem:s9], [sflag:$0x6] =	stream.indirect.gather @p0 [spmem:s3], $0x20, s10, s11, $0xb8;
	[tilespmem:$0x1C000] =	vst v63  }
0xe7: {  	s9 =	simm.s32 @p0 $0xF  }
0xe8: {  	_ =	swait.ge @p0 [sflag:s9], $0x1000  }
0xe9: {  	[sflag:s9] =	ssyncset.done @p0 $0x0  }
0xea: {  	s8 =	sadd.s32 @p0 $0x300, s8;
	[sflag:s9] =	ssyncadd.s32 @p0 $0xFFFFF000;
	s9 =	simm.s32 @p0 $0x10000  }
0xeb: {  	[tilespmem:s9], [sflag:$0x7] =	stream.indirect.gather @p0 [spmem:s3], $0x20, s8, s11, $0xb8;
	[tilespmem:$0x1C000] =	vst v63  }
0xec: {  	s8 =	simm.s32 @p0 $0x10  }
0xed: {  	_ =	swait.ge @p0 [sflag:s8], $0x1000  }
0xee: {  	s10 =	simm.s32 @!p0 $0x80;
	[sflag:s8] =	ssyncset.done @p0 $0x0  }
0xef: {  	s9 =	simm.s32 @!p0 $0xA000;
	[sflag:s8] =	ssyncadd.s32 @p0 $0xFFFFF000;
	s8 =	sshra.s32 @!p0 s6, $0x2  }
0xf0: {  	[tilespmem:s9], [sflag:$0x1] =	stream.indirect.gather @!p0 [spmem:s3], $0x20, s8, s10, $0xb8;
	[tilespmem:$0x1C000] =	vst v63  }
0xf1: {  	s8 =	simm.s32 @!p0 $0xB000  }
0xf2: {  	[tilespmem:s8], [sflag:$0x2] =	stream.indirect.gather @!p0 [spmem:s3], $0x20, s10, s10, $0xb8;
	[tilespmem:$0x1C000] =	vst v63  }
0xf3: {  	s9 =	simm.s32 @!p0 $0xC000;
	s8 =	simm.s32 @!p0 $0x100  }
0xf4: {  	[tilespmem:s9], [sflag:$0x3] =	stream.indirect.gather @!p0 [spmem:s3], $0x20, s8, s10, $0xb8;
	[tilespmem:$0x1C000] =	vst v63  }
0xf5: {  	s8 =	simm.s32 @!p0 $0x180;
	s9 =	simm.s32 @!p0 $0xD000  }
0xf6: {  	[tilespmem:s9], [sflag:$0x4] =	stream.indirect.gather @!p0 [spmem:s3], $0x20, s8, s10, $0xb8;
	[tilespmem:$0x1C000] =	vst v63  }
0xf7: {  	s8 =	simm.s32 @!p0 $0x200;
	s9 =	simm.s32 @!p0 $0xE000  }
0xf8: {  	[tilespmem:s9], [sflag:$0x5] =	stream.indirect.gather @!p0 [spmem:s3], $0x20, s8, s10, $0xb8;
	[tilespmem:$0x1C000] =	vst v63  }
0xf9: {  	s8 =	simm.s32 @!p0 $0x280;
	s9 =	simm.s32 @!p0 $0xF000  }
0xfa: {  	[tilespmem:s9], [sflag:$0x6] =	stream.indirect.gather @!p0 [spmem:s3], $0x20, s8, s10, $0xb8;
	[tilespmem:$0x1C000] =	vst v63  }
0xfb: {  	s6 =	sshra.s32 s6, $0x2;
	s8 =	simm.s32 @!p0 $0x300;
	s9 =	simm.s32 @!p0 $0x10000  }
0xfc: {  	[tilespmem:s9], [sflag:$0x7] =	stream.indirect.gather @!p0 [spmem:s3], $0x20, s8, s10, $0xb8;
	[tilespmem:$0x1C000] =	vst v63  }
0xfd: {  	s10 =	sadd.s32 $0x380, s6  }
0xfe: {  	[tilespmem:s20], [sflag:$0x8] =	stream.indirect.gather [spmem:s3], $0x20, s10, s19, $0xb8;
	[tilespmem:$0x1C000] =	vst v63  }
0xff: {  	_ =	swait.ge [sflag:s13], $0x1000  }
0x100: {  	[sflag:s13] =	ssyncset.done $0x0  }
0x101: {  	s12 =	sadd.s32 $0x5000, s6;
	s11 =	rddreg [dreg:$0x6];
	[sflag:s13] =	ssyncadd.s32 $0xFFFFF000  }
0x102: {  	[spmem:s4] =	stream.indirect.scatter.add.f32 [tilespmem:s11], [sflag:$0x9], $0x20, s12, s19, $0xb8;
	[tilespmem:$0x1C000] =	vst v63  }
0x103: {  	s8 =	sadd.s32 @p0 $0xFFFFFD80, s5;
	_ =	swait.ge [sflag:s21], $0x1000  }
0x104: {  	s8 =	simm.s32 @!p0 $0x80;
	[sflag:s21] =	ssyncset.done $0x0  }
0x105: {  	s8 =	sadd.s32 $0x5000, s8;
	s26 =	rddreg [dreg:$0x7];
	[sflag:s21] =	ssyncadd.s32 $0xFFFFF000  }
0x106: {  	[spmem:s4] =	stream.indirect.scatter.add.f32 [tilespmem:s26], [sflag:$0xA], $0x20, s8, s19, $0xb8;
	[tilespmem:$0x1C000] =	vst v63  }
0x107: {  	s8 =	sadd.s32 @p0 $0xFFFFFE00, s5;
	_ =	swait.ge [sflag:s22], $0x1000  }
0x108: {  	s8 =	simm.s32 @!p0 $0x100;
	[sflag:s22] =	ssyncset.done $0x0  }
0x109: {  	s28 =	rddreg [dreg:$0x8];
	s8 =	sadd.s32 $0x5000, s8;
	[sflag:s22] =	ssyncadd.s32 $0xFFFFF000  }
0x10a: {  	[spmem:s4] =	stream.indirect.scatter.add.f32 [tilespmem:s28], [sflag:$0xB], $0x20, s8, s19, $0xb8;
	[tilespmem:$0x1C000] =	vst v63  }
0x10b: {  	s8 =	sadd.s32 @p0 $0xFFFFFE80, s5;
	_ =	swait.ge [sflag:s14], $0x1000  }
0x10c: {  	s8 =	simm.s32 @!p0 $0x180;
	[sflag:s14] =	ssyncset.done $0x0  }
0x10d: {  	s29 =	rddreg [dreg:$0x9];
	s8 =	sadd.s32 $0x5000, s8;
	[sflag:s14] =	ssyncadd.s32 $0xFFFFF000  }
0x10e: {  	[spmem:s4] =	stream.indirect.scatter.add.f32 [tilespmem:s29], [sflag:$0xC], $0x20, s8, s19, $0xb8;
	[tilespmem:$0x1C000] =	vst v63  }
0x10f: {  	s8 =	sadd.s32 @p0 $0xFFFFFF00, s5;
	_ =	swait.ge [sflag:s23], $0x1000  }
0x110: {  	s8 =	simm.s32 @!p0 $0x200;
	[sflag:s23] =	ssyncset.done $0x0  }
0x111: {  	s30 =	rddreg [dreg:$0xa];
	s8 =	sadd.s32 $0x5000, s8;
	[sflag:s23] =	ssyncadd.s32 $0xFFFFF000  }
0x112: {  	[spmem:s4] =	stream.indirect.scatter.add.f32 [tilespmem:s30], [sflag:$0xD], $0x20, s8, s19, $0xb8;
	[tilespmem:$0x1C000] =	vst v63  }
0x113: {  	s8 =	sadd.s32 @p0 $0xFFFFFF80, s5;
	_ =	swait.ge [sflag:s24], $0x1000  }
0x114: {  	s8 =	simm.s32 @!p0 $0x280;
	[sflag:s24] =	ssyncset.done $0x0  }
0x115: {  	s31 =	rddreg [dreg:$0xb];
	s8 =	sadd.s32 $0x5000, s8;
	[sflag:s24] =	ssyncadd.s32 $0xFFFFF000  }
0x116: {  	[spmem:s4] =	stream.indirect.scatter.add.f32 [tilespmem:s31], [sflag:$0xE], $0x20, s8, s19, $0xb8;
	[tilespmem:$0x1C000] =	vst v63  }
0x117: {  	_ =	swait.ge [sflag:s25], $0x1000  }
0x118: {  	s5 =	simm.s32 @!p0 $0x300;
	[sflag:s25] =	ssyncset.done $0x0  }
0x119: {  	s5 =	sadd.s32 $0x5000, s5;
	s9 =	rddreg [dreg:$0xc];
	[sflag:s25] =	ssyncadd.s32 $0xFFFFF000  }
0x11a: {  	[spmem:s4] =	stream.indirect.scatter.add.f32 [tilespmem:s9], [sflag:$0xF], $0x20, s5, s19, $0xb8;
	[tilespmem:$0x1C000] =	vst v63  }
0x11b: {  	_ =	swait.ge [sflag:s15], $0x1000  }
0x11c: {  	[sflag:s15] =	ssyncset.done $0x0  }
0x11d: {  	s10 =	sadd.s32 $0x5380, s6;
	s11 =	simm.s32 $0x9;
	[sflag:s15] =	ssyncadd.s32 $0xFFFFF000  }
0x11e: {  	[spmem:s4] =	stream.indirect.scatter.add.f32 [tilespmem:s20], [sflag:$0x10], $0x20, s10, s19, $0xb8;
	[tilespmem:$0x1C000] =	vst v63  }
0x11f: {  	_ =	swait.ge [sflag:s11], $0x1000  }
0x120: {  	[sflag:s11] =	ssyncset.done $0x0  }
0x121: {  	s12 =	simm.s32 $0xA;
	[sflag:s11] =	ssyncadd.s32 $0xFFFFF000  }
0x122: {  	_ =	swait.ge [sflag:s12], $0x1000  }
0x123: {  	[sflag:s12] =	ssyncset.done $0x0  }
0x124: {  	s26 =	simm.s32 $0xB;
	[sflag:s12] =	ssyncadd.s32 $0xFFFFF000  }
0x125: {  	_ =	swait.ge [sflag:s26], $0x1000  }
0x126: {  	[sflag:s26] =	ssyncset.done $0x0  }
0x127: {  	s28 =	simm.s32 $0xC;
	[sflag:s26] =	ssyncadd.s32 $0xFFFFF000  }
0x128: {  	_ =	swait.ge [sflag:s28], $0x1000  }
0x129: {  	[sflag:s28] =	ssyncset.done $0x0  }
0x12a: {  	s29 =	simm.s32 $0xD;
	[sflag:s28] =	ssyncadd.s32 $0xFFFFF000  }
0x12b: {  	_ =	swait.ge [sflag:s29], $0x1000  }
0x12c: {  	[sflag:s29] =	ssyncset.done $0x0  }
0x12d: {  	[sflag:s29] =	ssyncadd.s32 $0xFFFFF000  }
0x12e: {  	_ =	swait.ge [sflag:s0], $0x1000  }
0x12f: {  	[sflag:s0] =	ssyncset.done $0x0  }
0x130: {  	[sflag:s0] =	ssyncadd.s32 $0xFFFFF000  }
0x131: {  	_ =	swait.ge [sflag:s1], $0x1000  }
0x132: {  	[sflag:s1] =	ssyncset.done $0x0  }
0x133: {  	[sflag:s1] =	ssyncadd.s32 $0xFFFFF000  }
0x134: {  	_ =	swait.ge [sflag:s2], $0x1000  }
0x135: {  	[sflag:s2] =	ssyncset.done $0x0  }
0x136: {  	[sflag:s2] =	ssyncadd.s32 $0xFFFFF000  }
0x137: {  	[bflag:$0x0] =	sbarrier.arrive $0xFFFF  }
0x138: {  	s30 =	rddreg [dreg:$0x10]  }
0x139: {  	[hbm:s30], [sflag:s7] =	dma.local [spmem:s17], $0xA00  }
0x13a: {  	_ =	swait.ge [sflag:s16], $0xA00  }
0x13b: {  	s18 =	sadd.s32 $0x1, s18;
	s31 =	rddreg [dreg:$0x11]  }
0x13c: {  	p0 =	sne.s32 s18, s31  }
.Ltmp1:
0x13d: {  	_ = 	snop;
	(pc) =	sbr.rel @p0 .LBB2_1-.Ltmp1, $3  }
0x13e: {  	_ =	sdelay $0x1  }
0x13f: {  	[sflag:s16] =	ssyncset.done $0x0  }
0x140: {  	[sflag:s16] =	ssyncadd.s32 $0xFFFFF600  }
0x141: {  	_ =	sfence.sel $0x180000  }
0x142: {  	[bflag:$0x0] =	sbarrier.arrive $0xFFFF  }
0x143: {  	_ =	strace $0x9000004A  }
0x144: {  	s0 =	stileid.u32;
	[bflag:$0x2] =	sbarrier.arrive $0xFFFF  }
0x145: {  	p0 =	sne.s32 s0, $0x0;
	s0 =	rddreg [dreg:$0x5]  }
0x146: {  	s0 =	sadd.s32 @!p0 $0x100000, s0  }
0x147: {  	[sflag:s0] =	ssyncadd.tile.s32 @!p0 $0x1;
	_ =	shalt  }
.Lfunc_end2:
_tile_overlayer_lowered:
.L_overlay_start_2:
0x148: {  	(tag) =	ssettag $0x2  }
0x149: {  	s0 =	rddreg [dreg:$0x0];
	s2 =	stileid.u32  }
0x14a: {  	s1 =	rddreg [dreg:$0x1];
	p0 =	sne.s32 s2, $0x0  }
0x14b: {  	s3 =	rddreg [dreg:$0x2];
	[bflag:$0x3] =	sbarrier.arrive $0xFFFF;
	s2 =	simm.s32 @!p0 $0x1C11  }
0x14c: {  	[timem:s3], [sflag:s2] =	dma.local @!p0 [hbm:s0], s1  }
0x14d: {  	s0 =	simm.s32 @!p0 $0x11  }
0x14e: {  	_ =	swait.ge @!p0 [sflag:s0], s1  }
0x14f: {  	s1 =	ssub.s32 @!p0 $0x0, s1;
	[sflag:s0] =	ssyncset.done @!p0 $0x0  }
0x150: {  	[sflag:s0] =	ssyncadd.s32 @!p0 s1  }
0x151: {  	[bflag:$0x3] =	sbarrier.arrive $0xFFFF  }
0x152: {  	_ =	shalt  }

// kernel: kernel.18.cloned.1.call-start
scs
__scs_entry_jumppad:
0x0: {  	(pc) =	sbr.rel $0x88, $3  }
0x1: {  	(tag) =	ssettag $0x0;
	lr =	simm.s32 $0x1  }
0x2: {  	[smem:$0x3F91] =	sst lr;
	_ =	strace $0xD0000000  }
0x3: {  	_ = 	snop  }
0x4: {  	_ = 	snop  }
0x5: {  	_ = 	snop  }
0x6: {  	_ = 	snop  }
0x7: {  	_ = 	snop  }
__scs_overlays_trampoline_lowered:
0x8: {  	[smem:$0x3FA0] =	sst s0  }
0x9: {  	[smem:$0x3FA1] =	sst s1  }
0xa: {  	[smem:$0x3FA2] =	sst s2  }
0xb: {  	[smem:$0x3FA3] =	sst s3  }
0xc: {  	[smem:$0x3FA4] =	sst s4  }
0xd: {  	[smem:$0x3FA5] =	sst s5  }
0xe: {  	[smem:$0x3FA6] =	sst s6  }
0xf: {  	[smem:$0x3FA7] =	sst s7  }
0x10: {  	[smem:$0x3FA8] =	sst s8  }
0x11: {  	[smem:$0x3FA9] =	sst s9;
	s0 =	simm.s32 @!p0 $0x0  }
0x12: {  	s1 =	sld [smem:$0x3F8F];
	s0 =	simm.s32 @p0 $0x1  }
0x13: {  	[smem:$0x3FAA] =	sst s0;
	s0 =	simm.s32 @!p1 $0x0  }
0x14: {  	s2 =	sld [smem:$0x3F8E];
	s0 =	simm.s32 @p1 $0x1  }
0x15: {  	[smem:$0x3FAB] =	sst s0;
	s0 =	simm.s32 @!p2 $0x0  }
0x16: {  	s3 =	sld [smem:$0x3FDB];
	s0 =	simm.s32 @p2 $0x1  }
0x17: {  	s4 =	simm.s32 $0x1BF5;
	[smem:$0x3FAD] =	sst s0  }
0x18: {  	s0 =	sld [smem:$0x3F90];
	_ =	swait.ge [sflag:s4], $0x0  }
0x19: {  	s7 =	sld [smem:$0x3F91]  }
0x1a: {  	s8 =	sadd.s32 $0xFFFFE003, lr  }
0x1b: {  	s9 =	sadd.s32 $0xFFFFFEF7, lr;
	s5 =	simm.s32 $0xFFFFFFFF;
	p2 =	slt.u32 s8, $0xFFFFF086  }
0x1c: {  	p1 =	slt.u32 s9, $0xF7A;
	s5 =	simm.s32 @!p2 $0x0  }
0x1d: {  	s5 =	simm.s32 @p1 $0x1;
	p0 =	seq.s32 s7, s2  }
0x1e: {  	s7 =	smul.u32 @!p0 $0xF7A, s2;
	p2 =	seq.s32 @!p0 s5, $0x0  }
0x1f: {  	s9 =	smul.u32 $0xF7A, s1;
	s8 =	simm.s32 @!p0 $0x1BF5;
	p2 =	por !p2, p0  }
0x20: {  	[sflag:s8] =	ssyncset.s32 @!p0 $0xFFFFF086;
	s6 =	sadd.s32 @!p0 s3, s7;
	s7 =	simm.s32 @!p0 $0x108  }
0x21: {  	s3 =	sadd.s32 s3, s9;
	s6 =	sadd.s32 @!p0 $0x88, s6;
	s7 =	simm.s32 @p2 $0x1082  }
0x22: {  	[simem:s7], [sflag:s8] =	dma.local @!p0 [hbm:s6], $0xF7A  }
0x23: {  	s9 =	sor.u32 $0xD0000000, s2;
	s6 =	simm.s32 $0x108;
	_ =	swait.ge @!p0 [sflag:s8], $0x0  }
0x24: {  	s3 =	sadd.s32 $0x88, s3;
	s6 =	simm.s32 @!p1 $0x1082;
	[sflag:s4] =	ssyncset.s32 $0xFFFFF086  }
0x25: {  	[simem:s6], [sflag:s4] =	dma.local [hbm:s3], $0xF7A  }
0x26: {  	[smem:$0x3F91] =	sst s1;
	(tag) =	ssettag s2;
	_ =	strace s9  }
0x27: {  	s1 =	sld [smem:$0x3FA1]  }
0x28: {  	s2 =	sld [smem:$0x3FA2]  }
0x29: {  	s4 =	sld [smem:$0x3FA4]  }
0x2a: {  	p0 =	seq.s32 s5, $0x0;
	s5 =	sld [smem:$0x3FA5]  }
0x2b: {  	s6 =	sld [smem:$0x3FA6]  }
0x2c: {  	s7 =	sld [smem:$0x3FA7]  }
0x2d: {  	s3 =	simm.s32 $0x108;
	s8 =	sld [smem:$0x3FA8]  }
0x2e: {  	s3 =	simm.s32 @!p0 $0x1082;
	s9 =	sld [smem:$0x3FA9]  }
0x2f: {  	lr =	sadd.s32 s0, s3;
	s0 =	sld [smem:$0x3FA0]  }
0x30: {  	s3 =	sld [smem:$0x3FA3]  }
0x31: {  	[smem:$0x3FAC] =	sst s10  }
0x32: {  	s10 =	sld [smem:$0x3FAA];
	_ =	sdelay $0x3  }
0x33: {  	p0 =	seq.s32 s10, $0x1;
	s10 =	sld [smem:$0x3FAC];
	_ =	sdelay $0x3  }
0x34: {  	[smem:$0x3FAC] =	sst s10  }
0x35: {  	s10 =	sld [smem:$0x3FAB];
	_ =	sdelay $0x3  }
0x36: {  	p1 =	seq.s32 s10, $0x1;
	s10 =	sld [smem:$0x3FAC];
	_ =	sdelay $0x3  }
0x37: {  	[smem:$0x3FAC] =	sst s10  }
0x38: {  	s10 =	sld [smem:$0x3FAD]  }
0x39: {  	_ = 	snop;
	(pc) =	sbr.ind lr, $3  }
0x3a: {  	_ = 	snop  }
0x3b: {  	_ = 	snop  }
0x3c: {  	p2 =	seq.s32 s10, $0x1;
	s10 =	sld [smem:$0x3FAC]  }
0x3d: {  	_ =	shalt  }
0x3e: {  	_ =	shalt  }
0x3f: {  	_ =	shalt  }
0x40: {  	_ =	shalt  }
0x41: {  	_ =	shalt  }
0x42: {  	_ =	shalt  }
0x43: {  	_ =	shalt  }
0x44: {  	_ =	shalt  }
0x45: {  	_ =	shalt  }
0x46: {  	_ =	shalt  }
0x47: {  	_ =	shalt  }
0x48: {  	_ =	shalt  }
0x49: {  	_ =	shalt  }
0x4a: {  	_ =	shalt  }
0x4b: {  	_ =	shalt  }
0x4c: {  	_ =	shalt  }
0x4d: {  	_ =	shalt  }
0x4e: {  	_ =	shalt  }
0x4f: {  	_ =	shalt  }
0x50: {  	_ =	shalt  }
0x51: {  	_ =	shalt  }
0x52: {  	_ =	shalt  }
0x53: {  	_ =	shalt  }
0x54: {  	_ =	shalt  }
0x55: {  	_ =	shalt  }
0x56: {  	_ =	shalt  }
0x57: {  	_ =	shalt  }
0x58: {  	_ =	shalt  }
0x59: {  	_ =	shalt  }
0x5a: {  	_ =	shalt  }
0x5b: {  	_ =	shalt  }
0x5c: {  	_ =	shalt  }
0x5d: {  	_ =	shalt  }
0x5e: {  	_ =	shalt  }
0x5f: {  	_ =	shalt  }
0x60: {  	_ =	shalt  }
0x61: {  	_ =	shalt  }
0x62: {  	_ =	shalt  }
0x63: {  	_ =	shalt  }
0x64: {  	_ =	shalt  }
0x65: {  	_ =	shalt  }
0x66: {  	_ =	shalt  }
0x67: {  	_ =	shalt  }
0x68: {  	_ =	shalt  }
0x69: {  	_ =	shalt  }
0x6a: {  	_ =	shalt  }
0x6b: {  	_ =	shalt  }
0x6c: {  	_ =	shalt  }
0x6d: {  	_ =	shalt  }
0x6e: {  	_ =	shalt  }
0x6f: {  	_ =	shalt  }
0x70: {  	_ =	shalt  }
0x71: {  	_ =	shalt  }
0x72: {  	_ =	shalt  }
0x73: {  	_ =	shalt  }
0x74: {  	_ =	shalt  }
0x75: {  	_ =	shalt  }
0x76: {  	_ =	shalt  }
0x77: {  	_ =	shalt  }
0x78: {  	_ =	shalt  }
0x79: {  	_ =	shalt  }
0x7a: {  	_ =	shalt  }
0x7b: {  	_ =	shalt  }
0x7c: {  	_ =	shalt  }
0x7d: {  	_ =	shalt  }
0x7e: {  	_ =	shalt  }
0x7f: {  	_ =	shalt  }
0x80: {  	_ =	shalt  }
0x81: {  	_ =	shalt  }
0x82: {  	_ =	shalt  }
0x83: {  	_ =	shalt  }
0x84: {  	_ =	shalt  }
0x85: {  	_ =	shalt  }
0x86: {  	_ =	shalt  }
0x87: {  	_ =	shalt  }
.Lfunc_end0:
.L_simem_size_0:
called_computation.2_lowered:
.L_overlay_start_0:
0x88: {  	s2 =	sld [smem:$0x3FD9]  }
0x89: {  	s3 =	sld [smem:$0x3FFE];
	_ =	sdelay $0x1  }
0x8a: {  	s1 =	srdreg.scid  }
0x8b: {  	s0 =	sand.u32 $0x1, s1  }
0x8c: {  	s14 =	sshll.u32 s0, $0xA;
	s2 =	sadd.s32 s3, s2  }
0x8d: {  	s2 =	sadd.s32 s2, s14  }
0x8e: {  	[smem:$0x3FB8] =	sst s2  }
0x8f: {  	_ = 	snop  }
0x90: {  	s2 =	sld [smem:$0x3FD0];
	_ =	sdelay $0x2  }
0x91: {  	s15 =	simm.s32 $0xA;
	s4 =	simm.s32 $0x10  }
0x92: {  	[smem:s4], [sflag:s15] =	dma.local [hbm:s2], $0x1  }
0x93: {  	_ =	swait.eq [sflag:s15], $0x1  }
0x94: {  	[sflag:s15] =	ssyncset.done $0x0  }
0x95: {  	s16 =	sld [smem:$0x10];
	[sflag:s15] =	ssyncadd.s32 $0xFFFFFFFF  }
0x96: {  	s17 =	sld [smem:$0x11];
	(tm) =	ssettm $0x1  }
0x97: {  	s18 =	sld [smem:$0x3FFB];
	_ =	sdelay $0x3  }
0x98: {  	_ =	strace s18  }
0x99: {  	s4 =	sld [smem:$0x3FFC];
	_ =	sdelay $0x3  }
0x9a: {  	_ =	strace s4  }
0x9b: {  	s4 =	sld [smem:$0x3FFD];
	_ =	sdelay $0x3  }
0x9c: {  	_ =	strace s4  }
0x9d: {  	_ =	strace $0x8FFFFFFF  }
0x9e: {  	s19 =	sld [smem:$0x3FDB];
	_ =	sdelay $0x1  }
0x9f: {  	s5 =	simm.s32 $_scs_section_size  }
0xa0: {  	s6 =	simm.s32 $_size__tile_overlayer_lowered;
	s7 =	simm.s32 $_tile_overlayer_lowered  }
0xa1: {  	s22 =	simm.s32 $0x1BFF;
	s21 =	sshll.u32 s7, $0x1;
	s4 =	sadd.s32 s5, s19  }
0xa2: {  	s8 =	simm.s32 $0x0;
	s20 =	sshll.u32 s6, $0x1;
	s6 =	sadd.s32 s21, s4  }
0xa3: {  	[timem:s8], [sflag:s22] =	dma.local [hbm:s6], s20  }
0xa4: {  	_ =	swait.ge [sflag:s22], s20  }
0xa5: {  	s5 =	ssub.s32 $0x0, s20;
	[sflag:s22] =	ssyncset.done $0x0  }
0xa6: {  	[sflag:s22] =	ssyncadd.s32 s5;
	_ =	sdelay $0x1  }
0xa7: {  	s23 =	simm.s32 $0x1B8B  }
0xa8: {  	_ =	swait.ge [sflag:s23], $0x1  }
0xa9: {  	[sflag:s23] =	ssyncset.done $0x0  }
0xaa: {  	s25 =	simm.s32 $0x1B8E;
	s24 =	sld [smem:$0x3FFE];
	[sflag:s23] =	ssyncadd.s32 $0xFFFFFFFF  }
0xab: {  	s26 =	simm.s32 $execute0_lowered;
	[smem:$0x3FD2] =	sst s25  }
0xac: {  	s6 =	sshll.u32 s26, $0x1;
	_ =	strace $0x8000004C;
	[dreg:$0x1] =	wrdreg $0xFFFFFFFF  }
0xad: {  	s28 =	simm.s32 $_size_execute0_lowered;
	s4 =	sadd.s32 s4, s6;
	[dreg:$0x0] =	wrdreg $0x0  }
0xae: {  	s6 =	sshll.u32 s28, $0x1;
	[dreg:$0x2] =	wrdreg s4  }
0xaf: {  	[dreg:$0x3] =	wrdreg s6  }
0xb0: {  	[dreg:$0x4] =	wrdreg $0xC0  }
0xb1: {  	_ =	task [dreg:s8], $0x5FFFF  }
0xb2: {  	[dreg:$0x1] =	wrdreg $0xFFFFFFFF  }
0xb3: {  	[dreg:$0x0] =	wrdreg $0x60  }
0xb4: {  	[dreg:$0x2] =	wrdreg s24  }
0xb5: {  	[dreg:$0x3] =	wrdreg s16  }
0xb6: {  	[dreg:$0x4] =	wrdreg s17  }
0xb7: {  	[dreg:$0x5] =	wrdreg $0x170000  }
0xb8: {  	[dreg:$0x6] =	wrdreg $0x120000  }
0xb9: {  	[dreg:$0x7] =	wrdreg $0x9  }
0xba: {  	_ =	task.clear_ibuf [dreg:s8], $0x8FFFF;
	_ =	strace $0x9000004C  }
0xbb: {  	s29 =	simm.s32 $0x9;
	_ =	strace $0x8000004E  }
0xbc: {  	_ =	swait.ge [sflag:s29], $0x1  }
0xbd: {  	[sflag:s29] =	ssyncadd.s32 $0xFFFFFFFF  }
0xbe: {  	_ =	strace $0x9000004E  }
0xbf: {  	_ =	sfence  }
0xc0: {  	s30 =	sld [smem:$0x0];
	_ =	sdelay $0x2  }
0xc1: {  	s31 =	sshll.u32 s1, $0xD;
	s1 =	sshrl.u32 s1, $0x2  }
0xc2: {  	s3 =	sand.u32 $0x4000, s31;
	s1 =	sadd.s32 s1, s30  }
0xc3: {  	s0 =	sor.u32 s3, s0;
	s1 =	sshll.u32 s1, $0x11  }
0xc4: {  	s0 =	sor.u32 s1, s0  }
0xc5: {  	s0 =	sadd.s32 $0x8F2B, s0  }
0xc6: {  	[sflag:s0] =	ssyncadd.remote.s32 $0x1  }
0xc7: {  	_ =	sfence.sel $0xFFFF  }
0xc8: {  	[dreg:$0x0] =	wrdreg $0xFFFFFFFF;
	(pc) =	sbr.abs _section_cstart, $3  }
0xc9: {  	[dreg:$0x1] =	wrdreg $0xFFFFFFFF  }
0xca: {  	_ =	task.clear_ibuf [dreg:s8], $0x2FFFF;
	_ =	strace $0x9FFFFFFF  }
0xcb: {  	(tm) =	ssettm $0x7FFFFFFF  }
tec
execute0_lowered:
.L_overlay_start_1:
0x0: {  	(tag) =	ssettag $0x1  }
0x1: {  	s0 =	rddreg [dreg:$0x0]  }
0x2: {  	s1 =	rddreg [dreg:$0x1]  }
0x3: {  	s3 =	rddreg [dreg:$0x3]  }
0x4: {  	s4 =	rddreg [dreg:$0x4];
	s2 =	srdreg.scid  }
0x5: {  	s11 =	stileid.u32;
	s7 =	simm.s32 $0x0;
	s13 =	simm.s32 $0x1  }
0x6: {  	s14 =	simm.s32 $0x4;
	s15 =	simm.s32 $0x8;
	s16 =	simm.s32 $0x11  }
0x7: {  	s24 =	simm.s32 $0xA000;
	s25 =	simm.s32 $0xB000;
	s26 =	simm.s32 $0xC000  }
0x8: {  	s28 =	simm.s32 $0xD000;
	s29 =	simm.s32 $0xE000;
	[smem:$0x7FF] =	sst s7  }
0x9: {  	s30 =	simm.s32 $0xF000;
	_ =	strace $0x8000004D;
	[dreg:$0x6] =	wrdreg s24  }
0xa: {  	s31 =	simm.s32 $0x10000;
	s5 =	smul.u32 $0xA000, s11;
	[dreg:$0x7] =	wrdreg s25  }
0xb: {  	s2 =	sand.u32 $0x1, s2;
	s8 =	smul.u32 $0x5000, s11;
	[dreg:$0x8] =	wrdreg s26  }
0xc: {  	s9 =	smul.u32 $0xA00, s11;
	s19 =	sshll.u32 s11, $0x6;
	[dreg:$0x9] =	wrdreg s28  }
0xd: {  	s6 =	sshll.u32 s2, $0x5;
	s17 =	smul.u32 $0x50000, s2;
	[dreg:$0xa] =	wrdreg s29  }
0xe: {  	s2 =	ssub.s32 $0x2, s2;
	s7 =	sor.u32 $0x1C11, s19;
	[dreg:$0xb] =	wrdreg s30  }
0xf: {  	s19 =	simm.s32 $0x80;
	s24 =	simm.s32 $0x6;
	[dreg:$0xc] =	wrdreg s31  }
0x10: {  	s25 =	simm.s32 $0x7;
	s5 =	sor.u32 s6, s5;
	s10 =	sadd.s32 s9, s0  }
0x11: {  	s18 =	sshrl.u32 s2, $0x1;
	s12 =	sadd.s32 s8, s3;
	s20 =	sadd.s32 s8, s4  }
0x12: {  	s1 =	sadd.s32 s1, s9;
	s5 =	sshrl.u32 s5, $0x3;
	s6 =	sadd.s32 s8, s17  }
0x13: {  	s2 =	ssub.s32 s2, s18;
	s21 =	sadd.s32 $0x3C00, s10;
	[dreg:$0xf] =	wrdreg s1  }
0x14: {  	s23 =	sshrl.u32 s12, $0x3;
	s17 =	sshrl.u32 s20, $0x3;
	s20 =	simm.s32 $0x11000  }
0x15: {  	s1 =	simm.s32 $0xF;
	s18 =	simm.s32 $0x0;
	s5 =	sadd.s32 s5, s0  }
0x16: {  	s6 =	sshrl.u32 s6, $0x3;
	[dreg:$0xe] =	wrdreg s21;
	s22 =	smax.u32 s2, $0x1  }
0x17: {  	[dreg:$0x12] =	wrdreg s23;
	s21 =	simm.s32 $0x2;
	s23 =	simm.s32 $0x5  }
0x18: {  	s0 =	sadd.s32 s6, s0;
	s5 =	sadd.s32 $0xDC00, s5;
	[dreg:$0x11] =	wrdreg s22  }
0x19: {  	s2 =	simm.s32 $0x10;
	[dreg:$0xd] =	wrdreg s5;
	s0 =	sadd.s32 $0x21C00, s0  }
0x1a: {  	s22 =	simm.s32 $0x3;
	[dreg:$0x10] =	wrdreg s0;
	s0 =	simm.s32 $0xE  }
.LBB2_1:
0x1b: {  	s5 =	rddreg [dreg:$0xd]  }
0x1c: {  	s6 =	rddreg [dreg:$0x12]  }
0x1d: {  	[spmem:s6@s14], [sflag:s7] =	dma.strided [hbm:s5@s15], $0xA00, s13, $0x4   }
0x1e: {  	_ =	swait.ge [sflag:s16], $0xA00  }
0x1f: {  	[sflag:s16] =	ssyncset.done $0x0  }
0x20: {  	[sflag:s16] =	ssyncadd.s32 $0xFFFFF600  }
0x21: {  	s28 =	rddreg [dreg:$0x2]  }
0x22: {  	[spmem:s17], [sflag:s7] =	dma.local [hbm:s28], $0xA00  }
0x23: {  	_ =	swait.ge [sflag:s16], $0xA00  }
0x24: {  	[sflag:s16] =	ssyncset.done $0x0  }
0x25: {  	s29 =	simm.s32 $0x0;
	s30 =	rddreg [dreg:$0xe];
	[sflag:s16] =	ssyncadd.s32 $0xFFFFF600  }
0x26: {  	[tilespmem:s29], [sflag:$0x11] =	stream.linear.gather [hbm4b:s30+s29], $0x5000, $0x38;
	[tilespmem:$0x1C000] =	vst v63  }
0x27: {  	_ =	swait.ge [sflag:s16], $0x5000  }
0x28: {  	[sflag:s16] =	ssyncset.done $0x0  }
0x29: {  	s8 =	simm.s32 $0x5000;
	s31 =	rddreg [dreg:$0xf];
	[sflag:s16] =	ssyncadd.s32 $0xFFFFB000  }
0x2a: {  	[tilespmem:s8], [sflag:$0x11] =	stream.linear.gather [hbm4b:s31+s29], $0x5000, $0x38;
	[tilespmem:$0x1C000] =	vst v63  }
0x2b: {  	_ =	swait.ge [sflag:s16], $0x5000  }
0x2c: {  	[sflag:s16] =	ssyncset.done $0x0  }
0x2d: {  	p0 =	por $0x0, $0x0;
	[sflag:s16] =	ssyncadd.s32 $0xFFFFB000  }
0x2e: {  	s5 =	simm.s32 @p0 $0x9;
	[bflag:$0x0] =	sbarrier.arrive $0xFFFF  }
0x2f: {  	_ =	swait.ge @p0 [sflag:s5], $0x1000  }
0x30: {  	s6 =	simm.s32 @p0 $0xA000;
	s9 =	simm.s32 @p0 $0x80;
	[sflag:s5] =	ssyncset.done @p0 $0x0  }
0x31: {  	s8 =	simm.s32 @p0 $0xA;
	[sflag:s5] =	ssyncadd.s32 @p0 $0xFFFFF000;
	s5 =	simm.s32 @p0 $0x0  }
0x32: {  	[tilespmem:s6], [sflag:$0x1] =	stream.indirect.gather @p0 [spmem:s3], $0x20, s5, s9, $0xb8;
	[tilespmem:$0x1C000] =	vst v63  }
0x33: {  	_ =	swait.ge @p0 [sflag:s8], $0x1000  }
0x34: {  	s5 =	simm.s32 @p0 $0x80;
	[sflag:s8] =	ssyncset.done @p0 $0x0  }
0x35: {  	s6 =	simm.s32 @p0 $0xB000;
	[sflag:s8] =	ssyncadd.s32 @p0 $0xFFFFF000;
	s8 =	simm.s32 @p0 $0xB  }
0x36: {  	[tilespmem:s6], [sflag:$0x2] =	stream.indirect.gather @p0 [spmem:s3], $0x20, s5, s9, $0xb8;
	[tilespmem:$0x1C000] =	vst v63  }
0x37: {  	_ =	swait.ge @p0 [sflag:s8], $0x1000  }
0x38: {  	s5 =	simm.s32 @p0 $0x100;
	[sflag:s8] =	ssyncset.done @p0 $0x0  }
0x39: {  	s6 =	simm.s32 @p0 $0xC000;
	[sflag:s8] =	ssyncadd.s32 @p0 $0xFFFFF000;
	s8 =	simm.s32 @p0 $0xC  }
0x3a: {  	[tilespmem:s6], [sflag:$0x3] =	stream.indirect.gather @p0 [spmem:s3], $0x20, s5, s9, $0xb8;
	[tilespmem:$0x1C000] =	vst v63  }
0x3b: {  	_ =	swait.ge @p0 [sflag:s8], $0x1000  }
0x3c: {  	s5 =	simm.s32 @p0 $0x180;
	[sflag:s8] =	ssyncset.done @p0 $0x0  }
0x3d: {  	s6 =	simm.s32 @p0 $0xD000;
	[sflag:s8] =	ssyncadd.s32 @p0 $0xFFFFF000;
	s8 =	simm.s32 @p0 $0xD  }
0x3e: {  	[tilespmem:s6], [sflag:$0x4] =	stream.indirect.gather @p0 [spmem:s3], $0x20, s5, s9, $0xb8;
	[tilespmem:$0x1C000] =	vst v63  }
0x3f: {  	_ =	swait.ge @p0 [sflag:s8], $0x1000  }
0x40: {  	s5 =	simm.s32 @p0 $0x200;
	[sflag:s8] =	ssyncset.done @p0 $0x0  }
0x41: {  	s6 =	simm.s32 @p0 $0xE000;
	[sflag:s8] =	ssyncadd.s32 @p0 $0xFFFFF000;
	s8 =	simm.s32 @p0 $0xE  }
0x42: {  	[tilespmem:s6], [sflag:$0x5] =	stream.indirect.gather @p0 [spmem:s3], $0x20, s5, s9, $0xb8;
	[tilespmem:$0x1C000] =	vst v63  }
0x43: {  	_ =	swait.ge @p0 [sflag:s8], $0x1000  }
0x44: {  	s5 =	simm.s32 @p0 $0x280;
	[sflag:s8] =	ssyncset.done @p0 $0x0  }
0x45: {  	s6 =	simm.s32 @p0 $0xF000;
	[sflag:s8] =	ssyncadd.s32 @p0 $0xFFFFF000;
	s8 =	simm.s32 @p0 $0xF  }
0x46: {  	[tilespmem:s6], [sflag:$0x6] =	stream.indirect.gather @p0 [spmem:s3], $0x20, s5, s9, $0xb8;
	[tilespmem:$0x1C000] =	vst v63  }
0x47: {  	_ =	swait.ge @p0 [sflag:s8], $0x1000  }
0x48: {  	s5 =	simm.s32 @p0 $0x300;
	[sflag:s8] =	ssyncset.done @p0 $0x0  }
0x49: {  	s6 =	simm.s32 @p0 $0x10000;
	[sflag:s8] =	ssyncadd.s32 @p0 $0xFFFFF000;
	s8 =	simm.s32 @p0 $0x10  }
0x4a: {  	[tilespmem:s6], [sflag:$0x7] =	stream.indirect.gather @p0 [spmem:s3], $0x20, s5, s9, $0xb8;
	[tilespmem:$0x1C000] =	vst v63  }
0x4b: {  	_ =	swait.ge @p0 [sflag:s8], $0x1000  }
0x4c: {  	s5 =	simm.s32 @!p0 $0xA000;
	[sflag:s8] =	ssyncset.done @p0 $0x0  }
0x4d: {  	s6 =	simm.s32 @!p0 $0x0;
	[sflag:s8] =	ssyncadd.s32 @p0 $0xFFFFF000;
	s8 =	simm.s32 @!p0 $0x80  }
0x4e: {  	[tilespmem:s5], [sflag:$0x1] =	stream.indirect.gather @!p0 [spmem:s3], $0x20, s6, s8, $0xb8;
	[tilespmem:$0x1C000] =	vst v63  }
0x4f: {  	s5 =	simm.s32 @!p0 $0xB000  }
0x50: {  	[tilespmem:s5], [sflag:$0x2] =	stream.indirect.gather @!p0 [spmem:s3], $0x20, s8, s8, $0xb8;
	[tilespmem:$0x1C000] =	vst v63  }
0x51: {  	s6 =	simm.s32 @!p0 $0xC000;
	s5 =	simm.s32 @!p0 $0x100  }
0x52: {  	[tilespmem:s6], [sflag:$0x3] =	stream.indirect.gather @!p0 [spmem:s3], $0x20, s5, s8, $0xb8;
	[tilespmem:$0x1C000] =	vst v63  }
0x53: {  	s5 =	simm.s32 @!p0 $0x180;
	s6 =	simm.s32 @!p0 $0xD000  }
0x54: {  	[tilespmem:s6], [sflag:$0x4] =	stream.indirect.gather @!p0 [spmem:s3], $0x20, s5, s8, $0xb8;
	[tilespmem:$0x1C000] =	vst v63  }
0x55: {  	s5 =	simm.s32 @!p0 $0x200;
	s6 =	simm.s32 @!p0 $0xE000  }
0x56: {  	[tilespmem:s6], [sflag:$0x5] =	stream.indirect.gather @!p0 [spmem:s3], $0x20, s5, s8, $0xb8;
	[tilespmem:$0x1C000] =	vst v63  }
0x57: {  	s5 =	simm.s32 @!p0 $0x280;
	s6 =	simm.s32 @!p0 $0xF000  }
0x58: {  	[tilespmem:s6], [sflag:$0x6] =	stream.indirect.gather @!p0 [spmem:s3], $0x20, s5, s8, $0xb8;
	[tilespmem:$0x1C000] =	vst v63  }
0x59: {  	s5 =	simm.s32 @!p0 $0x300;
	s6 =	simm.s32 @!p0 $0x10000  }
0x5a: {  	[tilespmem:s6], [sflag:$0x7] =	stream.indirect.gather @!p0 [spmem:s3], $0x20, s5, s8, $0xb8;
	[tilespmem:$0x1C000] =	vst v63  }
0x5b: {  	s9 =	simm.s32 $0x380  }
0x5c: {  	[tilespmem:s20], [sflag:$0x8] =	stream.indirect.gather [spmem:s3], $0x20, s9, s19, $0xb8;
	[tilespmem:$0x1C000] =	vst v63  }
0x5d: {  	_ =	swait.ge [sflag:s13], $0x1000  }
0x5e: {  	[sflag:s13] =	ssyncset.done $0x0  }
0x5f: {  	s11 =	simm.s32 $0x5000;
	s10 =	rddreg [dreg:$0x6];
	[sflag:s13] =	ssyncadd.s32 $0xFFFFF000  }
0x60: {  	[spmem:s4] =	stream.indirect.scatter.add.f32 [tilespmem:s10], [sflag:$0x9], $0x20, s11, s19, $0xb8;
	[tilespmem:$0x1C000] =	vst v63  }
0x61: {  	s5 =	simm.s32 @p0 $0x80;
	_ =	swait.ge [sflag:s21], $0x1000  }
0x62: {  	s5 =	simm.s32 @!p0 $0x80;
	[sflag:s21] =	ssyncset.done $0x0  }
0x63: {  	s5 =	sadd.s32 $0x5000, s5;
	s12 =	rddreg [dreg:$0x7];
	[sflag:s21] =	ssyncadd.s32 $0xFFFFF000  }
0x64: {  	[spmem:s4] =	stream.indirect.scatter.add.f32 [tilespmem:s12], [sflag:$0xA], $0x20, s5, s19, $0xb8;
	[tilespmem:$0x1C000] =	vst v63  }
0x65: {  	s5 =	simm.s32 @p0 $0x100;
	_ =	swait.ge [sflag:s22], $0x1000  }
0x66: {  	s5 =	simm.s32 @!p0 $0x100;
	[sflag:s22] =	ssyncset.done $0x0  }
0x67: {  	s26 =	rddreg [dreg:$0x8];
	s5 =	sadd.s32 $0x5000, s5;
	[sflag:s22] =	ssyncadd.s32 $0xFFFFF000  }
0x68: {  	[spmem:s4] =	stream.indirect.scatter.add.f32 [tilespmem:s26], [sflag:$0xB], $0x20, s5, s19, $0xb8;
	[tilespmem:$0x1C000] =	vst v63  }
0x69: {  	s5 =	simm.s32 @p0 $0x180;
	_ =	swait.ge [sflag:s14], $0x1000  }
0x6a: {  	s5 =	simm.s32 @!p0 $0x180;
	[sflag:s14] =	ssyncset.done $0x0  }
0x6b: {  	s28 =	rddreg [dreg:$0x9];
	s5 =	sadd.s32 $0x5000, s5;
	[sflag:s14] =	ssyncadd.s32 $0xFFFFF000  }
0x6c: {  	[spmem:s4] =	stream.indirect.scatter.add.f32 [tilespmem:s28], [sflag:$0xC], $0x20, s5, s19, $0xb8;
	[tilespmem:$0x1C000] =	vst v63  }
0x6d: {  	s5 =	simm.s32 @p0 $0x200;
	_ =	swait.ge [sflag:s23], $0x1000  }
0x6e: {  	s5 =	simm.s32 @!p0 $0x200;
	[sflag:s23] =	ssyncset.done $0x0  }
0x6f: {  	s29 =	rddreg [dreg:$0xa];
	s5 =	sadd.s32 $0x5000, s5;
	[sflag:s23] =	ssyncadd.s32 $0xFFFFF000  }
0x70: {  	[spmem:s4] =	stream.indirect.scatter.add.f32 [tilespmem:s29], [sflag:$0xD], $0x20, s5, s19, $0xb8;
	[tilespmem:$0x1C000] =	vst v63  }
0x71: {  	s5 =	simm.s32 @p0 $0x280;
	_ =	swait.ge [sflag:s24], $0x1000  }
0x72: {  	s5 =	simm.s32 @!p0 $0x280;
	[sflag:s24] =	ssyncset.done $0x0  }
0x73: {  	s30 =	rddreg [dreg:$0xb];
	s5 =	sadd.s32 $0x5000, s5;
	[sflag:s24] =	ssyncadd.s32 $0xFFFFF000  }
0x74: {  	[spmem:s4] =	stream.indirect.scatter.add.f32 [tilespmem:s30], [sflag:$0xE], $0x20, s5, s19, $0xb8;
	[tilespmem:$0x1C000] =	vst v63  }
0x75: {  	s5 =	simm.s32 $0x300;
	_ =	swait.ge [sflag:s25], $0x1000  }
0x76: {  	s6 =	simm.s32 $0x1000;
	s5 =	simm.s32 @!p0 $0x300;
	[sflag:s25] =	ssyncset.done $0x0  }
0x77: {  	s31 =	rddreg [dreg:$0xc];
	s5 =	sadd.s32 $0x5000, s5;
	[sflag:s25] =	ssyncadd.s32 $0xFFFFF000  }
0x78: {  	[spmem:s4] =	stream.indirect.scatter.add.f32 [tilespmem:s31], [sflag:$0xF], $0x20, s5, s19, $0xb8;
	[tilespmem:$0x1C000] =	vst v63  }
0x79: {  	s8 =	simm.s32 $0x2000;
	s10 =	simm.s32 $0x5380;
	_ =	swait.ge [sflag:s15], $0x1000  }
0x7a: {  	p0 =	por $0x1, $0x1;
	s5 =	simm.s32 $0x700;
	[sflag:s15] =	ssyncset.done $0x0  }
.LBB2_2:
0x7b: {  	s11 =	simm.s32 @p0 $0x9;
	[sflag:s15] =	ssyncadd.s32 $0xFFFFF000  }
0x7c: {  	[spmem:s4] =	stream.indirect.scatter.add.f32 [tilespmem:s20], [sflag:$0x10], $0x20, s10, s19, $0xb8;
	[tilespmem:$0x1C000] =	vst v63  }
0x7d: {  	_ =	swait.ge @p0 [sflag:s11], $0x1000  }
0x7e: {  	s12 =	simm.s32 @p0 $0xA000;
	s26 =	simm.s32 @p0 $0xA;
	[sflag:s11] =	ssyncset.done @p0 $0x0  }
0x7f: {  	s10 =	simm.s32 @p0 $0x80;
	[sflag:s11] =	ssyncadd.s32 @p0 $0xFFFFF000;
	s11 =	sshra.s32 @p0 s6, $0x2  }
0x80: {  	[tilespmem:s12], [sflag:$0x1] =	stream.indirect.gather @p0 [spmem:s3], $0x20, s11, s10, $0xb8;
	[tilespmem:$0x1C000] =	vst v63  }
0x81: {  	_ =	swait.ge @p0 [sflag:s26], $0x1000  }
0x82: {  	s31 =	simm.s32 @p0 $0xB;
	[sflag:s26] =	ssyncset.done @p0 $0x0  }
0x83: {  	s12 =	sadd.s32 @p0 $0x80, s11;
	[sflag:s26] =	ssyncadd.s32 @p0 $0xFFFFF000;
	s26 =	simm.s32 @p0 $0xB000  }
0x84: {  	[tilespmem:s26], [sflag:$0x2] =	stream.indirect.gather @p0 [spmem:s3], $0x20, s12, s10, $0xb8;
	[tilespmem:$0x1C000] =	vst v63  }
0x85: {  	_ =	swait.ge @p0 [sflag:s31], $0x1000  }
0x86: {  	s28 =	sadd.s32 @p0 $0x100, s11;
	[sflag:s31] =	ssyncset.done @p0 $0x0  }
0x87: {  	s26 =	simm.s32 @p0 $0xC000;
	[sflag:s31] =	ssyncadd.s32 @p0 $0xFFFFF000;
	s31 =	simm.s32 @p0 $0xC  }
0x88: {  	[tilespmem:s26], [sflag:$0x3] =	stream.indirect.gather @p0 [spmem:s3], $0x20, s28, s10, $0xb8;
	[tilespmem:$0x1C000] =	vst v63  }
0x89: {  	_ =	swait.ge @p0 [sflag:s31], $0x1000  }
0x8a: {  	s29 =	sadd.s32 @p0 $0x180, s11;
	[sflag:s31] =	ssyncset.done @p0 $0x0  }
0x8b: {  	s26 =	simm.s32 @p0 $0xD000;
	s28 =	simm.s32 @p0 $0xD;
	[sflag:s31] =	ssyncadd.s32 @p0 $0xFFFFF000  }
0x8c: {  	[tilespmem:s26], [sflag:$0x4] =	stream.indirect.gather @p0 [spmem:s3], $0x20, s29, s10, $0xb8;
	[tilespmem:$0x1C000] =	vst v63  }
0x8d: {  	_ =	swait.ge @p0 [sflag:s28], $0x1000  }
0x8e: {  	s30 =	sadd.s32 @p0 $0x200, s11;
	[sflag:s28] =	ssyncset.done @p0 $0x0  }
0x8f: {  	s26 =	simm.s32 @p0 $0xE000;
	[sflag:s28] =	ssyncadd.s32 @p0 $0xFFFFF000;
	s28 =	simm.s32 @p0 $0xE  }
0x90: {  	[tilespmem:s26], [sflag:$0x5] =	stream.indirect.gather @p0 [spmem:s3], $0x20, s30, s10, $0xb8;
	[tilespmem:$0x1C000] =	vst v63  }
0x91: {  	_ =	swait.ge @p0 [sflag:s28], $0x1000  }
0x92: {  	s12 =	sadd.s32 @p0 $0x280, s11;
	[sflag:s28] =	ssyncset.done @p0 $0x0  }
0x93: {  	s26 =	simm.s32 @p0 $0xF000;
	[sflag:s28] =	ssyncadd.s32 @p0 $0xFFFFF000;
	s28 =	simm.s32 @p0 $0xF  }
0x94: {  	[tilespmem:s26], [sflag:$0x6] =	stream.indirect.gather @p0 [spmem:s3], $0x20, s12, s10, $0xb8;
	[tilespmem:$0x1C000] =	vst v63  }
0x95: {  	_ =	swait.ge @p0 [sflag:s28], $0x1000  }
0x96: {  	s11 =	sadd.s32 @p0 $0x300, s11;
	[sflag:s28] =	ssyncset.done @p0 $0x0  }
0x97: {  	s12 =	simm.s32 @p0 $0x10000;
	s26 =	simm.s32 @p0 $0x10;
	[sflag:s28] =	ssyncadd.s32 @p0 $0xFFFFF000  }
0x98: {  	[tilespmem:s12], [sflag:$0x7] =	stream.indirect.gather @p0 [spmem:s3], $0x20, s11, s10, $0xb8;
	[tilespmem:$0x1C000] =	vst v63  }
0x99: {  	_ =	swait.ge @p0 [sflag:s26], $0x1000  }
0x9a: {  	s10 =	simm.s32 @!p0 $0xA000;
	[sflag:s26] =	ssyncset.done @p0 $0x0  }
0x9b: {  	s11 =	sshra.s32 @!p0 s6, $0x2;
	s12 =	simm.s32 @!p0 $0x80;
	[sflag:s26] =	ssyncadd.s32 @p0 $0xFFFFF000  }
0x9c: {  	[tilespmem:s10], [sflag:$0x1] =	stream.indirect.gather @!p0 [spmem:s3], $0x20, s11, s12, $0xb8;
	[tilespmem:$0x1C000] =	vst v63  }
0x9d: {  	s10 =	simm.s32 @!p0 $0xB000  }
0x9e: {  	[tilespmem:s10], [sflag:$0x2] =	stream.indirect.gather @!p0 [spmem:s3], $0x20, s12, s12, $0xb8;
	[tilespmem:$0x1C000] =	vst v63  }
0x9f: {  	s11 =	simm.s32 @!p0 $0xC000;
	s10 =	simm.s32 @!p0 $0x100  }
0xa0: {  	[tilespmem:s11], [sflag:$0x3] =	stream.indirect.gather @!p0 [spmem:s3], $0x20, s10, s12, $0xb8;
	[tilespmem:$0x1C000] =	vst v63  }
0xa1: {  	s10 =	simm.s32 @!p0 $0x180;
	s11 =	simm.s32 @!p0 $0xD000  }
0xa2: {  	[tilespmem:s11], [sflag:$0x4] =	stream.indirect.gather @!p0 [spmem:s3], $0x20, s10, s12, $0xb8;
	[tilespmem:$0x1C000] =	vst v63  }
0xa3: {  	s10 =	simm.s32 @!p0 $0x200;
	s11 =	simm.s32 @!p0 $0xE000  }
0xa4: {  	[tilespmem:s11], [sflag:$0x5] =	stream.indirect.gather @!p0 [spmem:s3], $0x20, s10, s12, $0xb8;
	[tilespmem:$0x1C000] =	vst v63  }
0xa5: {  	s10 =	simm.s32 @!p0 $0x280;
	s11 =	simm.s32 @!p0 $0xF000  }
0xa6: {  	[tilespmem:s11], [sflag:$0x6] =	stream.indirect.gather @!p0 [spmem:s3], $0x20, s10, s12, $0xb8;
	[tilespmem:$0x1C000] =	vst v63  }
0xa7: {  	s26 =	simm.s32 @!p0 $0x10000;
	s11 =	simm.s32 @!p0 $0x300;
	s10 =	sshra.s32 s6, $0x2  }
0xa8: {  	[tilespmem:s26], [sflag:$0x7] =	stream.indirect.gather @!p0 [spmem:s3], $0x20, s11, s12, $0xb8;
	[tilespmem:$0x1C000] =	vst v63  }
0xa9: {  	s29 =	sadd.s32 $0x380, s10  }
0xaa: {  	[tilespmem:s20], [sflag:$0x8] =	stream.indirect.gather [spmem:s3], $0x20, s29, s19, $0xb8;
	[tilespmem:$0x1C000] =	vst v63  }
0xab: {  	_ =	swait.ge [sflag:s13], $0x1000  }
0xac: {  	s9 =	smov.u32 s8;
	[sflag:s13] =	ssyncset.done $0x0  }
0xad: {  	s31 =	sadd.s32 $0x5000, s10;
	s30 =	rddreg [dreg:$0x6];
	[sflag:s13] =	ssyncadd.s32 $0xFFFFF000  }
0xae: {  	[spmem:s4] =	stream.indirect.scatter.add.f32 [tilespmem:s30], [sflag:$0x9], $0x20, s31, s19, $0xb8;
	[tilespmem:$0x1C000] =	vst v63  }
0xaf: {  	s6 =	smov.u32 s9;
	s9 =	sadd.s32 @p0 $0xFFFFFD80, s5;
	_ =	swait.ge [sflag:s21], $0x1000  }
0xb0: {  	s9 =	simm.s32 @!p0 $0x80;
	[sflag:s21] =	ssyncset.done $0x0  }
0xb1: {  	s9 =	sadd.s32 $0x5000, s9;
	s12 =	rddreg [dreg:$0x7];
	[sflag:s21] =	ssyncadd.s32 $0xFFFFF000  }
0xb2: {  	[spmem:s4] =	stream.indirect.scatter.add.f32 [tilespmem:s12], [sflag:$0xA], $0x20, s9, s19, $0xb8;
	[tilespmem:$0x1C000] =	vst v63  }
0xb3: {  	s9 =	sadd.s32 @p0 $0xFFFFFE00, s5;
	_ =	swait.ge [sflag:s22], $0x1000  }
0xb4: {  	s9 =	simm.s32 @!p0 $0x100;
	[sflag:s22] =	ssyncset.done $0x0  }
0xb5: {  	s26 =	rddreg [dreg:$0x8];
	s9 =	sadd.s32 $0x5000, s9;
	[sflag:s22] =	ssyncadd.s32 $0xFFFFF000  }
0xb6: {  	[spmem:s4] =	stream.indirect.scatter.add.f32 [tilespmem:s26], [sflag:$0xB], $0x20, s9, s19, $0xb8;
	[tilespmem:$0x1C000] =	vst v63  }
0xb7: {  	s9 =	sadd.s32 @p0 $0xFFFFFE80, s5;
	_ =	swait.ge [sflag:s14], $0x1000  }
0xb8: {  	s9 =	simm.s32 @!p0 $0x180;
	[sflag:s14] =	ssyncset.done $0x0  }
0xb9: {  	s28 =	rddreg [dreg:$0x9];
	s9 =	sadd.s32 $0x5000, s9;
	[sflag:s14] =	ssyncadd.s32 $0xFFFFF000  }
0xba: {  	[spmem:s4] =	stream.indirect.scatter.add.f32 [tilespmem:s28], [sflag:$0xC], $0x20, s9, s19, $0xb8;
	[tilespmem:$0x1C000] =	vst v63  }
0xbb: {  	s9 =	sadd.s32 @p0 $0xFFFFFF00, s5;
	_ =	swait.ge [sflag:s23], $0x1000  }
0xbc: {  	s9 =	simm.s32 @!p0 $0x200;
	[sflag:s23] =	ssyncset.done $0x0  }
0xbd: {  	s29 =	rddreg [dreg:$0xa];
	s9 =	sadd.s32 $0x5000, s9;
	[sflag:s23] =	ssyncadd.s32 $0xFFFFF000  }
0xbe: {  	[spmem:s4] =	stream.indirect.scatter.add.f32 [tilespmem:s29], [sflag:$0xD], $0x20, s9, s19, $0xb8;
	[tilespmem:$0x1C000] =	vst v63  }
0xbf: {  	s9 =	sadd.s32 @p0 $0xFFFFFF80, s5;
	_ =	swait.ge [sflag:s24], $0x1000  }
0xc0: {  	s8 =	sadd.s32 $0x1000, s8;
	s9 =	simm.s32 @!p0 $0x280;
	[sflag:s24] =	ssyncset.done $0x0  }
0xc1: {  	s30 =	rddreg [dreg:$0xb];
	s9 =	sadd.s32 $0x5000, s9;
	[sflag:s24] =	ssyncadd.s32 $0xFFFFF000  }
0xc2: {  	[spmem:s4] =	stream.indirect.scatter.add.f32 [tilespmem:s30], [sflag:$0xE], $0x20, s9, s19, $0xb8;
	[tilespmem:$0x1C000] =	vst v63  }
0xc3: {  	p1 =	sne.s32 s8, $0x14000;
	s11 =	smov.u32 s5;
	_ =	swait.ge [sflag:s25], $0x1000  }
.Ltmp0:
0xc4: {  	s11 =	simm.s32 @!p0 $0x300;
	[sflag:s25] =	ssyncset.done $0x0;
	(pc) =	sbr.rel @p1 .LBB2_2-.Ltmp0, $4  }
0xc5: {  	s11 =	sadd.s32 $0x5000, s11;
	s31 =	rddreg [dreg:$0xc];
	[sflag:s25] =	ssyncadd.s32 $0xFFFFF000  }
0xc6: {  	[spmem:s4] =	stream.indirect.scatter.add.f32 [tilespmem:s31], [sflag:$0xF], $0x20, s11, s19, $0xb8;
	[tilespmem:$0x1C000] =	vst v63  }
0xc7: {  	s10 =	sadd.s32 $0x5380, s10;
	_ =	swait.ge [sflag:s15], $0x1000  }
0xc8: {  	s5 =	sadd.s32 $0x400, s5;
	p0 =	sne.s32 s6, $0x0;
	[sflag:s15] =	ssyncset.done $0x0  }
0xc9: {  	s8 =	simm.s32 @p0 $0x9;
	[sflag:s15] =	ssyncadd.s32 $0xFFFFF000  }
0xca: {  	[spmem:s4] =	stream.indirect.scatter.add.f32 [tilespmem:s20], [sflag:$0x10], $0x20, s10, s19, $0xb8;
	[tilespmem:$0x1C000] =	vst v63  }
0xcb: {  	_ =	swait.ge @p0 [sflag:s8], $0x1000  }
0xcc: {  	s9 =	simm.s32 @p0 $0xA000;
	s11 =	simm.s32 @p0 $0x80;
	[sflag:s8] =	ssyncset.done @p0 $0x0  }
0xcd: {  	s10 =	simm.s32 @p0 $0xA;
	[sflag:s8] =	ssyncadd.s32 @p0 $0xFFFFF000;
	s8 =	sshra.s32 @p0 s6, $0x2  }
0xce: {  	[tilespmem:s9], [sflag:$0x1] =	stream.indirect.gather @p0 [spmem:s3], $0x20, s8, s11, $0xb8;
	[tilespmem:$0x1C000] =	vst v63  }
0xcf: {  	_ =	swait.ge @p0 [sflag:s10], $0x1000  }
0xd0: {  	[sflag:s10] =	ssyncset.done @p0 $0x0  }
0xd1: {  	s9 =	sadd.s32 @p0 $0x80, s8;
	[sflag:s10] =	ssyncadd.s32 @p0 $0xFFFFF000;
	s10 =	simm.s32 @p0 $0xB000  }
0xd2: {  	[tilespmem:s10], [sflag:$0x2] =	stream.indirect.gather @p0 [spmem:s3], $0x20, s9, s11, $0xb8;
	[tilespmem:$0x1C000] =	vst v63  }
0xd3: {  	s9 =	simm.s32 @p0 $0xB  }
0xd4: {  	_ =	swait.ge @p0 [sflag:s9], $0x1000  }
0xd5: {  	[sflag:s9] =	ssyncset.done @p0 $0x0  }
0xd6: {  	s10 =	sadd.s32 @p0 $0x100, s8;
	[sflag:s9] =	ssyncadd.s32 @p0 $0xFFFFF000;
	s9 =	simm.s32 @p0 $0xC000  }
0xd7: {  	[tilespmem:s9], [sflag:$0x3] =	stream.indirect.gather @p0 [spmem:s3], $0x20, s10, s11, $0xb8;
	[tilespmem:$0x1C000] =	vst v63  }
0xd8: {  	s9 =	simm.s32 @p0 $0xC  }
0xd9: {  	_ =	swait.ge @p0 [sflag:s9], $0x1000  }
0xda: {  	[sflag:s9] =	ssyncset.done @p0 $0x0  }
0xdb: {  	s10 =	sadd.s32 @p0 $0x180, s8;
	[sflag:s9] =	ssyncadd.s32 @p0 $0xFFFFF000;
	s9 =	simm.s32 @p0 $0xD000  }
0xdc: {  	[tilespmem:s9], [sflag:$0x4] =	stream.indirect.gather @p0 [spmem:s3], $0x20, s10, s11, $0xb8;
	[tilespmem:$0x1C000] =	vst v63  }
0xdd: {  	s9 =	simm.s32 @p0 $0xD  }
0xde: {  	_ =	swait.ge @p0 [sflag:s9], $0x1000  }
0xdf: {  	[sflag:s9] =	ssyncset.done @p0 $0x0  }
0xe0: {  	s10 =	sadd.s32 @p0 $0x200, s8;
	[sflag:s9] =	ssyncadd.s32 @p0 $0xFFFFF000;
	s9 =	simm.s32 @p0 $0xE000  }
0xe1: {  	[tilespmem:s9], [sflag:$0x5] =	stream.indirect.gather @p0 [spmem:s3], $0x20, s10, s11, $0xb8;
	[tilespmem:$0x1C000] =	vst v63  }
0xe2: {  	s9 =	simm.s32 @p0 $0xE  }
0xe3: {  	_ =	swait.ge @p0 [sflag:s9], $0x1000  }
0xe4: {  	[sflag:s9] =	ssyncset.done @p0 $0x0  }
0xe5: {  	s10 =	sadd.s32 @p0 $0x280, s8;
	[sflag:s9] =	ssyncadd.s32 @p0 $0xFFFFF000;
	s9 =	simm.s32 @p0 $0xF000  }
0xe6: {  	[tilespmem:s9], [sflag:$0x6] =	stream.indirect.gather @p0 [spmem:s3], $0x20, s10, s11, $0xb8;
	[tilespmem:$0x1C000] =	vst v63  }
0xe7: {  	s9 =	simm.s32 @p0 $0xF  }
0xe8: {  	_ =	swait.ge @p0 [sflag:s9], $0x1000  }
0xe9: {  	[sflag:s9] =	ssyncset.done @p0 $0x0  }
0xea: {  	s8 =	sadd.s32 @p0 $0x300, s8;
	[sflag:s9] =	ssyncadd.s32 @p0 $0xFFFFF000;
	s9 =	simm.s32 @p0 $0x10000  }
0xeb: {  	[tilespmem:s9], [sflag:$0x7] =	stream.indirect.gather @p0 [spmem:s3], $0x20, s8, s11, $0xb8;
	[tilespmem:$0x1C000] =	vst v63  }
0xec: {  	s8 =	simm.s32 @p0 $0x10  }
0xed: {  	_ =	swait.ge @p0 [sflag:s8], $0x1000  }
0xee: {  	s10 =	simm.s32 @!p0 $0x80;
	[sflag:s8] =	ssyncset.done @p0 $0x0  }
0xef: {  	s9 =	simm.s32 @!p0 $0xA000;
	[sflag:s8] =	ssyncadd.s32 @p0 $0xFFFFF000;
	s8 =	sshra.s32 @!p0 s6, $0x2  }
0xf0: {  	[tilespmem:s9], [sflag:$0x1] =	stream.indirect.gather @!p0 [spmem:s3], $0x20, s8, s10, $0xb8;
	[tilespmem:$0x1C000] =	vst v63  }
0xf1: {  	s8 =	simm.s32 @!p0 $0xB000  }
0xf2: {  	[tilespmem:s8], [sflag:$0x2] =	stream.indirect.gather @!p0 [spmem:s3], $0x20, s10, s10, $0xb8;
	[tilespmem:$0x1C000] =	vst v63  }
0xf3: {  	s9 =	simm.s32 @!p0 $0xC000;
	s8 =	simm.s32 @!p0 $0x100  }
0xf4: {  	[tilespmem:s9], [sflag:$0x3] =	stream.indirect.gather @!p0 [spmem:s3], $0x20, s8, s10, $0xb8;
	[tilespmem:$0x1C000] =	vst v63  }
0xf5: {  	s8 =	simm.s32 @!p0 $0x180;
	s9 =	simm.s32 @!p0 $0xD000  }
0xf6: {  	[tilespmem:s9], [sflag:$0x4] =	stream.indirect.gather @!p0 [spmem:s3], $0x20, s8, s10, $0xb8;
	[tilespmem:$0x1C000] =	vst v63  }
0xf7: {  	s8 =	simm.s32 @!p0 $0x200;
	s9 =	simm.s32 @!p0 $0xE000  }
0xf8: {  	[tilespmem:s9], [sflag:$0x5] =	stream.indirect.gather @!p0 [spmem:s3], $0x20, s8, s10, $0xb8;
	[tilespmem:$0x1C000] =	vst v63  }
0xf9: {  	s8 =	simm.s32 @!p0 $0x280;
	s9 =	simm.s32 @!p0 $0xF000  }
0xfa: {  	[tilespmem:s9], [sflag:$0x6] =	stream.indirect.gather @!p0 [spmem:s3], $0x20, s8, s10, $0xb8;
	[tilespmem:$0x1C000] =	vst v63  }
0xfb: {  	s6 =	sshra.s32 s6, $0x2;
	s8 =	simm.s32 @!p0 $0x300;
	s9 =	simm.s32 @!p0 $0x10000  }
0xfc: {  	[tilespmem:s9], [sflag:$0x7] =	stream.indirect.gather @!p0 [spmem:s3], $0x20, s8, s10, $0xb8;
	[tilespmem:$0x1C000] =	vst v63  }
0xfd: {  	s10 =	sadd.s32 $0x380, s6  }
0xfe: {  	[tilespmem:s20], [sflag:$0x8] =	stream.indirect.gather [spmem:s3], $0x20, s10, s19, $0xb8;
	[tilespmem:$0x1C000] =	vst v63  }
0xff: {  	_ =	swait.ge [sflag:s13], $0x1000  }
0x100: {  	[sflag:s13] =	ssyncset.done $0x0  }
0x101: {  	s12 =	sadd.s32 $0x5000, s6;
	s11 =	rddreg [dreg:$0x6];
	[sflag:s13] =	ssyncadd.s32 $0xFFFFF000  }
0x102: {  	[spmem:s4] =	stream.indirect.scatter.add.f32 [tilespmem:s11], [sflag:$0x9], $0x20, s12, s19, $0xb8;
	[tilespmem:$0x1C000] =	vst v63  }
0x103: {  	s8 =	sadd.s32 @p0 $0xFFFFFD80, s5;
	_ =	swait.ge [sflag:s21], $0x1000  }
0x104: {  	s8 =	simm.s32 @!p0 $0x80;
	[sflag:s21] =	ssyncset.done $0x0  }
0x105: {  	s8 =	sadd.s32 $0x5000, s8;
	s26 =	rddreg [dreg:$0x7];
	[sflag:s21] =	ssyncadd.s32 $0xFFFFF000  }
0x106: {  	[spmem:s4] =	stream.indirect.scatter.add.f32 [tilespmem:s26], [sflag:$0xA], $0x20, s8, s19, $0xb8;
	[tilespmem:$0x1C000] =	vst v63  }
0x107: {  	s8 =	sadd.s32 @p0 $0xFFFFFE00, s5;
	_ =	swait.ge [sflag:s22], $0x1000  }
0x108: {  	s8 =	simm.s32 @!p0 $0x100;
	[sflag:s22] =	ssyncset.done $0x0  }
0x109: {  	s28 =	rddreg [dreg:$0x8];
	s8 =	sadd.s32 $0x5000, s8;
	[sflag:s22] =	ssyncadd.s32 $0xFFFFF000  }
0x10a: {  	[spmem:s4] =	stream.indirect.scatter.add.f32 [tilespmem:s28], [sflag:$0xB], $0x20, s8, s19, $0xb8;
	[tilespmem:$0x1C000] =	vst v63  }
0x10b: {  	s8 =	sadd.s32 @p0 $0xFFFFFE80, s5;
	_ =	swait.ge [sflag:s14], $0x1000  }
0x10c: {  	s8 =	simm.s32 @!p0 $0x180;
	[sflag:s14] =	ssyncset.done $0x0  }
0x10d: {  	s29 =	rddreg [dreg:$0x9];
	s8 =	sadd.s32 $0x5000, s8;
	[sflag:s14] =	ssyncadd.s32 $0xFFFFF000  }
0x10e: {  	[spmem:s4] =	stream.indirect.scatter.add.f32 [tilespmem:s29], [sflag:$0xC], $0x20, s8, s19, $0xb8;
	[tilespmem:$0x1C000] =	vst v63  }
0x10f: {  	s8 =	sadd.s32 @p0 $0xFFFFFF00, s5;
	_ =	swait.ge [sflag:s23], $0x1000  }
0x110: {  	s8 =	simm.s32 @!p0 $0x200;
	[sflag:s23] =	ssyncset.done $0x0  }
0x111: {  	s30 =	rddreg [dreg:$0xa];
	s8 =	sadd.s32 $0x5000, s8;
	[sflag:s23] =	ssyncadd.s32 $0xFFFFF000  }
0x112: {  	[spmem:s4] =	stream.indirect.scatter.add.f32 [tilespmem:s30], [sflag:$0xD], $0x20, s8, s19, $0xb8;
	[tilespmem:$0x1C000] =	vst v63  }
0x113: {  	s8 =	sadd.s32 @p0 $0xFFFFFF80, s5;
	_ =	swait.ge [sflag:s24], $0x1000  }
0x114: {  	s8 =	simm.s32 @!p0 $0x280;
	[sflag:s24] =	ssyncset.done $0x0  }
0x115: {  	s31 =	rddreg [dreg:$0xb];
	s8 =	sadd.s32 $0x5000, s8;
	[sflag:s24] =	ssyncadd.s32 $0xFFFFF000  }
0x116: {  	[spmem:s4] =	stream.indirect.scatter.add.f32 [tilespmem:s31], [sflag:$0xE], $0x20, s8, s19, $0xb8;
	[tilespmem:$0x1C000] =	vst v63  }
0x117: {  	_ =	swait.ge [sflag:s25], $0x1000  }
0x118: {  	s5 =	simm.s32 @!p0 $0x300;
	[sflag:s25] =	ssyncset.done $0x0  }
0x119: {  	s5 =	sadd.s32 $0x5000, s5;
	s9 =	rddreg [dreg:$0xc];
	[sflag:s25] =	ssyncadd.s32 $0xFFFFF000  }
0x11a: {  	[spmem:s4] =	stream.indirect.scatter.add.f32 [tilespmem:s9], [sflag:$0xF], $0x20, s5, s19, $0xb8;
	[tilespmem:$0x1C000] =	vst v63  }
0x11b: {  	_ =	swait.ge [sflag:s15], $0x1000  }
0x11c: {  	[sflag:s15] =	ssyncset.done $0x0  }
0x11d: {  	s10 =	sadd.s32 $0x5380, s6;
	s11 =	simm.s32 $0x9;
	[sflag:s15] =	ssyncadd.s32 $0xFFFFF000  }
0x11e: {  	[spmem:s4] =	stream.indirect.scatter.add.f32 [tilespmem:s20], [sflag:$0x10], $0x20, s10, s19, $0xb8;
	[tilespmem:$0x1C000] =	vst v63  }
0x11f: {  	_ =	swait.ge [sflag:s11], $0x1000  }
0x120: {  	[sflag:s11] =	ssyncset.done $0x0  }
0x121: {  	s12 =	simm.s32 $0xA;
	[sflag:s11] =	ssyncadd.s32 $0xFFFFF000  }
0x122: {  	_ =	swait.ge [sflag:s12], $0x1000  }
0x123: {  	[sflag:s12] =	ssyncset.done $0x0  }
0x124: {  	s26 =	simm.s32 $0xB;
	[sflag:s12] =	ssyncadd.s32 $0xFFFFF000  }
0x125: {  	_ =	swait.ge [sflag:s26], $0x1000  }
0x126: {  	[sflag:s26] =	ssyncset.done $0x0  }
0x127: {  	s28 =	simm.s32 $0xC;
	[sflag:s26] =	ssyncadd.s32 $0xFFFFF000  }
0x128: {  	_ =	swait.ge [sflag:s28], $0x1000  }
0x129: {  	[sflag:s28] =	ssyncset.done $0x0  }
0x12a: {  	s29 =	simm.s32 $0xD;
	[sflag:s28] =	ssyncadd.s32 $0xFFFFF000  }
0x12b: {  	_ =	swait.ge [sflag:s29], $0x1000  }
0x12c: {  	[sflag:s29] =	ssyncset.done $0x0  }
0x12d: {  	[sflag:s29] =	ssyncadd.s32 $0xFFFFF000  }
0x12e: {  	_ =	swait.ge [sflag:s0], $0x1000  }
0x12f: {  	[sflag:s0] =	ssyncset.done $0x0  }
0x130: {  	[sflag:s0] =	ssyncadd.s32 $0xFFFFF000  }
0x131: {  	_ =	swait.ge [sflag:s1], $0x1000  }
0x132: {  	[sflag:s1] =	ssyncset.done $0x0  }
0x133: {  	[sflag:s1] =	ssyncadd.s32 $0xFFFFF000  }
0x134: {  	_ =	swait.ge [sflag:s2], $0x1000  }
0x135: {  	[sflag:s2] =	ssyncset.done $0x0  }
0x136: {  	[sflag:s2] =	ssyncadd.s32 $0xFFFFF000  }
0x137: {  	[bflag:$0x0] =	sbarrier.arrive $0xFFFF  }
0x138: {  	s30 =	rddreg [dreg:$0x10]  }
0x139: {  	[hbm:s30], [sflag:s7] =	dma.local [spmem:s17], $0xA00  }
0x13a: {  	_ =	swait.ge [sflag:s16], $0xA00  }
0x13b: {  	s18 =	sadd.s32 $0x1, s18;
	s31 =	rddreg [dreg:$0x11]  }
0x13c: {  	p0 =	sne.s32 s18, s31  }
.Ltmp1:
0x13d: {  	_ = 	snop;
	(pc) =	sbr.rel @p0 .LBB2_1-.Ltmp1, $3  }
0x13e: {  	_ =	sdelay $0x1  }
0x13f: {  	[sflag:s16] =	ssyncset.done $0x0  }
0x140: {  	[sflag:s16] =	ssyncadd.s32 $0xFFFFF600  }
0x141: {  	_ =	sfence.sel $0x180000  }
0x142: {  	[bflag:$0x0] =	sbarrier.arrive $0xFFFF  }
0x143: {  	_ =	strace $0x9000004D  }
0x144: {  	s0 =	stileid.u32;
	[bflag:$0x2] =	sbarrier.arrive $0xFFFF  }
0x145: {  	p0 =	sne.s32 s0, $0x0;
	s0 =	rddreg [dreg:$0x5]  }
0x146: {  	s0 =	sadd.s32 @!p0 $0x100000, s0  }
0x147: {  	[sflag:s0] =	ssyncadd.tile.s32 @!p0 $0x1;
	_ =	shalt  }
.Lfunc_end2:
_tile_overlayer_lowered:
.L_overlay_start_2:
0x148: {  	(tag) =	ssettag $0x2  }
0x149: {  	s0 =	rddreg [dreg:$0x0];
	s2 =	stileid.u32  }
0x14a: {  	s1 =	rddreg [dreg:$0x1];
	p0 =	sne.s32 s2, $0x0  }
0x14b: {  	s3 =	rddreg [dreg:$0x2];
	[bflag:$0x3] =	sbarrier.arrive $0xFFFF;
	s2 =	simm.s32 @!p0 $0x1C11  }
0x14c: {  	[timem:s3], [sflag:s2] =	dma.local @!p0 [hbm:s0], s1  }
0x14d: {  	s0 =	simm.s32 @!p0 $0x11  }
0x14e: {  	_ =	swait.ge @!p0 [sflag:s0], s1  }
0x14f: {  	s1 =	ssub.s32 @!p0 $0x0, s1;
	[sflag:s0] =	ssyncset.done @!p0 $0x0  }
0x150: {  	[sflag:s0] =	ssyncadd.s32 @!p0 s1  }
0x151: {  	[bflag:$0x3] =	sbarrier.arrive $0xFFFF  }
0x152: {  	_ =	shalt  }

// kernel: kernel.21.cloned.1.call-start
scs
__scs_entry_jumppad:
0x0: {  	(pc) =	sbr.rel $0x88, $3  }
0x1: {  	(tag) =	ssettag $0x0;
	lr =	simm.s32 $0x1  }
0x2: {  	[smem:$0x3F91] =	sst lr;
	_ =	strace $0xD0000000  }
0x3: {  	_ = 	snop  }
0x4: {  	_ = 	snop  }
0x5: {  	_ = 	snop  }
0x6: {  	_ = 	snop  }
0x7: {  	_ = 	snop  }
__scs_overlays_trampoline_lowered:
0x8: {  	[smem:$0x3FA0] =	sst s0  }
0x9: {  	[smem:$0x3FA1] =	sst s1  }
0xa: {  	[smem:$0x3FA2] =	sst s2  }
0xb: {  	[smem:$0x3FA3] =	sst s3  }
0xc: {  	[smem:$0x3FA4] =	sst s4  }
0xd: {  	[smem:$0x3FA5] =	sst s5  }
0xe: {  	[smem:$0x3FA6] =	sst s6  }
0xf: {  	[smem:$0x3FA7] =	sst s7  }
0x10: {  	[smem:$0x3FA8] =	sst s8  }
0x11: {  	[smem:$0x3FA9] =	sst s9;
	s0 =	simm.s32 @!p0 $0x0  }
0x12: {  	s1 =	sld [smem:$0x3F8F];
	s0 =	simm.s32 @p0 $0x1  }
0x13: {  	[smem:$0x3FAA] =	sst s0;
	s0 =	simm.s32 @!p1 $0x0  }
0x14: {  	s2 =	sld [smem:$0x3F8E];
	s0 =	simm.s32 @p1 $0x1  }
0x15: {  	[smem:$0x3FAB] =	sst s0;
	s0 =	simm.s32 @!p2 $0x0  }
0x16: {  	s3 =	sld [smem:$0x3FDB];
	s0 =	simm.s32 @p2 $0x1  }
0x17: {  	s4 =	simm.s32 $0x1BF5;
	[smem:$0x3FAD] =	sst s0  }
0x18: {  	s0 =	sld [smem:$0x3F90];
	_ =	swait.ge [sflag:s4], $0x0  }
0x19: {  	s7 =	sld [smem:$0x3F91]  }
0x1a: {  	s8 =	sadd.s32 $0xFFFFE003, lr  }
0x1b: {  	s9 =	sadd.s32 $0xFFFFFEF7, lr;
	s5 =	simm.s32 $0xFFFFFFFF;
	p2 =	slt.u32 s8, $0xFFFFF086  }
0x1c: {  	p1 =	slt.u32 s9, $0xF7A;
	s5 =	simm.s32 @!p2 $0x0  }
0x1d: {  	s5 =	simm.s32 @p1 $0x1;
	p0 =	seq.s32 s7, s2  }
0x1e: {  	s7 =	smul.u32 @!p0 $0xF7A, s2;
	p2 =	seq.s32 @!p0 s5, $0x0  }
0x1f: {  	s9 =	smul.u32 $0xF7A, s1;
	s8 =	simm.s32 @!p0 $0x1BF5;
	p2 =	por !p2, p0  }
0x20: {  	[sflag:s8] =	ssyncset.s32 @!p0 $0xFFFFF086;
	s6 =	sadd.s32 @!p0 s3, s7;
	s7 =	simm.s32 @!p0 $0x108  }
0x21: {  	s3 =	sadd.s32 s3, s9;
	s6 =	sadd.s32 @!p0 $0x88, s6;
	s7 =	simm.s32 @p2 $0x1082  }
0x22: {  	[simem:s7], [sflag:s8] =	dma.local @!p0 [hbm:s6], $0xF7A  }
0x23: {  	s9 =	sor.u32 $0xD0000000, s2;
	s6 =	simm.s32 $0x108;
	_ =	swait.ge @!p0 [sflag:s8], $0x0  }
0x24: {  	s3 =	sadd.s32 $0x88, s3;
	s6 =	simm.s32 @!p1 $0x1082;
	[sflag:s4] =	ssyncset.s32 $0xFFFFF086  }
0x25: {  	[simem:s6], [sflag:s4] =	dma.local [hbm:s3], $0xF7A  }
0x26: {  	[smem:$0x3F91] =	sst s1;
	(tag) =	ssettag s2;
	_ =	strace s9  }
0x27: {  	s1 =	sld [smem:$0x3FA1]  }
0x28: {  	s2 =	sld [smem:$0x3FA2]  }
0x29: {  	s4 =	sld [smem:$0x3FA4]  }
0x2a: {  	p0 =	seq.s32 s5, $0x0;
	s5 =	sld [smem:$0x3FA5]  }
0x2b: {  	s6 =	sld [smem:$0x3FA6]  }
0x2c: {  	s7 =	sld [smem:$0x3FA7]  }
0x2d: {  	s3 =	simm.s32 $0x108;
	s8 =	sld [smem:$0x3FA8]  }
0x2e: {  	s3 =	simm.s32 @!p0 $0x1082;
	s9 =	sld [smem:$0x3FA9]  }
0x2f: {  	lr =	sadd.s32 s0, s3;
	s0 =	sld [smem:$0x3FA0]  }
0x30: {  	s3 =	sld [smem:$0x3FA3]  }
0x31: {  	[smem:$0x3FAC] =	sst s10  }
0x32: {  	s10 =	sld [smem:$0x3FAA];
	_ =	sdelay $0x3  }
0x33: {  	p0 =	seq.s32 s10, $0x1;
	s10 =	sld [smem:$0x3FAC];
	_ =	sdelay $0x3  }
0x34: {  	[smem:$0x3FAC] =	sst s10  }
0x35: {  	s10 =	sld [smem:$0x3FAB];
	_ =	sdelay $0x3  }
0x36: {  	p1 =	seq.s32 s10, $0x1;
	s10 =	sld [smem:$0x3FAC];
	_ =	sdelay $0x3  }
0x37: {  	[smem:$0x3FAC] =	sst s10  }
0x38: {  	s10 =	sld [smem:$0x3FAD]  }
0x39: {  	_ = 	snop;
	(pc) =	sbr.ind lr, $3  }
0x3a: {  	_ = 	snop  }
0x3b: {  	_ = 	snop  }
0x3c: {  	p2 =	seq.s32 s10, $0x1;
	s10 =	sld [smem:$0x3FAC]  }
0x3d: {  	_ =	shalt  }
0x3e: {  	_ =	shalt  }
0x3f: {  	_ =	shalt  }
0x40: {  	_ =	shalt  }
0x41: {  	_ =	shalt  }
0x42: {  	_ =	shalt  }
0x43: {  	_ =	shalt  }
0x44: {  	_ =	shalt  }
0x45: {  	_ =	shalt  }
0x46: {  	_ =	shalt  }
0x47: {  	_ =	shalt  }
0x48: {  	_ =	shalt  }
0x49: {  	_ =	shalt  }
0x4a: {  	_ =	shalt  }
0x4b: {  	_ =	shalt  }
0x4c: {  	_ =	shalt  }
0x4d: {  	_ =	shalt  }
0x4e: {  	_ =	shalt  }
0x4f: {  	_ =	shalt  }
0x50: {  	_ =	shalt  }
0x51: {  	_ =	shalt  }
0x52: {  	_ =	shalt  }
0x53: {  	_ =	shalt  }
0x54: {  	_ =	shalt  }
0x55: {  	_ =	shalt  }
0x56: {  	_ =	shalt  }
0x57: {  	_ =	shalt  }
0x58: {  	_ =	shalt  }
0x59: {  	_ =	shalt  }
0x5a: {  	_ =	shalt  }
0x5b: {  	_ =	shalt  }
0x5c: {  	_ =	shalt  }
0x5d: {  	_ =	shalt  }
0x5e: {  	_ =	shalt  }
0x5f: {  	_ =	shalt  }
0x60: {  	_ =	shalt  }
0x61: {  	_ =	shalt  }
0x62: {  	_ =	shalt  }
0x63: {  	_ =	shalt  }
0x64: {  	_ =	shalt  }
0x65: {  	_ =	shalt  }
0x66: {  	_ =	shalt  }
0x67: {  	_ =	shalt  }
0x68: {  	_ =	shalt  }
0x69: {  	_ =	shalt  }
0x6a: {  	_ =	shalt  }
0x6b: {  	_ =	shalt  }
0x6c: {  	_ =	shalt  }
0x6d: {  	_ =	shalt  }
0x6e: {  	_ =	shalt  }
0x6f: {  	_ =	shalt  }
0x70: {  	_ =	shalt  }
0x71: {  	_ =	shalt  }
0x72: {  	_ =	shalt  }
0x73: {  	_ =	shalt  }
0x74: {  	_ =	shalt  }
0x75: {  	_ =	shalt  }
0x76: {  	_ =	shalt  }
0x77: {  	_ =	shalt  }
0x78: {  	_ =	shalt  }
0x79: {  	_ =	shalt  }
0x7a: {  	_ =	shalt  }
0x7b: {  	_ =	shalt  }
0x7c: {  	_ =	shalt  }
0x7d: {  	_ =	shalt  }
0x7e: {  	_ =	shalt  }
0x7f: {  	_ =	shalt  }
0x80: {  	_ =	shalt  }
0x81: {  	_ =	shalt  }
0x82: {  	_ =	shalt  }
0x83: {  	_ =	shalt  }
0x84: {  	_ =	shalt  }
0x85: {  	_ =	shalt  }
0x86: {  	_ =	shalt  }
0x87: {  	_ =	shalt  }
.Lfunc_end0:
.L_simem_size_0:
called_computation.3_lowered:
.L_overlay_start_0:
0x88: {  	s2 =	sld [smem:$0x3FD9]  }
0x89: {  	s3 =	sld [smem:$0x3FFE];
	_ =	sdelay $0x1  }
0x8a: {  	s1 =	srdreg.scid  }
0x8b: {  	s0 =	sand.u32 $0x1, s1  }
0x8c: {  	s14 =	sshll.u32 s0, $0xA;
	s2 =	sadd.s32 s3, s2  }
0x8d: {  	s2 =	sadd.s32 s2, s14  }
0x8e: {  	[smem:$0x3FB8] =	sst s2  }
0x8f: {  	_ = 	snop  }
0x90: {  	s2 =	sld [smem:$0x3FD0];
	_ =	sdelay $0x2  }
0x91: {  	s15 =	simm.s32 $0xA;
	s4 =	simm.s32 $0x10  }
0x92: {  	[smem:s4], [sflag:s15] =	dma.local [hbm:s2], $0x1  }
0x93: {  	_ =	swait.eq [sflag:s15], $0x1  }
0x94: {  	[sflag:s15] =	ssyncset.done $0x0  }
0x95: {  	s16 =	sld [smem:$0x10];
	[sflag:s15] =	ssyncadd.s32 $0xFFFFFFFF  }
0x96: {  	s17 =	sld [smem:$0x11];
	(tm) =	ssettm $0x1  }
0x97: {  	s18 =	sld [smem:$0x3FFB];
	_ =	sdelay $0x3  }
0x98: {  	_ =	strace s18  }
0x99: {  	s4 =	sld [smem:$0x3FFC];
	_ =	sdelay $0x3  }
0x9a: {  	_ =	strace s4  }
0x9b: {  	s4 =	sld [smem:$0x3FFD];
	_ =	sdelay $0x3  }
0x9c: {  	_ =	strace s4  }
0x9d: {  	_ =	strace $0x8FFFFFFF  }
0x9e: {  	s19 =	sld [smem:$0x3FDB];
	_ =	sdelay $0x1  }
0x9f: {  	s5 =	simm.s32 $_scs_section_size  }
0xa0: {  	s6 =	simm.s32 $_size__tile_overlayer_lowered;
	s7 =	simm.s32 $_tile_overlayer_lowered  }
0xa1: {  	s22 =	simm.s32 $0x1BFF;
	s21 =	sshll.u32 s7, $0x1;
	s4 =	sadd.s32 s5, s19  }
0xa2: {  	s8 =	simm.s32 $0x0;
	s20 =	sshll.u32 s6, $0x1;
	s6 =	sadd.s32 s21, s4  }
0xa3: {  	[timem:s8], [sflag:s22] =	dma.local [hbm:s6], s20  }
0xa4: {  	_ =	swait.ge [sflag:s22], s20  }
0xa5: {  	s5 =	ssub.s32 $0x0, s20;
	[sflag:s22] =	ssyncset.done $0x0  }
0xa6: {  	[sflag:s22] =	ssyncadd.s32 s5;
	_ =	sdelay $0x1  }
0xa7: {  	s23 =	simm.s32 $0x1B8B  }
0xa8: {  	_ =	swait.ge [sflag:s23], $0x1  }
0xa9: {  	[sflag:s23] =	ssyncset.done $0x0  }
0xaa: {  	s25 =	simm.s32 $0x1B8E;
	s24 =	sld [smem:$0x3FFE];
	[sflag:s23] =	ssyncadd.s32 $0xFFFFFFFF  }
0xab: {  	s26 =	simm.s32 $execute0_lowered;
	[smem:$0x3FD2] =	sst s25  }
0xac: {  	s6 =	sshll.u32 s26, $0x1;
	_ =	strace $0x8000004F;
	[dreg:$0x1] =	wrdreg $0xFFFFFFFF  }
0xad: {  	s28 =	simm.s32 $_size_execute0_lowered;
	s4 =	sadd.s32 s4, s6;
	[dreg:$0x0] =	wrdreg $0x0  }
0xae: {  	s6 =	sshll.u32 s28, $0x1;
	[dreg:$0x2] =	wrdreg s4  }
0xaf: {  	[dreg:$0x3] =	wrdreg s6  }
0xb0: {  	[dreg:$0x4] =	wrdreg $0xC0  }
0xb1: {  	_ =	task [dreg:s8], $0x5FFFF  }
0xb2: {  	[dreg:$0x1] =	wrdreg $0xFFFFFFFF  }
0xb3: {  	[dreg:$0x0] =	wrdreg $0x60  }
0xb4: {  	[dreg:$0x2] =	wrdreg s24  }
0xb5: {  	[dreg:$0x3] =	wrdreg s16  }
0xb6: {  	[dreg:$0x4] =	wrdreg s17  }
0xb7: {  	[dreg:$0x5] =	wrdreg $0x170000  }
0xb8: {  	[dreg:$0x6] =	wrdreg $0x120000  }
0xb9: {  	[dreg:$0x7] =	wrdreg $0x9  }
0xba: {  	_ =	task.clear_ibuf [dreg:s8], $0x8FFFF;
	_ =	strace $0x9000004F  }
0xbb: {  	s29 =	simm.s32 $0x9;
	_ =	strace $0x80000051  }
0xbc: {  	_ =	swait.ge [sflag:s29], $0x1  }
0xbd: {  	[sflag:s29] =	ssyncadd.s32 $0xFFFFFFFF  }
0xbe: {  	_ =	strace $0x90000051  }
0xbf: {  	_ =	sfence  }
0xc0: {  	s30 =	sld [smem:$0x0];
	_ =	sdelay $0x2  }
0xc1: {  	s31 =	sshll.u32 s1, $0xD;
	s1 =	sshrl.u32 s1, $0x2  }
0xc2: {  	s3 =	sand.u32 $0x4000, s31;
	s1 =	sadd.s32 s1, s30  }
0xc3: {  	s0 =	sor.u32 s3, s0;
	s1 =	sshll.u32 s1, $0x11  }
0xc4: {  	s0 =	sor.u32 s1, s0  }
0xc5: {  	s0 =	sadd.s32 $0x8F2B, s0  }
0xc6: {  	[sflag:s0] =	ssyncadd.remote.s32 $0x1  }
0xc7: {  	_ =	sfence.sel $0xFFFF  }
0xc8: {  	[dreg:$0x0] =	wrdreg $0xFFFFFFFF;
	(pc) =	sbr.abs _section_cstart, $3  }
0xc9: {  	[dreg:$0x1] =	wrdreg $0xFFFFFFFF  }
0xca: {  	_ =	task.clear_ibuf [dreg:s8], $0x2FFFF;
	_ =	strace $0x9FFFFFFF  }
0xcb: {  	(tm) =	ssettm $0x7FFFFFFF  }
tec
execute0_lowered:
.L_overlay_start_1:
0x0: {  	(tag) =	ssettag $0x1  }
0x1: {  	s0 =	rddreg [dreg:$0x0]  }
0x2: {  	s1 =	rddreg [dreg:$0x1]  }
0x3: {  	s3 =	rddreg [dreg:$0x3]  }
0x4: {  	s4 =	rddreg [dreg:$0x4];
	s2 =	srdreg.scid  }
0x5: {  	s11 =	stileid.u32;
	s7 =	simm.s32 $0x0;
	s13 =	simm.s32 $0x1  }
0x6: {  	s14 =	simm.s32 $0x4;
	s15 =	simm.s32 $0x8;
	s16 =	simm.s32 $0x11  }
0x7: {  	s24 =	simm.s32 $0xA000;
	s25 =	simm.s32 $0xB000;
	s26 =	simm.s32 $0xC000  }
0x8: {  	s28 =	simm.s32 $0xD000;
	s29 =	simm.s32 $0xE000;
	[smem:$0x7FF] =	sst s7  }
0x9: {  	s30 =	simm.s32 $0xF000;
	_ =	strace $0x80000050;
	[dreg:$0x6] =	wrdreg s24  }
0xa: {  	s31 =	simm.s32 $0x10000;
	s5 =	smul.u32 $0xA000, s11;
	[dreg:$0x7] =	wrdreg s25  }
0xb: {  	s2 =	sand.u32 $0x1, s2;
	s8 =	smul.u32 $0x5000, s11;
	[dreg:$0x8] =	wrdreg s26  }
0xc: {  	s9 =	smul.u32 $0xA00, s11;
	s19 =	sshll.u32 s11, $0x6;
	[dreg:$0x9] =	wrdreg s28  }
0xd: {  	s6 =	sshll.u32 s2, $0x5;
	s17 =	smul.u32 $0x50000, s2;
	[dreg:$0xa] =	wrdreg s29  }
0xe: {  	s2 =	ssub.s32 $0x2, s2;
	s7 =	sor.u32 $0x1C11, s19;
	[dreg:$0xb] =	wrdreg s30  }
0xf: {  	s19 =	simm.s32 $0x80;
	s24 =	simm.s32 $0x6;
	[dreg:$0xc] =	wrdreg s31  }
0x10: {  	s25 =	simm.s32 $0x7;
	s5 =	sor.u32 s6, s5;
	s10 =	sadd.s32 s9, s0  }
0x11: {  	s18 =	sshrl.u32 s2, $0x1;
	s12 =	sadd.s32 s8, s3;
	s20 =	sadd.s32 s8, s4  }
0x12: {  	s1 =	sadd.s32 s1, s9;
	s5 =	sshrl.u32 s5, $0x3;
	s6 =	sadd.s32 s8, s17  }
0x13: {  	s2 =	ssub.s32 s2, s18;
	s21 =	sadd.s32 $0x3C00, s10;
	[dreg:$0xf] =	wrdreg s1  }
0x14: {  	s23 =	sshrl.u32 s12, $0x3;
	s17 =	sshrl.u32 s20, $0x3;
	s20 =	simm.s32 $0x11000  }
0x15: {  	s1 =	simm.s32 $0xF;
	s18 =	simm.s32 $0x0;
	s5 =	sadd.s32 s5, s0  }
0x16: {  	s6 =	sshrl.u32 s6, $0x3;
	[dreg:$0xe] =	wrdreg s21;
	s22 =	smax.u32 s2, $0x1  }
0x17: {  	[dreg:$0x12] =	wrdreg s23;
	s21 =	simm.s32 $0x2;
	s23 =	simm.s32 $0x5  }
0x18: {  	s0 =	sadd.s32 s6, s0;
	s5 =	sadd.s32 $0xDC00, s5;
	[dreg:$0x11] =	wrdreg s22  }
0x19: {  	s2 =	simm.s32 $0x10;
	[dreg:$0xd] =	wrdreg s5;
	s0 =	sadd.s32 $0x21C00, s0  }
0x1a: {  	s22 =	simm.s32 $0x3;
	[dreg:$0x10] =	wrdreg s0;
	s0 =	simm.s32 $0xE  }
.LBB2_1:
0x1b: {  	s5 =	rddreg [dreg:$0xd]  }
0x1c: {  	s6 =	rddreg [dreg:$0x12]  }
0x1d: {  	[spmem:s6@s14], [sflag:s7] =	dma.strided [hbm:s5@s15], $0xA00, s13, $0x4   }
0x1e: {  	_ =	swait.ge [sflag:s16], $0xA00  }
0x1f: {  	[sflag:s16] =	ssyncset.done $0x0  }
0x20: {  	[sflag:s16] =	ssyncadd.s32 $0xFFFFF600  }
0x21: {  	s28 =	rddreg [dreg:$0x2]  }
0x22: {  	[spmem:s17], [sflag:s7] =	dma.local [hbm:s28], $0xA00  }
0x23: {  	_ =	swait.ge [sflag:s16], $0xA00  }
0x24: {  	[sflag:s16] =	ssyncset.done $0x0  }
0x25: {  	s29 =	simm.s32 $0x0;
	s30 =	rddreg [dreg:$0xe];
	[sflag:s16] =	ssyncadd.s32 $0xFFFFF600  }
0x26: {  	[tilespmem:s29], [sflag:$0x11] =	stream.linear.gather [hbm4b:s30+s29], $0x5000, $0x38;
	[tilespmem:$0x1C000] =	vst v63  }
0x27: {  	_ =	swait.ge [sflag:s16], $0x5000  }
0x28: {  	[sflag:s16] =	ssyncset.done $0x0  }
0x29: {  	s8 =	simm.s32 $0x5000;
	s31 =	rddreg [dreg:$0xf];
	[sflag:s16] =	ssyncadd.s32 $0xFFFFB000  }
0x2a: {  	[tilespmem:s8], [sflag:$0x11] =	stream.linear.gather [hbm4b:s31+s29], $0x5000, $0x38;
	[tilespmem:$0x1C000] =	vst v63  }
0x2b: {  	_ =	swait.ge [sflag:s16], $0x5000  }
0x2c: {  	[sflag:s16] =	ssyncset.done $0x0  }
0x2d: {  	p0 =	por $0x0, $0x0;
	[sflag:s16] =	ssyncadd.s32 $0xFFFFB000  }
0x2e: {  	s5 =	simm.s32 @p0 $0x9;
	[bflag:$0x0] =	sbarrier.arrive $0xFFFF  }
0x2f: {  	_ =	swait.ge @p0 [sflag:s5], $0x1000  }
0x30: {  	s6 =	simm.s32 @p0 $0xA000;
	s9 =	simm.s32 @p0 $0x80;
	[sflag:s5] =	ssyncset.done @p0 $0x0  }
0x31: {  	s8 =	simm.s32 @p0 $0xA;
	[sflag:s5] =	ssyncadd.s32 @p0 $0xFFFFF000;
	s5 =	simm.s32 @p0 $0x0  }
0x32: {  	[tilespmem:s6], [sflag:$0x1] =	stream.indirect.gather @p0 [spmem:s3], $0x20, s5, s9, $0xb8;
	[tilespmem:$0x1C000] =	vst v63  }
0x33: {  	_ =	swait.ge @p0 [sflag:s8], $0x1000  }
0x34: {  	s5 =	simm.s32 @p0 $0x80;
	[sflag:s8] =	ssyncset.done @p0 $0x0  }
0x35: {  	s6 =	simm.s32 @p0 $0xB000;
	[sflag:s8] =	ssyncadd.s32 @p0 $0xFFFFF000;
	s8 =	simm.s32 @p0 $0xB  }
0x36: {  	[tilespmem:s6], [sflag:$0x2] =	stream.indirect.gather @p0 [spmem:s3], $0x20, s5, s9, $0xb8;
	[tilespmem:$0x1C000] =	vst v63  }
0x37: {  	_ =	swait.ge @p0 [sflag:s8], $0x1000  }
0x38: {  	s5 =	simm.s32 @p0 $0x100;
	[sflag:s8] =	ssyncset.done @p0 $0x0  }
0x39: {  	s6 =	simm.s32 @p0 $0xC000;
	[sflag:s8] =	ssyncadd.s32 @p0 $0xFFFFF000;
	s8 =	simm.s32 @p0 $0xC  }
0x3a: {  	[tilespmem:s6], [sflag:$0x3] =	stream.indirect.gather @p0 [spmem:s3], $0x20, s5, s9, $0xb8;
	[tilespmem:$0x1C000] =	vst v63  }
0x3b: {  	_ =	swait.ge @p0 [sflag:s8], $0x1000  }
0x3c: {  	s5 =	simm.s32 @p0 $0x180;
	[sflag:s8] =	ssyncset.done @p0 $0x0  }
0x3d: {  	s6 =	simm.s32 @p0 $0xD000;
	[sflag:s8] =	ssyncadd.s32 @p0 $0xFFFFF000;
	s8 =	simm.s32 @p0 $0xD  }
0x3e: {  	[tilespmem:s6], [sflag:$0x4] =	stream.indirect.gather @p0 [spmem:s3], $0x20, s5, s9, $0xb8;
	[tilespmem:$0x1C000] =	vst v63  }
0x3f: {  	_ =	swait.ge @p0 [sflag:s8], $0x1000  }
0x40: {  	s5 =	simm.s32 @p0 $0x200;
	[sflag:s8] =	ssyncset.done @p0 $0x0  }
0x41: {  	s6 =	simm.s32 @p0 $0xE000;
	[sflag:s8] =	ssyncadd.s32 @p0 $0xFFFFF000;
	s8 =	simm.s32 @p0 $0xE  }
0x42: {  	[tilespmem:s6], [sflag:$0x5] =	stream.indirect.gather @p0 [spmem:s3], $0x20, s5, s9, $0xb8;
	[tilespmem:$0x1C000] =	vst v63  }
0x43: {  	_ =	swait.ge @p0 [sflag:s8], $0x1000  }
0x44: {  	s5 =	simm.s32 @p0 $0x280;
	[sflag:s8] =	ssyncset.done @p0 $0x0  }
0x45: {  	s6 =	simm.s32 @p0 $0xF000;
	[sflag:s8] =	ssyncadd.s32 @p0 $0xFFFFF000;
	s8 =	simm.s32 @p0 $0xF  }
0x46: {  	[tilespmem:s6], [sflag:$0x6] =	stream.indirect.gather @p0 [spmem:s3], $0x20, s5, s9, $0xb8;
	[tilespmem:$0x1C000] =	vst v63  }
0x47: {  	_ =	swait.ge @p0 [sflag:s8], $0x1000  }
0x48: {  	s5 =	simm.s32 @p0 $0x300;
	[sflag:s8] =	ssyncset.done @p0 $0x0  }
0x49: {  	s6 =	simm.s32 @p0 $0x10000;
	[sflag:s8] =	ssyncadd.s32 @p0 $0xFFFFF000;
	s8 =	simm.s32 @p0 $0x10  }
0x4a: {  	[tilespmem:s6], [sflag:$0x7] =	stream.indirect.gather @p0 [spmem:s3], $0x20, s5, s9, $0xb8;
	[tilespmem:$0x1C000] =	vst v63  }
0x4b: {  	_ =	swait.ge @p0 [sflag:s8], $0x1000  }
0x4c: {  	s5 =	simm.s32 @!p0 $0xA000;
	[sflag:s8] =	ssyncset.done @p0 $0x0  }
0x4d: {  	s6 =	simm.s32 @!p0 $0x0;
	[sflag:s8] =	ssyncadd.s32 @p0 $0xFFFFF000;
	s8 =	simm.s32 @!p0 $0x80  }
0x4e: {  	[tilespmem:s5], [sflag:$0x1] =	stream.indirect.gather @!p0 [spmem:s3], $0x20, s6, s8, $0xb8;
	[tilespmem:$0x1C000] =	vst v63  }
0x4f: {  	s5 =	simm.s32 @!p0 $0xB000  }
0x50: {  	[tilespmem:s5], [sflag:$0x2] =	stream.indirect.gather @!p0 [spmem:s3], $0x20, s8, s8, $0xb8;
	[tilespmem:$0x1C000] =	vst v63  }
0x51: {  	s6 =	simm.s32 @!p0 $0xC000;
	s5 =	simm.s32 @!p0 $0x100  }
0x52: {  	[tilespmem:s6], [sflag:$0x3] =	stream.indirect.gather @!p0 [spmem:s3], $0x20, s5, s8, $0xb8;
	[tilespmem:$0x1C000] =	vst v63  }
0x53: {  	s5 =	simm.s32 @!p0 $0x180;
	s6 =	simm.s32 @!p0 $0xD000  }
0x54: {  	[tilespmem:s6], [sflag:$0x4] =	stream.indirect.gather @!p0 [spmem:s3], $0x20, s5, s8, $0xb8;
	[tilespmem:$0x1C000] =	vst v63  }
0x55: {  	s5 =	simm.s32 @!p0 $0x200;
	s6 =	simm.s32 @!p0 $0xE000  }
0x56: {  	[tilespmem:s6], [sflag:$0x5] =	stream.indirect.gather @!p0 [spmem:s3], $0x20, s5, s8, $0xb8;
	[tilespmem:$0x1C000] =	vst v63  }
0x57: {  	s5 =	simm.s32 @!p0 $0x280;
	s6 =	simm.s32 @!p0 $0xF000  }
0x58: {  	[tilespmem:s6], [sflag:$0x6] =	stream.indirect.gather @!p0 [spmem:s3], $0x20, s5, s8, $0xb8;
	[tilespmem:$0x1C000] =	vst v63  }
0x59: {  	s5 =	simm.s32 @!p0 $0x300;
	s6 =	simm.s32 @!p0 $0x10000  }
0x5a: {  	[tilespmem:s6], [sflag:$0x7] =	stream.indirect.gather @!p0 [spmem:s3], $0x20, s5, s8, $0xb8;
	[tilespmem:$0x1C000] =	vst v63  }
0x5b: {  	s9 =	simm.s32 $0x380  }
0x5c: {  	[tilespmem:s20], [sflag:$0x8] =	stream.indirect.gather [spmem:s3], $0x20, s9, s19, $0xb8;
	[tilespmem:$0x1C000] =	vst v63  }
0x5d: {  	_ =	swait.ge [sflag:s13], $0x1000  }
0x5e: {  	[sflag:s13] =	ssyncset.done $0x0  }
0x5f: {  	s11 =	simm.s32 $0x5000;
	s10 =	rddreg [dreg:$0x6];
	[sflag:s13] =	ssyncadd.s32 $0xFFFFF000  }
0x60: {  	[spmem:s4] =	stream.indirect.scatter.add.f32 [tilespmem:s10], [sflag:$0x9], $0x20, s11, s19, $0xb8;
	[tilespmem:$0x1C000] =	vst v63  }
0x61: {  	s5 =	simm.s32 @p0 $0x80;
	_ =	swait.ge [sflag:s21], $0x1000  }
0x62: {  	s5 =	simm.s32 @!p0 $0x80;
	[sflag:s21] =	ssyncset.done $0x0  }
0x63: {  	s5 =	sadd.s32 $0x5000, s5;
	s12 =	rddreg [dreg:$0x7];
	[sflag:s21] =	ssyncadd.s32 $0xFFFFF000  }
0x64: {  	[spmem:s4] =	stream.indirect.scatter.add.f32 [tilespmem:s12], [sflag:$0xA], $0x20, s5, s19, $0xb8;
	[tilespmem:$0x1C000] =	vst v63  }
0x65: {  	s5 =	simm.s32 @p0 $0x100;
	_ =	swait.ge [sflag:s22], $0x1000  }
0x66: {  	s5 =	simm.s32 @!p0 $0x100;
	[sflag:s22] =	ssyncset.done $0x0  }
0x67: {  	s26 =	rddreg [dreg:$0x8];
	s5 =	sadd.s32 $0x5000, s5;
	[sflag:s22] =	ssyncadd.s32 $0xFFFFF000  }
0x68: {  	[spmem:s4] =	stream.indirect.scatter.add.f32 [tilespmem:s26], [sflag:$0xB], $0x20, s5, s19, $0xb8;
	[tilespmem:$0x1C000] =	vst v63  }
0x69: {  	s5 =	simm.s32 @p0 $0x180;
	_ =	swait.ge [sflag:s14], $0x1000  }
0x6a: {  	s5 =	simm.s32 @!p0 $0x180;
	[sflag:s14] =	ssyncset.done $0x0  }
0x6b: {  	s28 =	rddreg [dreg:$0x9];
	s5 =	sadd.s32 $0x5000, s5;
	[sflag:s14] =	ssyncadd.s32 $0xFFFFF000  }
0x6c: {  	[spmem:s4] =	stream.indirect.scatter.add.f32 [tilespmem:s28], [sflag:$0xC], $0x20, s5, s19, $0xb8;
	[tilespmem:$0x1C000] =	vst v63  }
0x6d: {  	s5 =	simm.s32 @p0 $0x200;
	_ =	swait.ge [sflag:s23], $0x1000  }
0x6e: {  	s5 =	simm.s32 @!p0 $0x200;
	[sflag:s23] =	ssyncset.done $0x0  }
0x6f: {  	s29 =	rddreg [dreg:$0xa];
	s5 =	sadd.s32 $0x5000, s5;
	[sflag:s23] =	ssyncadd.s32 $0xFFFFF000  }
0x70: {  	[spmem:s4] =	stream.indirect.scatter.add.f32 [tilespmem:s29], [sflag:$0xD], $0x20, s5, s19, $0xb8;
	[tilespmem:$0x1C000] =	vst v63  }
0x71: {  	s5 =	simm.s32 @p0 $0x280;
	_ =	swait.ge [sflag:s24], $0x1000  }
0x72: {  	s5 =	simm.s32 @!p0 $0x280;
	[sflag:s24] =	ssyncset.done $0x0  }
0x73: {  	s30 =	rddreg [dreg:$0xb];
	s5 =	sadd.s32 $0x5000, s5;
	[sflag:s24] =	ssyncadd.s32 $0xFFFFF000  }
0x74: {  	[spmem:s4] =	stream.indirect.scatter.add.f32 [tilespmem:s30], [sflag:$0xE], $0x20, s5, s19, $0xb8;
	[tilespmem:$0x1C000] =	vst v63  }
0x75: {  	s5 =	simm.s32 $0x300;
	_ =	swait.ge [sflag:s25], $0x1000  }
0x76: {  	s6 =	simm.s32 $0x1000;
	s5 =	simm.s32 @!p0 $0x300;
	[sflag:s25] =	ssyncset.done $0x0  }
0x77: {  	s31 =	rddreg [dreg:$0xc];
	s5 =	sadd.s32 $0x5000, s5;
	[sflag:s25] =	ssyncadd.s32 $0xFFFFF000  }
0x78: {  	[spmem:s4] =	stream.indirect.scatter.add.f32 [tilespmem:s31], [sflag:$0xF], $0x20, s5, s19, $0xb8;
	[tilespmem:$0x1C000] =	vst v63  }
0x79: {  	s8 =	simm.s32 $0x2000;
	s10 =	simm.s32 $0x5380;
	_ =	swait.ge [sflag:s15], $0x1000  }
0x7a: {  	p0 =	por $0x1, $0x1;
	s5 =	simm.s32 $0x700;
	[sflag:s15] =	ssyncset.done $0x0  }
.LBB2_2:
0x7b: {  	s11 =	simm.s32 @p0 $0x9;
	[sflag:s15] =	ssyncadd.s32 $0xFFFFF000  }
0x7c: {  	[spmem:s4] =	stream.indirect.scatter.add.f32 [tilespmem:s20], [sflag:$0x10], $0x20, s10, s19, $0xb8;
	[tilespmem:$0x1C000] =	vst v63  }
0x7d: {  	_ =	swait.ge @p0 [sflag:s11], $0x1000  }
0x7e: {  	s12 =	simm.s32 @p0 $0xA000;
	s26 =	simm.s32 @p0 $0xA;
	[sflag:s11] =	ssyncset.done @p0 $0x0  }
0x7f: {  	s10 =	simm.s32 @p0 $0x80;
	[sflag:s11] =	ssyncadd.s32 @p0 $0xFFFFF000;
	s11 =	sshra.s32 @p0 s6, $0x2  }
0x80: {  	[tilespmem:s12], [sflag:$0x1] =	stream.indirect.gather @p0 [spmem:s3], $0x20, s11, s10, $0xb8;
	[tilespmem:$0x1C000] =	vst v63  }
0x81: {  	_ =	swait.ge @p0 [sflag:s26], $0x1000  }
0x82: {  	s31 =	simm.s32 @p0 $0xB;
	[sflag:s26] =	ssyncset.done @p0 $0x0  }
0x83: {  	s12 =	sadd.s32 @p0 $0x80, s11;
	[sflag:s26] =	ssyncadd.s32 @p0 $0xFFFFF000;
	s26 =	simm.s32 @p0 $0xB000  }
0x84: {  	[tilespmem:s26], [sflag:$0x2] =	stream.indirect.gather @p0 [spmem:s3], $0x20, s12, s10, $0xb8;
	[tilespmem:$0x1C000] =	vst v63  }
0x85: {  	_ =	swait.ge @p0 [sflag:s31], $0x1000  }
0x86: {  	s28 =	sadd.s32 @p0 $0x100, s11;
	[sflag:s31] =	ssyncset.done @p0 $0x0  }
0x87: {  	s26 =	simm.s32 @p0 $0xC000;
	[sflag:s31] =	ssyncadd.s32 @p0 $0xFFFFF000;
	s31 =	simm.s32 @p0 $0xC  }
0x88: {  	[tilespmem:s26], [sflag:$0x3] =	stream.indirect.gather @p0 [spmem:s3], $0x20, s28, s10, $0xb8;
	[tilespmem:$0x1C000] =	vst v63  }
0x89: {  	_ =	swait.ge @p0 [sflag:s31], $0x1000  }
0x8a: {  	s29 =	sadd.s32 @p0 $0x180, s11;
	[sflag:s31] =	ssyncset.done @p0 $0x0  }
0x8b: {  	s26 =	simm.s32 @p0 $0xD000;
	s28 =	simm.s32 @p0 $0xD;
	[sflag:s31] =	ssyncadd.s32 @p0 $0xFFFFF000  }
0x8c: {  	[tilespmem:s26], [sflag:$0x4] =	stream.indirect.gather @p0 [spmem:s3], $0x20, s29, s10, $0xb8;
	[tilespmem:$0x1C000] =	vst v63  }
0x8d: {  	_ =	swait.ge @p0 [sflag:s28], $0x1000  }
0x8e: {  	s30 =	sadd.s32 @p0 $0x200, s11;
	[sflag:s28] =	ssyncset.done @p0 $0x0  }
0x8f: {  	s26 =	simm.s32 @p0 $0xE000;
	[sflag:s28] =	ssyncadd.s32 @p0 $0xFFFFF000;
	s28 =	simm.s32 @p0 $0xE  }
0x90: {  	[tilespmem:s26], [sflag:$0x5] =	stream.indirect.gather @p0 [spmem:s3], $0x20, s30, s10, $0xb8;
	[tilespmem:$0x1C000] =	vst v63  }
0x91: {  	_ =	swait.ge @p0 [sflag:s28], $0x1000  }
0x92: {  	s12 =	sadd.s32 @p0 $0x280, s11;
	[sflag:s28] =	ssyncset.done @p0 $0x0  }
0x93: {  	s26 =	simm.s32 @p0 $0xF000;
	[sflag:s28] =	ssyncadd.s32 @p0 $0xFFFFF000;
	s28 =	simm.s32 @p0 $0xF  }
0x94: {  	[tilespmem:s26], [sflag:$0x6] =	stream.indirect.gather @p0 [spmem:s3], $0x20, s12, s10, $0xb8;
	[tilespmem:$0x1C000] =	vst v63  }
0x95: {  	_ =	swait.ge @p0 [sflag:s28], $0x1000  }
0x96: {  	s11 =	sadd.s32 @p0 $0x300, s11;
	[sflag:s28] =	ssyncset.done @p0 $0x0  }
0x97: {  	s12 =	simm.s32 @p0 $0x10000;
	s26 =	simm.s32 @p0 $0x10;
	[sflag:s28] =	ssyncadd.s32 @p0 $0xFFFFF000  }
0x98: {  	[tilespmem:s12], [sflag:$0x7] =	stream.indirect.gather @p0 [spmem:s3], $0x20, s11, s10, $0xb8;
	[tilespmem:$0x1C000] =	vst v63  }
0x99: {  	_ =	swait.ge @p0 [sflag:s26], $0x1000  }
0x9a: {  	s10 =	simm.s32 @!p0 $0xA000;
	[sflag:s26] =	ssyncset.done @p0 $0x0  }
0x9b: {  	s11 =	sshra.s32 @!p0 s6, $0x2;
	s12 =	simm.s32 @!p0 $0x80;
	[sflag:s26] =	ssyncadd.s32 @p0 $0xFFFFF000  }
0x9c: {  	[tilespmem:s10], [sflag:$0x1] =	stream.indirect.gather @!p0 [spmem:s3], $0x20, s11, s12, $0xb8;
	[tilespmem:$0x1C000] =	vst v63  }
0x9d: {  	s10 =	simm.s32 @!p0 $0xB000  }
0x9e: {  	[tilespmem:s10], [sflag:$0x2] =	stream.indirect.gather @!p0 [spmem:s3], $0x20, s12, s12, $0xb8;
	[tilespmem:$0x1C000] =	vst v63  }
0x9f: {  	s11 =	simm.s32 @!p0 $0xC000;
	s10 =	simm.s32 @!p0 $0x100  }
0xa0: {  	[tilespmem:s11], [sflag:$0x3] =	stream.indirect.gather @!p0 [spmem:s3], $0x20, s10, s12, $0xb8;
	[tilespmem:$0x1C000] =	vst v63  }
0xa1: {  	s10 =	simm.s32 @!p0 $0x180;
	s11 =	simm.s32 @!p0 $0xD000  }
0xa2: {  	[tilespmem:s11], [sflag:$0x4] =	stream.indirect.gather @!p0 [spmem:s3], $0x20, s10, s12, $0xb8;
	[tilespmem:$0x1C000] =	vst v63  }
0xa3: {  	s10 =	simm.s32 @!p0 $0x200;
	s11 =	simm.s32 @!p0 $0xE000  }
0xa4: {  	[tilespmem:s11], [sflag:$0x5] =	stream.indirect.gather @!p0 [spmem:s3], $0x20, s10, s12, $0xb8;
	[tilespmem:$0x1C000] =	vst v63  }
0xa5: {  	s10 =	simm.s32 @!p0 $0x280;
	s11 =	simm.s32 @!p0 $0xF000  }
0xa6: {  	[tilespmem:s11], [sflag:$0x6] =	stream.indirect.gather @!p0 [spmem:s3], $0x20, s10, s12, $0xb8;
	[tilespmem:$0x1C000] =	vst v63  }
0xa7: {  	s26 =	simm.s32 @!p0 $0x10000;
	s11 =	simm.s32 @!p0 $0x300;
	s10 =	sshra.s32 s6, $0x2  }
0xa8: {  	[tilespmem:s26], [sflag:$0x7] =	stream.indirect.gather @!p0 [spmem:s3], $0x20, s11, s12, $0xb8;
	[tilespmem:$0x1C000] =	vst v63  }
0xa9: {  	s29 =	sadd.s32 $0x380, s10  }
0xaa: {  	[tilespmem:s20], [sflag:$0x8] =	stream.indirect.gather [spmem:s3], $0x20, s29, s19, $0xb8;
	[tilespmem:$0x1C000] =	vst v63  }
0xab: {  	_ =	swait.ge [sflag:s13], $0x1000  }
0xac: {  	s9 =	smov.u32 s8;
	[sflag:s13] =	ssyncset.done $0x0  }
0xad: {  	s31 =	sadd.s32 $0x5000, s10;
	s30 =	rddreg [dreg:$0x6];
	[sflag:s13] =	ssyncadd.s32 $0xFFFFF000  }
0xae: {  	[spmem:s4] =	stream.indirect.scatter.add.f32 [tilespmem:s30], [sflag:$0x9], $0x20, s31, s19, $0xb8;
	[tilespmem:$0x1C000] =	vst v63  }
0xaf: {  	s6 =	smov.u32 s9;
	s9 =	sadd.s32 @p0 $0xFFFFFD80, s5;
	_ =	swait.ge [sflag:s21], $0x1000  }
0xb0: {  	s9 =	simm.s32 @!p0 $0x80;
	[sflag:s21] =	ssyncset.done $0x0  }
0xb1: {  	s9 =	sadd.s32 $0x5000, s9;
	s12 =	rddreg [dreg:$0x7];
	[sflag:s21] =	ssyncadd.s32 $0xFFFFF000  }
0xb2: {  	[spmem:s4] =	stream.indirect.scatter.add.f32 [tilespmem:s12], [sflag:$0xA], $0x20, s9, s19, $0xb8;
	[tilespmem:$0x1C000] =	vst v63  }
0xb3: {  	s9 =	sadd.s32 @p0 $0xFFFFFE00, s5;
	_ =	swait.ge [sflag:s22], $0x1000  }
0xb4: {  	s9 =	simm.s32 @!p0 $0x100;
	[sflag:s22] =	ssyncset.done $0x0  }
0xb5: {  	s26 =	rddreg [dreg:$0x8];
	s9 =	sadd.s32 $0x5000, s9;
	[sflag:s22] =	ssyncadd.s32 $0xFFFFF000  }
0xb6: {  	[spmem:s4] =	stream.indirect.scatter.add.f32 [tilespmem:s26], [sflag:$0xB], $0x20, s9, s19, $0xb8;
	[tilespmem:$0x1C000] =	vst v63  }
0xb7: {  	s9 =	sadd.s32 @p0 $0xFFFFFE80, s5;
	_ =	swait.ge [sflag:s14], $0x1000  }
0xb8: {  	s9 =	simm.s32 @!p0 $0x180;
	[sflag:s14] =	ssyncset.done $0x0  }
0xb9: {  	s28 =	rddreg [dreg:$0x9];
	s9 =	sadd.s32 $0x5000, s9;
	[sflag:s14] =	ssyncadd.s32 $0xFFFFF000  }
0xba: {  	[spmem:s4] =	stream.indirect.scatter.add.f32 [tilespmem:s28], [sflag:$0xC], $0x20, s9, s19, $0xb8;
	[tilespmem:$0x1C000] =	vst v63  }
0xbb: {  	s9 =	sadd.s32 @p0 $0xFFFFFF00, s5;
	_ =	swait.ge [sflag:s23], $0x1000  }
0xbc: {  	s9 =	simm.s32 @!p0 $0x200;
	[sflag:s23] =	ssyncset.done $0x0  }
0xbd: {  	s29 =	rddreg [dreg:$0xa];
	s9 =	sadd.s32 $0x5000, s9;
	[sflag:s23] =	ssyncadd.s32 $0xFFFFF000  }
0xbe: {  	[spmem:s4] =	stream.indirect.scatter.add.f32 [tilespmem:s29], [sflag:$0xD], $0x20, s9, s19, $0xb8;
	[tilespmem:$0x1C000] =	vst v63  }
0xbf: {  	s9 =	sadd.s32 @p0 $0xFFFFFF80, s5;
	_ =	swait.ge [sflag:s24], $0x1000  }
0xc0: {  	s8 =	sadd.s32 $0x1000, s8;
	s9 =	simm.s32 @!p0 $0x280;
	[sflag:s24] =	ssyncset.done $0x0  }
0xc1: {  	s30 =	rddreg [dreg:$0xb];
	s9 =	sadd.s32 $0x5000, s9;
	[sflag:s24] =	ssyncadd.s32 $0xFFFFF000  }
0xc2: {  	[spmem:s4] =	stream.indirect.scatter.add.f32 [tilespmem:s30], [sflag:$0xE], $0x20, s9, s19, $0xb8;
	[tilespmem:$0x1C000] =	vst v63  }
0xc3: {  	p1 =	sne.s32 s8, $0x14000;
	s11 =	smov.u32 s5;
	_ =	swait.ge [sflag:s25], $0x1000  }
.Ltmp0:
0xc4: {  	s11 =	simm.s32 @!p0 $0x300;
	[sflag:s25] =	ssyncset.done $0x0;
	(pc) =	sbr.rel @p1 .LBB2_2-.Ltmp0, $4  }
0xc5: {  	s11 =	sadd.s32 $0x5000, s11;
	s31 =	rddreg [dreg:$0xc];
	[sflag:s25] =	ssyncadd.s32 $0xFFFFF000  }
0xc6: {  	[spmem:s4] =	stream.indirect.scatter.add.f32 [tilespmem:s31], [sflag:$0xF], $0x20, s11, s19, $0xb8;
	[tilespmem:$0x1C000] =	vst v63  }
0xc7: {  	s10 =	sadd.s32 $0x5380, s10;
	_ =	swait.ge [sflag:s15], $0x1000  }
0xc8: {  	s5 =	sadd.s32 $0x400, s5;
	p0 =	sne.s32 s6, $0x0;
	[sflag:s15] =	ssyncset.done $0x0  }
0xc9: {  	s8 =	simm.s32 @p0 $0x9;
	[sflag:s15] =	ssyncadd.s32 $0xFFFFF000  }
0xca: {  	[spmem:s4] =	stream.indirect.scatter.add.f32 [tilespmem:s20], [sflag:$0x10], $0x20, s10, s19, $0xb8;
	[tilespmem:$0x1C000] =	vst v63  }
0xcb: {  	_ =	swait.ge @p0 [sflag:s8], $0x1000  }
0xcc: {  	s9 =	simm.s32 @p0 $0xA000;
	s11 =	simm.s32 @p0 $0x80;
	[sflag:s8] =	ssyncset.done @p0 $0x0  }
0xcd: {  	s10 =	simm.s32 @p0 $0xA;
	[sflag:s8] =	ssyncadd.s32 @p0 $0xFFFFF000;
	s8 =	sshra.s32 @p0 s6, $0x2  }
0xce: {  	[tilespmem:s9], [sflag:$0x1] =	stream.indirect.gather @p0 [spmem:s3], $0x20, s8, s11, $0xb8;
	[tilespmem:$0x1C000] =	vst v63  }
0xcf: {  	_ =	swait.ge @p0 [sflag:s10], $0x1000  }
0xd0: {  	[sflag:s10] =	ssyncset.done @p0 $0x0  }
0xd1: {  	s9 =	sadd.s32 @p0 $0x80, s8;
	[sflag:s10] =	ssyncadd.s32 @p0 $0xFFFFF000;
	s10 =	simm.s32 @p0 $0xB000  }
0xd2: {  	[tilespmem:s10], [sflag:$0x2] =	stream.indirect.gather @p0 [spmem:s3], $0x20, s9, s11, $0xb8;
	[tilespmem:$0x1C000] =	vst v63  }
0xd3: {  	s9 =	simm.s32 @p0 $0xB  }
0xd4: {  	_ =	swait.ge @p0 [sflag:s9], $0x1000  }
0xd5: {  	[sflag:s9] =	ssyncset.done @p0 $0x0  }
0xd6: {  	s10 =	sadd.s32 @p0 $0x100, s8;
	[sflag:s9] =	ssyncadd.s32 @p0 $0xFFFFF000;
	s9 =	simm.s32 @p0 $0xC000  }
0xd7: {  	[tilespmem:s9], [sflag:$0x3] =	stream.indirect.gather @p0 [spmem:s3], $0x20, s10, s11, $0xb8;
	[tilespmem:$0x1C000] =	vst v63  }
0xd8: {  	s9 =	simm.s32 @p0 $0xC  }
0xd9: {  	_ =	swait.ge @p0 [sflag:s9], $0x1000  }
0xda: {  	[sflag:s9] =	ssyncset.done @p0 $0x0  }
0xdb: {  	s10 =	sadd.s32 @p0 $0x180, s8;
	[sflag:s9] =	ssyncadd.s32 @p0 $0xFFFFF000;
	s9 =	simm.s32 @p0 $0xD000  }
0xdc: {  	[tilespmem:s9], [sflag:$0x4] =	stream.indirect.gather @p0 [spmem:s3], $0x20, s10, s11, $0xb8;
	[tilespmem:$0x1C000] =	vst v63  }
0xdd: {  	s9 =	simm.s32 @p0 $0xD  }
0xde: {  	_ =	swait.ge @p0 [sflag:s9], $0x1000  }
0xdf: {  	[sflag:s9] =	ssyncset.done @p0 $0x0  }
0xe0: {  	s10 =	sadd.s32 @p0 $0x200, s8;
	[sflag:s9] =	ssyncadd.s32 @p0 $0xFFFFF000;
	s9 =	simm.s32 @p0 $0xE000  }
0xe1: {  	[tilespmem:s9], [sflag:$0x5] =	stream.indirect.gather @p0 [spmem:s3], $0x20, s10, s11, $0xb8;
	[tilespmem:$0x1C000] =	vst v63  }
0xe2: {  	s9 =	simm.s32 @p0 $0xE  }
0xe3: {  	_ =	swait.ge @p0 [sflag:s9], $0x1000  }
0xe4: {  	[sflag:s9] =	ssyncset.done @p0 $0x0  }
0xe5: {  	s10 =	sadd.s32 @p0 $0x280, s8;
	[sflag:s9] =	ssyncadd.s32 @p0 $0xFFFFF000;
	s9 =	simm.s32 @p0 $0xF000  }
0xe6: {  	[tilespmem:s9], [sflag:$0x6] =	stream.indirect.gather @p0 [spmem:s3], $0x20, s10, s11, $0xb8;
	[tilespmem:$0x1C000] =	vst v63  }
0xe7: {  	s9 =	simm.s32 @p0 $0xF  }
0xe8: {  	_ =	swait.ge @p0 [sflag:s9], $0x1000  }
0xe9: {  	[sflag:s9] =	ssyncset.done @p0 $0x0  }
0xea: {  	s8 =	sadd.s32 @p0 $0x300, s8;
	[sflag:s9] =	ssyncadd.s32 @p0 $0xFFFFF000;
	s9 =	simm.s32 @p0 $0x10000  }
0xeb: {  	[tilespmem:s9], [sflag:$0x7] =	stream.indirect.gather @p0 [spmem:s3], $0x20, s8, s11, $0xb8;
	[tilespmem:$0x1C000] =	vst v63  }
0xec: {  	s8 =	simm.s32 @p0 $0x10  }
0xed: {  	_ =	swait.ge @p0 [sflag:s8], $0x1000  }
0xee: {  	s10 =	simm.s32 @!p0 $0x80;
	[sflag:s8] =	ssyncset.done @p0 $0x0  }
0xef: {  	s9 =	simm.s32 @!p0 $0xA000;
	[sflag:s8] =	ssyncadd.s32 @p0 $0xFFFFF000;
	s8 =	sshra.s32 @!p0 s6, $0x2  }
0xf0: {  	[tilespmem:s9], [sflag:$0x1] =	stream.indirect.gather @!p0 [spmem:s3], $0x20, s8, s10, $0xb8;
	[tilespmem:$0x1C000] =	vst v63  }
0xf1: {  	s8 =	simm.s32 @!p0 $0xB000  }
0xf2: {  	[tilespmem:s8], [sflag:$0x2] =	stream.indirect.gather @!p0 [spmem:s3], $0x20, s10, s10, $0xb8;
	[tilespmem:$0x1C000] =	vst v63  }
0xf3: {  	s9 =	simm.s32 @!p0 $0xC000;
	s8 =	simm.s32 @!p0 $0x100  }
0xf4: {  	[tilespmem:s9], [sflag:$0x3] =	stream.indirect.gather @!p0 [spmem:s3], $0x20, s8, s10, $0xb8;
	[tilespmem:$0x1C000] =	vst v63  }
0xf5: {  	s8 =	simm.s32 @!p0 $0x180;
	s9 =	simm.s32 @!p0 $0xD000  }
0xf6: {  	[tilespmem:s9], [sflag:$0x4] =	stream.indirect.gather @!p0 [spmem:s3], $0x20, s8, s10, $0xb8;
	[tilespmem:$0x1C000] =	vst v63  }
0xf7: {  	s8 =	simm.s32 @!p0 $0x200;
	s9 =	simm.s32 @!p0 $0xE000  }
0xf8: {  	[tilespmem:s9], [sflag:$0x5] =	stream.indirect.gather @!p0 [spmem:s3], $0x20, s8, s10, $0xb8;
	[tilespmem:$0x1C000] =	vst v63  }
0xf9: {  	s8 =	simm.s32 @!p0 $0x280;
	s9 =	simm.s32 @!p0 $0xF000  }
0xfa: {  	[tilespmem:s9], [sflag:$0x6] =	stream.indirect.gather @!p0 [spmem:s3], $0x20, s8, s10, $0xb8;
	[tilespmem:$0x1C000] =	vst v63  }
0xfb: {  	s6 =	sshra.s32 s6, $0x2;
	s8 =	simm.s32 @!p0 $0x300;
	s9 =	simm.s32 @!p0 $0x10000  }
0xfc: {  	[tilespmem:s9], [sflag:$0x7] =	stream.indirect.gather @!p0 [spmem:s3], $0x20, s8, s10, $0xb8;
	[tilespmem:$0x1C000] =	vst v63  }
0xfd: {  	s10 =	sadd.s32 $0x380, s6  }
0xfe: {  	[tilespmem:s20], [sflag:$0x8] =	stream.indirect.gather [spmem:s3], $0x20, s10, s19, $0xb8;
	[tilespmem:$0x1C000] =	vst v63  }
0xff: {  	_ =	swait.ge [sflag:s13], $0x1000  }
0x100: {  	[sflag:s13] =	ssyncset.done $0x0  }
0x101: {  	s12 =	sadd.s32 $0x5000, s6;
	s11 =	rddreg [dreg:$0x6];
	[sflag:s13] =	ssyncadd.s32 $0xFFFFF000  }
0x102: {  	[spmem:s4] =	stream.indirect.scatter.add.f32 [tilespmem:s11], [sflag:$0x9], $0x20, s12, s19, $0xb8;
	[tilespmem:$0x1C000] =	vst v63  }
0x103: {  	s8 =	sadd.s32 @p0 $0xFFFFFD80, s5;
	_ =	swait.ge [sflag:s21], $0x1000  }
0x104: {  	s8 =	simm.s32 @!p0 $0x80;
	[sflag:s21] =	ssyncset.done $0x0  }
0x105: {  	s8 =	sadd.s32 $0x5000, s8;
	s26 =	rddreg [dreg:$0x7];
	[sflag:s21] =	ssyncadd.s32 $0xFFFFF000  }
0x106: {  	[spmem:s4] =	stream.indirect.scatter.add.f32 [tilespmem:s26], [sflag:$0xA], $0x20, s8, s19, $0xb8;
	[tilespmem:$0x1C000] =	vst v63  }
0x107: {  	s8 =	sadd.s32 @p0 $0xFFFFFE00, s5;
	_ =	swait.ge [sflag:s22], $0x1000  }
0x108: {  	s8 =	simm.s32 @!p0 $0x100;
	[sflag:s22] =	ssyncset.done $0x0  }
0x109: {  	s28 =	rddreg [dreg:$0x8];
	s8 =	sadd.s32 $0x5000, s8;
	[sflag:s22] =	ssyncadd.s32 $0xFFFFF000  }
0x10a: {  	[spmem:s4] =	stream.indirect.scatter.add.f32 [tilespmem:s28], [sflag:$0xB], $0x20, s8, s19, $0xb8;
	[tilespmem:$0x1C000] =	vst v63  }
0x10b: {  	s8 =	sadd.s32 @p0 $0xFFFFFE80, s5;
	_ =	swait.ge [sflag:s14], $0x1000  }
0x10c: {  	s8 =	simm.s32 @!p0 $0x180;
	[sflag:s14] =	ssyncset.done $0x0  }
0x10d: {  	s29 =	rddreg [dreg:$0x9];
	s8 =	sadd.s32 $0x5000, s8;
	[sflag:s14] =	ssyncadd.s32 $0xFFFFF000  }
0x10e: {  	[spmem:s4] =	stream.indirect.scatter.add.f32 [tilespmem:s29], [sflag:$0xC], $0x20, s8, s19, $0xb8;
	[tilespmem:$0x1C000] =	vst v63  }
0x10f: {  	s8 =	sadd.s32 @p0 $0xFFFFFF00, s5;
	_ =	swait.ge [sflag:s23], $0x1000  }
0x110: {  	s8 =	simm.s32 @!p0 $0x200;
	[sflag:s23] =	ssyncset.done $0x0  }
0x111: {  	s30 =	rddreg [dreg:$0xa];
	s8 =	sadd.s32 $0x5000, s8;
	[sflag:s23] =	ssyncadd.s32 $0xFFFFF000  }
0x112: {  	[spmem:s4] =	stream.indirect.scatter.add.f32 [tilespmem:s30], [sflag:$0xD], $0x20, s8, s19, $0xb8;
	[tilespmem:$0x1C000] =	vst v63  }
0x113: {  	s8 =	sadd.s32 @p0 $0xFFFFFF80, s5;
	_ =	swait.ge [sflag:s24], $0x1000  }
0x114: {  	s8 =	simm.s32 @!p0 $0x280;
	[sflag:s24] =	ssyncset.done $0x0  }
0x115: {  	s31 =	rddreg [dreg:$0xb];
	s8 =	sadd.s32 $0x5000, s8;
	[sflag:s24] =	ssyncadd.s32 $0xFFFFF000  }
0x116: {  	[spmem:s4] =	stream.indirect.scatter.add.f32 [tilespmem:s31], [sflag:$0xE], $0x20, s8, s19, $0xb8;
	[tilespmem:$0x1C000] =	vst v63  }
0x117: {  	_ =	swait.ge [sflag:s25], $0x1000  }
0x118: {  	s5 =	simm.s32 @!p0 $0x300;
	[sflag:s25] =	ssyncset.done $0x0  }
0x119: {  	s5 =	sadd.s32 $0x5000, s5;
	s9 =	rddreg [dreg:$0xc];
	[sflag:s25] =	ssyncadd.s32 $0xFFFFF000  }
0x11a: {  	[spmem:s4] =	stream.indirect.scatter.add.f32 [tilespmem:s9], [sflag:$0xF], $0x20, s5, s19, $0xb8;
	[tilespmem:$0x1C000] =	vst v63  }
0x11b: {  	_ =	swait.ge [sflag:s15], $0x1000  }
0x11c: {  	[sflag:s15] =	ssyncset.done $0x0  }
0x11d: {  	s10 =	sadd.s32 $0x5380, s6;
	s11 =	simm.s32 $0x9;
	[sflag:s15] =	ssyncadd.s32 $0xFFFFF000  }
0x11e: {  	[spmem:s4] =	stream.indirect.scatter.add.f32 [tilespmem:s20], [sflag:$0x10], $0x20, s10, s19, $0xb8;
	[tilespmem:$0x1C000] =	vst v63  }
0x11f: {  	_ =	swait.ge [sflag:s11], $0x1000  }
0x120: {  	[sflag:s11] =	ssyncset.done $0x0  }
0x121: {  	s12 =	simm.s32 $0xA;
	[sflag:s11] =	ssyncadd.s32 $0xFFFFF000  }
0x122: {  	_ =	swait.ge [sflag:s12], $0x1000  }
0x123: {  	[sflag:s12] =	ssyncset.done $0x0  }
0x124: {  	s26 =	simm.s32 $0xB;
	[sflag:s12] =	ssyncadd.s32 $0xFFFFF000  }
0x125: {  	_ =	swait.ge [sflag:s26], $0x1000  }
0x126: {  	[sflag:s26] =	ssyncset.done $0x0  }
0x127: {  	s28 =	simm.s32 $0xC;
	[sflag:s26] =	ssyncadd.s32 $0xFFFFF000  }
0x128: {  	_ =	swait.ge [sflag:s28], $0x1000  }
0x129: {  	[sflag:s28] =	ssyncset.done $0x0  }
0x12a: {  	s29 =	simm.s32 $0xD;
	[sflag:s28] =	ssyncadd.s32 $0xFFFFF000  }
0x12b: {  	_ =	swait.ge [sflag:s29], $0x1000  }
0x12c: {  	[sflag:s29] =	ssyncset.done $0x0  }
0x12d: {  	[sflag:s29] =	ssyncadd.s32 $0xFFFFF000  }
0x12e: {  	_ =	swait.ge [sflag:s0], $0x1000  }
0x12f: {  	[sflag:s0] =	ssyncset.done $0x0  }
0x130: {  	[sflag:s0] =	ssyncadd.s32 $0xFFFFF000  }
0x131: {  	_ =	swait.ge [sflag:s1], $0x1000  }
0x132: {  	[sflag:s1] =	ssyncset.done $0x0  }
0x133: {  	[sflag:s1] =	ssyncadd.s32 $0xFFFFF000  }
0x134: {  	_ =	swait.ge [sflag:s2], $0x1000  }
0x135: {  	[sflag:s2] =	ssyncset.done $0x0  }
0x136: {  	[sflag:s2] =	ssyncadd.s32 $0xFFFFF000  }
0x137: {  	[bflag:$0x0] =	sbarrier.arrive $0xFFFF  }
0x138: {  	s30 =	rddreg [dreg:$0x10]  }
0x139: {  	[hbm:s30], [sflag:s7] =	dma.local [spmem:s17], $0xA00  }
0x13a: {  	_ =	swait.ge [sflag:s16], $0xA00  }
0x13b: {  	s18 =	sadd.s32 $0x1, s18;
	s31 =	rddreg [dreg:$0x11]  }
0x13c: {  	p0 =	sne.s32 s18, s31  }
.Ltmp1:
0x13d: {  	_ = 	snop;
	(pc) =	sbr.rel @p0 .LBB2_1-.Ltmp1, $3  }
0x13e: {  	_ =	sdelay $0x1  }
0x13f: {  	[sflag:s16] =	ssyncset.done $0x0  }
0x140: {  	[sflag:s16] =	ssyncadd.s32 $0xFFFFF600  }
0x141: {  	_ =	sfence.sel $0x180000  }
0x142: {  	[bflag:$0x0] =	sbarrier.arrive $0xFFFF  }
0x143: {  	_ =	strace $0x90000050  }
0x144: {  	s0 =	stileid.u32;
	[bflag:$0x2] =	sbarrier.arrive $0xFFFF  }
0x145: {  	p0 =	sne.s32 s0, $0x0;
	s0 =	rddreg [dreg:$0x5]  }
0x146: {  	s0 =	sadd.s32 @!p0 $0x100000, s0  }
0x147: {  	[sflag:s0] =	ssyncadd.tile.s32 @!p0 $0x1;
	_ =	shalt  }
.Lfunc_end2:
_tile_overlayer_lowered:
.L_overlay_start_2:
0x148: {  	(tag) =	ssettag $0x2  }
0x149: {  	s0 =	rddreg [dreg:$0x0];
	s2 =	stileid.u32  }
0x14a: {  	s1 =	rddreg [dreg:$0x1];
	p0 =	sne.s32 s2, $0x0  }
0x14b: {  	s3 =	rddreg [dreg:$0x2];
	[bflag:$0x3] =	sbarrier.arrive $0xFFFF;
	s2 =	simm.s32 @!p0 $0x1C11  }
0x14c: {  	[timem:s3], [sflag:s2] =	dma.local @!p0 [hbm:s0], s1  }
0x14d: {  	s0 =	simm.s32 @!p0 $0x11  }
0x14e: {  	_ =	swait.ge @!p0 [sflag:s0], s1  }
0x14f: {  	s1 =	ssub.s32 @!p0 $0x0, s1;
	[sflag:s0] =	ssyncset.done @!p0 $0x0  }
0x150: {  	[sflag:s0] =	ssyncadd.s32 @!p0 s1  }
0x151: {  	[bflag:$0x3] =	sbarrier.arrive $0xFFFF  }
0x152: {  	_ =	shalt  }

// kernel: kernel.24.cloned.1.call-start
scs
__scs_entry_jumppad:
0x0: {  	(pc) =	sbr.rel $0x88, $3  }
0x1: {  	(tag) =	ssettag $0x0;
	lr =	simm.s32 $0x1  }
0x2: {  	[smem:$0x3F91] =	sst lr;
	_ =	strace $0xD0000000  }
0x3: {  	_ = 	snop  }
0x4: {  	_ = 	snop  }
0x5: {  	_ = 	snop  }
0x6: {  	_ = 	snop  }
0x7: {  	_ = 	snop  }
__scs_overlays_trampoline_lowered:
0x8: {  	[smem:$0x3FA0] =	sst s0  }
0x9: {  	[smem:$0x3FA1] =	sst s1  }
0xa: {  	[smem:$0x3FA2] =	sst s2  }
0xb: {  	[smem:$0x3FA3] =	sst s3  }
0xc: {  	[smem:$0x3FA4] =	sst s4  }
0xd: {  	[smem:$0x3FA5] =	sst s5  }
0xe: {  	[smem:$0x3FA6] =	sst s6  }
0xf: {  	[smem:$0x3FA7] =	sst s7  }
0x10: {  	[smem:$0x3FA8] =	sst s8  }
0x11: {  	[smem:$0x3FA9] =	sst s9;
	s0 =	simm.s32 @!p0 $0x0  }
0x12: {  	s1 =	sld [smem:$0x3F8F];
	s0 =	simm.s32 @p0 $0x1  }
0x13: {  	[smem:$0x3FAA] =	sst s0;
	s0 =	simm.s32 @!p1 $0x0  }
0x14: {  	s2 =	sld [smem:$0x3F8E];
	s0 =	simm.s32 @p1 $0x1  }
0x15: {  	[smem:$0x3FAB] =	sst s0;
	s0 =	simm.s32 @!p2 $0x0  }
0x16: {  	s3 =	sld [smem:$0x3FDB];
	s0 =	simm.s32 @p2 $0x1  }
0x17: {  	s4 =	simm.s32 $0x1BF5;
	[smem:$0x3FAD] =	sst s0  }
0x18: {  	s0 =	sld [smem:$0x3F90];
	_ =	swait.ge [sflag:s4], $0x0  }
0x19: {  	s7 =	sld [smem:$0x3F91]  }
0x1a: {  	s8 =	sadd.s32 $0xFFFFE003, lr  }
0x1b: {  	s9 =	sadd.s32 $0xFFFFFEF7, lr;
	s5 =	simm.s32 $0xFFFFFFFF;
	p2 =	slt.u32 s8, $0xFFFFF086  }
0x1c: {  	p1 =	slt.u32 s9, $0xF7A;
	s5 =	simm.s32 @!p2 $0x0  }
0x1d: {  	s5 =	simm.s32 @p1 $0x1;
	p0 =	seq.s32 s7, s2  }
0x1e: {  	s7 =	smul.u32 @!p0 $0xF7A, s2;
	p2 =	seq.s32 @!p0 s5, $0x0  }
0x1f: {  	s9 =	smul.u32 $0xF7A, s1;
	s8 =	simm.s32 @!p0 $0x1BF5;
	p2 =	por !p2, p0  }
0x20: {  	[sflag:s8] =	ssyncset.s32 @!p0 $0xFFFFF086;
	s6 =	sadd.s32 @!p0 s3, s7;
	s7 =	simm.s32 @!p0 $0x108  }
0x21: {  	s3 =	sadd.s32 s3, s9;
	s6 =	sadd.s32 @!p0 $0x88, s6;
	s7 =	simm.s32 @p2 $0x1082  }
0x22: {  	[simem:s7], [sflag:s8] =	dma.local @!p0 [hbm:s6], $0xF7A  }
0x23: {  	s9 =	sor.u32 $0xD0000000, s2;
	s6 =	simm.s32 $0x108;
	_ =	swait.ge @!p0 [sflag:s8], $0x0  }
0x24: {  	s3 =	sadd.s32 $0x88, s3;
	s6 =	simm.s32 @!p1 $0x1082;
	[sflag:s4] =	ssyncset.s32 $0xFFFFF086  }
0x25: {  	[simem:s6], [sflag:s4] =	dma.local [hbm:s3], $0xF7A  }
0x26: {  	[smem:$0x3F91] =	sst s1;
	(tag) =	ssettag s2;
	_ =	strace s9  }
0x27: {  	s1 =	sld [smem:$0x3FA1]  }
0x28: {  	s2 =	sld [smem:$0x3FA2]  }
0x29: {  	s4 =	sld [smem:$0x3FA4]  }
0x2a: {  	p0 =	seq.s32 s5, $0x0;
	s5 =	sld [smem:$0x3FA5]  }
0x2b: {  	s6 =	sld [smem:$0x3FA6]  }
0x2c: {  	s7 =	sld [smem:$0x3FA7]  }
0x2d: {  	s3 =	simm.s32 $0x108;
	s8 =	sld [smem:$0x3FA8]  }
0x2e: {  	s3 =	simm.s32 @!p0 $0x1082;
	s9 =	sld [smem:$0x3FA9]  }
0x2f: {  	lr =	sadd.s32 s0, s3;
	s0 =	sld [smem:$0x3FA0]  }
0x30: {  	s3 =	sld [smem:$0x3FA3]  }
0x31: {  	[smem:$0x3FAC] =	sst s10  }
0x32: {  	s10 =	sld [smem:$0x3FAA];
	_ =	sdelay $0x3  }
0x33: {  	p0 =	seq.s32 s10, $0x1;
	s10 =	sld [smem:$0x3FAC];
	_ =	sdelay $0x3  }
0x34: {  	[smem:$0x3FAC] =	sst s10  }
0x35: {  	s10 =	sld [smem:$0x3FAB];
	_ =	sdelay $0x3  }
0x36: {  	p1 =	seq.s32 s10, $0x1;
	s10 =	sld [smem:$0x3FAC];
	_ =	sdelay $0x3  }
0x37: {  	[smem:$0x3FAC] =	sst s10  }
0x38: {  	s10 =	sld [smem:$0x3FAD]  }
0x39: {  	_ = 	snop;
	(pc) =	sbr.ind lr, $3  }
0x3a: {  	_ = 	snop  }
0x3b: {  	_ = 	snop  }
0x3c: {  	p2 =	seq.s32 s10, $0x1;
	s10 =	sld [smem:$0x3FAC]  }
0x3d: {  	_ =	shalt  }
0x3e: {  	_ =	shalt  }
0x3f: {  	_ =	shalt  }
0x40: {  	_ =	shalt  }
0x41: {  	_ =	shalt  }
0x42: {  	_ =	shalt  }
0x43: {  	_ =	shalt  }
0x44: {  	_ =	shalt  }
0x45: {  	_ =	shalt  }
0x46: {  	_ =	shalt  }
0x47: {  	_ =	shalt  }
0x48: {  	_ =	shalt  }
0x49: {  	_ =	shalt  }
0x4a: {  	_ =	shalt  }
0x4b: {  	_ =	shalt  }
0x4c: {  	_ =	shalt  }
0x4d: {  	_ =	shalt  }
0x4e: {  	_ =	shalt  }
0x4f: {  	_ =	shalt  }
0x50: {  	_ =	shalt  }
0x51: {  	_ =	shalt  }
0x52: {  	_ =	shalt  }
0x53: {  	_ =	shalt  }
0x54: {  	_ =	shalt  }
0x55: {  	_ =	shalt  }
0x56: {  	_ =	shalt  }
0x57: {  	_ =	shalt  }
0x58: {  	_ =	shalt  }
0x59: {  	_ =	shalt  }
0x5a: {  	_ =	shalt  }
0x5b: {  	_ =	shalt  }
0x5c: {  	_ =	shalt  }
0x5d: {  	_ =	shalt  }
0x5e: {  	_ =	shalt  }
0x5f: {  	_ =	shalt  }
0x60: {  	_ =	shalt  }
0x61: {  	_ =	shalt  }
0x62: {  	_ =	shalt  }
0x63: {  	_ =	shalt  }
0x64: {  	_ =	shalt  }
0x65: {  	_ =	shalt  }
0x66: {  	_ =	shalt  }
0x67: {  	_ =	shalt  }
0x68: {  	_ =	shalt  }
0x69: {  	_ =	shalt  }
0x6a: {  	_ =	shalt  }
0x6b: {  	_ =	shalt  }
0x6c: {  	_ =	shalt  }
0x6d: {  	_ =	shalt  }
0x6e: {  	_ =	shalt  }
0x6f: {  	_ =	shalt  }
0x70: {  	_ =	shalt  }
0x71: {  	_ =	shalt  }
0x72: {  	_ =	shalt  }
0x73: {  	_ =	shalt  }
0x74: {  	_ =	shalt  }
0x75: {  	_ =	shalt  }
0x76: {  	_ =	shalt  }
0x77: {  	_ =	shalt  }
0x78: {  	_ =	shalt  }
0x79: {  	_ =	shalt  }
0x7a: {  	_ =	shalt  }
0x7b: {  	_ =	shalt  }
0x7c: {  	_ =	shalt  }
0x7d: {  	_ =	shalt  }
0x7e: {  	_ =	shalt  }
0x7f: {  	_ =	shalt  }
0x80: {  	_ =	shalt  }
0x81: {  	_ =	shalt  }
0x82: {  	_ =	shalt  }
0x83: {  	_ =	shalt  }
0x84: {  	_ =	shalt  }
0x85: {  	_ =	shalt  }
0x86: {  	_ =	shalt  }
0x87: {  	_ =	shalt  }
.Lfunc_end0:
.L_simem_size_0:
called_computation.4_lowered:
.L_overlay_start_0:
0x88: {  	s2 =	sld [smem:$0x3FD9]  }
0x89: {  	s3 =	sld [smem:$0x3FFE];
	_ =	sdelay $0x1  }
0x8a: {  	s1 =	srdreg.scid  }
0x8b: {  	s0 =	sand.u32 $0x1, s1  }
0x8c: {  	s14 =	sshll.u32 s0, $0xA;
	s2 =	sadd.s32 s3, s2  }
0x8d: {  	s2 =	sadd.s32 s2, s14  }
0x8e: {  	[smem:$0x3FB8] =	sst s2  }
0x8f: {  	_ = 	snop  }
0x90: {  	s2 =	sld [smem:$0x3FD0];
	_ =	sdelay $0x2  }
0x91: {  	s15 =	simm.s32 $0xA;
	s4 =	simm.s32 $0x10  }
0x92: {  	[smem:s4], [sflag:s15] =	dma.local [hbm:s2], $0x1  }
0x93: {  	_ =	swait.eq [sflag:s15], $0x1  }
0x94: {  	[sflag:s15] =	ssyncset.done $0x0  }
0x95: {  	s16 =	sld [smem:$0x10];
	[sflag:s15] =	ssyncadd.s32 $0xFFFFFFFF  }
0x96: {  	s17 =	sld [smem:$0x11];
	(tm) =	ssettm $0x1  }
0x97: {  	s18 =	sld [smem:$0x3FFB];
	_ =	sdelay $0x3  }
0x98: {  	_ =	strace s18  }
0x99: {  	s4 =	sld [smem:$0x3FFC];
	_ =	sdelay $0x3  }
0x9a: {  	_ =	strace s4  }
0x9b: {  	s4 =	sld [smem:$0x3FFD];
	_ =	sdelay $0x3  }
0x9c: {  	_ =	strace s4  }
0x9d: {  	_ =	strace $0x8FFFFFFF  }
0x9e: {  	s19 =	sld [smem:$0x3FDB];
	_ =	sdelay $0x1  }
0x9f: {  	s5 =	simm.s32 $_scs_section_size  }
0xa0: {  	s6 =	simm.s32 $_size__tile_overlayer_lowered;
	s7 =	simm.s32 $_tile_overlayer_lowered  }
0xa1: {  	s22 =	simm.s32 $0x1BFF;
	s21 =	sshll.u32 s7, $0x1;
	s4 =	sadd.s32 s5, s19  }
0xa2: {  	s8 =	simm.s32 $0x0;
	s20 =	sshll.u32 s6, $0x1;
	s6 =	sadd.s32 s21, s4  }
0xa3: {  	[timem:s8], [sflag:s22] =	dma.local [hbm:s6], s20  }
0xa4: {  	_ =	swait.ge [sflag:s22], s20  }
0xa5: {  	s5 =	ssub.s32 $0x0, s20;
	[sflag:s22] =	ssyncset.done $0x0  }
0xa6: {  	[sflag:s22] =	ssyncadd.s32 s5;
	_ =	sdelay $0x1  }
0xa7: {  	s23 =	simm.s32 $0x1B8B  }
0xa8: {  	_ =	swait.ge [sflag:s23], $0x1  }
0xa9: {  	[sflag:s23] =	ssyncset.done $0x0  }
0xaa: {  	s25 =	simm.s32 $0x1B8E;
	s24 =	sld [smem:$0x3FFE];
	[sflag:s23] =	ssyncadd.s32 $0xFFFFFFFF  }
0xab: {  	s26 =	simm.s32 $execute0_lowered;
	[smem:$0x3FD2] =	sst s25  }
0xac: {  	s6 =	sshll.u32 s26, $0x1;
	_ =	strace $0x80000052;
	[dreg:$0x1] =	wrdreg $0xFFFFFFFF  }
0xad: {  	s28 =	simm.s32 $_size_execute0_lowered;
	s4 =	sadd.s32 s4, s6;
	[dreg:$0x0] =	wrdreg $0x0  }
0xae: {  	s6 =	sshll.u32 s28, $0x1;
	[dreg:$0x2] =	wrdreg s4  }
0xaf: {  	[dreg:$0x3] =	wrdreg s6  }
0xb0: {  	[dreg:$0x4] =	wrdreg $0xC0  }
0xb1: {  	_ =	task [dreg:s8], $0x5FFFF  }
0xb2: {  	[dreg:$0x1] =	wrdreg $0xFFFFFFFF  }
0xb3: {  	[dreg:$0x0] =	wrdreg $0x60  }
0xb4: {  	[dreg:$0x2] =	wrdreg s24  }
0xb5: {  	[dreg:$0x3] =	wrdreg s16  }
0xb6: {  	[dreg:$0x4] =	wrdreg s17  }
0xb7: {  	[dreg:$0x5] =	wrdreg $0x170000  }
0xb8: {  	[dreg:$0x6] =	wrdreg $0x120000  }
0xb9: {  	[dreg:$0x7] =	wrdreg $0x9  }
0xba: {  	_ =	task.clear_ibuf [dreg:s8], $0x8FFFF;
	_ =	strace $0x90000052  }
0xbb: {  	s29 =	simm.s32 $0x9;
	_ =	strace $0x80000054  }
0xbc: {  	_ =	swait.ge [sflag:s29], $0x1  }
0xbd: {  	[sflag:s29] =	ssyncadd.s32 $0xFFFFFFFF  }
0xbe: {  	_ =	strace $0x90000054  }
0xbf: {  	_ =	sfence  }
0xc0: {  	s30 =	sld [smem:$0x0];
	_ =	sdelay $0x2  }
0xc1: {  	s31 =	sshll.u32 s1, $0xD;
	s1 =	sshrl.u32 s1, $0x2  }
0xc2: {  	s3 =	sand.u32 $0x4000, s31;
	s1 =	sadd.s32 s1, s30  }
0xc3: {  	s0 =	sor.u32 s3, s0;
	s1 =	sshll.u32 s1, $0x11  }
0xc4: {  	s0 =	sor.u32 s1, s0  }
0xc5: {  	s0 =	sadd.s32 $0x8F2B, s0  }
0xc6: {  	[sflag:s0] =	ssyncadd.remote.s32 $0x1  }
0xc7: {  	_ =	sfence.sel $0xFFFF  }
0xc8: {  	[dreg:$0x0] =	wrdreg $0xFFFFFFFF;
	(pc) =	sbr.abs _section_cstart, $3  }
0xc9: {  	[dreg:$0x1] =	wrdreg $0xFFFFFFFF  }
0xca: {  	_ =	task.clear_ibuf [dreg:s8], $0x2FFFF;
	_ =	strace $0x9FFFFFFF  }
0xcb: {  	(tm) =	ssettm $0x7FFFFFFF  }
tec
execute0_lowered:
.L_overlay_start_1:
0x0: {  	(tag) =	ssettag $0x1  }
0x1: {  	s0 =	rddreg [dreg:$0x0]  }
0x2: {  	s1 =	rddreg [dreg:$0x1]  }
0x3: {  	s3 =	rddreg [dreg:$0x3]  }
0x4: {  	s4 =	rddreg [dreg:$0x4];
	s2 =	srdreg.scid  }
0x5: {  	s11 =	stileid.u32;
	s7 =	simm.s32 $0x0;
	s13 =	simm.s32 $0x1  }
0x6: {  	s14 =	simm.s32 $0x4;
	s15 =	simm.s32 $0x8;
	s16 =	simm.s32 $0x11  }
0x7: {  	s24 =	simm.s32 $0xA000;
	s25 =	simm.s32 $0xB000;
	s26 =	simm.s32 $0xC000  }
0x8: {  	s28 =	simm.s32 $0xD000;
	s29 =	simm.s32 $0xE000;
	[smem:$0x7FF] =	sst s7  }
0x9: {  	s30 =	simm.s32 $0xF000;
	_ =	strace $0x80000053;
	[dreg:$0x6] =	wrdreg s24  }
0xa: {  	s31 =	simm.s32 $0x10000;
	s5 =	smul.u32 $0xA000, s11;
	[dreg:$0x7] =	wrdreg s25  }
0xb: {  	s2 =	sand.u32 $0x1, s2;
	s8 =	smul.u32 $0x5000, s11;
	[dreg:$0x8] =	wrdreg s26  }
0xc: {  	s9 =	smul.u32 $0xA00, s11;
	s19 =	sshll.u32 s11, $0x6;
	[dreg:$0x9] =	wrdreg s28  }
0xd: {  	s6 =	sshll.u32 s2, $0x5;
	s17 =	smul.u32 $0x50000, s2;
	[dreg:$0xa] =	wrdreg s29  }
0xe: {  	s2 =	ssub.s32 $0x2, s2;
	s7 =	sor.u32 $0x1C11, s19;
	[dreg:$0xb] =	wrdreg s30  }
0xf: {  	s19 =	simm.s32 $0x80;
	s24 =	simm.s32 $0x6;
	[dreg:$0xc] =	wrdreg s31  }
0x10: {  	s25 =	simm.s32 $0x7;
	s5 =	sor.u32 s6, s5;
	s10 =	sadd.s32 s9, s0  }
0x11: {  	s18 =	sshrl.u32 s2, $0x1;
	s12 =	sadd.s32 s8, s3;
	s20 =	sadd.s32 s8, s4  }
0x12: {  	s1 =	sadd.s32 s1, s9;
	s5 =	sshrl.u32 s5, $0x3;
	s6 =	sadd.s32 s8, s17  }
0x13: {  	s2 =	ssub.s32 s2, s18;
	s21 =	sadd.s32 $0x3C00, s10;
	[dreg:$0xf] =	wrdreg s1  }
0x14: {  	s23 =	sshrl.u32 s12, $0x3;
	s17 =	sshrl.u32 s20, $0x3;
	s20 =	simm.s32 $0x11000  }
0x15: {  	s1 =	simm.s32 $0xF;
	s18 =	simm.s32 $0x0;
	s5 =	sadd.s32 s5, s0  }
0x16: {  	s6 =	sshrl.u32 s6, $0x3;
	[dreg:$0xe] =	wrdreg s21;
	s22 =	smax.u32 s2, $0x1  }
0x17: {  	[dreg:$0x12] =	wrdreg s23;
	s21 =	simm.s32 $0x2;
	s23 =	simm.s32 $0x5  }
0x18: {  	s0 =	sadd.s32 s6, s0;
	s5 =	sadd.s32 $0xDC00, s5;
	[dreg:$0x11] =	wrdreg s22  }
0x19: {  	s2 =	simm.s32 $0x10;
	[dreg:$0xd] =	wrdreg s5;
	s0 =	sadd.s32 $0x21C00, s0  }
0x1a: {  	s22 =	simm.s32 $0x3;
	[dreg:$0x10] =	wrdreg s0;
	s0 =	simm.s32 $0xE  }
.LBB2_1:
0x1b: {  	s5 =	rddreg [dreg:$0xd]  }
0x1c: {  	s6 =	rddreg [dreg:$0x12]  }
0x1d: {  	[spmem:s6@s14], [sflag:s7] =	dma.strided [hbm:s5@s15], $0xA00, s13, $0x4   }
0x1e: {  	_ =	swait.ge [sflag:s16], $0xA00  }
0x1f: {  	[sflag:s16] =	ssyncset.done $0x0  }
0x20: {  	[sflag:s16] =	ssyncadd.s32 $0xFFFFF600  }
0x21: {  	s28 =	rddreg [dreg:$0x2]  }
0x22: {  	[spmem:s17], [sflag:s7] =	dma.local [hbm:s28], $0xA00  }
0x23: {  	_ =	swait.ge [sflag:s16], $0xA00  }
0x24: {  	[sflag:s16] =	ssyncset.done $0x0  }
0x25: {  	s29 =	simm.s32 $0x0;
	s30 =	rddreg [dreg:$0xe];
	[sflag:s16] =	ssyncadd.s32 $0xFFFFF600  }
0x26: {  	[tilespmem:s29], [sflag:$0x11] =	stream.linear.gather [hbm4b:s30+s29], $0x5000, $0x38;
	[tilespmem:$0x1C000] =	vst v63  }
0x27: {  	_ =	swait.ge [sflag:s16], $0x5000  }
0x28: {  	[sflag:s16] =	ssyncset.done $0x0  }
0x29: {  	s8 =	simm.s32 $0x5000;
	s31 =	rddreg [dreg:$0xf];
	[sflag:s16] =	ssyncadd.s32 $0xFFFFB000  }
0x2a: {  	[tilespmem:s8], [sflag:$0x11] =	stream.linear.gather [hbm4b:s31+s29], $0x5000, $0x38;
	[tilespmem:$0x1C000] =	vst v63  }
0x2b: {  	_ =	swait.ge [sflag:s16], $0x5000  }
0x2c: {  	[sflag:s16] =	ssyncset.done $0x0  }
0x2d: {  	p0 =	por $0x0, $0x0;
	[sflag:s16] =	ssyncadd.s32 $0xFFFFB000  }
0x2e: {  	s5 =	simm.s32 @p0 $0x9;
	[bflag:$0x0] =	sbarrier.arrive $0xFFFF  }
0x2f: {  	_ =	swait.ge @p0 [sflag:s5], $0x1000  }
0x30: {  	s6 =	simm.s32 @p0 $0xA000;
	s9 =	simm.s32 @p0 $0x80;
	[sflag:s5] =	ssyncset.done @p0 $0x0  }
0x31: {  	s8 =	simm.s32 @p0 $0xA;
	[sflag:s5] =	ssyncadd.s32 @p0 $0xFFFFF000;
	s5 =	simm.s32 @p0 $0x0  }
0x32: {  	[tilespmem:s6], [sflag:$0x1] =	stream.indirect.gather @p0 [spmem:s3], $0x20, s5, s9, $0xb8;
	[tilespmem:$0x1C000] =	vst v63  }
0x33: {  	_ =	swait.ge @p0 [sflag:s8], $0x1000  }
0x34: {  	s5 =	simm.s32 @p0 $0x80;
	[sflag:s8] =	ssyncset.done @p0 $0x0  }
0x35: {  	s6 =	simm.s32 @p0 $0xB000;
	[sflag:s8] =	ssyncadd.s32 @p0 $0xFFFFF000;
	s8 =	simm.s32 @p0 $0xB  }
0x36: {  	[tilespmem:s6], [sflag:$0x2] =	stream.indirect.gather @p0 [spmem:s3], $0x20, s5, s9, $0xb8;
	[tilespmem:$0x1C000] =	vst v63  }
0x37: {  	_ =	swait.ge @p0 [sflag:s8], $0x1000  }
0x38: {  	s5 =	simm.s32 @p0 $0x100;
	[sflag:s8] =	ssyncset.done @p0 $0x0  }
0x39: {  	s6 =	simm.s32 @p0 $0xC000;
	[sflag:s8] =	ssyncadd.s32 @p0 $0xFFFFF000;
	s8 =	simm.s32 @p0 $0xC  }
0x3a: {  	[tilespmem:s6], [sflag:$0x3] =	stream.indirect.gather @p0 [spmem:s3], $0x20, s5, s9, $0xb8;
	[tilespmem:$0x1C000] =	vst v63  }
0x3b: {  	_ =	swait.ge @p0 [sflag:s8], $0x1000  }
0x3c: {  	s5 =	simm.s32 @p0 $0x180;
	[sflag:s8] =	ssyncset.done @p0 $0x0  }
0x3d: {  	s6 =	simm.s32 @p0 $0xD000;
	[sflag:s8] =	ssyncadd.s32 @p0 $0xFFFFF000;
	s8 =	simm.s32 @p0 $0xD  }
0x3e: {  	[tilespmem:s6], [sflag:$0x4] =	stream.indirect.gather @p0 [spmem:s3], $0x20, s5, s9, $0xb8;
	[tilespmem:$0x1C000] =	vst v63  }
0x3f: {  	_ =	swait.ge @p0 [sflag:s8], $0x1000  }
0x40: {  	s5 =	simm.s32 @p0 $0x200;
	[sflag:s8] =	ssyncset.done @p0 $0x0  }
0x41: {  	s6 =	simm.s32 @p0 $0xE000;
	[sflag:s8] =	ssyncadd.s32 @p0 $0xFFFFF000;
	s8 =	simm.s32 @p0 $0xE  }
0x42: {  	[tilespmem:s6], [sflag:$0x5] =	stream.indirect.gather @p0 [spmem:s3], $0x20, s5, s9, $0xb8;
	[tilespmem:$0x1C000] =	vst v63  }
0x43: {  	_ =	swait.ge @p0 [sflag:s8], $0x1000  }
0x44: {  	s5 =	simm.s32 @p0 $0x280;
	[sflag:s8] =	ssyncset.done @p0 $0x0  }
0x45: {  	s6 =	simm.s32 @p0 $0xF000;
	[sflag:s8] =	ssyncadd.s32 @p0 $0xFFFFF000;
	s8 =	simm.s32 @p0 $0xF  }
0x46: {  	[tilespmem:s6], [sflag:$0x6] =	stream.indirect.gather @p0 [spmem:s3], $0x20, s5, s9, $0xb8;
	[tilespmem:$0x1C000] =	vst v63  }
0x47: {  	_ =	swait.ge @p0 [sflag:s8], $0x1000  }
0x48: {  	s5 =	simm.s32 @p0 $0x300;
	[sflag:s8] =	ssyncset.done @p0 $0x0  }
0x49: {  	s6 =	simm.s32 @p0 $0x10000;
	[sflag:s8] =	ssyncadd.s32 @p0 $0xFFFFF000;
	s8 =	simm.s32 @p0 $0x10  }
0x4a: {  	[tilespmem:s6], [sflag:$0x7] =	stream.indirect.gather @p0 [spmem:s3], $0x20, s5, s9, $0xb8;
	[tilespmem:$0x1C000] =	vst v63  }
0x4b: {  	_ =	swait.ge @p0 [sflag:s8], $0x1000  }
0x4c: {  	s5 =	simm.s32 @!p0 $0xA000;
	[sflag:s8] =	ssyncset.done @p0 $0x0  }
0x4d: {  	s6 =	simm.s32 @!p0 $0x0;
	[sflag:s8] =	ssyncadd.s32 @p0 $0xFFFFF000;
	s8 =	simm.s32 @!p0 $0x80  }
0x4e: {  	[tilespmem:s5], [sflag:$0x1] =	stream.indirect.gather @!p0 [spmem:s3], $0x20, s6, s8, $0xb8;
	[tilespmem:$0x1C000] =	vst v63  }
0x4f: {  	s5 =	simm.s32 @!p0 $0xB000  }
0x50: {  	[tilespmem:s5], [sflag:$0x2] =	stream.indirect.gather @!p0 [spmem:s3], $0x20, s8, s8, $0xb8;
	[tilespmem:$0x1C000] =	vst v63  }
0x51: {  	s6 =	simm.s32 @!p0 $0xC000;
	s5 =	simm.s32 @!p0 $0x100  }
0x52: {  	[tilespmem:s6], [sflag:$0x3] =	stream.indirect.gather @!p0 [spmem:s3], $0x20, s5, s8, $0xb8;
	[tilespmem:$0x1C000] =	vst v63  }
0x53: {  	s5 =	simm.s32 @!p0 $0x180;
	s6 =	simm.s32 @!p0 $0xD000  }
0x54: {  	[tilespmem:s6], [sflag:$0x4] =	stream.indirect.gather @!p0 [spmem:s3], $0x20, s5, s8, $0xb8;
	[tilespmem:$0x1C000] =	vst v63  }
0x55: {  	s5 =	simm.s32 @!p0 $0x200;
	s6 =	simm.s32 @!p0 $0xE000  }
0x56: {  	[tilespmem:s6], [sflag:$0x5] =	stream.indirect.gather @!p0 [spmem:s3], $0x20, s5, s8, $0xb8;
	[tilespmem:$0x1C000] =	vst v63  }
0x57: {  	s5 =	simm.s32 @!p0 $0x280;
	s6 =	simm.s32 @!p0 $0xF000  }
0x58: {  	[tilespmem:s6], [sflag:$0x6] =	stream.indirect.gather @!p0 [spmem:s3], $0x20, s5, s8, $0xb8;
	[tilespmem:$0x1C000] =	vst v63  }
0x59: {  	s5 =	simm.s32 @!p0 $0x300;
	s6 =	simm.s32 @!p0 $0x10000  }
0x5a: {  	[tilespmem:s6], [sflag:$0x7] =	stream.indirect.gather @!p0 [spmem:s3], $0x20, s5, s8, $0xb8;
	[tilespmem:$0x1C000] =	vst v63  }
0x5b: {  	s9 =	simm.s32 $0x380  }
0x5c: {  	[tilespmem:s20], [sflag:$0x8] =	stream.indirect.gather [spmem:s3], $0x20, s9, s19, $0xb8;
	[tilespmem:$0x1C000] =	vst v63  }
0x5d: {  	_ =	swait.ge [sflag:s13], $0x1000  }
0x5e: {  	[sflag:s13] =	ssyncset.done $0x0  }
0x5f: {  	s11 =	simm.s32 $0x5000;
	s10 =	rddreg [dreg:$0x6];
	[sflag:s13] =	ssyncadd.s32 $0xFFFFF000  }
0x60: {  	[spmem:s4] =	stream.indirect.scatter.add.f32 [tilespmem:s10], [sflag:$0x9], $0x20, s11, s19, $0xb8;
	[tilespmem:$0x1C000] =	vst v63  }
0x61: {  	s5 =	simm.s32 @p0 $0x80;
	_ =	swait.ge [sflag:s21], $0x1000  }
0x62: {  	s5 =	simm.s32 @!p0 $0x80;
	[sflag:s21] =	ssyncset.done $0x0  }
0x63: {  	s5 =	sadd.s32 $0x5000, s5;
	s12 =	rddreg [dreg:$0x7];
	[sflag:s21] =	ssyncadd.s32 $0xFFFFF000  }
0x64: {  	[spmem:s4] =	stream.indirect.scatter.add.f32 [tilespmem:s12], [sflag:$0xA], $0x20, s5, s19, $0xb8;
	[tilespmem:$0x1C000] =	vst v63  }
0x65: {  	s5 =	simm.s32 @p0 $0x100;
	_ =	swait.ge [sflag:s22], $0x1000  }
0x66: {  	s5 =	simm.s32 @!p0 $0x100;
	[sflag:s22] =	ssyncset.done $0x0  }
0x67: {  	s26 =	rddreg [dreg:$0x8];
	s5 =	sadd.s32 $0x5000, s5;
	[sflag:s22] =	ssyncadd.s32 $0xFFFFF000  }
0x68: {  	[spmem:s4] =	stream.indirect.scatter.add.f32 [tilespmem:s26], [sflag:$0xB], $0x20, s5, s19, $0xb8;
	[tilespmem:$0x1C000] =	vst v63  }
0x69: {  	s5 =	simm.s32 @p0 $0x180;
	_ =	swait.ge [sflag:s14], $0x1000  }
0x6a: {  	s5 =	simm.s32 @!p0 $0x180;
	[sflag:s14] =	ssyncset.done $0x0  }
0x6b: {  	s28 =	rddreg [dreg:$0x9];
	s5 =	sadd.s32 $0x5000, s5;
	[sflag:s14] =	ssyncadd.s32 $0xFFFFF000  }
0x6c: {  	[spmem:s4] =	stream.indirect.scatter.add.f32 [tilespmem:s28], [sflag:$0xC], $0x20, s5, s19, $0xb8;
	[tilespmem:$0x1C000] =	vst v63  }
0x6d: {  	s5 =	simm.s32 @p0 $0x200;
	_ =	swait.ge [sflag:s23], $0x1000  }
0x6e: {  	s5 =	simm.s32 @!p0 $0x200;
	[sflag:s23] =	ssyncset.done $0x0  }
0x6f: {  	s29 =	rddreg [dreg:$0xa];
	s5 =	sadd.s32 $0x5000, s5;
	[sflag:s23] =	ssyncadd.s32 $0xFFFFF000  }
0x70: {  	[spmem:s4] =	stream.indirect.scatter.add.f32 [tilespmem:s29], [sflag:$0xD], $0x20, s5, s19, $0xb8;
	[tilespmem:$0x1C000] =	vst v63  }
0x71: {  	s5 =	simm.s32 @p0 $0x280;
	_ =	swait.ge [sflag:s24], $0x1000  }
0x72: {  	s5 =	simm.s32 @!p0 $0x280;
	[sflag:s24] =	ssyncset.done $0x0  }
0x73: {  	s30 =	rddreg [dreg:$0xb];
	s5 =	sadd.s32 $0x5000, s5;
	[sflag:s24] =	ssyncadd.s32 $0xFFFFF000  }
0x74: {  	[spmem:s4] =	stream.indirect.scatter.add.f32 [tilespmem:s30], [sflag:$0xE], $0x20, s5, s19, $0xb8;
	[tilespmem:$0x1C000] =	vst v63  }
0x75: {  	s5 =	simm.s32 $0x300;
	_ =	swait.ge [sflag:s25], $0x1000  }
0x76: {  	s6 =	simm.s32 $0x1000;
	s5 =	simm.s32 @!p0 $0x300;
	[sflag:s25] =	ssyncset.done $0x0  }
0x77: {  	s31 =	rddreg [dreg:$0xc];
	s5 =	sadd.s32 $0x5000, s5;
	[sflag:s25] =	ssyncadd.s32 $0xFFFFF000  }
0x78: {  	[spmem:s4] =	stream.indirect.scatter.add.f32 [tilespmem:s31], [sflag:$0xF], $0x20, s5, s19, $0xb8;
	[tilespmem:$0x1C000] =	vst v63  }
0x79: {  	s8 =	simm.s32 $0x2000;
	s10 =	simm.s32 $0x5380;
	_ =	swait.ge [sflag:s15], $0x1000  }
0x7a: {  	p0 =	por $0x1, $0x1;
	s5 =	simm.s32 $0x700;
	[sflag:s15] =	ssyncset.done $0x0  }
.LBB2_2:
0x7b: {  	s11 =	simm.s32 @p0 $0x9;
	[sflag:s15] =	ssyncadd.s32 $0xFFFFF000  }
0x7c: {  	[spmem:s4] =	stream.indirect.scatter.add.f32 [tilespmem:s20], [sflag:$0x10], $0x20, s10, s19, $0xb8;
	[tilespmem:$0x1C000] =	vst v63  }
0x7d: {  	_ =	swait.ge @p0 [sflag:s11], $0x1000  }
0x7e: {  	s12 =	simm.s32 @p0 $0xA000;
	s26 =	simm.s32 @p0 $0xA;
	[sflag:s11] =	ssyncset.done @p0 $0x0  }
0x7f: {  	s10 =	simm.s32 @p0 $0x80;
	[sflag:s11] =	ssyncadd.s32 @p0 $0xFFFFF000;
	s11 =	sshra.s32 @p0 s6, $0x2  }
0x80: {  	[tilespmem:s12], [sflag:$0x1] =	stream.indirect.gather @p0 [spmem:s3], $0x20, s11, s10, $0xb8;
	[tilespmem:$0x1C000] =	vst v63  }
0x81: {  	_ =	swait.ge @p0 [sflag:s26], $0x1000  }
0x82: {  	s31 =	simm.s32 @p0 $0xB;
	[sflag:s26] =	ssyncset.done @p0 $0x0  }
0x83: {  	s12 =	sadd.s32 @p0 $0x80, s11;
	[sflag:s26] =	ssyncadd.s32 @p0 $0xFFFFF000;
	s26 =	simm.s32 @p0 $0xB000  }
0x84: {  	[tilespmem:s26], [sflag:$0x2] =	stream.indirect.gather @p0 [spmem:s3], $0x20, s12, s10, $0xb8;
	[tilespmem:$0x1C000] =	vst v63  }
0x85: {  	_ =	swait.ge @p0 [sflag:s31], $0x1000  }
0x86: {  	s28 =	sadd.s32 @p0 $0x100, s11;
	[sflag:s31] =	ssyncset.done @p0 $0x0  }
0x87: {  	s26 =	simm.s32 @p0 $0xC000;
	[sflag:s31] =	ssyncadd.s32 @p0 $0xFFFFF000;
	s31 =	simm.s32 @p0 $0xC  }
0x88: {  	[tilespmem:s26], [sflag:$0x3] =	stream.indirect.gather @p0 [spmem:s3], $0x20, s28, s10, $0xb8;
	[tilespmem:$0x1C000] =	vst v63  }
0x89: {  	_ =	swait.ge @p0 [sflag:s31], $0x1000  }
0x8a: {  	s29 =	sadd.s32 @p0 $0x180, s11;
	[sflag:s31] =	ssyncset.done @p0 $0x0  }
0x8b: {  	s26 =	simm.s32 @p0 $0xD000;
	s28 =	simm.s32 @p0 $0xD;
	[sflag:s31] =	ssyncadd.s32 @p0 $0xFFFFF000  }
0x8c: {  	[tilespmem:s26], [sflag:$0x4] =	stream.indirect.gather @p0 [spmem:s3], $0x20, s29, s10, $0xb8;
	[tilespmem:$0x1C000] =	vst v63  }
0x8d: {  	_ =	swait.ge @p0 [sflag:s28], $0x1000  }
0x8e: {  	s30 =	sadd.s32 @p0 $0x200, s11;
	[sflag:s28] =	ssyncset.done @p0 $0x0  }
0x8f: {  	s26 =	simm.s32 @p0 $0xE000;
	[sflag:s28] =	ssyncadd.s32 @p0 $0xFFFFF000;
	s28 =	simm.s32 @p0 $0xE  }
0x90: {  	[tilespmem:s26], [sflag:$0x5] =	stream.indirect.gather @p0 [spmem:s3], $0x20, s30, s10, $0xb8;
	[tilespmem:$0x1C000] =	vst v63  }
0x91: {  	_ =	swait.ge @p0 [sflag:s28], $0x1000  }
0x92: {  	s12 =	sadd.s32 @p0 $0x280, s11;
	[sflag:s28] =	ssyncset.done @p0 $0x0  }
0x93: {  	s26 =	simm.s32 @p0 $0xF000;
	[sflag:s28] =	ssyncadd.s32 @p0 $0xFFFFF000;
	s28 =	simm.s32 @p0 $0xF  }
0x94: {  	[tilespmem:s26], [sflag:$0x6] =	stream.indirect.gather @p0 [spmem:s3], $0x20, s12, s10, $0xb8;
	[tilespmem:$0x1C000] =	vst v63  }
0x95: {  	_ =	swait.ge @p0 [sflag:s28], $0x1000  }
0x96: {  	s11 =	sadd.s32 @p0 $0x300, s11;
	[sflag:s28] =	ssyncset.done @p0 $0x0  }
0x97: {  	s12 =	simm.s32 @p0 $0x10000;
	s26 =	simm.s32 @p0 $0x10;
	[sflag:s28] =	ssyncadd.s32 @p0 $0xFFFFF000  }
0x98: {  	[tilespmem:s12], [sflag:$0x7] =	stream.indirect.gather @p0 [spmem:s3], $0x20, s11, s10, $0xb8;
	[tilespmem:$0x1C000] =	vst v63  }
0x99: {  	_ =	swait.ge @p0 [sflag:s26], $0x1000  }
0x9a: {  	s10 =	simm.s32 @!p0 $0xA000;
	[sflag:s26] =	ssyncset.done @p0 $0x0  }
0x9b: {  	s11 =	sshra.s32 @!p0 s6, $0x2;
	s12 =	simm.s32 @!p0 $0x80;
	[sflag:s26] =	ssyncadd.s32 @p0 $0xFFFFF000  }
0x9c: {  	[tilespmem:s10], [sflag:$0x1] =	stream.indirect.gather @!p0 [spmem:s3], $0x20, s11, s12, $0xb8;
	[tilespmem:$0x1C000] =	vst v63  }
0x9d: {  	s10 =	simm.s32 @!p0 $0xB000  }
0x9e: {  	[tilespmem:s10], [sflag:$0x2] =	stream.indirect.gather @!p0 [spmem:s3], $0x20, s12, s12, $0xb8;
	[tilespmem:$0x1C000] =	vst v63  }
0x9f: {  	s11 =	simm.s32 @!p0 $0xC000;
	s10 =	simm.s32 @!p0 $0x100  }
0xa0: {  	[tilespmem:s11], [sflag:$0x3] =	stream.indirect.gather @!p0 [spmem:s3], $0x20, s10, s12, $0xb8;
	[tilespmem:$0x1C000] =	vst v63  }
0xa1: {  	s10 =	simm.s32 @!p0 $0x180;
	s11 =	simm.s32 @!p0 $0xD000  }
0xa2: {  	[tilespmem:s11], [sflag:$0x4] =	stream.indirect.gather @!p0 [spmem:s3], $0x20, s10, s12, $0xb8;
	[tilespmem:$0x1C000] =	vst v63  }
0xa3: {  	s10 =	simm.s32 @!p0 $0x200;
	s11 =	simm.s32 @!p0 $0xE000  }
0xa4: {  	[tilespmem:s11], [sflag:$0x5] =	stream.indirect.gather @!p0 [spmem:s3], $0x20, s10, s12, $0xb8;
	[tilespmem:$0x1C000] =	vst v63  }
0xa5: {  	s10 =	simm.s32 @!p0 $0x280;
	s11 =	simm.s32 @!p0 $0xF000  }
0xa6: {  	[tilespmem:s11], [sflag:$0x6] =	stream.indirect.gather @!p0 [spmem:s3], $0x20, s10, s12, $0xb8;
	[tilespmem:$0x1C000] =	vst v63  }
0xa7: {  	s26 =	simm.s32 @!p0 $0x10000;
	s11 =	simm.s32 @!p0 $0x300;
	s10 =	sshra.s32 s6, $0x2  }
0xa8: {  	[tilespmem:s26], [sflag:$0x7] =	stream.indirect.gather @!p0 [spmem:s3], $0x20, s11, s12, $0xb8;
	[tilespmem:$0x1C000] =	vst v63  }
0xa9: {  	s29 =	sadd.s32 $0x380, s10  }
0xaa: {  	[tilespmem:s20], [sflag:$0x8] =	stream.indirect.gather [spmem:s3], $0x20, s29, s19, $0xb8;
	[tilespmem:$0x1C000] =	vst v63  }
0xab: {  	_ =	swait.ge [sflag:s13], $0x1000  }
0xac: {  	s9 =	smov.u32 s8;
	[sflag:s13] =	ssyncset.done $0x0  }
0xad: {  	s31 =	sadd.s32 $0x5000, s10;
	s30 =	rddreg [dreg:$0x6];
	[sflag:s13] =	ssyncadd.s32 $0xFFFFF000  }
0xae: {  	[spmem:s4] =	stream.indirect.scatter.add.f32 [tilespmem:s30], [sflag:$0x9], $0x20, s31, s19, $0xb8;
	[tilespmem:$0x1C000] =	vst v63  }
0xaf: {  	s6 =	smov.u32 s9;
	s9 =	sadd.s32 @p0 $0xFFFFFD80, s5;
	_ =	swait.ge [sflag:s21], $0x1000  }
0xb0: {  	s9 =	simm.s32 @!p0 $0x80;
	[sflag:s21] =	ssyncset.done $0x0  }
0xb1: {  	s9 =	sadd.s32 $0x5000, s9;
	s12 =	rddreg [dreg:$0x7];
	[sflag:s21] =	ssyncadd.s32 $0xFFFFF000  }
0xb2: {  	[spmem:s4] =	stream.indirect.scatter.add.f32 [tilespmem:s12], [sflag:$0xA], $0x20, s9, s19, $0xb8;
	[tilespmem:$0x1C000] =	vst v63  }
0xb3: {  	s9 =	sadd.s32 @p0 $0xFFFFFE00, s5;
	_ =	swait.ge [sflag:s22], $0x1000  }
0xb4: {  	s9 =	simm.s32 @!p0 $0x100;
	[sflag:s22] =	ssyncset.done $0x0  }
0xb5: {  	s26 =	rddreg [dreg:$0x8];
	s9 =	sadd.s32 $0x5000, s9;
	[sflag:s22] =	ssyncadd.s32 $0xFFFFF000  }
0xb6: {  	[spmem:s4] =	stream.indirect.scatter.add.f32 [tilespmem:s26], [sflag:$0xB], $0x20, s9, s19, $0xb8;
	[tilespmem:$0x1C000] =	vst v63  }
0xb7: {  	s9 =	sadd.s32 @p0 $0xFFFFFE80, s5;
	_ =	swait.ge [sflag:s14], $0x1000  }
0xb8: {  	s9 =	simm.s32 @!p0 $0x180;
	[sflag:s14] =	ssyncset.done $0x0  }
0xb9: {  	s28 =	rddreg [dreg:$0x9];
	s9 =	sadd.s32 $0x5000, s9;
	[sflag:s14] =	ssyncadd.s32 $0xFFFFF000  }
0xba: {  	[spmem:s4] =	stream.indirect.scatter.add.f32 [tilespmem:s28], [sflag:$0xC], $0x20, s9, s19, $0xb8;
	[tilespmem:$0x1C000] =	vst v63  }
0xbb: {  	s9 =	sadd.s32 @p0 $0xFFFFFF00, s5;
	_ =	swait.ge [sflag:s23], $0x1000  }
0xbc: {  	s9 =	simm.s32 @!p0 $0x200;
	[sflag:s23] =	ssyncset.done $0x0  }
0xbd: {  	s29 =	rddreg [dreg:$0xa];
	s9 =	sadd.s32 $0x5000, s9;
	[sflag:s23] =	ssyncadd.s32 $0xFFFFF000  }
0xbe: {  	[spmem:s4] =	stream.indirect.scatter.add.f32 [tilespmem:s29], [sflag:$0xD], $0x20, s9, s19, $0xb8;
	[tilespmem:$0x1C000] =	vst v63  }
0xbf: {  	s9 =	sadd.s32 @p0 $0xFFFFFF80, s5;
	_ =	swait.ge [sflag:s24], $0x1000  }
0xc0: {  	s8 =	sadd.s32 $0x1000, s8;
	s9 =	simm.s32 @!p0 $0x280;
	[sflag:s24] =	ssyncset.done $0x0  }
0xc1: {  	s30 =	rddreg [dreg:$0xb];
	s9 =	sadd.s32 $0x5000, s9;
	[sflag:s24] =	ssyncadd.s32 $0xFFFFF000  }
0xc2: {  	[spmem:s4] =	stream.indirect.scatter.add.f32 [tilespmem:s30], [sflag:$0xE], $0x20, s9, s19, $0xb8;
	[tilespmem:$0x1C000] =	vst v63  }
0xc3: {  	p1 =	sne.s32 s8, $0x14000;
	s11 =	smov.u32 s5;
	_ =	swait.ge [sflag:s25], $0x1000  }
.Ltmp0:
0xc4: {  	s11 =	simm.s32 @!p0 $0x300;
	[sflag:s25] =	ssyncset.done $0x0;
	(pc) =	sbr.rel @p1 .LBB2_2-.Ltmp0, $4  }
0xc5: {  	s11 =	sadd.s32 $0x5000, s11;
	s31 =	rddreg [dreg:$0xc];
	[sflag:s25] =	ssyncadd.s32 $0xFFFFF000  }
0xc6: {  	[spmem:s4] =	stream.indirect.scatter.add.f32 [tilespmem:s31], [sflag:$0xF], $0x20, s11, s19, $0xb8;
	[tilespmem:$0x1C000] =	vst v63  }
0xc7: {  	s10 =	sadd.s32 $0x5380, s10;
	_ =	swait.ge [sflag:s15], $0x1000  }
0xc8: {  	s5 =	sadd.s32 $0x400, s5;
	p0 =	sne.s32 s6, $0x0;
	[sflag:s15] =	ssyncset.done $0x0  }
0xc9: {  	s8 =	simm.s32 @p0 $0x9;
	[sflag:s15] =	ssyncadd.s32 $0xFFFFF000  }
0xca: {  	[spmem:s4] =	stream.indirect.scatter.add.f32 [tilespmem:s20], [sflag:$0x10], $0x20, s10, s19, $0xb8;
	[tilespmem:$0x1C000] =	vst v63  }
0xcb: {  	_ =	swait.ge @p0 [sflag:s8], $0x1000  }
0xcc: {  	s9 =	simm.s32 @p0 $0xA000;
	s11 =	simm.s32 @p0 $0x80;
	[sflag:s8] =	ssyncset.done @p0 $0x0  }
0xcd: {  	s10 =	simm.s32 @p0 $0xA;
	[sflag:s8] =	ssyncadd.s32 @p0 $0xFFFFF000;
	s8 =	sshra.s32 @p0 s6, $0x2  }
0xce: {  	[tilespmem:s9], [sflag:$0x1] =	stream.indirect.gather @p0 [spmem:s3], $0x20, s8, s11, $0xb8;
	[tilespmem:$0x1C000] =	vst v63  }
0xcf: {  	_ =	swait.ge @p0 [sflag:s10], $0x1000  }
0xd0: {  	[sflag:s10] =	ssyncset.done @p0 $0x0  }
0xd1: {  	s9 =	sadd.s32 @p0 $0x80, s8;
	[sflag:s10] =	ssyncadd.s32 @p0 $0xFFFFF000;
	s10 =	simm.s32 @p0 $0xB000  }
0xd2: {  	[tilespmem:s10], [sflag:$0x2] =	stream.indirect.gather @p0 [spmem:s3], $0x20, s9, s11, $0xb8;
	[tilespmem:$0x1C000] =	vst v63  }
0xd3: {  	s9 =	simm.s32 @p0 $0xB  }
0xd4: {  	_ =	swait.ge @p0 [sflag:s9], $0x1000  }
0xd5: {  	[sflag:s9] =	ssyncset.done @p0 $0x0  }
0xd6: {  	s10 =	sadd.s32 @p0 $0x100, s8;
	[sflag:s9] =	ssyncadd.s32 @p0 $0xFFFFF000;
	s9 =	simm.s32 @p0 $0xC000  }
0xd7: {  	[tilespmem:s9], [sflag:$0x3] =	stream.indirect.gather @p0 [spmem:s3], $0x20, s10, s11, $0xb8;
	[tilespmem:$0x1C000] =	vst v63  }
0xd8: {  	s9 =	simm.s32 @p0 $0xC  }
0xd9: {  	_ =	swait.ge @p0 [sflag:s9], $0x1000  }
0xda: {  	[sflag:s9] =	ssyncset.done @p0 $0x0  }
0xdb: {  	s10 =	sadd.s32 @p0 $0x180, s8;
	[sflag:s9] =	ssyncadd.s32 @p0 $0xFFFFF000;
	s9 =	simm.s32 @p0 $0xD000  }
0xdc: {  	[tilespmem:s9], [sflag:$0x4] =	stream.indirect.gather @p0 [spmem:s3], $0x20, s10, s11, $0xb8;
	[tilespmem:$0x1C000] =	vst v63  }
0xdd: {  	s9 =	simm.s32 @p0 $0xD  }
0xde: {  	_ =	swait.ge @p0 [sflag:s9], $0x1000  }
0xdf: {  	[sflag:s9] =	ssyncset.done @p0 $0x0  }
0xe0: {  	s10 =	sadd.s32 @p0 $0x200, s8;
	[sflag:s9] =	ssyncadd.s32 @p0 $0xFFFFF000;
	s9 =	simm.s32 @p0 $0xE000  }
0xe1: {  	[tilespmem:s9], [sflag:$0x5] =	stream.indirect.gather @p0 [spmem:s3], $0x20, s10, s11, $0xb8;
	[tilespmem:$0x1C000] =	vst v63  }
0xe2: {  	s9 =	simm.s32 @p0 $0xE  }
0xe3: {  	_ =	swait.ge @p0 [sflag:s9], $0x1000  }
0xe4: {  	[sflag:s9] =	ssyncset.done @p0 $0x0  }
0xe5: {  	s10 =	sadd.s32 @p0 $0x280, s8;
	[sflag:s9] =	ssyncadd.s32 @p0 $0xFFFFF000;
	s9 =	simm.s32 @p0 $0xF000  }
0xe6: {  	[tilespmem:s9], [sflag:$0x6] =	stream.indirect.gather @p0 [spmem:s3], $0x20, s10, s11, $0xb8;
	[tilespmem:$0x1C000] =	vst v63  }
0xe7: {  	s9 =	simm.s32 @p0 $0xF  }
0xe8: {  	_ =	swait.ge @p0 [sflag:s9], $0x1000  }
0xe9: {  	[sflag:s9] =	ssyncset.done @p0 $0x0  }
0xea: {  	s8 =	sadd.s32 @p0 $0x300, s8;
	[sflag:s9] =	ssyncadd.s32 @p0 $0xFFFFF000;
	s9 =	simm.s32 @p0 $0x10000  }
0xeb: {  	[tilespmem:s9], [sflag:$0x7] =	stream.indirect.gather @p0 [spmem:s3], $0x20, s8, s11, $0xb8;
	[tilespmem:$0x1C000] =	vst v63  }
0xec: {  	s8 =	simm.s32 @p0 $0x10  }
0xed: {  	_ =	swait.ge @p0 [sflag:s8], $0x1000  }
0xee: {  	s10 =	simm.s32 @!p0 $0x80;
	[sflag:s8] =	ssyncset.done @p0 $0x0  }
0xef: {  	s9 =	simm.s32 @!p0 $0xA000;
	[sflag:s8] =	ssyncadd.s32 @p0 $0xFFFFF000;
	s8 =	sshra.s32 @!p0 s6, $0x2  }
0xf0: {  	[tilespmem:s9], [sflag:$0x1] =	stream.indirect.gather @!p0 [spmem:s3], $0x20, s8, s10, $0xb8;
	[tilespmem:$0x1C000] =	vst v63  }
0xf1: {  	s8 =	simm.s32 @!p0 $0xB000  }
0xf2: {  	[tilespmem:s8], [sflag:$0x2] =	stream.indirect.gather @!p0 [spmem:s3], $0x20, s10, s10, $0xb8;
	[tilespmem:$0x1C000] =	vst v63  }
0xf3: {  	s9 =	simm.s32 @!p0 $0xC000;
	s8 =	simm.s32 @!p0 $0x100  }
0xf4: {  	[tilespmem:s9], [sflag:$0x3] =	stream.indirect.gather @!p0 [spmem:s3], $0x20, s8, s10, $0xb8;
	[tilespmem:$0x1C000] =	vst v63  }
0xf5: {  	s8 =	simm.s32 @!p0 $0x180;
	s9 =	simm.s32 @!p0 $0xD000  }
0xf6: {  	[tilespmem:s9], [sflag:$0x4] =	stream.indirect.gather @!p0 [spmem:s3], $0x20, s8, s10, $0xb8;
	[tilespmem:$0x1C000] =	vst v63  }
0xf7: {  	s8 =	simm.s32 @!p0 $0x200;
	s9 =	simm.s32 @!p0 $0xE000  }
0xf8: {  	[tilespmem:s9], [sflag:$0x5] =	stream.indirect.gather @!p0 [spmem:s3], $0x20, s8, s10, $0xb8;
	[tilespmem:$0x1C000] =	vst v63  }
0xf9: {  	s8 =	simm.s32 @!p0 $0x280;
	s9 =	simm.s32 @!p0 $0xF000  }
0xfa: {  	[tilespmem:s9], [sflag:$0x6] =	stream.indirect.gather @!p0 [spmem:s3], $0x20, s8, s10, $0xb8;
	[tilespmem:$0x1C000] =	vst v63  }
0xfb: {  	s6 =	sshra.s32 s6, $0x2;
	s8 =	simm.s32 @!p0 $0x300;
	s9 =	simm.s32 @!p0 $0x10000  }
0xfc: {  	[tilespmem:s9], [sflag:$0x7] =	stream.indirect.gather @!p0 [spmem:s3], $0x20, s8, s10, $0xb8;
	[tilespmem:$0x1C000] =	vst v63  }
0xfd: {  	s10 =	sadd.s32 $0x380, s6  }
0xfe: {  	[tilespmem:s20], [sflag:$0x8] =	stream.indirect.gather [spmem:s3], $0x20, s10, s19, $0xb8;
	[tilespmem:$0x1C000] =	vst v63  }
0xff: {  	_ =	swait.ge [sflag:s13], $0x1000  }
0x100: {  	[sflag:s13] =	ssyncset.done $0x0  }
0x101: {  	s12 =	sadd.s32 $0x5000, s6;
	s11 =	rddreg [dreg:$0x6];
	[sflag:s13] =	ssyncadd.s32 $0xFFFFF000  }
0x102: {  	[spmem:s4] =	stream.indirect.scatter.add.f32 [tilespmem:s11], [sflag:$0x9], $0x20, s12, s19, $0xb8;
	[tilespmem:$0x1C000] =	vst v63  }
0x103: {  	s8 =	sadd.s32 @p0 $0xFFFFFD80, s5;
	_ =	swait.ge [sflag:s21], $0x1000  }
0x104: {  	s8 =	simm.s32 @!p0 $0x80;
	[sflag:s21] =	ssyncset.done $0x0  }
0x105: {  	s8 =	sadd.s32 $0x5000, s8;
	s26 =	rddreg [dreg:$0x7];
	[sflag:s21] =	ssyncadd.s32 $0xFFFFF000  }
0x106: {  	[spmem:s4] =	stream.indirect.scatter.add.f32 [tilespmem:s26], [sflag:$0xA], $0x20, s8, s19, $0xb8;
	[tilespmem:$0x1C000] =	vst v63  }
0x107: {  	s8 =	sadd.s32 @p0 $0xFFFFFE00, s5;
	_ =	swait.ge [sflag:s22], $0x1000  }
0x108: {  	s8 =	simm.s32 @!p0 $0x100;
	[sflag:s22] =	ssyncset.done $0x0  }
0x109: {  	s28 =	rddreg [dreg:$0x8];
	s8 =	sadd.s32 $0x5000, s8;
	[sflag:s22] =	ssyncadd.s32 $0xFFFFF000  }
0x10a: {  	[spmem:s4] =	stream.indirect.scatter.add.f32 [tilespmem:s28], [sflag:$0xB], $0x20, s8, s19, $0xb8;
	[tilespmem:$0x1C000] =	vst v63  }
0x10b: {  	s8 =	sadd.s32 @p0 $0xFFFFFE80, s5;
	_ =	swait.ge [sflag:s14], $0x1000  }
0x10c: {  	s8 =	simm.s32 @!p0 $0x180;
	[sflag:s14] =	ssyncset.done $0x0  }
0x10d: {  	s29 =	rddreg [dreg:$0x9];
	s8 =	sadd.s32 $0x5000, s8;
	[sflag:s14] =	ssyncadd.s32 $0xFFFFF000  }
0x10e: {  	[spmem:s4] =	stream.indirect.scatter.add.f32 [tilespmem:s29], [sflag:$0xC], $0x20, s8, s19, $0xb8;
	[tilespmem:$0x1C000] =	vst v63  }
0x10f: {  	s8 =	sadd.s32 @p0 $0xFFFFFF00, s5;
	_ =	swait.ge [sflag:s23], $0x1000  }
0x110: {  	s8 =	simm.s32 @!p0 $0x200;
	[sflag:s23] =	ssyncset.done $0x0  }
0x111: {  	s30 =	rddreg [dreg:$0xa];
	s8 =	sadd.s32 $0x5000, s8;
	[sflag:s23] =	ssyncadd.s32 $0xFFFFF000  }
0x112: {  	[spmem:s4] =	stream.indirect.scatter.add.f32 [tilespmem:s30], [sflag:$0xD], $0x20, s8, s19, $0xb8;
	[tilespmem:$0x1C000] =	vst v63  }
0x113: {  	s8 =	sadd.s32 @p0 $0xFFFFFF80, s5;
	_ =	swait.ge [sflag:s24], $0x1000  }
0x114: {  	s8 =	simm.s32 @!p0 $0x280;
	[sflag:s24] =	ssyncset.done $0x0  }
0x115: {  	s31 =	rddreg [dreg:$0xb];
	s8 =	sadd.s32 $0x5000, s8;
	[sflag:s24] =	ssyncadd.s32 $0xFFFFF000  }
0x116: {  	[spmem:s4] =	stream.indirect.scatter.add.f32 [tilespmem:s31], [sflag:$0xE], $0x20, s8, s19, $0xb8;
	[tilespmem:$0x1C000] =	vst v63  }
0x117: {  	_ =	swait.ge [sflag:s25], $0x1000  }
0x118: {  	s5 =	simm.s32 @!p0 $0x300;
	[sflag:s25] =	ssyncset.done $0x0  }
0x119: {  	s5 =	sadd.s32 $0x5000, s5;
	s9 =	rddreg [dreg:$0xc];
	[sflag:s25] =	ssyncadd.s32 $0xFFFFF000  }
0x11a: {  	[spmem:s4] =	stream.indirect.scatter.add.f32 [tilespmem:s9], [sflag:$0xF], $0x20, s5, s19, $0xb8;
	[tilespmem:$0x1C000] =	vst v63  }
0x11b: {  	_ =	swait.ge [sflag:s15], $0x1000  }
0x11c: {  	[sflag:s15] =	ssyncset.done $0x0  }
0x11d: {  	s10 =	sadd.s32 $0x5380, s6;
	s11 =	simm.s32 $0x9;
	[sflag:s15] =	ssyncadd.s32 $0xFFFFF000  }
0x11e: {  	[spmem:s4] =	stream.indirect.scatter.add.f32 [tilespmem:s20], [sflag:$0x10], $0x20, s10, s19, $0xb8;
	[tilespmem:$0x1C000] =	vst v63  }
0x11f: {  	_ =	swait.ge [sflag:s11], $0x1000  }
0x120: {  	[sflag:s11] =	ssyncset.done $0x0  }
0x121: {  	s12 =	simm.s32 $0xA;
	[sflag:s11] =	ssyncadd.s32 $0xFFFFF000  }
0x122: {  	_ =	swait.ge [sflag:s12], $0x1000  }
0x123: {  	[sflag:s12] =	ssyncset.done $0x0  }
0x124: {  	s26 =	simm.s32 $0xB;
	[sflag:s12] =	ssyncadd.s32 $0xFFFFF000  }
0x125: {  	_ =	swait.ge [sflag:s26], $0x1000  }
0x126: {  	[sflag:s26] =	ssyncset.done $0x0  }
0x127: {  	s28 =	simm.s32 $0xC;
	[sflag:s26] =	ssyncadd.s32 $0xFFFFF000  }
0x128: {  	_ =	swait.ge [sflag:s28], $0x1000  }
0x129: {  	[sflag:s28] =	ssyncset.done $0x0  }
0x12a: {  	s29 =	simm.s32 $0xD;
	[sflag:s28] =	ssyncadd.s32 $0xFFFFF000  }
0x12b: {  	_ =	swait.ge [sflag:s29], $0x1000  }
0x12c: {  	[sflag:s29] =	ssyncset.done $0x0  }
0x12d: {  	[sflag:s29] =	ssyncadd.s32 $0xFFFFF000  }
0x12e: {  	_ =	swait.ge [sflag:s0], $0x1000  }
0x12f: {  	[sflag:s0] =	ssyncset.done $0x0  }
0x130: {  	[sflag:s0] =	ssyncadd.s32 $0xFFFFF000  }
0x131: {  	_ =	swait.ge [sflag:s1], $0x1000  }
0x132: {  	[sflag:s1] =	ssyncset.done $0x0  }
0x133: {  	[sflag:s1] =	ssyncadd.s32 $0xFFFFF000  }
0x134: {  	_ =	swait.ge [sflag:s2], $0x1000  }
0x135: {  	[sflag:s2] =	ssyncset.done $0x0  }
0x136: {  	[sflag:s2] =	ssyncadd.s32 $0xFFFFF000  }
0x137: {  	[bflag:$0x0] =	sbarrier.arrive $0xFFFF  }
0x138: {  	s30 =	rddreg [dreg:$0x10]  }
0x139: {  	[hbm:s30], [sflag:s7] =	dma.local [spmem:s17], $0xA00  }
0x13a: {  	_ =	swait.ge [sflag:s16], $0xA00  }
0x13b: {  	s18 =	sadd.s32 $0x1, s18;
	s31 =	rddreg [dreg:$0x11]  }
0x13c: {  	p0 =	sne.s32 s18, s31  }
.Ltmp1:
0x13d: {  	_ = 	snop;
	(pc) =	sbr.rel @p0 .LBB2_1-.Ltmp1, $3  }
0x13e: {  	_ =	sdelay $0x1  }
0x13f: {  	[sflag:s16] =	ssyncset.done $0x0  }
0x140: {  	[sflag:s16] =	ssyncadd.s32 $0xFFFFF600  }
0x141: {  	_ =	sfence.sel $0x180000  }
0x142: {  	[bflag:$0x0] =	sbarrier.arrive $0xFFFF  }
0x143: {  	_ =	strace $0x90000053  }
0x144: {  	s0 =	stileid.u32;
	[bflag:$0x2] =	sbarrier.arrive $0xFFFF  }
0x145: {  	p0 =	sne.s32 s0, $0x0;
	s0 =	rddreg [dreg:$0x5]  }
0x146: {  	s0 =	sadd.s32 @!p0 $0x100000, s0  }
0x147: {  	[sflag:s0] =	ssyncadd.tile.s32 @!p0 $0x1;
	_ =	shalt  }
.Lfunc_end2:
_tile_overlayer_lowered:
.L_overlay_start_2:
0x148: {  	(tag) =	ssettag $0x2  }
0x149: {  	s0 =	rddreg [dreg:$0x0];
	s2 =	stileid.u32  }
0x14a: {  	s1 =	rddreg [dreg:$0x1];
	p0 =	sne.s32 s2, $0x0  }
0x14b: {  	s3 =	rddreg [dreg:$0x2];
	[bflag:$0x3] =	sbarrier.arrive $0xFFFF;
	s2 =	simm.s32 @!p0 $0x1C11  }
0x14c: {  	[timem:s3], [sflag:s2] =	dma.local @!p0 [hbm:s0], s1  }
0x14d: {  	s0 =	simm.s32 @!p0 $0x11  }
0x14e: {  	_ =	swait.ge @!p0 [sflag:s0], s1  }
0x14f: {  	s1 =	ssub.s32 @!p0 $0x0, s1;
	[sflag:s0] =	ssyncset.done @!p0 $0x0  }
0x150: {  	[sflag:s0] =	ssyncadd.s32 @!p0 s1  }
0x151: {  	[bflag:$0x3] =	sbarrier.arrive $0xFFFF  }
0x152: {  	_ =	shalt  }

</sc_bundles>
